<compile_context>
chip_gen: v7x
topology: tpu7x:2x2x1
jax: 0.10.2.dev20260603
libtpu: 0.0.44.dev20260713+nightly
codegen_flags: <defaults>
</compile_context>

<pallas_src>
import functools

import jax
import jax.numpy as jnp
from jax import lax
from jax.experimental import pallas as pl
from jax.experimental.pallas import tpu as pltpu
from jax.experimental.pallas import tpu_sc as plsc

N = 10000
D = 128
ODIM = 64
TEMP = 0.5

NPAD = 10032
DPAD = 10240
E = 320000
CHUNK = 128
NW = 32
EPAD = 327680
CPW = EPAD // (NW * CHUNK)
EPW = EPAD // NW
RPT = 640
RPT_LAST = NPAD - 15 * RPT

_MESH = dict(core_axis_name="c", subcore_axis_name="s")


def _split_copy(src_at, dst_at, s, last):
  r0 = pl.multiple_of(s * RPT, 8)

  @pl.when(s < 15)
  def _():
    pltpu.sync_copy(src_at(r0, RPT), dst_at(r0, RPT))

  @pl.when(s == 15)
  def _():
    pltpu.sync_copy(src_at(15 * RPT, last), dst_at(15 * RPT, last))


def _writeback(acc, out0, out1, c, s, last):

  @pl.when(c == 0)
  def _():
    _split_copy(lambda o, n: acc.at[pl.ds(o, n)],
                lambda o, n: out0.at[pl.ds(o, n)], s, last)

  @pl.when(c == 1)
  def _():
    _split_copy(lambda o, n: acc.at[pl.ds(o, n)],
                lambda o, n: out1.at[pl.ds(o, n)], s, last)



def _sc_degree(ei_p, zeros1):

  @functools.partial(
      pl.kernel,
      out_type=(jax.ShapeDtypeStruct((DPAD,), jnp.float32),
                jax.ShapeDtypeStruct((DPAD,), jnp.float32)),
      mesh=plsc.VectorSubcoreMesh(**_MESH),
      scratch_types=[
          pltpu.VMEM((CPW, 2, CHUNK), jnp.int32),
          pltpu.VMEM((CHUNK,), jnp.float32),
          pltpu.VMEM_SHARED((DPAD,), jnp.float32),
          pltpu.SemaphoreType.DMA,
      ],
  )
  def k(ei_hbm, z_hbm, out0, out1, eidx, ones_v, acc, sem):
    c = lax.axis_index("c")
    s = lax.axis_index("s")
    wid = s * 2 + c
    for i in range(CHUNK // 16):
      ones_v[pl.ds(16 * i, 16)] = jnp.ones((16,), jnp.float32)
    pltpu.sync_copy(ei_hbm.at[wid], eidx)
    _split_copy(lambda o, n: z_hbm.at[pl.ds(o, n)],
                lambda o, n: acc.at[pl.ds(o, n)], s, RPT)
    plsc.subcore_barrier()

    def fire(j, carry):
      pltpu.async_copy(ones_v, acc.at[eidx.at[j, 1]], sem, add=True)
      return carry

    lax.fori_loop(0, CPW, fire, 0)

    def drain(j, carry):
      pltpu.make_async_copy(ones_v, acc.at[eidx.at[j, 1]], sem).wait()
      return carry

    lax.fori_loop(0, CPW, drain, 0)
    plsc.subcore_barrier()
    _writeback(acc, out0, out1, c, s, RPT)

  return k(ei_p, zeros1)


def _sc_scatter_rows(u, ei_p, zeros2):

  @functools.partial(
      pl.kernel,
      out_type=(jax.ShapeDtypeStruct((NPAD, D), jnp.float32),
                jax.ShapeDtypeStruct((NPAD, D), jnp.float32)),
      mesh=plsc.VectorSubcoreMesh(**_MESH),
      scratch_types=[
          pltpu.VMEM((6, 2, CHUNK), jnp.int32),
          [pltpu.VMEM((CHUNK, D), jnp.float32)] * 3,
          [pltpu.SemaphoreType.DMA] * 3,
          [pltpu.SemaphoreType.DMA] * 6,
          [pltpu.SemaphoreType.DMA] * 3,
          pltpu.VMEM_SHARED((NPAD, D), jnp.float32),
      ],
  )
  def k(u_hbm, ei_hbm, z_hbm, out0, out1, eidx, rows, gsem, isem, ssem,
        acc):
    c = lax.axis_index("c")
    s = lax.axis_index("s")
    wid = s * 2 + c

    def step(j, kk, when):
      def prefetch():
        pltpu.make_async_copy(ei_hbm.at[wid, j + 2], eidx.at[(kk + 2) % 6],
                              isem[(kk + 2) % 6]).wait()

        def free_rows():
          pltpu.make_async_copy(rows[(kk + 2) % 3],
                                acc.at[eidx.at[(kk + 5) % 6, 1]],
                                ssem[(kk + 2) % 3]).wait()

        when(j >= 1, free_rows)
        pltpu.async_copy(u_hbm.at[eidx.at[(kk + 2) % 6, 0]],
                         rows[(kk + 2) % 3], gsem[(kk + 2) % 3])

      when(j + 2 < CPW, prefetch)
      pltpu.make_async_copy(u_hbm.at[eidx.at[kk, 0]], rows[kk % 3],
                            gsem[kk % 3]).wait()
      pltpu.async_copy(rows[kk % 3], acc.at[eidx.at[kk, 1]],
                       ssem[kk % 3], add=True)
      def load_ahead():
        pltpu.async_copy(ei_hbm.at[wid, j + 4], eidx.at[(kk + 4) % 6],
                         isem[(kk + 4) % 6])

      when(j + 4 < CPW, load_ahead)

    pltpu.sync_copy(ei_hbm.at[wid, 0], eidx.at[0])
    pltpu.async_copy(u_hbm.at[eidx.at[0, 0]], rows[0], gsem[0])
    for q in range(1, 4):
      pltpu.async_copy(ei_hbm.at[wid, q], eidx.at[q], isem[q])
    pltpu.make_async_copy(ei_hbm.at[wid, 1], eidx.at[1], isem[1]).wait()
    pltpu.async_copy(u_hbm.at[eidx.at[1, 0]], rows[1], gsem[1])

    _split_copy(lambda o, n: z_hbm.at[pl.ds(o, n)],
                lambda o, n: acc.at[pl.ds(o, n)], s, RPT_LAST)
    plsc.subcore_barrier()

    def twhen(cond, f):
      pl.when(cond)(f)

    def body(g, carry):
      for kk in range(6):
        step(6 * g + kk, kk, twhen)
      return carry

    lax.fori_loop(0, (CPW - 2) // 6, body, 0)

    def swhen(cond, f):
      if cond:
        f()

    for j in range(CPW - 2, CPW):
      step(j, j % 6, swhen)
    for j in range(CPW - 3, CPW):
      pltpu.make_async_copy(rows[j % 3], acc.at[eidx.at[j % 6, 1]],
                            ssem[j % 3]).wait()
    plsc.subcore_barrier()
    _writeback(acc, out0, out1, c, s, RPT_LAST)

  return k(u, ei_p, zeros2)



_R = 2000
_G = N // _R


def _softmaxes(sa, fa):
  def sm(a):
    e = jnp.exp(a / TEMP - jnp.max(a / TEMP, axis=-1, keepdims=True))
    return e / jnp.sum(e, axis=-1, keepdims=True)
  return sm(sa), sm(fa)


def _full(shape):
  return pl.BlockSpec(shape, lambda i: (0, 0))


def _rows(width):
  return pl.BlockSpec((_R, width), lambda i: (i, 0))


def _tc_pre(x, W1, b1, Wg0, bg0, deg0, deg1, sa):

  def body(x_r, w1_r, b1_r, wg_r, bg_r, d0_r, d1_r, sa_r, h_r, u_r, dv_r):
    sw, _ = _softmaxes(sa_r[...], jnp.zeros((1, 3), jnp.float32))
    s01 = sw[0:1, 1:2]
    h = jnp.dot(x_r[...], w1_r[...],
                preferred_element_type=jnp.float32) + b1_r[...]
    t = jnp.maximum(s01 * h, 0.0)
    z = jnp.dot(t, wg_r[...], preferred_element_type=jnp.float32) + bg_r[...]
    dinv = lax.rsqrt(d0_r[...] + d1_r[...] + 1.0)
    h_r[...] = h
    u_r[...] = dinv * z
    dv_r[...] = dinv

  return pl.pallas_call(
      body,
      grid=(_G,),
      in_specs=[
          _rows(D), _full((D, D)), _full((1, D)), _full((D, D)),
          _full((1, D)), _rows(1), _rows(1), _full((6, 2)),
      ],
      out_specs=[_rows(D), _rows(D), _rows(1)],
      out_shape=[
          jax.ShapeDtypeStruct((N, D), jnp.float32),
          jax.ShapeDtypeStruct((N, D), jnp.float32),
          jax.ShapeDtypeStruct((N, 1), jnp.float32),
      ],
  )(x, W1, b1, Wg0, bg0, deg0, deg1, sa)


def _tc_mid(s0a, s0b, u0, h, dinv, Wg1, bg1, sa, fa):

  def body(sa_r_, sb_r_, u0_r, h_r, dv_r, wg_r, bg_r, al_r, fl_r, f1_r, u1_r):
    sw, fw = _softmaxes(al_r[...], fl_r[...])
    dinv = dv_r[...]
    agg = dinv * (sa_r_[...] + sb_r_[...] + u0_r[...])
    f1 = jnp.where(agg > 0, agg, jnp.exp(agg) - 1.0)
    a = sw[1:2, 1:2] * h_r[...]
    b = sw[2:3, 1:2] * f1
    smv = a + b
    tmp = (fw[1:2, 0:1] * jnp.maximum(smv, 0.0)
           + fw[1:2, 1:2] * jnp.maximum(0.5 * smv, 0.0)
           + fw[1:2, 2:3] * jnp.maximum(jnp.maximum(a, b), 0.0))
    z = jnp.dot(tmp, wg_r[...], preferred_element_type=jnp.float32) + bg_r[...]
    f1_r[...] = f1
    u1_r[...] = dinv * z

  return pl.pallas_call(
      body,
      grid=(_G,),
      in_specs=[
          _rows(D), _rows(D), _rows(D), _rows(D), _rows(1),
          _full((D, D)), _full((1, D)), _full((6, 2)), _full((3, 3)),
      ],
      out_specs=[_rows(D), _rows(D)],
      out_shape=[
          jax.ShapeDtypeStruct((N, D), jnp.float32),
          jax.ShapeDtypeStruct((N, D), jnp.float32),
      ],
  )(s0a, s0b, u0, h, dinv, Wg1, bg1, sa, fa)


def _tc_post(s1a, s1b, u1, h, f1, dinv, Wc1, bc1, Wc2, bc2, sa, fa):

  def body(sa_r_, sb_r_, u1_r, h_r, f1_r, dv_r, w1_r, b1_r, w2_r, b2_r,
           al_r, fl_r, o_r):
    sw, fw = _softmaxes(al_r[...], fl_r[...])
    dinv = dv_r[...]
    agg = dinv * (sa_r_[...] + sb_r_[...] + u1_r[...])
    f2 = jnp.where(agg > 0, agg, jnp.exp(agg) - 1.0)
    a = sw[3:4, 1:2] * h_r[...]
    b = sw[4:5, 1:2] * f1_r[...]
    cc = sw[5:6, 1:2] * f2
    smv = a + b + cc
    mx = jnp.maximum(jnp.maximum(a, b), cc)
    tmp = (fw[2:3, 0:1] * jnp.maximum(smv, 0.0)
           + fw[2:3, 1:2] * jnp.maximum(smv * (1.0 / 3.0), 0.0)
           + fw[2:3, 2:3] * jnp.maximum(mx, 0.0))
    hh = jnp.maximum(
        jnp.dot(tmp, w1_r[...], preferred_element_type=jnp.float32)
        + b1_r[...], 0.0)
    o_r[...] = jnp.dot(hh, w2_r[...],
                       preferred_element_type=jnp.float32) + b2_r[...]

  return pl.pallas_call(
      body,
      grid=(_G,),
      in_specs=[
          _rows(D), _rows(D), _rows(D), _rows(D), _rows(D), _rows(1),
          _full((D, D)), _full((1, D)), _full((D, ODIM)), _full((1, ODIM)),
          _full((6, 2)), _full((3, 3)),
      ],
      out_specs=[_rows(ODIM)],
      out_shape=[jax.ShapeDtypeStruct((N, ODIM), jnp.float32)],
  )(s1a, s1b, u1, h, f1, dinv, Wc1, bc1, Wc2, bc2, sa, fa)[0]



def kernel(x, edge_index, W1, b1, Wg0, bg0, Wg1, bg1, Wc1, bc1, Wc2, bc2,
           sc_alphas, ff_alphas):
  src = edge_index[0].astype(jnp.int32)
  dst = edge_index[1].astype(jnp.int32)
  ppw = EPW - E // NW
  pad = jnp.arange(ppw, dtype=jnp.int32)
  wofs = jnp.arange(NW, dtype=jnp.int32)[:, None] * 997
  psrc = (pad[None, :] + wofs) % N
  pdst = N + (pad[None, :] + wofs) % (NPAD - N)
  src_p = jnp.concatenate([src.reshape(NW, E // NW), psrc],
                          axis=1).reshape(NW, CPW, CHUNK)
  dst_p = jnp.concatenate([dst.reshape(NW, E // NW), pdst],
                          axis=1).reshape(NW, CPW, CHUNK)
  ei_p = jnp.stack([src_p, dst_p], axis=2)

  zeros1 = jnp.zeros((DPAD,), jnp.float32)
  zeros2 = jnp.zeros((NPAD, D), jnp.float32)

  b1r = b1.reshape(1, D)
  bg0r = bg0.reshape(1, D)
  bg1r = bg1.reshape(1, D)
  bc1r = bc1.reshape(1, D)
  bc2r = bc2.reshape(1, ODIM)

  deg0, deg1 = _sc_degree(ei_p, zeros1)
  h, u0, dinv = _tc_pre(x, W1, b1r, Wg0, bg0r, deg0.reshape(DPAD, 1),
                        deg1.reshape(DPAD, 1), sc_alphas)
  s0a, s0b = _sc_scatter_rows(u0, ei_p, zeros2)
  f1, u1 = _tc_mid(s0a, s0b, u0, h, dinv, Wg1, bg1r, sc_alphas, ff_alphas)
  s1a, s1b = _sc_scatter_rows(u1, ei_p, zeros2)
  return _tc_post(s1a, s1b, u1, h, f1, dinv, Wc1, bc1r, Wc2, bc2r,
                  sc_alphas, ff_alphas)

# --- scband reference (transcript-rebuilt; emitter-appended) ---
"""Pipeline reference for scband-network-77318001262939 (READ-ONLY COPY).

The authoritative reference and input builder live on the scoring server;
editing this copy changes nothing except your own understanding.
"""

import jax, jax.numpy as jnp
import numpy as np

N = 10000
E = 320000
IN_DIM = 128
HID = 128
OUT_DIM = 64
TEMP = 0.5
NUM_LAYERS = 2
NUM_EDGES = 6  # (L+2)*(L+1)/2 with L=2


def setup_inputs(seed: int = 0):
    key = jax.random.key(seed)
    ks = jax.random.split(key, 20)

    def lin(k, i, o):
        s = 1.0 / np.sqrt(i)
        return jax.random.uniform(k, (i, o), dtype=jnp.float32, minval=-s, maxval=s)

    inp = {}
    inp['x'] = jax.random.normal(ks[0], (N, IN_DIM), dtype=jnp.float32)
    inp['edge_index'] = jax.random.randint(ks[1], (2, E), 0, N)
    inp['W1'] = lin(ks[2], IN_DIM, HID)
    inp['b1'] = jnp.zeros((HID,), jnp.float32)
    inp['Wg0'] = lin(ks[3], HID, HID)
    inp['bg0'] = jnp.zeros((HID,), jnp.float32)
    inp['Wg1'] = lin(ks[4], HID, HID)
    inp['bg1'] = jnp.zeros((HID,), jnp.float32)
    inp['Wc1'] = lin(ks[5], HID, HID)
    inp['bc1'] = jnp.zeros((HID,), jnp.float32)
    inp['Wc2'] = lin(ks[6], HID, OUT_DIM)
    inp['bc2'] = jnp.zeros((OUT_DIM,), jnp.float32)
    inp['sc_alphas'] = 1e-3 * jax.random.normal(ks[7], (NUM_EDGES, 2), dtype=jnp.float32)
    inp['ff_alphas'] = 1e-3 * jax.random.normal(ks[8], (NUM_LAYERS + 1, 3), dtype=jnp.float32)
    return inp


def _gcn_agg(h, src, dst, n):
    # GCN-style normalized scatter-add aggregation with self loops
    loop = jnp.arange(n)
    s = jnp.concatenate([src, loop])
    d = jnp.concatenate([dst, loop])
    deg = jnp.zeros((n,), h.dtype).at[d].add(1.0)
    dinv = 1.0 / jnp.sqrt(jnp.clip(deg, 1.0))
    norm = dinv[s] * dinv[d]
    msg = h[s] * norm[:, None]
    return jnp.zeros_like(h).at[d].add(msg)


def _sc_mixed(x, w):
    # ScMixedOp: weighted mix of 'none' (zero) and 'skip' (identity)
    return w[0] * jnp.zeros_like(x) + w[1] * x


def _la_mixed(xs, w):
    # LaMixedOp: weighted mix of relu(sum/mean/max) fuse functions over layer inputs
    s = jnp.stack(xs, axis=0)
    ops = [jnp.sum(s, axis=0), jnp.mean(s, axis=0), jnp.max(s, axis=0)]
    out = 0.0
    for i in range(3):
        out = out + w[i] * jax.nn.relu(ops[i])
    return out


def reference(x, edge_index, W1, b1, Wg0, bg0, Wg1, bg1, Wc1, bc1, Wc2, bc2, sc_alphas, ff_alphas):
    src = edge_index[0]
    dst = edge_index[1]
    # darts algo, training mode: tempered softmax over architecture alphas
    sc_w = jax.nn.softmax(sc_alphas / TEMP, axis=-1)
    ff_w = jax.nn.softmax(ff_alphas / TEMP, axis=-1)
    h = x @ W1 + b1  # lin1; dropout p=0.0 is identity
    features = [h]
    gnn_params = [(Wg0, bg0), (Wg1, bg1)]
    start = 0
    for layer in range(NUM_LAYERS):
        layer_input = [_sc_mixed(features[i], sc_w[start + i]) for i in range(layer + 1)]
        tmp = _la_mixed(layer_input, ff_w[layer])
        Wg, bg = gnn_params[layer]
        agg = _gcn_agg(tmp @ Wg + bg, src, dst, tmp.shape[0])
        features.append(jax.nn.elu(agg))  # NaOp: elu(op(x, edge_index)), with_linear=False
        start += layer + 1
    outs = [_sc_mixed(features[i], sc_w[start + i]) for i in range(NUM_LAYERS + 1)]
    out = _la_mixed(outs, ff_w[NUM_LAYERS])
    out = jax.nn.relu(out @ Wc1 + bc1) @ Wc2 + bc2  # classifier
    return out

if __name__ == "__main__":
    import jax
    _d = setup_inputs()
    print(jax.jit(kernel)(*tuple(_d.values())))

</pallas_src>

<mosaic_0001>
#map = affine_map<(d0, d1) -> (0, 0)>
#map1 = affine_map<(d0, d1) -> (0, 0, 0, 0)>
module attributes {stable_mosaic.version = 14 : i64} {
  func.func @k(%arg0: i32, %arg1: i32, %arg2: memref<10000x128xf32, #tpu.memory_space<hbm>>, %arg3: memref<32x80x2x128xi32, #tpu.memory_space<hbm>>, %arg4: memref<10032x128xf32, #tpu.memory_space<hbm>>, %arg5: memref<10032x128xf32, #tpu.memory_space<hbm>>, %arg6: memref<10032x128xf32, #tpu.memory_space<hbm>>, %arg7: memref<6x2x128xi32, #tpu.memory_space<vmem>>, %arg8: memref<128x128xf32, #tpu.memory_space<vmem>>, %arg9: memref<128x128xf32, #tpu.memory_space<vmem>>, %arg10: memref<128x128xf32, #tpu.memory_space<vmem>>, %arg11: memref<!tpu.dma_semaphore, #tpu.memory_space<semaphore_mem>>, %arg12: memref<!tpu.dma_semaphore, #tpu.memory_space<semaphore_mem>>, %arg13: memref<!tpu.dma_semaphore, #tpu.memory_space<semaphore_mem>>, %arg14: memref<!tpu.dma_semaphore, #tpu.memory_space<semaphore_mem>>, %arg15: memref<!tpu.dma_semaphore, #tpu.memory_space<semaphore_mem>>, %arg16: memref<!tpu.dma_semaphore, #tpu.memory_space<semaphore_mem>>, %arg17: memref<!tpu.dma_semaphore, #tpu.memory_space<semaphore_mem>>, %arg18: memref<!tpu.dma_semaphore, #tpu.memory_space<semaphore_mem>>, %arg19: memref<!tpu.dma_semaphore, #tpu.memory_space<semaphore_mem>>, %arg20: memref<!tpu.dma_semaphore, #tpu.memory_space<semaphore_mem>>, %arg21: memref<!tpu.dma_semaphore, #tpu.memory_space<semaphore_mem>>, %arg22: memref<!tpu.dma_semaphore, #tpu.memory_space<semaphore_mem>>, %arg23: memref<10032x128xf32, #tpu.memory_space<vmem_shared>>) attributes {dimension_semantics = [#tpu.dimension_semantics<core_parallel>, #tpu.dimension_semantics<subcore_parallel>], iteration_bounds = array<i64: 2, 16>, scalar_prefetch = 0 : i64, scratch_operands = 17 : i64, tpu.core_type = #tpu.core_type<sc_vector_subcore>, window_params = [{transform_indices = #map}, {transform_indices = #map1}, {transform_indices = #map}, {transform_indices = #map}, {transform_indices = #map}]} {
    %mul3A = arith.constant 2 : i32
    %mul3A_0 = arith.muli %arg1, %mul3A : i32
    %add3A = arith.addi %mul3A_0, %arg0 : i32
    %run_scoped3A = arith.constant 0 : i32
    %run_scoped3A_1 = arith.constant 0 : i32
    "tpu.region"() ({
      %run_scoped3A_168 = tpu.sem_alloc : memref<!tpu.dma_semaphore, #tpu.memory_space<semaphore_mem>>
      %dma_start3A_169 = arith.constant 0 : i32
      %dma_start3A_170 = arith.constant 0 : i32
      %dma_start3A_171 = tpu.memref_slice %arg7[%run_scoped3A_1, %dma_start3A_169, %dma_start3A_170] : memref<6x2x128xi32, #tpu.memory_space<vmem>> -> memref<1x2x128xi32, #tpu.memory_space<vmem>>
      %dma_start3A_172 = tpu.memref_squeeze %dma_start3A_171 : memref<1x2x128xi32, #tpu.memory_space<vmem>> -> memref<2x128xi32, #tpu.memory_space<vmem>>
      %dma_start3A_173 = arith.constant 0 : i32
      %dma_start3A_174 = arith.constant 0 : i32
      %dma_start3A_175 = tpu.memref_slice %arg3[%add3A, %run_scoped3A, %dma_start3A_173, %dma_start3A_174] : memref<32x80x2x128xi32, #tpu.memory_space<hbm>> -> memref<1x1x2x128xi32, #tpu.memory_space<hbm>>
      %dma_start3A_176 = tpu.memref_squeeze %dma_start3A_175 : memref<1x1x2x128xi32, #tpu.memory_space<hbm>> -> memref<2x128xi32, #tpu.memory_space<hbm>>
      %dma_start3A_177 = arith.constant 0 : i32
      %dma_start3A_178 = arith.constant 0 : i32
      %dma_start3A_179 = tpu.memref_slice %arg7[%run_scoped3A_1, %dma_start3A_177, %dma_start3A_178] : memref<6x2x128xi32, #tpu.memory_space<vmem>> -> memref<1x2x128xi32, #tpu.memory_space<vmem>>
      %dma_start3A_180 = tpu.memref_squeeze %dma_start3A_179 : memref<1x2x128xi32, #tpu.memory_space<vmem>> -> memref<2x128xi32, #tpu.memory_space<vmem>>
      %dma_start3A_181 = arith.constant 0 : i32
      %dma_start3A_182 = arith.constant 0 : i32
      %dma_start3A_183 = tpu.memref_slice %arg3[%add3A, %run_scoped3A, %dma_start3A_181, %dma_start3A_182] : memref<32x80x2x128xi32, #tpu.memory_space<hbm>> -> memref<1x1x2x128xi32, #tpu.memory_space<hbm>>
      %dma_start3A_184 = tpu.memref_squeeze %dma_start3A_183 : memref<1x1x2x128xi32, #tpu.memory_space<hbm>> -> memref<2x128xi32, #tpu.memory_space<hbm>>
      tpu.enqueue_dma source(%dma_start3A_184 : memref<2x128xi32, #tpu.memory_space<hbm>>) target(%dma_start3A_180 : memref<2x128xi32, #tpu.memory_space<vmem>>) target_semaphore(%run_scoped3A_168 : memref<!tpu.dma_semaphore, #tpu.memory_space<semaphore_mem>>)
      %dma_wait3A_185 = arith.constant 0 : i32
      %dma_wait3A_186 = arith.constant 0 : i32
      %dma_wait3A_187 = tpu.memref_slice %arg7[%run_scoped3A_1, %dma_wait3A_185, %dma_wait3A_186] : memref<6x2x128xi32, #tpu.memory_space<vmem>> -> memref<1x2x128xi32, #tpu.memory_space<vmem>>
      %dma_wait3A_188 = tpu.memref_squeeze %dma_wait3A_187 : memref<1x2x128xi32, #tpu.memory_space<vmem>> -> memref<2x128xi32, #tpu.memory_space<vmem>>
      %dma_wait3A_189 = arith.constant 0 : i32
      %dma_wait3A_190 = arith.constant 0 : i32
      %dma_wait3A_191 = tpu.memref_slice %arg3[%add3A, %run_scoped3A, %dma_wait3A_189, %dma_wait3A_190] : memref<32x80x2x128xi32, #tpu.memory_space<hbm>> -> memref<1x1x2x128xi32, #tpu.memory_space<hbm>>
      %dma_wait3A_192 = tpu.memref_squeeze %dma_wait3A_191 : memref<1x1x2x128xi32, #tpu.memory_space<hbm>> -> memref<2x128xi32, #tpu.memory_space<hbm>>
      %dma_wait3A_193 = arith.constant 0 : i32
      %dma_wait3A_194 = arith.constant 0 : i32
      %dma_wait3A_195 = tpu.memref_slice %arg7[%run_scoped3A_1, %dma_wait3A_193, %dma_wait3A_194] : memref<6x2x128xi32, #tpu.memory_space<vmem>> -> memref<1x2x128xi32, #tpu.memory_space<vmem>>
      %dma_wait3A_196 = tpu.memref_squeeze %dma_wait3A_195 : memref<1x2x128xi32, #tpu.memory_space<vmem>> -> memref<2x128xi32, #tpu.memory_space<vmem>>
      %dma_wait3A_197 = arith.constant 0 : i32
      %dma_wait3A_198 = arith.constant 0 : i32
      %dma_wait3A_199 = tpu.memref_slice %arg3[%add3A, %run_scoped3A, %dma_wait3A_197, %dma_wait3A_198] : memref<32x80x2x128xi32, #tpu.memory_space<hbm>> -> memref<1x1x2x128xi32, #tpu.memory_space<hbm>>
      %dma_wait3A_200 = tpu.memref_squeeze %dma_wait3A_199 : memref<1x1x2x128xi32, #tpu.memory_space<hbm>> -> memref<2x128xi32, #tpu.memory_space<hbm>>
      tpu.wait_dma2 semaphore(%run_scoped3A_168 : memref<!tpu.dma_semaphore, #tpu.memory_space<semaphore_mem>>) src(%dma_wait3A_200 : memref<2x128xi32, #tpu.memory_space<hbm>>) dst(%dma_wait3A_196 : memref<2x128xi32, #tpu.memory_space<vmem>>)
      tpu.yield
    }) : () -> ()
    %dma_start3A = arith.constant 0 : i32
    %dma_start3A_2 = arith.constant 0 : i32
    %dma_start3A_3 = arith.constant 0 : i32
    %dma_start3A_4 = tpu.memref_slice %arg7[%dma_start3A, %dma_start3A_2, %dma_start3A_3] : memref<6x2x128xi32, #tpu.memory_space<vmem>> -> memref<1x1x128xi32, #tpu.memory_space<vmem>>
    %dma_start3A_5 = tpu.memref_squeeze %dma_start3A_4 : memref<1x1x128xi32, #tpu.memory_space<vmem>> -> memref<128xi32, #tpu.memory_space<vmem>>
    %dma_start3A_6 = arith.constant 0 : i32
    %dma_start3A_7 = arith.constant 0 : i32
    %dma_start3A_8 = tpu.memref_slice %arg2[%dma_start3A_6, %dma_start3A_7] : memref<10000x128xf32, #tpu.memory_space<hbm>> -> memref<10000x128xf32, #tpu.memory_space<hbm>>
    tpu.enqueue_indirect_dma source(%dma_start3A_8 : memref<10000x128xf32, #tpu.memory_space<hbm>>) target(%arg8 : memref<128x128xf32, #tpu.memory_space<vmem>>) offsets(%dma_start3A_5 : memref<128xi32, #tpu.memory_space<vmem>>) semaphore(%arg11 : memref<!tpu.dma_semaphore, #tpu.memory_space<semaphore_mem>>)
    %dma_start3A_9 = arith.constant 1 : i32
    %dma_start3A_10 = arith.constant 1 : i32
    %dma_start3A_11 = arith.constant 0 : i32
    %dma_start3A_12 = arith.constant 0 : i32
    %dma_start3A_13 = tpu.memref_slice %arg7[%dma_start3A_10, %dma_start3A_11, %dma_start3A_12] : memref<6x2x128xi32, #tpu.memory_space<vmem>> -> memref<1x2x128xi32, #tpu.memory_space<vmem>>
    %dma_start3A_14 = tpu.memref_squeeze %dma_start3A_13 : memref<1x2x128xi32, #tpu.memory_space<vmem>> -> memref<2x128xi32, #tpu.memory_space<vmem>>
    %dma_start3A_15 = arith.constant 0 : i32
    %dma_start3A_16 = arith.constant 0 : i32
    %dma_start3A_17 = tpu.memref_slice %arg3[%add3A, %dma_start3A_9, %dma_start3A_15, %dma_start3A_16] : memref<32x80x2x128xi32, #tpu.memory_space<hbm>> -> memref<1x1x2x128xi32, #tpu.memory_space<hbm>>
    %dma_start3A_18 = tpu.memref_squeeze %dma_start3A_17 : memref<1x1x2x128xi32, #tpu.memory_space<hbm>> -> memref<2x128xi32, #tpu.memory_space<hbm>>
    %dma_start3A_19 = arith.constant 0 : i32
    %dma_start3A_20 = arith.constant 0 : i32
    %dma_start3A_21 = tpu.memref_slice %arg7[%dma_start3A_10, %dma_start3A_19, %dma_start3A_20] : memref<6x2x128xi32, #tpu.memory_space<vmem>> -> memref<1x2x128xi32, #tpu.memory_space<vmem>>
    %dma_start3A_22 = tpu.memref_squeeze %dma_start3A_21 : memref<1x2x128xi32, #tpu.memory_space<vmem>> -> memref<2x128xi32, #tpu.memory_space<vmem>>
    %dma_start3A_23 = arith.constant 0 : i32
    %dma_start3A_24 = arith.constant 0 : i32
    %dma_start3A_25 = tpu.memref_slice %arg3[%add3A, %dma_start3A_9, %dma_start3A_23, %dma_start3A_24] : memref<32x80x2x128xi32, #tpu.memory_space<hbm>> -> memref<1x1x2x128xi32, #tpu.memory_space<hbm>>
    %dma_start3A_26 = tpu.memref_squeeze %dma_start3A_25 : memref<1x1x2x128xi32, #tpu.memory_space<hbm>> -> memref<2x128xi32, #tpu.memory_space<hbm>>
    tpu.enqueue_dma source(%dma_start3A_26 : memref<2x128xi32, #tpu.memory_space<hbm>>) target(%dma_start3A_22 : memref<2x128xi32, #tpu.memory_space<vmem>>) target_semaphore(%arg15 : memref<!tpu.dma_semaphore, #tpu.memory_space<semaphore_mem>>)
    %dma_start3A_27 = arith.constant 2 : i32
    %dma_start3A_28 = arith.constant 2 : i32
    %dma_start3A_29 = arith.constant 0 : i32
    %dma_start3A_30 = arith.constant 0 : i32
    %dma_start3A_31 = tpu.memref_slice %arg7[%dma_start3A_28, %dma_start3A_29, %dma_start3A_30] : memref<6x2x128xi32, #tpu.memory_space<vmem>> -> memref<1x2x128xi32, #tpu.memory_space<vmem>>
    %dma_start3A_32 = tpu.memref_squeeze %dma_start3A_31 : memref<1x2x128xi32, #tpu.memory_space<vmem>> -> memref<2x128xi32, #tpu.memory_space<vmem>>
    %dma_start3A_33 = arith.constant 0 : i32
    %dma_start3A_34 = arith.constant 0 : i32
    %dma_start3A_35 = tpu.memref_slice %arg3[%add3A, %dma_start3A_27, %dma_start3A_33, %dma_start3A_34] : memref<32x80x2x128xi32, #tpu.memory_space<hbm>> -> memref<1x1x2x128xi32, #tpu.memory_space<hbm>>
    %dma_start3A_36 = tpu.memref_squeeze %dma_start3A_35 : memref<1x1x2x128xi32, #tpu.memory_space<hbm>> -> memref<2x128xi32, #tpu.memory_space<hbm>>
    %dma_start3A_37 = arith.constant 0 : i32
    %dma_start3A_38 = arith.constant 0 : i32
    %dma_start3A_39 = tpu.memref_slice %arg7[%dma_start3A_28, %dma_start3A_37, %dma_start3A_38] : memref<6x2x128xi32, #tpu.memory_space<vmem>> -> memref<1x2x128xi32, #tpu.memory_space<vmem>>
    %dma_start3A_40 = tpu.memref_squeeze %dma_start3A_39 : memref<1x2x128xi32, #tpu.memory_space<vmem>> -> memref<2x128xi32, #tpu.memory_space<vmem>>
    %dma_start3A_41 = arith.constant 0 : i32
    %dma_start3A_42 = arith.constant 0 : i32
    %dma_start3A_43 = tpu.memref_slice %arg3[%add3A, %dma_start3A_27, %dma_start3A_41, %dma_start3A_42] : memref<32x80x2x128xi32, #tpu.memory_space<hbm>> -> memref<1x1x2x128xi32, #tpu.memory_space<hbm>>
    %dma_start3A_44 = tpu.memref_squeeze %dma_start3A_43 : memref<1x1x2x128xi32, #tpu.memory_space<hbm>> -> memref<2x128xi32, #tpu.memory_space<hbm>>
    tpu.enqueue_dma source(%dma_start3A_44 : memref<2x128xi32, #tpu.memory_space<hbm>>) target(%dma_start3A_40 : memref<2x128xi32, #tpu.memory_space<vmem>>) target_semaphore(%arg16 : memref<!tpu.dma_semaphore, #tpu.memory_space<semaphore_mem>>)
    %dma_start3A_45 = arith.constant 3 : i32
    %dma_start3A_46 = arith.constant 3 : i32
    %dma_start3A_47 = arith.constant 0 : i32
    %dma_start3A_48 = arith.constant 0 : i32
    %dma_start3A_49 = tpu.memref_slice %arg7[%dma_start3A_46, %dma_start3A_47, %dma_start3A_48] : memref<6x2x128xi32, #tpu.memory_space<vmem>> -> memref<1x2x128xi32, #tpu.memory_space<vmem>>
    %dma_start3A_50 = tpu.memref_squeeze %dma_start3A_49 : memref<1x2x128xi32, #tpu.memory_space<vmem>> -> memref<2x128xi32, #tpu.memory_space<vmem>>
    %dma_start3A_51 = arith.constant 0 : i32
    %dma_start3A_52 = arith.constant 0 : i32
    %dma_start3A_53 = tpu.memref_slice %arg3[%add3A, %dma_start3A_45, %dma_start3A_51, %dma_start3A_52] : memref<32x80x2x128xi32, #tpu.memory_space<hbm>> -> memref<1x1x2x128xi32, #tpu.memory_space<hbm>>
    %dma_start3A_54 = tpu.memref_squeeze %dma_start3A_53 : memref<1x1x2x128xi32, #tpu.memory_space<hbm>> -> memref<2x128xi32, #tpu.memory_space<hbm>>
    %dma_start3A_55 = arith.constant 0 : i32
    %dma_start3A_56 = arith.constant 0 : i32
    %dma_start3A_57 = tpu.memref_slice %arg7[%dma_start3A_46, %dma_start3A_55, %dma_start3A_56] : memref<6x2x128xi32, #tpu.memory_space<vmem>> -> memref<1x2x128xi32, #tpu.memory_space<vmem>>
    %dma_start3A_58 = tpu.memref_squeeze %dma_start3A_57 : memref<1x2x128xi32, #tpu.memory_space<vmem>> -> memref<2x128xi32, #tpu.memory_space<vmem>>
    %dma_start3A_59 = arith.constant 0 : i32
    %dma_start3A_60 = arith.constant 0 : i32
    %dma_start3A_61 = tpu.memref_slice %arg3[%add3A, %dma_start3A_45, %dma_start3A_59, %dma_start3A_60] : memref<32x80x2x128xi32, #tpu.memory_space<hbm>> -> memref<1x1x2x128xi32, #tpu.memory_space<hbm>>
    %dma_start3A_62 = tpu.memref_squeeze %dma_start3A_61 : memref<1x1x2x128xi32, #tpu.memory_space<hbm>> -> memref<2x128xi32, #tpu.memory_space<hbm>>
    tpu.enqueue_dma source(%dma_start3A_62 : memref<2x128xi32, #tpu.memory_space<hbm>>) target(%dma_start3A_58 : memref<2x128xi32, #tpu.memory_space<vmem>>) target_semaphore(%arg17 : memref<!tpu.dma_semaphore, #tpu.memory_space<semaphore_mem>>)
    %dma_wait3A = arith.constant 1 : i32
    %dma_wait3A_63 = arith.constant 1 : i32
    %dma_wait3A_64 = arith.constant 0 : i32
    %dma_wait3A_65 = arith.constant 0 : i32
    %dma_wait3A_66 = tpu.memref_slice %arg7[%dma_wait3A_63, %dma_wait3A_64, %dma_wait3A_65] : memref<6x2x128xi32, #tpu.memory_space<vmem>> -> memref<1x2x128xi32, #tpu.memory_space<vmem>>
    %dma_wait3A_67 = tpu.memref_squeeze %dma_wait3A_66 : memref<1x2x128xi32, #tpu.memory_space<vmem>> -> memref<2x128xi32, #tpu.memory_space<vmem>>
    %dma_wait3A_68 = arith.constant 0 : i32
    %dma_wait3A_69 = arith.constant 0 : i32
    %dma_wait3A_70 = tpu.memref_slice %arg3[%add3A, %dma_wait3A, %dma_wait3A_68, %dma_wait3A_69] : memref<32x80x2x128xi32, #tpu.memory_space<hbm>> -> memref<1x1x2x128xi32, #tpu.memory_space<hbm>>
    %dma_wait3A_71 = tpu.memref_squeeze %dma_wait3A_70 : memref<1x1x2x128xi32, #tpu.memory_space<hbm>> -> memref<2x128xi32, #tpu.memory_space<hbm>>
    %dma_wait3A_72 = arith.constant 0 : i32
    %dma_wait3A_73 = arith.constant 0 : i32
    %dma_wait3A_74 = tpu.memref_slice %arg7[%dma_wait3A_63, %dma_wait3A_72, %dma_wait3A_73] : memref<6x2x128xi32, #tpu.memory_space<vmem>> -> memref<1x2x128xi32, #tpu.memory_space<vmem>>
    %dma_wait3A_75 = tpu.memref_squeeze %dma_wait3A_74 : memref<1x2x128xi32, #tpu.memory_space<vmem>> -> memref<2x128xi32, #tpu.memory_space<vmem>>
    %dma_wait3A_76 = arith.constant 0 : i32
    %dma_wait3A_77 = arith.constant 0 : i32
    %dma_wait3A_78 = tpu.memref_slice %arg3[%add3A, %dma_wait3A, %dma_wait3A_76, %dma_wait3A_77] : memref<32x80x2x128xi32, #tpu.memory_space<hbm>> -> memref<1x1x2x128xi32, #tpu.memory_space<hbm>>
    %dma_wait3A_79 = tpu.memref_squeeze %dma_wait3A_78 : memref<1x1x2x128xi32, #tpu.memory_space<hbm>> -> memref<2x128xi32, #tpu.memory_space<hbm>>
    tpu.wait_dma2 semaphore(%arg15 : memref<!tpu.dma_semaphore, #tpu.memory_space<semaphore_mem>>) src(%dma_wait3A_79 : memref<2x128xi32, #tpu.memory_space<hbm>>) dst(%dma_wait3A_75 : memref<2x128xi32, #tpu.memory_space<vmem>>)
    %dma_start3A_80 = arith.constant 1 : i32
    %dma_start3A_81 = arith.constant 0 : i32
    %dma_start3A_82 = arith.constant 0 : i32
    %dma_start3A_83 = tpu.memref_slice %arg7[%dma_start3A_80, %dma_start3A_81, %dma_start3A_82] : memref<6x2x128xi32, #tpu.memory_space<vmem>> -> memref<1x1x128xi32, #tpu.memory_space<vmem>>
    %dma_start3A_84 = tpu.memref_squeeze %dma_start3A_83 : memref<1x1x128xi32, #tpu.memory_space<vmem>> -> memref<128xi32, #tpu.memory_space<vmem>>
    %dma_start3A_85 = arith.constant 0 : i32
    %dma_start3A_86 = arith.constant 0 : i32
    %dma_start3A_87 = tpu.memref_slice %arg2[%dma_start3A_85, %dma_start3A_86] : memref<10000x128xf32, #tpu.memory_space<hbm>> -> memref<10000x128xf32, #tpu.memory_space<hbm>>
    tpu.enqueue_indirect_dma source(%dma_start3A_87 : memref<10000x128xf32, #tpu.memory_space<hbm>>) target(%arg9 : memref<128x128xf32, #tpu.memory_space<vmem>>) offsets(%dma_start3A_84 : memref<128xi32, #tpu.memory_space<vmem>>) semaphore(%arg12 : memref<!tpu.dma_semaphore, #tpu.memory_space<semaphore_mem>>)
    %mul3A_88 = arith.constant 640 : i32
    %mul3A_89 = arith.muli %arg1, %mul3A_88 : i32
    %multiple_of3A = tpu.assume_multiple %mul3A_89, 8 : i32
    %lt3A = arith.constant 15 : i32
    %lt3A_90 = arith.cmpi slt, %arg1, %lt3A : i32
    %convert_element_type3A = arith.extui %lt3A_90 : i1 to i32
    %cond3A = arith.constant 0 : i32
    %cond3A_91 = arith.cmpi ne, %convert_element_type3A, %cond3A : i32
    scf.if %cond3A_91 {
      "tpu.region"() ({
        %run_scoped3A_168 = tpu.sem_alloc : memref<!tpu.dma_semaphore, #tpu.memory_space<semaphore_mem>>
        %dma_start3A_169 = arith.constant 0 : i32
        %dma_start3A_170 = tpu.memref_slice %arg23[%multiple_of3A, %dma_start3A_169] : memref<10032x128xf32, #tpu.memory_space<vmem_shared>> -> memref<640x128xf32, #tpu.memory_space<vmem_shared>>
        %dma_start3A_171 = arith.constant 0 : i32
        %dma_start3A_172 = tpu.memref_slice %arg4[%multiple_of3A, %dma_start3A_171] : memref<10032x128xf32, #tpu.memory_space<hbm>> -> memref<640x128xf32, #tpu.memory_space<hbm>>
        tpu.enqueue_dma source(%dma_start3A_172 : memref<640x128xf32, #tpu.memory_space<hbm>>) target(%dma_start3A_170 : memref<640x128xf32, #tpu.memory_space<vmem_shared>>) target_semaphore(%run_scoped3A_168 : memref<!tpu.dma_semaphore, #tpu.memory_space<semaphore_mem>>)
        %dma_wait3A_173 = arith.constant 0 : i32
        %dma_wait3A_174 = tpu.memref_slice %arg23[%multiple_of3A, %dma_wait3A_173] : memref<10032x128xf32, #tpu.memory_space<vmem_shared>> -> memref<640x128xf32, #tpu.memory_space<vmem_shared>>
        %dma_wait3A_175 = arith.constant 0 : i32
        %dma_wait3A_176 = tpu.memref_slice %arg4[%multiple_of3A, %dma_wait3A_175] : memref<10032x128xf32, #tpu.memory_space<hbm>> -> memref<640x128xf32, #tpu.memory_space<hbm>>
        tpu.wait_dma2 semaphore(%run_scoped3A_168 : memref<!tpu.dma_semaphore, #tpu.memory_space<semaphore_mem>>) src(%dma_wait3A_176 : memref<640x128xf32, #tpu.memory_space<hbm>>) dst(%dma_wait3A_174 : memref<640x128xf32, #tpu.memory_space<vmem_shared>>)
        tpu.yield
      }) : () -> ()
    } else {
    }
    %eq3A = arith.constant 15 : i32
    %eq3A_92 = arith.cmpi eq, %arg1, %eq3A : i32
    %convert_element_type3A_93 = arith.extui %eq3A_92 : i1 to i32
    %cond3A_94 = arith.constant 0 : i32
    %cond3A_95 = arith.cmpi ne, %convert_element_type3A_93, %cond3A_94 : i32
    scf.if %cond3A_95 {
      "tpu.region"() ({
        %run_scoped3A_168 = tpu.sem_alloc : memref<!tpu.dma_semaphore, #tpu.memory_space<semaphore_mem>>
        %dma_start3A_169 = arith.constant 9600 : i32
        %dma_start3A_170 = arith.constant 0 : i32
        %dma_start3A_171 = tpu.memref_slice %arg23[%dma_start3A_169, %dma_start3A_170] : memref<10032x128xf32, #tpu.memory_space<vmem_shared>> -> memref<432x128xf32, #tpu.memory_space<vmem_shared>>
        %dma_start3A_172 = arith.constant 9600 : i32
        %dma_start3A_173 = arith.constant 0 : i32
        %dma_start3A_174 = tpu.memref_slice %arg4[%dma_start3A_172, %dma_start3A_173] : memref<10032x128xf32, #tpu.memory_space<hbm>> -> memref<432x128xf32, #tpu.memory_space<hbm>>
        tpu.enqueue_dma source(%dma_start3A_174 : memref<432x128xf32, #tpu.memory_space<hbm>>) target(%dma_start3A_171 : memref<432x128xf32, #tpu.memory_space<vmem_shared>>) target_semaphore(%run_scoped3A_168 : memref<!tpu.dma_semaphore, #tpu.memory_space<semaphore_mem>>)
        %dma_wait3A_175 = arith.constant 9600 : i32
        %dma_wait3A_176 = arith.constant 0 : i32
        %dma_wait3A_177 = tpu.memref_slice %arg23[%dma_wait3A_175, %dma_wait3A_176] : memref<10032x128xf32, #tpu.memory_space<vmem_shared>> -> memref<432x128xf32, #tpu.memory_space<vmem_shared>>
        %dma_wait3A_178 = arith.constant 9600 : i32
        %dma_wait3A_179 = arith.constant 0 : i32
        %dma_wait3A_180 = tpu.memref_slice %arg4[%dma_wait3A_178, %dma_wait3A_179] : memref<10032x128xf32, #tpu.memory_space<hbm>> -> memref<432x128xf32, #tpu.memory_space<hbm>>
        tpu.wait_dma2 semaphore(%run_scoped3A_168 : memref<!tpu.dma_semaphore, #tpu.memory_space<semaphore_mem>>) src(%dma_wait3A_180 : memref<432x128xf32, #tpu.memory_space<hbm>>) dst(%dma_wait3A_177 : memref<432x128xf32, #tpu.memory_space<vmem_shared>>)
        tpu.yield
      }) : () -> ()
    } else {
    }
    %barrier3A = arith.constant 0 : index
    tpu.barrier barrier_id(%barrier3A)
    %scan3A = arith.constant 0 : i32
    %scan3A_96 = arith.constant 0 : i32
    %scan3A_97 = arith.constant 13 : i32
    %scan3A_98 = arith.addi %scan3A_96, %scan3A_97 : i32
    %scan3A_99 = arith.constant 1 : i32
    scf.for %scan3A_168 = %scan3A_96 to %scan3A_98 step %scan3A_99  : i32 {
      %mul3A_169 = arith.constant 6 : i32
      %mul3A_170 = arith.muli %mul3A_169, %scan3A_168 : i32
      %add3A_171 = arith.constant 0 : i32
      %add3A_172 = arith.addi %mul3A_170, %add3A_171 : i32
      %add3A_173 = arith.constant 2 : i32
      %add3A_174 = arith.addi %add3A_172, %add3A_173 : i32
      %lt3A_175 = arith.constant 80 : i32
      %lt3A_176 = arith.cmpi slt, %add3A_174, %lt3A_175 : i32
      %convert_element_type3A_177 = arith.extui %lt3A_176 : i1 to i32
      %cond3A_178 = arith.constant 0 : i32
      %cond3A_179 = arith.cmpi ne, %convert_element_type3A_177, %cond3A_178 : i32
      scf.if %cond3A_179 {
        %add3A_373 = arith.constant 2 : i32
        %add3A_374 = arith.addi %add3A_172, %add3A_373 : i32
        %dma_wait3A_375 = arith.constant 2 : i32
        %dma_wait3A_376 = arith.constant 0 : i32
        %dma_wait3A_377 = arith.constant 0 : i32
        %dma_wait3A_378 = tpu.memref_slice %arg7[%dma_wait3A_375, %dma_wait3A_376, %dma_wait3A_377] : memref<6x2x128xi32, #tpu.memory_space<vmem>> -> memref<1x2x128xi32, #tpu.memory_space<vmem>>
        %dma_wait3A_379 = tpu.memref_squeeze %dma_wait3A_378 : memref<1x2x128xi32, #tpu.memory_space<vmem>> -> memref<2x128xi32, #tpu.memory_space<vmem>>
        %dma_wait3A_380 = arith.constant 0 : i32
        %dma_wait3A_381 = arith.constant 0 : i32
        %dma_wait3A_382 = tpu.memref_slice %arg3[%add3A, %add3A_374, %dma_wait3A_380, %dma_wait3A_381] : memref<32x80x2x128xi32, #tpu.memory_space<hbm>> -> memref<1x1x2x128xi32, #tpu.memory_space<hbm>>
        %dma_wait3A_383 = tpu.memref_squeeze %dma_wait3A_382 : memref<1x1x2x128xi32, #tpu.memory_space<hbm>> -> memref<2x128xi32, #tpu.memory_space<hbm>>
        %dma_wait3A_384 = arith.constant 0 : i32
        %dma_wait3A_385 = arith.constant 0 : i32
        %dma_wait3A_386 = tpu.memref_slice %arg7[%dma_wait3A_375, %dma_wait3A_384, %dma_wait3A_385] : memref<6x2x128xi32, #tpu.memory_space<vmem>> -> memref<1x2x128xi32, #tpu.memory_space<vmem>>
        %dma_wait3A_387 = tpu.memref_squeeze %dma_wait3A_386 : memref<1x2x128xi32, #tpu.memory_space<vmem>> -> memref<2x128xi32, #tpu.memory_space<vmem>>
        %dma_wait3A_388 = arith.constant 0 : i32
        %dma_wait3A_389 = arith.constant 0 : i32
        %dma_wait3A_390 = tpu.memref_slice %arg3[%add3A, %add3A_374, %dma_wait3A_388, %dma_wait3A_389] : memref<32x80x2x128xi32, #tpu.memory_space<hbm>> -> memref<1x1x2x128xi32, #tpu.memory_space<hbm>>
        %dma_wait3A_391 = tpu.memref_squeeze %dma_wait3A_390 : memref<1x1x2x128xi32, #tpu.memory_space<hbm>> -> memref<2x128xi32, #tpu.memory_space<hbm>>
        tpu.wait_dma2 semaphore(%arg16 : memref<!tpu.dma_semaphore, #tpu.memory_space<semaphore_mem>>) src(%dma_wait3A_391 : memref<2x128xi32, #tpu.memory_space<hbm>>) dst(%dma_wait3A_387 : memref<2x128xi32, #tpu.memory_space<vmem>>)
        %ge3A = arith.constant 1 : i32
        %ge3A_392 = arith.cmpi sge, %add3A_172, %ge3A : i32
        %convert_element_type3A_393 = arith.extui %ge3A_392 : i1 to i32
        %cond3A_394 = arith.constant 0 : i32
        %cond3A_395 = arith.cmpi ne, %convert_element_type3A_393, %cond3A_394 : i32
        scf.if %cond3A_395 {
          %dma_wait3A_404 = arith.constant 5 : i32
          %dma_wait3A_405 = arith.constant 1 : i32
          %dma_wait3A_406 = arith.constant 0 : i32
          %dma_wait3A_407 = tpu.memref_slice %arg7[%dma_wait3A_404, %dma_wait3A_405, %dma_wait3A_406] : memref<6x2x128xi32, #tpu.memory_space<vmem>> -> memref<1x1x128xi32, #tpu.memory_space<vmem>>
          %dma_wait3A_408 = tpu.memref_squeeze %dma_wait3A_407 : memref<1x1x128xi32, #tpu.memory_space<vmem>> -> memref<128xi32, #tpu.memory_space<vmem>>
          %dma_wait3A_409 = arith.constant 0 : i32
          %dma_wait3A_410 = arith.constant 0 : i32
          %dma_wait3A_411 = tpu.memref_slice %arg23[%dma_wait3A_409, %dma_wait3A_410] : memref<10032x128xf32, #tpu.memory_space<vmem_shared>> -> memref<10032x128xf32, #tpu.memory_space<vmem_shared>>
          tpu.wait_indirect_dma semaphore(%arg22 : memref<!tpu.dma_semaphore, #tpu.memory_space<semaphore_mem>>) src(%arg10 : memref<128x128xf32, #tpu.memory_space<vmem>>) dst(%dma_wait3A_411 : memref<10032x128xf32, #tpu.memory_space<vmem_shared>>)
        } else {
        }
        %dma_start3A_396 = arith.constant 2 : i32
        %dma_start3A_397 = arith.constant 0 : i32
        %dma_start3A_398 = arith.constant 0 : i32
        %dma_start3A_399 = tpu.memref_slice %arg7[%dma_start3A_396, %dma_start3A_397, %dma_start3A_398] : memref<6x2x128xi32, #tpu.memory_space<vmem>> -> memref<1x1x128xi32, #tpu.memory_space<vmem>>
        %dma_start3A_400 = tpu.memref_squeeze %dma_start3A_399 : memref<1x1x128xi32, #tpu.memory_space<vmem>> -> memref<128xi32, #tpu.memory_space<vmem>>
        %dma_start3A_401 = arith.constant 0 : i32
        %dma_start3A_402 = arith.constant 0 : i32
        %dma_start3A_403 = tpu.memref_slice %arg2[%dma_start3A_401, %dma_start3A_402] : memref<10000x128xf32, #tpu.memory_space<hbm>> -> memref<10000x128xf32, #tpu.memory_space<hbm>>
        tpu.enqueue_indirect_dma source(%dma_start3A_403 : memref<10000x128xf32, #tpu.memory_space<hbm>>) target(%arg10 : memref<128x128xf32, #tpu.memory_space<vmem>>) offsets(%dma_start3A_400 : memref<128xi32, #tpu.memory_space<vmem>>) semaphore(%arg13 : memref<!tpu.dma_semaphore, #tpu.memory_space<semaphore_mem>>)
      } else {
      }
      %dma_wait3A_180 = arith.constant 0 : i32
      %dma_wait3A_181 = arith.constant 0 : i32
      %dma_wait3A_182 = arith.constant 0 : i32
      %dma_wait3A_183 = tpu.memref_slice %arg7[%dma_wait3A_180, %dma_wait3A_181, %dma_wait3A_182] : memref<6x2x128xi32, #tpu.memory_space<vmem>> -> memref<1x1x128xi32, #tpu.memory_space<vmem>>
      %dma_wait3A_184 = tpu.memref_squeeze %dma_wait3A_183 : memref<1x1x128xi32, #tpu.memory_space<vmem>> -> memref<128xi32, #tpu.memory_space<vmem>>
      %dma_wait3A_185 = arith.constant 0 : i32
      %dma_wait3A_186 = arith.constant 0 : i32
      %dma_wait3A_187 = tpu.memref_slice %arg2[%dma_wait3A_185, %dma_wait3A_186] : memref<10000x128xf32, #tpu.memory_space<hbm>> -> memref<10000x128xf32, #tpu.memory_space<hbm>>
      tpu.wait_indirect_dma semaphore(%arg11 : memref<!tpu.dma_semaphore, #tpu.memory_space<semaphore_mem>>) src(%dma_wait3A_187 : memref<10000x128xf32, #tpu.memory_space<hbm>>) dst(%arg8 : memref<128x128xf32, #tpu.memory_space<vmem>>)
      %dma_start3A_188 = arith.constant 0 : i32
      %dma_start3A_189 = arith.constant 1 : i32
      %dma_start3A_190 = arith.constant 0 : i32
      %dma_start3A_191 = tpu.memref_slice %arg7[%dma_start3A_188, %dma_start3A_189, %dma_start3A_190] : memref<6x2x128xi32, #tpu.memory_space<vmem>> -> memref<1x1x128xi32, #tpu.memory_space<vmem>>
      %dma_start3A_192 = tpu.memref_squeeze %dma_start3A_191 : memref<1x1x128xi32, #tpu.memory_space<vmem>> -> memref<128xi32, #tpu.memory_space<vmem>>
      %dma_start3A_193 = arith.constant 0 : i32
      %dma_start3A_194 = arith.constant 0 : i32
      %dma_start3A_195 = tpu.memref_slice %arg23[%dma_start3A_193, %dma_start3A_194] : memref<10032x128xf32, #tpu.memory_space<vmem_shared>> -> memref<10032x128xf32, #tpu.memory_space<vmem_shared>>
      tpu.enqueue_indirect_dma source(%arg8 : memref<128x128xf32, #tpu.memory_space<vmem>>) target(%dma_start3A_195 : memref<10032x128xf32, #tpu.memory_space<vmem_shared>>) offsets(%dma_start3A_192 : memref<128xi32, #tpu.memory_space<vmem>>) semaphore(%arg20 : memref<!tpu.dma_semaphore, #tpu.memory_space<semaphore_mem>>) {add = true}
      %add3A_196 = arith.constant 4 : i32
      %add3A_197 = arith.addi %add3A_172, %add3A_196 : i32
      %lt3A_198 = arith.constant 80 : i32
      %lt3A_199 = arith.cmpi slt, %add3A_197, %lt3A_198 : i32
      %convert_element_type3A_200 = arith.extui %lt3A_199 : i1 to i32
      %cond3A_201 = arith.constant 0 : i32
      %cond3A_202 = arith.cmpi ne, %convert_element_type3A_200, %cond3A_201 : i32
      scf.if %cond3A_202 {
        %add3A_373 = arith.constant 4 : i32
        %add3A_374 = arith.addi %add3A_172, %add3A_373 : i32
        %dma_start3A_375 = arith.constant 4 : i32
        %dma_start3A_376 = arith.constant 0 : i32
        %dma_start3A_377 = arith.constant 0 : i32
        %dma_start3A_378 = tpu.memref_slice %arg7[%dma_start3A_375, %dma_start3A_376, %dma_start3A_377] : memref<6x2x128xi32, #tpu.memory_space<vmem>> -> memref<1x2x128xi32, #tpu.memory_space<vmem>>
        %dma_start3A_379 = tpu.memref_squeeze %dma_start3A_378 : memref<1x2x128xi32, #tpu.memory_space<vmem>> -> memref<2x128xi32, #tpu.memory_space<vmem>>
        %dma_start3A_380 = arith.constant 0 : i32
        %dma_start3A_381 = arith.constant 0 : i32
        %dma_start3A_382 = tpu.memref_slice %arg3[%add3A, %add3A_374, %dma_start3A_380, %dma_start3A_381] : memref<32x80x2x128xi32, #tpu.memory_space<hbm>> -> memref<1x1x2x128xi32, #tpu.memory_space<hbm>>
        %dma_start3A_383 = tpu.memref_squeeze %dma_start3A_382 : memref<1x1x2x128xi32, #tpu.memory_space<hbm>> -> memref<2x128xi32, #tpu.memory_space<hbm>>
        %dma_start3A_384 = arith.constant 0 : i32
        %dma_start3A_385 = arith.constant 0 : i32
        %dma_start3A_386 = tpu.memref_slice %arg7[%dma_start3A_375, %dma_start3A_384, %dma_start3A_385] : memref<6x2x128xi32, #tpu.memory_space<vmem>> -> memref<1x2x128xi32, #tpu.memory_space<vmem>>
        %dma_start3A_387 = tpu.memref_squeeze %dma_start3A_386 : memref<1x2x128xi32, #tpu.memory_space<vmem>> -> memref<2x128xi32, #tpu.memory_space<vmem>>
        %dma_start3A_388 = arith.constant 0 : i32
        %dma_start3A_389 = arith.constant 0 : i32
        %dma_start3A_390 = tpu.memref_slice %arg3[%add3A, %add3A_374, %dma_start3A_388, %dma_start3A_389] : memref<32x80x2x128xi32, #tpu.memory_space<hbm>> -> memref<1x1x2x128xi32, #tpu.memory_space<hbm>>
        %dma_start3A_391 = tpu.memref_squeeze %dma_start3A_390 : memref<1x1x2x128xi32, #tpu.memory_space<hbm>> -> memref<2x128xi32, #tpu.memory_space<hbm>>
        tpu.enqueue_dma source(%dma_start3A_391 : memref<2x128xi32, #tpu.memory_space<hbm>>) target(%dma_start3A_387 : memref<2x128xi32, #tpu.memory_space<vmem>>) target_semaphore(%arg18 : memref<!tpu.dma_semaphore, #tpu.memory_space<semaphore_mem>>)
      } else {
      }
      %mul3A_203 = arith.constant 6 : i32
      %mul3A_204 = arith.muli %mul3A_203, %scan3A_168 : i32
      %add3A_205 = arith.constant 1 : i32
      %add3A_206 = arith.addi %mul3A_204, %add3A_205 : i32
      %add3A_207 = arith.constant 2 : i32
      %add3A_208 = arith.addi %add3A_206, %add3A_207 : i32
      %lt3A_209 = arith.constant 80 : i32
      %lt3A_210 = arith.cmpi slt, %add3A_208, %lt3A_209 : i32
      %convert_element_type3A_211 = arith.extui %lt3A_210 : i1 to i32
      %cond3A_212 = arith.constant 0 : i32
      %cond3A_213 = arith.cmpi ne, %convert_element_type3A_211, %cond3A_212 : i32
      scf.if %cond3A_213 {
        %add3A_373 = arith.constant 2 : i32
        %add3A_374 = arith.addi %add3A_206, %add3A_373 : i32
        %dma_wait3A_375 = arith.constant 3 : i32
        %dma_wait3A_376 = arith.constant 0 : i32
        %dma_wait3A_377 = arith.constant 0 : i32
        %dma_wait3A_378 = tpu.memref_slice %arg7[%dma_wait3A_375, %dma_wait3A_376, %dma_wait3A_377] : memref<6x2x128xi32, #tpu.memory_space<vmem>> -> memref<1x2x128xi32, #tpu.memory_space<vmem>>
        %dma_wait3A_379 = tpu.memref_squeeze %dma_wait3A_378 : memref<1x2x128xi32, #tpu.memory_space<vmem>> -> memref<2x128xi32, #tpu.memory_space<vmem>>
        %dma_wait3A_380 = arith.constant 0 : i32
        %dma_wait3A_381 = arith.constant 0 : i32
        %dma_wait3A_382 = tpu.memref_slice %arg3[%add3A, %add3A_374, %dma_wait3A_380, %dma_wait3A_381] : memref<32x80x2x128xi32, #tpu.memory_space<hbm>> -> memref<1x1x2x128xi32, #tpu.memory_space<hbm>>
        %dma_wait3A_383 = tpu.memref_squeeze %dma_wait3A_382 : memref<1x1x2x128xi32, #tpu.memory_space<hbm>> -> memref<2x128xi32, #tpu.memory_space<hbm>>
        %dma_wait3A_384 = arith.constant 0 : i32
        %dma_wait3A_385 = arith.constant 0 : i32
        %dma_wait3A_386 = tpu.memref_slice %arg7[%dma_wait3A_375, %dma_wait3A_384, %dma_wait3A_385] : memref<6x2x128xi32, #tpu.memory_space<vmem>> -> memref<1x2x128xi32, #tpu.memory_space<vmem>>
        %dma_wait3A_387 = tpu.memref_squeeze %dma_wait3A_386 : memref<1x2x128xi32, #tpu.memory_space<vmem>> -> memref<2x128xi32, #tpu.memory_space<vmem>>
        %dma_wait3A_388 = arith.constant 0 : i32
        %dma_wait3A_389 = arith.constant 0 : i32
        %dma_wait3A_390 = tpu.memref_slice %arg3[%add3A, %add3A_374, %dma_wait3A_388, %dma_wait3A_389] : memref<32x80x2x128xi32, #tpu.memory_space<hbm>> -> memref<1x1x2x128xi32, #tpu.memory_space<hbm>>
        %dma_wait3A_391 = tpu.memref_squeeze %dma_wait3A_390 : memref<1x1x2x128xi32, #tpu.memory_space<hbm>> -> memref<2x128xi32, #tpu.memory_space<hbm>>
        tpu.wait_dma2 semaphore(%arg17 : memref<!tpu.dma_semaphore, #tpu.memory_space<semaphore_mem>>) src(%dma_wait3A_391 : memref<2x128xi32, #tpu.memory_space<hbm>>) dst(%dma_wait3A_387 : memref<2x128xi32, #tpu.memory_space<vmem>>)
        %ge3A = arith.constant 1 : i32
        %ge3A_392 = arith.cmpi sge, %add3A_206, %ge3A : i32
        %convert_element_type3A_393 = arith.extui %ge3A_392 : i1 to i32
        %cond3A_394 = arith.constant 0 : i32
        %cond3A_395 = arith.cmpi ne, %convert_element_type3A_393, %cond3A_394 : i32
        scf.if %cond3A_395 {
          %dma_wait3A_404 = arith.constant 0 : i32
          %dma_wait3A_405 = arith.constant 1 : i32
          %dma_wait3A_406 = arith.constant 0 : i32
          %dma_wait3A_407 = tpu.memref_slice %arg7[%dma_wait3A_404, %dma_wait3A_405, %dma_wait3A_406] : memref<6x2x128xi32, #tpu.memory_space<vmem>> -> memref<1x1x128xi32, #tpu.memory_space<vmem>>
          %dma_wait3A_408 = tpu.memref_squeeze %dma_wait3A_407 : memref<1x1x128xi32, #tpu.memory_space<vmem>> -> memref<128xi32, #tpu.memory_space<vmem>>
          %dma_wait3A_409 = arith.constant 0 : i32
          %dma_wait3A_410 = arith.constant 0 : i32
          %dma_wait3A_411 = tpu.memref_slice %arg23[%dma_wait3A_409, %dma_wait3A_410] : memref<10032x128xf32, #tpu.memory_space<vmem_shared>> -> memref<10032x128xf32, #tpu.memory_space<vmem_shared>>
          tpu.wait_indirect_dma semaphore(%arg20 : memref<!tpu.dma_semaphore, #tpu.memory_space<semaphore_mem>>) src(%arg8 : memref<128x128xf32, #tpu.memory_space<vmem>>) dst(%dma_wait3A_411 : memref<10032x128xf32, #tpu.memory_space<vmem_shared>>)
        } else {
        }
        %dma_start3A_396 = arith.constant 3 : i32
        %dma_start3A_397 = arith.constant 0 : i32
        %dma_start3A_398 = arith.constant 0 : i32
        %dma_start3A_399 = tpu.memref_slice %arg7[%dma_start3A_396, %dma_start3A_397, %dma_start3A_398] : memref<6x2x128xi32, #tpu.memory_space<vmem>> -> memref<1x1x128xi32, #tpu.memory_space<vmem>>
        %dma_start3A_400 = tpu.memref_squeeze %dma_start3A_399 : memref<1x1x128xi32, #tpu.memory_space<vmem>> -> memref<128xi32, #tpu.memory_space<vmem>>
        %dma_start3A_401 = arith.constant 0 : i32
        %dma_start3A_402 = arith.constant 0 : i32
        %dma_start3A_403 = tpu.memref_slice %arg2[%dma_start3A_401, %dma_start3A_402] : memref<10000x128xf32, #tpu.memory_space<hbm>> -> memref<10000x128xf32, #tpu.memory_space<hbm>>
        tpu.enqueue_indirect_dma source(%dma_start3A_403 : memref<10000x128xf32, #tpu.memory_space<hbm>>) target(%arg8 : memref<128x128xf32, #tpu.memory_space<vmem>>) offsets(%dma_start3A_400 : memref<128xi32, #tpu.memory_space<vmem>>) semaphore(%arg11 : memref<!tpu.dma_semaphore, #tpu.memory_space<semaphore_mem>>)
      } else {
      }
      %dma_wait3A_214 = arith.constant 1 : i32
      %dma_wait3A_215 = arith.constant 0 : i32
      %dma_wait3A_216 = arith.constant 0 : i32
      %dma_wait3A_217 = tpu.memref_slice %arg7[%dma_wait3A_214, %dma_wait3A_215, %dma_wait3A_216] : memref<6x2x128xi32, #tpu.memory_space<vmem>> -> memref<1x1x128xi32, #tpu.memory_space<vmem>>
      %dma_wait3A_218 = tpu.memref_squeeze %dma_wait3A_217 : memref<1x1x128xi32, #tpu.memory_space<vmem>> -> memref<128xi32, #tpu.memory_space<vmem>>
      %dma_wait3A_219 = arith.constant 0 : i32
      %dma_wait3A_220 = arith.constant 0 : i32
      %dma_wait3A_221 = tpu.memref_slice %arg2[%dma_wait3A_219, %dma_wait3A_220] : memref<10000x128xf32, #tpu.memory_space<hbm>> -> memref<10000x128xf32, #tpu.memory_space<hbm>>
      tpu.wait_indirect_dma semaphore(%arg12 : memref<!tpu.dma_semaphore, #tpu.memory_space<semaphore_mem>>) src(%dma_wait3A_221 : memref<10000x128xf32, #tpu.memory_space<hbm>>) dst(%arg9 : memref<128x128xf32, #tpu.memory_space<vmem>>)
      %dma_start3A_222 = arith.constant 1 : i32
      %dma_start3A_223 = arith.constant 1 : i32
      %dma_start3A_224 = arith.constant 0 : i32
      %dma_start3A_225 = tpu.memref_slice %arg7[%dma_start3A_222, %dma_start3A_223, %dma_start3A_224] : memref<6x2x128xi32, #tpu.memory_space<vmem>> -> memref<1x1x128xi32, #tpu.memory_space<vmem>>
      %dma_start3A_226 = tpu.memref_squeeze %dma_start3A_225 : memref<1x1x128xi32, #tpu.memory_space<vmem>> -> memref<128xi32, #tpu.memory_space<vmem>>
      %dma_start3A_227 = arith.constant 0 : i32
      %dma_start3A_228 = arith.constant 0 : i32
      %dma_start3A_229 = tpu.memref_slice %arg23[%dma_start3A_227, %dma_start3A_228] : memref<10032x128xf32, #tpu.memory_space<vmem_shared>> -> memref<10032x128xf32, #tpu.memory_space<vmem_shared>>
      tpu.enqueue_indirect_dma source(%arg9 : memref<128x128xf32, #tpu.memory_space<vmem>>) target(%dma_start3A_229 : memref<10032x128xf32, #tpu.memory_space<vmem_shared>>) offsets(%dma_start3A_226 : memref<128xi32, #tpu.memory_space<vmem>>) semaphore(%arg21 : memref<!tpu.dma_semaphore, #tpu.memory_space<semaphore_mem>>) {add = true}
      %add3A_230 = arith.constant 4 : i32
      %add3A_231 = arith.addi %add3A_206, %add3A_230 : i32
      %lt3A_232 = arith.constant 80 : i32
      %lt3A_233 = arith.cmpi slt, %add3A_231, %lt3A_232 : i32
      %convert_element_type3A_234 = arith.extui %lt3A_233 : i1 to i32
      %cond3A_235 = arith.constant 0 : i32
      %cond3A_236 = arith.cmpi ne, %convert_element_type3A_234, %cond3A_235 : i32
      scf.if %cond3A_236 {
        %add3A_373 = arith.constant 4 : i32
        %add3A_374 = arith.addi %add3A_206, %add3A_373 : i32
        %dma_start3A_375 = arith.constant 5 : i32
        %dma_start3A_376 = arith.constant 0 : i32
        %dma_start3A_377 = arith.constant 0 : i32
        %dma_start3A_378 = tpu.memref_slice %arg7[%dma_start3A_375, %dma_start3A_376, %dma_start3A_377] : memref<6x2x128xi32, #tpu.memory_space<vmem>> -> memref<1x2x128xi32, #tpu.memory_space<vmem>>
        %dma_start3A_379 = tpu.memref_squeeze %dma_start3A_378 : memref<1x2x128xi32, #tpu.memory_space<vmem>> -> memref<2x128xi32, #tpu.memory_space<vmem>>
        %dma_start3A_380 = arith.constant 0 : i32
        %dma_start3A_381 = arith.constant 0 : i32
        %dma_start3A_382 = tpu.memref_slice %arg3[%add3A, %add3A_374, %dma_start3A_380, %dma_start3A_381] : memref<32x80x2x128xi32, #tpu.memory_space<hbm>> -> memref<1x1x2x128xi32, #tpu.memory_space<hbm>>
        %dma_start3A_383 = tpu.memref_squeeze %dma_start3A_382 : memref<1x1x2x128xi32, #tpu.memory_space<hbm>> -> memref<2x128xi32, #tpu.memory_space<hbm>>
        %dma_start3A_384 = arith.constant 0 : i32
        %dma_start3A_385 = arith.constant 0 : i32
        %dma_start3A_386 = tpu.memref_slice %arg7[%dma_start3A_375, %dma_start3A_384, %dma_start3A_385] : memref<6x2x128xi32, #tpu.memory_space<vmem>> -> memref<1x2x128xi32, #tpu.memory_space<vmem>>
        %dma_start3A_387 = tpu.memref_squeeze %dma_start3A_386 : memref<1x2x128xi32, #tpu.memory_space<vmem>> -> memref<2x128xi32, #tpu.memory_space<vmem>>
        %dma_start3A_388 = arith.constant 0 : i32
        %dma_start3A_389 = arith.constant 0 : i32
        %dma_start3A_390 = tpu.memref_slice %arg3[%add3A, %add3A_374, %dma_start3A_388, %dma_start3A_389] : memref<32x80x2x128xi32, #tpu.memory_space<hbm>> -> memref<1x1x2x128xi32, #tpu.memory_space<hbm>>
        %dma_start3A_391 = tpu.memref_squeeze %dma_start3A_390 : memref<1x1x2x128xi32, #tpu.memory_space<hbm>> -> memref<2x128xi32, #tpu.memory_space<hbm>>
        tpu.enqueue_dma source(%dma_start3A_391 : memref<2x128xi32, #tpu.memory_space<hbm>>) target(%dma_start3A_387 : memref<2x128xi32, #tpu.memory_space<vmem>>) target_semaphore(%arg19 : memref<!tpu.dma_semaphore, #tpu.memory_space<semaphore_mem>>)
      } else {
      }
      %mul3A_237 = arith.constant 6 : i32
      %mul3A_238 = arith.muli %mul3A_237, %scan3A_168 : i32
      %add3A_239 = arith.constant 2 : i32
      %add3A_240 = arith.addi %mul3A_238, %add3A_239 : i32
      %add3A_241 = arith.constant 2 : i32
      %add3A_242 = arith.addi %add3A_240, %add3A_241 : i32
      %lt3A_243 = arith.constant 80 : i32
      %lt3A_244 = arith.cmpi slt, %add3A_242, %lt3A_243 : i32
      %convert_element_type3A_245 = arith.extui %lt3A_244 : i1 to i32
      %cond3A_246 = arith.constant 0 : i32
      %cond3A_247 = arith.cmpi ne, %convert_element_type3A_245, %cond3A_246 : i32
      scf.if %cond3A_247 {
        %add3A_373 = arith.constant 2 : i32
        %add3A_374 = arith.addi %add3A_240, %add3A_373 : i32
        %dma_wait3A_375 = arith.constant 4 : i32
        %dma_wait3A_376 = arith.constant 0 : i32
        %dma_wait3A_377 = arith.constant 0 : i32
        %dma_wait3A_378 = tpu.memref_slice %arg7[%dma_wait3A_375, %dma_wait3A_376, %dma_wait3A_377] : memref<6x2x128xi32, #tpu.memory_space<vmem>> -> memref<1x2x128xi32, #tpu.memory_space<vmem>>
        %dma_wait3A_379 = tpu.memref_squeeze %dma_wait3A_378 : memref<1x2x128xi32, #tpu.memory_space<vmem>> -> memref<2x128xi32, #tpu.memory_space<vmem>>
        %dma_wait3A_380 = arith.constant 0 : i32
        %dma_wait3A_381 = arith.constant 0 : i32
        %dma_wait3A_382 = tpu.memref_slice %arg3[%add3A, %add3A_374, %dma_wait3A_380, %dma_wait3A_381] : memref<32x80x2x128xi32, #tpu.memory_space<hbm>> -> memref<1x1x2x128xi32, #tpu.memory_space<hbm>>
        %dma_wait3A_383 = tpu.memref_squeeze %dma_wait3A_382 : memref<1x1x2x128xi32, #tpu.memory_space<hbm>> -> memref<2x128xi32, #tpu.memory_space<hbm>>
        %dma_wait3A_384 = arith.constant 0 : i32
        %dma_wait3A_385 = arith.constant 0 : i32
        %dma_wait3A_386 = tpu.memref_slice %arg7[%dma_wait3A_375, %dma_wait3A_384, %dma_wait3A_385] : memref<6x2x128xi32, #tpu.memory_space<vmem>> -> memref<1x2x128xi32, #tpu.memory_space<vmem>>
        %dma_wait3A_387 = tpu.memref_squeeze %dma_wait3A_386 : memref<1x2x128xi32, #tpu.memory_space<vmem>> -> memref<2x128xi32, #tpu.memory_space<vmem>>
        %dma_wait3A_388 = arith.constant 0 : i32
        %dma_wait3A_389 = arith.constant 0 : i32
        %dma_wait3A_390 = tpu.memref_slice %arg3[%add3A, %add3A_374, %dma_wait3A_388, %dma_wait3A_389] : memref<32x80x2x128xi32, #tpu.memory_space<hbm>> -> memref<1x1x2x128xi32, #tpu.memory_space<hbm>>
        %dma_wait3A_391 = tpu.memref_squeeze %dma_wait3A_390 : memref<1x1x2x128xi32, #tpu.memory_space<hbm>> -> memref<2x128xi32, #tpu.memory_space<hbm>>
        tpu.wait_dma2 semaphore(%arg18 : memref<!tpu.dma_semaphore, #tpu.memory_space<semaphore_mem>>) src(%dma_wait3A_391 : memref<2x128xi32, #tpu.memory_space<hbm>>) dst(%dma_wait3A_387 : memref<2x128xi32, #tpu.memory_space<vmem>>)
        %ge3A = arith.constant 1 : i32
        %ge3A_392 = arith.cmpi sge, %add3A_240, %ge3A : i32
        %convert_element_type3A_393 = arith.extui %ge3A_392 : i1 to i32
        %cond3A_394 = arith.constant 0 : i32
        %cond3A_395 = arith.cmpi ne, %convert_element_type3A_393, %cond3A_394 : i32
        scf.if %cond3A_395 {
          %dma_wait3A_404 = arith.constant 1 : i32
          %dma_wait3A_405 = arith.constant 1 : i32
          %dma_wait3A_406 = arith.constant 0 : i32
          %dma_wait3A_407 = tpu.memref_slice %arg7[%dma_wait3A_404, %dma_wait3A_405, %dma_wait3A_406] : memref<6x2x128xi32, #tpu.memory_space<vmem>> -> memref<1x1x128xi32, #tpu.memory_space<vmem>>
          %dma_wait3A_408 = tpu.memref_squeeze %dma_wait3A_407 : memref<1x1x128xi32, #tpu.memory_space<vmem>> -> memref<128xi32, #tpu.memory_space<vmem>>
          %dma_wait3A_409 = arith.constant 0 : i32
          %dma_wait3A_410 = arith.constant 0 : i32
          %dma_wait3A_411 = tpu.memref_slice %arg23[%dma_wait3A_409, %dma_wait3A_410] : memref<10032x128xf32, #tpu.memory_space<vmem_shared>> -> memref<10032x128xf32, #tpu.memory_space<vmem_shared>>
          tpu.wait_indirect_dma semaphore(%arg21 : memref<!tpu.dma_semaphore, #tpu.memory_space<semaphore_mem>>) src(%arg9 : memref<128x128xf32, #tpu.memory_space<vmem>>) dst(%dma_wait3A_411 : memref<10032x128xf32, #tpu.memory_space<vmem_shared>>)
        } else {
        }
        %dma_start3A_396 = arith.constant 4 : i32
        %dma_start3A_397 = arith.constant 0 : i32
        %dma_start3A_398 = arith.constant 0 : i32
        %dma_start3A_399 = tpu.memref_slice %arg7[%dma_start3A_396, %dma_start3A_397, %dma_start3A_398] : memref<6x2x128xi32, #tpu.memory_space<vmem>> -> memref<1x1x128xi32, #tpu.memory_space<vmem>>
        %dma_start3A_400 = tpu.memref_squeeze %dma_start3A_399 : memref<1x1x128xi32, #tpu.memory_space<vmem>> -> memref<128xi32, #tpu.memory_space<vmem>>
        %dma_start3A_401 = arith.constant 0 : i32
        %dma_start3A_402 = arith.constant 0 : i32
        %dma_start3A_403 = tpu.memref_slice %arg2[%dma_start3A_401, %dma_start3A_402] : memref<10000x128xf32, #tpu.memory_space<hbm>> -> memref<10000x128xf32, #tpu.memory_space<hbm>>
        tpu.enqueue_indirect_dma source(%dma_start3A_403 : memref<10000x128xf32, #tpu.memory_space<hbm>>) target(%arg9 : memref<128x128xf32, #tpu.memory_space<vmem>>) offsets(%dma_start3A_400 : memref<128xi32, #tpu.memory_space<vmem>>) semaphore(%arg12 : memref<!tpu.dma_semaphore, #tpu.memory_space<semaphore_mem>>)
      } else {
      }
      %dma_wait3A_248 = arith.constant 2 : i32
      %dma_wait3A_249 = arith.constant 0 : i32
      %dma_wait3A_250 = arith.constant 0 : i32
      %dma_wait3A_251 = tpu.memref_slice %arg7[%dma_wait3A_248, %dma_wait3A_249, %dma_wait3A_250] : memref<6x2x128xi32, #tpu.memory_space<vmem>> -> memref<1x1x128xi32, #tpu.memory_space<vmem>>
      %dma_wait3A_252 = tpu.memref_squeeze %dma_wait3A_251 : memref<1x1x128xi32, #tpu.memory_space<vmem>> -> memref<128xi32, #tpu.memory_space<vmem>>
      %dma_wait3A_253 = arith.constant 0 : i32
      %dma_wait3A_254 = arith.constant 0 : i32
      %dma_wait3A_255 = tpu.memref_slice %arg2[%dma_wait3A_253, %dma_wait3A_254] : memref<10000x128xf32, #tpu.memory_space<hbm>> -> memref<10000x128xf32, #tpu.memory_space<hbm>>
      tpu.wait_indirect_dma semaphore(%arg13 : memref<!tpu.dma_semaphore, #tpu.memory_space<semaphore_mem>>) src(%dma_wait3A_255 : memref<10000x128xf32, #tpu.memory_space<hbm>>) dst(%arg10 : memref<128x128xf32, #tpu.memory_space<vmem>>)
      %dma_start3A_256 = arith.constant 2 : i32
      %dma_start3A_257 = arith.constant 1 : i32
      %dma_start3A_258 = arith.constant 0 : i32
      %dma_start3A_259 = tpu.memref_slice %arg7[%dma_start3A_256, %dma_start3A_257, %dma_start3A_258] : memref<6x2x128xi32, #tpu.memory_space<vmem>> -> memref<1x1x128xi32, #tpu.memory_space<vmem>>
      %dma_start3A_260 = tpu.memref_squeeze %dma_start3A_259 : memref<1x1x128xi32, #tpu.memory_space<vmem>> -> memref<128xi32, #tpu.memory_space<vmem>>
      %dma_start3A_261 = arith.constant 0 : i32
      %dma_start3A_262 = arith.constant 0 : i32
      %dma_start3A_263 = tpu.memref_slice %arg23[%dma_start3A_261, %dma_start3A_262] : memref<10032x128xf32, #tpu.memory_space<vmem_shared>> -> memref<10032x128xf32, #tpu.memory_space<vmem_shared>>
      tpu.enqueue_indirect_dma source(%arg10 : memref<128x128xf32, #tpu.memory_space<vmem>>) target(%dma_start3A_263 : memref<10032x128xf32, #tpu.memory_space<vmem_shared>>) offsets(%dma_start3A_260 : memref<128xi32, #tpu.memory_space<vmem>>) semaphore(%arg22 : memref<!tpu.dma_semaphore, #tpu.memory_space<semaphore_mem>>) {add = true}
      %add3A_264 = arith.constant 4 : i32
      %add3A_265 = arith.addi %add3A_240, %add3A_264 : i32
      %lt3A_266 = arith.constant 80 : i32
      %lt3A_267 = arith.cmpi slt, %add3A_265, %lt3A_266 : i32
      %convert_element_type3A_268 = arith.extui %lt3A_267 : i1 to i32
      %cond3A_269 = arith.constant 0 : i32
      %cond3A_270 = arith.cmpi ne, %convert_element_type3A_268, %cond3A_269 : i32
      scf.if %cond3A_270 {
        %add3A_373 = arith.constant 4 : i32
        %add3A_374 = arith.addi %add3A_240, %add3A_373 : i32
        %dma_start3A_375 = arith.constant 0 : i32
        %dma_start3A_376 = arith.constant 0 : i32
        %dma_start3A_377 = arith.constant 0 : i32
        %dma_start3A_378 = tpu.memref_slice %arg7[%dma_start3A_375, %dma_start3A_376, %dma_start3A_377] : memref<6x2x128xi32, #tpu.memory_space<vmem>> -> memref<1x2x128xi32, #tpu.memory_space<vmem>>
        %dma_start3A_379 = tpu.memref_squeeze %dma_start3A_378 : memref<1x2x128xi32, #tpu.memory_space<vmem>> -> memref<2x128xi32, #tpu.memory_space<vmem>>
        %dma_start3A_380 = arith.constant 0 : i32
        %dma_start3A_381 = arith.constant 0 : i32
        %dma_start3A_382 = tpu.memref_slice %arg3[%add3A, %add3A_374, %dma_start3A_380, %dma_start3A_381] : memref<32x80x2x128xi32, #tpu.memory_space<hbm>> -> memref<1x1x2x128xi32, #tpu.memory_space<hbm>>
        %dma_start3A_383 = tpu.memref_squeeze %dma_start3A_382 : memref<1x1x2x128xi32, #tpu.memory_space<hbm>> -> memref<2x128xi32, #tpu.memory_space<hbm>>
        %dma_start3A_384 = arith.constant 0 : i32
        %dma_start3A_385 = arith.constant 0 : i32
        %dma_start3A_386 = tpu.memref_slice %arg7[%dma_start3A_375, %dma_start3A_384, %dma_start3A_385] : memref<6x2x128xi32, #tpu.memory_space<vmem>> -> memref<1x2x128xi32, #tpu.memory_space<vmem>>
        %dma_start3A_387 = tpu.memref_squeeze %dma_start3A_386 : memref<1x2x128xi32, #tpu.memory_space<vmem>> -> memref<2x128xi32, #tpu.memory_space<vmem>>
        %dma_start3A_388 = arith.constant 0 : i32
        %dma_start3A_389 = arith.constant 0 : i32
        %dma_start3A_390 = tpu.memref_slice %arg3[%add3A, %add3A_374, %dma_start3A_388, %dma_start3A_389] : memref<32x80x2x128xi32, #tpu.memory_space<hbm>> -> memref<1x1x2x128xi32, #tpu.memory_space<hbm>>
        %dma_start3A_391 = tpu.memref_squeeze %dma_start3A_390 : memref<1x1x2x128xi32, #tpu.memory_space<hbm>> -> memref<2x128xi32, #tpu.memory_space<hbm>>
        tpu.enqueue_dma source(%dma_start3A_391 : memref<2x128xi32, #tpu.memory_space<hbm>>) target(%dma_start3A_387 : memref<2x128xi32, #tpu.memory_space<vmem>>) target_semaphore(%arg14 : memref<!tpu.dma_semaphore, #tpu.memory_space<semaphore_mem>>)
      } else {
      }
      %mul3A_271 = arith.constant 6 : i32
      %mul3A_272 = arith.muli %mul3A_271, %scan3A_168 : i32
      %add3A_273 = arith.constant 3 : i32
      %add3A_274 = arith.addi %mul3A_272, %add3A_273 : i32
      %add3A_275 = arith.constant 2 : i32
      %add3A_276 = arith.addi %add3A_274, %add3A_275 : i32
      %lt3A_277 = arith.constant 80 : i32
      %lt3A_278 = arith.cmpi slt, %add3A_276, %lt3A_277 : i32
      %convert_element_type3A_279 = arith.extui %lt3A_278 : i1 to i32
      %cond3A_280 = arith.constant 0 : i32
      %cond3A_281 = arith.cmpi ne, %convert_element_type3A_279, %cond3A_280 : i32
      scf.if %cond3A_281 {
        %add3A_373 = arith.constant 2 : i32
        %add3A_374 = arith.addi %add3A_274, %add3A_373 : i32
        %dma_wait3A_375 = arith.constant 5 : i32
        %dma_wait3A_376 = arith.constant 0 : i32
        %dma_wait3A_377 = arith.constant 0 : i32
        %dma_wait3A_378 = tpu.memref_slice %arg7[%dma_wait3A_375, %dma_wait3A_376, %dma_wait3A_377] : memref<6x2x128xi32, #tpu.memory_space<vmem>> -> memref<1x2x128xi32, #tpu.memory_space<vmem>>
        %dma_wait3A_379 = tpu.memref_squeeze %dma_wait3A_378 : memref<1x2x128xi32, #tpu.memory_space<vmem>> -> memref<2x128xi32, #tpu.memory_space<vmem>>
        %dma_wait3A_380 = arith.constant 0 : i32
        %dma_wait3A_381 = arith.constant 0 : i32
        %dma_wait3A_382 = tpu.memref_slice %arg3[%add3A, %add3A_374, %dma_wait3A_380, %dma_wait3A_381] : memref<32x80x2x128xi32, #tpu.memory_space<hbm>> -> memref<1x1x2x128xi32, #tpu.memory_space<hbm>>
        %dma_wait3A_383 = tpu.memref_squeeze %dma_wait3A_382 : memref<1x1x2x128xi32, #tpu.memory_space<hbm>> -> memref<2x128xi32, #tpu.memory_space<hbm>>
        %dma_wait3A_384 = arith.constant 0 : i32
        %dma_wait3A_385 = arith.constant 0 : i32
        %dma_wait3A_386 = tpu.memref_slice %arg7[%dma_wait3A_375, %dma_wait3A_384, %dma_wait3A_385] : memref<6x2x128xi32, #tpu.memory_space<vmem>> -> memref<1x2x128xi32, #tpu.memory_space<vmem>>
        %dma_wait3A_387 = tpu.memref_squeeze %dma_wait3A_386 : memref<1x2x128xi32, #tpu.memory_space<vmem>> -> memref<2x128xi32, #tpu.memory_space<vmem>>
        %dma_wait3A_388 = arith.constant 0 : i32
        %dma_wait3A_389 = arith.constant 0 : i32
        %dma_wait3A_390 = tpu.memref_slice %arg3[%add3A, %add3A_374, %dma_wait3A_388, %dma_wait3A_389] : memref<32x80x2x128xi32, #tpu.memory_space<hbm>> -> memref<1x1x2x128xi32, #tpu.memory_space<hbm>>
        %dma_wait3A_391 = tpu.memref_squeeze %dma_wait3A_390 : memref<1x1x2x128xi32, #tpu.memory_space<hbm>> -> memref<2x128xi32, #tpu.memory_space<hbm>>
        tpu.wait_dma2 semaphore(%arg19 : memref<!tpu.dma_semaphore, #tpu.memory_space<semaphore_mem>>) src(%dma_wait3A_391 : memref<2x128xi32, #tpu.memory_space<hbm>>) dst(%dma_wait3A_387 : memref<2x128xi32, #tpu.memory_space<vmem>>)
        %ge3A = arith.constant 1 : i32
        %ge3A_392 = arith.cmpi sge, %add3A_274, %ge3A : i32
        %convert_element_type3A_393 = arith.extui %ge3A_392 : i1 to i32
        %cond3A_394 = arith.constant 0 : i32
        %cond3A_395 = arith.cmpi ne, %convert_element_type3A_393, %cond3A_394 : i32
        scf.if %cond3A_395 {
          %dma_wait3A_404 = arith.constant 2 : i32
          %dma_wait3A_405 = arith.constant 1 : i32
          %dma_wait3A_406 = arith.constant 0 : i32
          %dma_wait3A_407 = tpu.memref_slice %arg7[%dma_wait3A_404, %dma_wait3A_405, %dma_wait3A_406] : memref<6x2x128xi32, #tpu.memory_space<vmem>> -> memref<1x1x128xi32, #tpu.memory_space<vmem>>
          %dma_wait3A_408 = tpu.memref_squeeze %dma_wait3A_407 : memref<1x1x128xi32, #tpu.memory_space<vmem>> -> memref<128xi32, #tpu.memory_space<vmem>>
          %dma_wait3A_409 = arith.constant 0 : i32
          %dma_wait3A_410 = arith.constant 0 : i32
          %dma_wait3A_411 = tpu.memref_slice %arg23[%dma_wait3A_409, %dma_wait3A_410] : memref<10032x128xf32, #tpu.memory_space<vmem_shared>> -> memref<10032x128xf32, #tpu.memory_space<vmem_shared>>
          tpu.wait_indirect_dma semaphore(%arg22 : memref<!tpu.dma_semaphore, #tpu.memory_space<semaphore_mem>>) src(%arg10 : memref<128x128xf32, #tpu.memory_space<vmem>>) dst(%dma_wait3A_411 : memref<10032x128xf32, #tpu.memory_space<vmem_shared>>)
        } else {
        }
        %dma_start3A_396 = arith.constant 5 : i32
        %dma_start3A_397 = arith.constant 0 : i32
        %dma_start3A_398 = arith.constant 0 : i32
        %dma_start3A_399 = tpu.memref_slice %arg7[%dma_start3A_396, %dma_start3A_397, %dma_start3A_398] : memref<6x2x128xi32, #tpu.memory_space<vmem>> -> memref<1x1x128xi32, #tpu.memory_space<vmem>>
        %dma_start3A_400 = tpu.memref_squeeze %dma_start3A_399 : memref<1x1x128xi32, #tpu.memory_space<vmem>> -> memref<128xi32, #tpu.memory_space<vmem>>
        %dma_start3A_401 = arith.constant 0 : i32
        %dma_start3A_402 = arith.constant 0 : i32
        %dma_start3A_403 = tpu.memref_slice %arg2[%dma_start3A_401, %dma_start3A_402] : memref<10000x128xf32, #tpu.memory_space<hbm>> -> memref<10000x128xf32, #tpu.memory_space<hbm>>
        tpu.enqueue_indirect_dma source(%dma_start3A_403 : memref<10000x128xf32, #tpu.memory_space<hbm>>) target(%arg10 : memref<128x128xf32, #tpu.memory_space<vmem>>) offsets(%dma_start3A_400 : memref<128xi32, #tpu.memory_space<vmem>>) semaphore(%arg13 : memref<!tpu.dma_semaphore, #tpu.memory_space<semaphore_mem>>)
      } else {
      }
      %dma_wait3A_282 = arith.constant 3 : i32
      %dma_wait3A_283 = arith.constant 0 : i32
      %dma_wait3A_284 = arith.constant 0 : i32
      %dma_wait3A_285 = tpu.memref_slice %arg7[%dma_wait3A_282, %dma_wait3A_283, %dma_wait3A_284] : memref<6x2x128xi32, #tpu.memory_space<vmem>> -> memref<1x1x128xi32, #tpu.memory_space<vmem>>
      %dma_wait3A_286 = tpu.memref_squeeze %dma_wait3A_285 : memref<1x1x128xi32, #tpu.memory_space<vmem>> -> memref<128xi32, #tpu.memory_space<vmem>>
      %dma_wait3A_287 = arith.constant 0 : i32
      %dma_wait3A_288 = arith.constant 0 : i32
      %dma_wait3A_289 = tpu.memref_slice %arg2[%dma_wait3A_287, %dma_wait3A_288] : memref<10000x128xf32, #tpu.memory_space<hbm>> -> memref<10000x128xf32, #tpu.memory_space<hbm>>
      tpu.wait_indirect_dma semaphore(%arg11 : memref<!tpu.dma_semaphore, #tpu.memory_space<semaphore_mem>>) src(%dma_wait3A_289 : memref<10000x128xf32, #tpu.memory_space<hbm>>) dst(%arg8 : memref<128x128xf32, #tpu.memory_space<vmem>>)
      %dma_start3A_290 = arith.constant 3 : i32
      %dma_start3A_291 = arith.constant 1 : i32
      %dma_start3A_292 = arith.constant 0 : i32
      %dma_start3A_293 = tpu.memref_slice %arg7[%dma_start3A_290, %dma_start3A_291, %dma_start3A_292] : memref<6x2x128xi32, #tpu.memory_space<vmem>> -> memref<1x1x128xi32, #tpu.memory_space<vmem>>
      %dma_start3A_294 = tpu.memref_squeeze %dma_start3A_293 : memref<1x1x128xi32, #tpu.memory_space<vmem>> -> memref<128xi32, #tpu.memory_space<vmem>>
      %dma_start3A_295 = arith.constant 0 : i32
      %dma_start3A_296 = arith.constant 0 : i32
      %dma_start3A_297 = tpu.memref_slice %arg23[%dma_start3A_295, %dma_start3A_296] : memref<10032x128xf32, #tpu.memory_space<vmem_shared>> -> memref<10032x128xf32, #tpu.memory_space<vmem_shared>>
      tpu.enqueue_indirect_dma source(%arg8 : memref<128x128xf32, #tpu.memory_space<vmem>>) target(%dma_start3A_297 : memref<10032x128xf32, #tpu.memory_space<vmem_shared>>) offsets(%dma_start3A_294 : memref<128xi32, #tpu.memory_space<vmem>>) semaphore(%arg20 : memref<!tpu.dma_semaphore, #tpu.memory_space<semaphore_mem>>) {add = true}
      %add3A_298 = arith.constant 4 : i32
      %add3A_299 = arith.addi %add3A_274, %add3A_298 : i32
      %lt3A_300 = arith.constant 80 : i32
      %lt3A_301 = arith.cmpi slt, %add3A_299, %lt3A_300 : i32
      %convert_element_type3A_302 = arith.extui %lt3A_301 : i1 to i32
      %cond3A_303 = arith.constant 0 : i32
      %cond3A_304 = arith.cmpi ne, %convert_element_type3A_302, %cond3A_303 : i32
      scf.if %cond3A_304 {
        %add3A_373 = arith.constant 4 : i32
        %add3A_374 = arith.addi %add3A_274, %add3A_373 : i32
        %dma_start3A_375 = arith.constant 1 : i32
        %dma_start3A_376 = arith.constant 0 : i32
        %dma_start3A_377 = arith.constant 0 : i32
        %dma_start3A_378 = tpu.memref_slice %arg7[%dma_start3A_375, %dma_start3A_376, %dma_start3A_377] : memref<6x2x128xi32, #tpu.memory_space<vmem>> -> memref<1x2x128xi32, #tpu.memory_space<vmem>>
        %dma_start3A_379 = tpu.memref_squeeze %dma_start3A_378 : memref<1x2x128xi32, #tpu.memory_space<vmem>> -> memref<2x128xi32, #tpu.memory_space<vmem>>
        %dma_start3A_380 = arith.constant 0 : i32
        %dma_start3A_381 = arith.constant 0 : i32
        %dma_start3A_382 = tpu.memref_slice %arg3[%add3A, %add3A_374, %dma_start3A_380, %dma_start3A_381] : memref<32x80x2x128xi32, #tpu.memory_space<hbm>> -> memref<1x1x2x128xi32, #tpu.memory_space<hbm>>
        %dma_start3A_383 = tpu.memref_squeeze %dma_start3A_382 : memref<1x1x2x128xi32, #tpu.memory_space<hbm>> -> memref<2x128xi32, #tpu.memory_space<hbm>>
        %dma_start3A_384 = arith.constant 0 : i32
        %dma_start3A_385 = arith.constant 0 : i32
        %dma_start3A_386 = tpu.memref_slice %arg7[%dma_start3A_375, %dma_start3A_384, %dma_start3A_385] : memref<6x2x128xi32, #tpu.memory_space<vmem>> -> memref<1x2x128xi32, #tpu.memory_space<vmem>>
        %dma_start3A_387 = tpu.memref_squeeze %dma_start3A_386 : memref<1x2x128xi32, #tpu.memory_space<vmem>> -> memref<2x128xi32, #tpu.memory_space<vmem>>
        %dma_start3A_388 = arith.constant 0 : i32
        %dma_start3A_389 = arith.constant 0 : i32
        %dma_start3A_390 = tpu.memref_slice %arg3[%add3A, %add3A_374, %dma_start3A_388, %dma_start3A_389] : memref<32x80x2x128xi32, #tpu.memory_space<hbm>> -> memref<1x1x2x128xi32, #tpu.memory_space<hbm>>
        %dma_start3A_391 = tpu.memref_squeeze %dma_start3A_390 : memref<1x1x2x128xi32, #tpu.memory_space<hbm>> -> memref<2x128xi32, #tpu.memory_space<hbm>>
        tpu.enqueue_dma source(%dma_start3A_391 : memref<2x128xi32, #tpu.memory_space<hbm>>) target(%dma_start3A_387 : memref<2x128xi32, #tpu.memory_space<vmem>>) target_semaphore(%arg15 : memref<!tpu.dma_semaphore, #tpu.memory_space<semaphore_mem>>)
      } else {
      }
      %mul3A_305 = arith.constant 6 : i32
      %mul3A_306 = arith.muli %mul3A_305, %scan3A_168 : i32
      %add3A_307 = arith.constant 4 : i32
      %add3A_308 = arith.addi %mul3A_306, %add3A_307 : i32
      %add3A_309 = arith.constant 2 : i32
      %add3A_310 = arith.addi %add3A_308, %add3A_309 : i32
      %lt3A_311 = arith.constant 80 : i32
      %lt3A_312 = arith.cmpi slt, %add3A_310, %lt3A_311 : i32
      %convert_element_type3A_313 = arith.extui %lt3A_312 : i1 to i32
      %cond3A_314 = arith.constant 0 : i32
      %cond3A_315 = arith.cmpi ne, %convert_element_type3A_313, %cond3A_314 : i32
      scf.if %cond3A_315 {
        %add3A_373 = arith.constant 2 : i32
        %add3A_374 = arith.addi %add3A_308, %add3A_373 : i32
        %dma_wait3A_375 = arith.constant 0 : i32
        %dma_wait3A_376 = arith.constant 0 : i32
        %dma_wait3A_377 = arith.constant 0 : i32
        %dma_wait3A_378 = tpu.memref_slice %arg7[%dma_wait3A_375, %dma_wait3A_376, %dma_wait3A_377] : memref<6x2x128xi32, #tpu.memory_space<vmem>> -> memref<1x2x128xi32, #tpu.memory_space<vmem>>
        %dma_wait3A_379 = tpu.memref_squeeze %dma_wait3A_378 : memref<1x2x128xi32, #tpu.memory_space<vmem>> -> memref<2x128xi32, #tpu.memory_space<vmem>>
        %dma_wait3A_380 = arith.constant 0 : i32
        %dma_wait3A_381 = arith.constant 0 : i32
        %dma_wait3A_382 = tpu.memref_slice %arg3[%add3A, %add3A_374, %dma_wait3A_380, %dma_wait3A_381] : memref<32x80x2x128xi32, #tpu.memory_space<hbm>> -> memref<1x1x2x128xi32, #tpu.memory_space<hbm>>
        %dma_wait3A_383 = tpu.memref_squeeze %dma_wait3A_382 : memref<1x1x2x128xi32, #tpu.memory_space<hbm>> -> memref<2x128xi32, #tpu.memory_space<hbm>>
        %dma_wait3A_384 = arith.constant 0 : i32
        %dma_wait3A_385 = arith.constant 0 : i32
        %dma_wait3A_386 = tpu.memref_slice %arg7[%dma_wait3A_375, %dma_wait3A_384, %dma_wait3A_385] : memref<6x2x128xi32, #tpu.memory_space<vmem>> -> memref<1x2x128xi32, #tpu.memory_space<vmem>>
        %dma_wait3A_387 = tpu.memref_squeeze %dma_wait3A_386 : memref<1x2x128xi32, #tpu.memory_space<vmem>> -> memref<2x128xi32, #tpu.memory_space<vmem>>
        %dma_wait3A_388 = arith.constant 0 : i32
        %dma_wait3A_389 = arith.constant 0 : i32
        %dma_wait3A_390 = tpu.memref_slice %arg3[%add3A, %add3A_374, %dma_wait3A_388, %dma_wait3A_389] : memref<32x80x2x128xi32, #tpu.memory_space<hbm>> -> memref<1x1x2x128xi32, #tpu.memory_space<hbm>>
        %dma_wait3A_391 = tpu.memref_squeeze %dma_wait3A_390 : memref<1x1x2x128xi32, #tpu.memory_space<hbm>> -> memref<2x128xi32, #tpu.memory_space<hbm>>
        tpu.wait_dma2 semaphore(%arg14 : memref<!tpu.dma_semaphore, #tpu.memory_space<semaphore_mem>>) src(%dma_wait3A_391 : memref<2x128xi32, #tpu.memory_space<hbm>>) dst(%dma_wait3A_387 : memref<2x128xi32, #tpu.memory_space<vmem>>)
        %ge3A = arith.constant 1 : i32
        %ge3A_392 = arith.cmpi sge, %add3A_308, %ge3A : i32
        %convert_element_type3A_393 = arith.extui %ge3A_392 : i1 to i32
        %cond3A_394 = arith.constant 0 : i32
        %cond3A_395 = arith.cmpi ne, %convert_element_type3A_393, %cond3A_394 : i32
        scf.if %cond3A_395 {
          %dma_wait3A_404 = arith.constant 3 : i32
          %dma_wait3A_405 = arith.constant 1 : i32
          %dma_wait3A_406 = arith.constant 0 : i32
          %dma_wait3A_407 = tpu.memref_slice %arg7[%dma_wait3A_404, %dma_wait3A_405, %dma_wait3A_406] : memref<6x2x128xi32, #tpu.memory_space<vmem>> -> memref<1x1x128xi32, #tpu.memory_space<vmem>>
          %dma_wait3A_408 = tpu.memref_squeeze %dma_wait3A_407 : memref<1x1x128xi32, #tpu.memory_space<vmem>> -> memref<128xi32, #tpu.memory_space<vmem>>
          %dma_wait3A_409 = arith.constant 0 : i32
          %dma_wait3A_410 = arith.constant 0 : i32
          %dma_wait3A_411 = tpu.memref_slice %arg23[%dma_wait3A_409, %dma_wait3A_410] : memref<10032x128xf32, #tpu.memory_space<vmem_shared>> -> memref<10032x128xf32, #tpu.memory_space<vmem_shared>>
          tpu.wait_indirect_dma semaphore(%arg20 : memref<!tpu.dma_semaphore, #tpu.memory_space<semaphore_mem>>) src(%arg8 : memref<128x128xf32, #tpu.memory_space<vmem>>) dst(%dma_wait3A_411 : memref<10032x128xf32, #tpu.memory_space<vmem_shared>>)
        } else {
        }
        %dma_start3A_396 = arith.constant 0 : i32
        %dma_start3A_397 = arith.constant 0 : i32
        %dma_start3A_398 = arith.constant 0 : i32
        %dma_start3A_399 = tpu.memref_slice %arg7[%dma_start3A_396, %dma_start3A_397, %dma_start3A_398] : memref<6x2x128xi32, #tpu.memory_space<vmem>> -> memref<1x1x128xi32, #tpu.memory_space<vmem>>
        %dma_start3A_400 = tpu.memref_squeeze %dma_start3A_399 : memref<1x1x128xi32, #tpu.memory_space<vmem>> -> memref<128xi32, #tpu.memory_space<vmem>>
        %dma_start3A_401 = arith.constant 0 : i32
        %dma_start3A_402 = arith.constant 0 : i32
        %dma_start3A_403 = tpu.memref_slice %arg2[%dma_start3A_401, %dma_start3A_402] : memref<10000x128xf32, #tpu.memory_space<hbm>> -> memref<10000x128xf32, #tpu.memory_space<hbm>>
        tpu.enqueue_indirect_dma source(%dma_start3A_403 : memref<10000x128xf32, #tpu.memory_space<hbm>>) target(%arg8 : memref<128x128xf32, #tpu.memory_space<vmem>>) offsets(%dma_start3A_400 : memref<128xi32, #tpu.memory_space<vmem>>) semaphore(%arg11 : memref<!tpu.dma_semaphore, #tpu.memory_space<semaphore_mem>>)
      } else {
      }
      %dma_wait3A_316 = arith.constant 4 : i32
      %dma_wait3A_317 = arith.constant 0 : i32
      %dma_wait3A_318 = arith.constant 0 : i32
      %dma_wait3A_319 = tpu.memref_slice %arg7[%dma_wait3A_316, %dma_wait3A_317, %dma_wait3A_318] : memref<6x2x128xi32, #tpu.memory_space<vmem>> -> memref<1x1x128xi32, #tpu.memory_space<vmem>>
      %dma_wait3A_320 = tpu.memref_squeeze %dma_wait3A_319 : memref<1x1x128xi32, #tpu.memory_space<vmem>> -> memref<128xi32, #tpu.memory_space<vmem>>
      %dma_wait3A_321 = arith.constant 0 : i32
      %dma_wait3A_322 = arith.constant 0 : i32
      %dma_wait3A_323 = tpu.memref_slice %arg2[%dma_wait3A_321, %dma_wait3A_322] : memref<10000x128xf32, #tpu.memory_space<hbm>> -> memref<10000x128xf32, #tpu.memory_space<hbm>>
      tpu.wait_indirect_dma semaphore(%arg12 : memref<!tpu.dma_semaphore, #tpu.memory_space<semaphore_mem>>) src(%dma_wait3A_323 : memref<10000x128xf32, #tpu.memory_space<hbm>>) dst(%arg9 : memref<128x128xf32, #tpu.memory_space<vmem>>)
      %dma_start3A_324 = arith.constant 4 : i32
      %dma_start3A_325 = arith.constant 1 : i32
      %dma_start3A_326 = arith.constant 0 : i32
      %dma_start3A_327 = tpu.memref_slice %arg7[%dma_start3A_324, %dma_start3A_325, %dma_start3A_326] : memref<6x2x128xi32, #tpu.memory_space<vmem>> -> memref<1x1x128xi32, #tpu.memory_space<vmem>>
      %dma_start3A_328 = tpu.memref_squeeze %dma_start3A_327 : memref<1x1x128xi32, #tpu.memory_space<vmem>> -> memref<128xi32, #tpu.memory_space<vmem>>
      %dma_start3A_329 = arith.constant 0 : i32
      %dma_start3A_330 = arith.constant 0 : i32
      %dma_start3A_331 = tpu.memref_slice %arg23[%dma_start3A_329, %dma_start3A_330] : memref<10032x128xf32, #tpu.memory_space<vmem_shared>> -> memref<10032x128xf32, #tpu.memory_space<vmem_shared>>
      tpu.enqueue_indirect_dma source(%arg9 : memref<128x128xf32, #tpu.memory_space<vmem>>) target(%dma_start3A_331 : memref<10032x128xf32, #tpu.memory_space<vmem_shared>>) offsets(%dma_start3A_328 : memref<128xi32, #tpu.memory_space<vmem>>) semaphore(%arg21 : memref<!tpu.dma_semaphore, #tpu.memory_space<semaphore_mem>>) {add = true}
      %add3A_332 = arith.constant 4 : i32
      %add3A_333 = arith.addi %add3A_308, %add3A_332 : i32
      %lt3A_334 = arith.constant 80 : i32
      %lt3A_335 = arith.cmpi slt, %add3A_333, %lt3A_334 : i32
      %convert_element_type3A_336 = arith.extui %lt3A_335 : i1 to i32
      %cond3A_337 = arith.constant 0 : i32
      %cond3A_338 = arith.cmpi ne, %convert_element_type3A_336, %cond3A_337 : i32
      scf.if %cond3A_338 {
        %add3A_373 = arith.constant 4 : i32
        %add3A_374 = arith.addi %add3A_308, %add3A_373 : i32
        %dma_start3A_375 = arith.constant 2 : i32
        %dma_start3A_376 = arith.constant 0 : i32
        %dma_start3A_377 = arith.constant 0 : i32
        %dma_start3A_378 = tpu.memref_slice %arg7[%dma_start3A_375, %dma_start3A_376, %dma_start3A_377] : memref<6x2x128xi32, #tpu.memory_space<vmem>> -> memref<1x2x128xi32, #tpu.memory_space<vmem>>
        %dma_start3A_379 = tpu.memref_squeeze %dma_start3A_378 : memref<1x2x128xi32, #tpu.memory_space<vmem>> -> memref<2x128xi32, #tpu.memory_space<vmem>>
        %dma_start3A_380 = arith.constant 0 : i32
        %dma_start3A_381 = arith.constant 0 : i32
        %dma_start3A_382 = tpu.memref_slice %arg3[%add3A, %add3A_374, %dma_start3A_380, %dma_start3A_381] : memref<32x80x2x128xi32, #tpu.memory_space<hbm>> -> memref<1x1x2x128xi32, #tpu.memory_space<hbm>>
        %dma_start3A_383 = tpu.memref_squeeze %dma_start3A_382 : memref<1x1x2x128xi32, #tpu.memory_space<hbm>> -> memref<2x128xi32, #tpu.memory_space<hbm>>
        %dma_start3A_384 = arith.constant 0 : i32
        %dma_start3A_385 = arith.constant 0 : i32
        %dma_start3A_386 = tpu.memref_slice %arg7[%dma_start3A_375, %dma_start3A_384, %dma_start3A_385] : memref<6x2x128xi32, #tpu.memory_space<vmem>> -> memref<1x2x128xi32, #tpu.memory_space<vmem>>
        %dma_start3A_387 = tpu.memref_squeeze %dma_start3A_386 : memref<1x2x128xi32, #tpu.memory_space<vmem>> -> memref<2x128xi32, #tpu.memory_space<vmem>>
        %dma_start3A_388 = arith.constant 0 : i32
        %dma_start3A_389 = arith.constant 0 : i32
        %dma_start3A_390 = tpu.memref_slice %arg3[%add3A, %add3A_374, %dma_start3A_388, %dma_start3A_389] : memref<32x80x2x128xi32, #tpu.memory_space<hbm>> -> memref<1x1x2x128xi32, #tpu.memory_space<hbm>>
        %dma_start3A_391 = tpu.memref_squeeze %dma_start3A_390 : memref<1x1x2x128xi32, #tpu.memory_space<hbm>> -> memref<2x128xi32, #tpu.memory_space<hbm>>
        tpu.enqueue_dma source(%dma_start3A_391 : memref<2x128xi32, #tpu.memory_space<hbm>>) target(%dma_start3A_387 : memref<2x128xi32, #tpu.memory_space<vmem>>) target_semaphore(%arg16 : memref<!tpu.dma_semaphore, #tpu.memory_space<semaphore_mem>>)
      } else {
      }
      %mul3A_339 = arith.constant 6 : i32
      %mul3A_340 = arith.muli %mul3A_339, %scan3A_168 : i32
      %add3A_341 = arith.constant 5 : i32
      %add3A_342 = arith.addi %mul3A_340, %add3A_341 : i32
      %add3A_343 = arith.constant 2 : i32
      %add3A_344 = arith.addi %add3A_342, %add3A_343 : i32
      %lt3A_345 = arith.constant 80 : i32
      %lt3A_346 = arith.cmpi slt, %add3A_344, %lt3A_345 : i32
      %convert_element_type3A_347 = arith.extui %lt3A_346 : i1 to i32
      %cond3A_348 = arith.constant 0 : i32
      %cond3A_349 = arith.cmpi ne, %convert_element_type3A_347, %cond3A_348 : i32
      scf.if %cond3A_349 {
        %add3A_373 = arith.constant 2 : i32
        %add3A_374 = arith.addi %add3A_342, %add3A_373 : i32
        %dma_wait3A_375 = arith.constant 1 : i32
        %dma_wait3A_376 = arith.constant 0 : i32
        %dma_wait3A_377 = arith.constant 0 : i32
        %dma_wait3A_378 = tpu.memref_slice %arg7[%dma_wait3A_375, %dma_wait3A_376, %dma_wait3A_377] : memref<6x2x128xi32, #tpu.memory_space<vmem>> -> memref<1x2x128xi32, #tpu.memory_space<vmem>>
        %dma_wait3A_379 = tpu.memref_squeeze %dma_wait3A_378 : memref<1x2x128xi32, #tpu.memory_space<vmem>> -> memref<2x128xi32, #tpu.memory_space<vmem>>
        %dma_wait3A_380 = arith.constant 0 : i32
        %dma_wait3A_381 = arith.constant 0 : i32
        %dma_wait3A_382 = tpu.memref_slice %arg3[%add3A, %add3A_374, %dma_wait3A_380, %dma_wait3A_381] : memref<32x80x2x128xi32, #tpu.memory_space<hbm>> -> memref<1x1x2x128xi32, #tpu.memory_space<hbm>>
        %dma_wait3A_383 = tpu.memref_squeeze %dma_wait3A_382 : memref<1x1x2x128xi32, #tpu.memory_space<hbm>> -> memref<2x128xi32, #tpu.memory_space<hbm>>
        %dma_wait3A_384 = arith.constant 0 : i32
        %dma_wait3A_385 = arith.constant 0 : i32
        %dma_wait3A_386 = tpu.memref_slice %arg7[%dma_wait3A_375, %dma_wait3A_384, %dma_wait3A_385] : memref<6x2x128xi32, #tpu.memory_space<vmem>> -> memref<1x2x128xi32, #tpu.memory_space<vmem>>
        %dma_wait3A_387 = tpu.memref_squeeze %dma_wait3A_386 : memref<1x2x128xi32, #tpu.memory_space<vmem>> -> memref<2x128xi32, #tpu.memory_space<vmem>>
        %dma_wait3A_388 = arith.constant 0 : i32
        %dma_wait3A_389 = arith.constant 0 : i32
        %dma_wait3A_390 = tpu.memref_slice %arg3[%add3A, %add3A_374, %dma_wait3A_388, %dma_wait3A_389] : memref<32x80x2x128xi32, #tpu.memory_space<hbm>> -> memref<1x1x2x128xi32, #tpu.memory_space<hbm>>
        %dma_wait3A_391 = tpu.memref_squeeze %dma_wait3A_390 : memref<1x1x2x128xi32, #tpu.memory_space<hbm>> -> memref<2x128xi32, #tpu.memory_space<hbm>>
        tpu.wait_dma2 semaphore(%arg15 : memref<!tpu.dma_semaphore, #tpu.memory_space<semaphore_mem>>) src(%dma_wait3A_391 : memref<2x128xi32, #tpu.memory_space<hbm>>) dst(%dma_wait3A_387 : memref<2x128xi32, #tpu.memory_space<vmem>>)
        %ge3A = arith.constant 1 : i32
        %ge3A_392 = arith.cmpi sge, %add3A_342, %ge3A : i32
        %convert_element_type3A_393 = arith.extui %ge3A_392 : i1 to i32
        %cond3A_394 = arith.constant 0 : i32
        %cond3A_395 = arith.cmpi ne, %convert_element_type3A_393, %cond3A_394 : i32
        scf.if %cond3A_395 {
          %dma_wait3A_404 = arith.constant 4 : i32
          %dma_wait3A_405 = arith.constant 1 : i32
          %dma_wait3A_406 = arith.constant 0 : i32
          %dma_wait3A_407 = tpu.memref_slice %arg7[%dma_wait3A_404, %dma_wait3A_405, %dma_wait3A_406] : memref<6x2x128xi32, #tpu.memory_space<vmem>> -> memref<1x1x128xi32, #tpu.memory_space<vmem>>
          %dma_wait3A_408 = tpu.memref_squeeze %dma_wait3A_407 : memref<1x1x128xi32, #tpu.memory_space<vmem>> -> memref<128xi32, #tpu.memory_space<vmem>>
          %dma_wait3A_409 = arith.constant 0 : i32
          %dma_wait3A_410 = arith.constant 0 : i32
          %dma_wait3A_411 = tpu.memref_slice %arg23[%dma_wait3A_409, %dma_wait3A_410] : memref<10032x128xf32, #tpu.memory_space<vmem_shared>> -> memref<10032x128xf32, #tpu.memory_space<vmem_shared>>
          tpu.wait_indirect_dma semaphore(%arg21 : memref<!tpu.dma_semaphore, #tpu.memory_space<semaphore_mem>>) src(%arg9 : memref<128x128xf32, #tpu.memory_space<vmem>>) dst(%dma_wait3A_411 : memref<10032x128xf32, #tpu.memory_space<vmem_shared>>)
        } else {
        }
        %dma_start3A_396 = arith.constant 1 : i32
        %dma_start3A_397 = arith.constant 0 : i32
        %dma_start3A_398 = arith.constant 0 : i32
        %dma_start3A_399 = tpu.memref_slice %arg7[%dma_start3A_396, %dma_start3A_397, %dma_start3A_398] : memref<6x2x128xi32, #tpu.memory_space<vmem>> -> memref<1x1x128xi32, #tpu.memory_space<vmem>>
        %dma_start3A_400 = tpu.memref_squeeze %dma_start3A_399 : memref<1x1x128xi32, #tpu.memory_space<vmem>> -> memref<128xi32, #tpu.memory_space<vmem>>
        %dma_start3A_401 = arith.constant 0 : i32
        %dma_start3A_402 = arith.constant 0 : i32
        %dma_start3A_403 = tpu.memref_slice %arg2[%dma_start3A_401, %dma_start3A_402] : memref<10000x128xf32, #tpu.memory_space<hbm>> -> memref<10000x128xf32, #tpu.memory_space<hbm>>
        tpu.enqueue_indirect_dma source(%dma_start3A_403 : memref<10000x128xf32, #tpu.memory_space<hbm>>) target(%arg9 : memref<128x128xf32, #tpu.memory_space<vmem>>) offsets(%dma_start3A_400 : memref<128xi32, #tpu.memory_space<vmem>>) semaphore(%arg12 : memref<!tpu.dma_semaphore, #tpu.memory_space<semaphore_mem>>)
      } else {
      }
      %dma_wait3A_350 = arith.constant 5 : i32
      %dma_wait3A_351 = arith.constant 0 : i32
      %dma_wait3A_352 = arith.constant 0 : i32
      %dma_wait3A_353 = tpu.memref_slice %arg7[%dma_wait3A_350, %dma_wait3A_351, %dma_wait3A_352] : memref<6x2x128xi32, #tpu.memory_space<vmem>> -> memref<1x1x128xi32, #tpu.memory_space<vmem>>
      %dma_wait3A_354 = tpu.memref_squeeze %dma_wait3A_353 : memref<1x1x128xi32, #tpu.memory_space<vmem>> -> memref<128xi32, #tpu.memory_space<vmem>>
      %dma_wait3A_355 = arith.constant 0 : i32
      %dma_wait3A_356 = arith.constant 0 : i32
      %dma_wait3A_357 = tpu.memref_slice %arg2[%dma_wait3A_355, %dma_wait3A_356] : memref<10000x128xf32, #tpu.memory_space<hbm>> -> memref<10000x128xf32, #tpu.memory_space<hbm>>
      tpu.wait_indirect_dma semaphore(%arg13 : memref<!tpu.dma_semaphore, #tpu.memory_space<semaphore_mem>>) src(%dma_wait3A_357 : memref<10000x128xf32, #tpu.memory_space<hbm>>) dst(%arg10 : memref<128x128xf32, #tpu.memory_space<vmem>>)
      %dma_start3A_358 = arith.constant 5 : i32
      %dma_start3A_359 = arith.constant 1 : i32
      %dma_start3A_360 = arith.constant 0 : i32
      %dma_start3A_361 = tpu.memref_slice %arg7[%dma_start3A_358, %dma_start3A_359, %dma_start3A_360] : memref<6x2x128xi32, #tpu.memory_space<vmem>> -> memref<1x1x128xi32, #tpu.memory_space<vmem>>
      %dma_start3A_362 = tpu.memref_squeeze %dma_start3A_361 : memref<1x1x128xi32, #tpu.memory_space<vmem>> -> memref<128xi32, #tpu.memory_space<vmem>>
      %dma_start3A_363 = arith.constant 0 : i32
      %dma_start3A_364 = arith.constant 0 : i32
      %dma_start3A_365 = tpu.memref_slice %arg23[%dma_start3A_363, %dma_start3A_364] : memref<10032x128xf32, #tpu.memory_space<vmem_shared>> -> memref<10032x128xf32, #tpu.memory_space<vmem_shared>>
      tpu.enqueue_indirect_dma source(%arg10 : memref<128x128xf32, #tpu.memory_space<vmem>>) target(%dma_start3A_365 : memref<10032x128xf32, #tpu.memory_space<vmem_shared>>) offsets(%dma_start3A_362 : memref<128xi32, #tpu.memory_space<vmem>>) semaphore(%arg22 : memref<!tpu.dma_semaphore, #tpu.memory_space<semaphore_mem>>) {add = true}
      %add3A_366 = arith.constant 4 : i32
      %add3A_367 = arith.addi %add3A_342, %add3A_366 : i32
      %lt3A_368 = arith.constant 80 : i32
      %lt3A_369 = arith.cmpi slt, %add3A_367, %lt3A_368 : i32
      %convert_element_type3A_370 = arith.extui %lt3A_369 : i1 to i32
      %cond3A_371 = arith.constant 0 : i32
      %cond3A_372 = arith.cmpi ne, %convert_element_type3A_370, %cond3A_371 : i32
      scf.if %cond3A_372 {
        %add3A_373 = arith.constant 4 : i32
        %add3A_374 = arith.addi %add3A_342, %add3A_373 : i32
        %dma_start3A_375 = arith.constant 3 : i32
        %dma_start3A_376 = arith.constant 0 : i32
        %dma_start3A_377 = arith.constant 0 : i32
        %dma_start3A_378 = tpu.memref_slice %arg7[%dma_start3A_375, %dma_start3A_376, %dma_start3A_377] : memref<6x2x128xi32, #tpu.memory_space<vmem>> -> memref<1x2x128xi32, #tpu.memory_space<vmem>>
        %dma_start3A_379 = tpu.memref_squeeze %dma_start3A_378 : memref<1x2x128xi32, #tpu.memory_space<vmem>> -> memref<2x128xi32, #tpu.memory_space<vmem>>
        %dma_start3A_380 = arith.constant 0 : i32
        %dma_start3A_381 = arith.constant 0 : i32
        %dma_start3A_382 = tpu.memref_slice %arg3[%add3A, %add3A_374, %dma_start3A_380, %dma_start3A_381] : memref<32x80x2x128xi32, #tpu.memory_space<hbm>> -> memref<1x1x2x128xi32, #tpu.memory_space<hbm>>
        %dma_start3A_383 = tpu.memref_squeeze %dma_start3A_382 : memref<1x1x2x128xi32, #tpu.memory_space<hbm>> -> memref<2x128xi32, #tpu.memory_space<hbm>>
        %dma_start3A_384 = arith.constant 0 : i32
        %dma_start3A_385 = arith.constant 0 : i32
        %dma_start3A_386 = tpu.memref_slice %arg7[%dma_start3A_375, %dma_start3A_384, %dma_start3A_385] : memref<6x2x128xi32, #tpu.memory_space<vmem>> -> memref<1x2x128xi32, #tpu.memory_space<vmem>>
        %dma_start3A_387 = tpu.memref_squeeze %dma_start3A_386 : memref<1x2x128xi32, #tpu.memory_space<vmem>> -> memref<2x128xi32, #tpu.memory_space<vmem>>
        %dma_start3A_388 = arith.constant 0 : i32
        %dma_start3A_389 = arith.constant 0 : i32
        %dma_start3A_390 = tpu.memref_slice %arg3[%add3A, %add3A_374, %dma_start3A_388, %dma_start3A_389] : memref<32x80x2x128xi32, #tpu.memory_space<hbm>> -> memref<1x1x2x128xi32, #tpu.memory_space<hbm>>
        %dma_start3A_391 = tpu.memref_squeeze %dma_start3A_390 : memref<1x1x2x128xi32, #tpu.memory_space<hbm>> -> memref<2x128xi32, #tpu.memory_space<hbm>>
        tpu.enqueue_dma source(%dma_start3A_391 : memref<2x128xi32, #tpu.memory_space<hbm>>) target(%dma_start3A_387 : memref<2x128xi32, #tpu.memory_space<vmem>>) target_semaphore(%arg17 : memref<!tpu.dma_semaphore, #tpu.memory_space<semaphore_mem>>)
      } else {
      }
    }
    %scan3A_100 = arith.constant 13 : i32
    %dma_wait3A_101 = arith.constant 0 : i32
    %dma_wait3A_102 = arith.constant 0 : i32
    %dma_wait3A_103 = arith.constant 0 : i32
    %dma_wait3A_104 = tpu.memref_slice %arg7[%dma_wait3A_101, %dma_wait3A_102, %dma_wait3A_103] : memref<6x2x128xi32, #tpu.memory_space<vmem>> -> memref<1x1x128xi32, #tpu.memory_space<vmem>>
    %dma_wait3A_105 = tpu.memref_squeeze %dma_wait3A_104 : memref<1x1x128xi32, #tpu.memory_space<vmem>> -> memref<128xi32, #tpu.memory_space<vmem>>
    %dma_wait3A_106 = arith.constant 0 : i32
    %dma_wait3A_107 = arith.constant 0 : i32
    %dma_wait3A_108 = tpu.memref_slice %arg2[%dma_wait3A_106, %dma_wait3A_107] : memref<10000x128xf32, #tpu.memory_space<hbm>> -> memref<10000x128xf32, #tpu.memory_space<hbm>>
    tpu.wait_indirect_dma semaphore(%arg11 : memref<!tpu.dma_semaphore, #tpu.memory_space<semaphore_mem>>) src(%dma_wait3A_108 : memref<10000x128xf32, #tpu.memory_space<hbm>>) dst(%arg8 : memref<128x128xf32, #tpu.memory_space<vmem>>)
    %dma_start3A_109 = arith.constant 0 : i32
    %dma_start3A_110 = arith.constant 1 : i32
    %dma_start3A_111 = arith.constant 0 : i32
    %dma_start3A_112 = tpu.memref_slice %arg7[%dma_start3A_109, %dma_start3A_110, %dma_start3A_111] : memref<6x2x128xi32, #tpu.memory_space<vmem>> -> memref<1x1x128xi32, #tpu.memory_space<vmem>>
    %dma_start3A_113 = tpu.memref_squeeze %dma_start3A_112 : memref<1x1x128xi32, #tpu.memory_space<vmem>> -> memref<128xi32, #tpu.memory_space<vmem>>
    %dma_start3A_114 = arith.constant 0 : i32
    %dma_start3A_115 = arith.constant 0 : i32
    %dma_start3A_116 = tpu.memref_slice %arg23[%dma_start3A_114, %dma_start3A_115] : memref<10032x128xf32, #tpu.memory_space<vmem_shared>> -> memref<10032x128xf32, #tpu.memory_space<vmem_shared>>
    tpu.enqueue_indirect_dma source(%arg8 : memref<128x128xf32, #tpu.memory_space<vmem>>) target(%dma_start3A_116 : memref<10032x128xf32, #tpu.memory_space<vmem_shared>>) offsets(%dma_start3A_113 : memref<128xi32, #tpu.memory_space<vmem>>) semaphore(%arg20 : memref<!tpu.dma_semaphore, #tpu.memory_space<semaphore_mem>>) {add = true}
    %dma_wait3A_117 = arith.constant 1 : i32
    %dma_wait3A_118 = arith.constant 0 : i32
    %dma_wait3A_119 = arith.constant 0 : i32
    %dma_wait3A_120 = tpu.memref_slice %arg7[%dma_wait3A_117, %dma_wait3A_118, %dma_wait3A_119] : memref<6x2x128xi32, #tpu.memory_space<vmem>> -> memref<1x1x128xi32, #tpu.memory_space<vmem>>
    %dma_wait3A_121 = tpu.memref_squeeze %dma_wait3A_120 : memref<1x1x128xi32, #tpu.memory_space<vmem>> -> memref<128xi32, #tpu.memory_space<vmem>>
    %dma_wait3A_122 = arith.constant 0 : i32
    %dma_wait3A_123 = arith.constant 0 : i32
    %dma_wait3A_124 = tpu.memref_slice %arg2[%dma_wait3A_122, %dma_wait3A_123] : memref<10000x128xf32, #tpu.memory_space<hbm>> -> memref<10000x128xf32, #tpu.memory_space<hbm>>
    tpu.wait_indirect_dma semaphore(%arg12 : memref<!tpu.dma_semaphore, #tpu.memory_space<semaphore_mem>>) src(%dma_wait3A_124 : memref<10000x128xf32, #tpu.memory_space<hbm>>) dst(%arg9 : memref<128x128xf32, #tpu.memory_space<vmem>>)
    %dma_start3A_125 = arith.constant 1 : i32
    %dma_start3A_126 = arith.constant 1 : i32
    %dma_start3A_127 = arith.constant 0 : i32
    %dma_start3A_128 = tpu.memref_slice %arg7[%dma_start3A_125, %dma_start3A_126, %dma_start3A_127] : memref<6x2x128xi32, #tpu.memory_space<vmem>> -> memref<1x1x128xi32, #tpu.memory_space<vmem>>
    %dma_start3A_129 = tpu.memref_squeeze %dma_start3A_128 : memref<1x1x128xi32, #tpu.memory_space<vmem>> -> memref<128xi32, #tpu.memory_space<vmem>>
    %dma_start3A_130 = arith.constant 0 : i32
    %dma_start3A_131 = arith.constant 0 : i32
    %dma_start3A_132 = tpu.memref_slice %arg23[%dma_start3A_130, %dma_start3A_131] : memref<10032x128xf32, #tpu.memory_space<vmem_shared>> -> memref<10032x128xf32, #tpu.memory_space<vmem_shared>>
    tpu.enqueue_indirect_dma source(%arg9 : memref<128x128xf32, #tpu.memory_space<vmem>>) target(%dma_start3A_132 : memref<10032x128xf32, #tpu.memory_space<vmem_shared>>) offsets(%dma_start3A_129 : memref<128xi32, #tpu.memory_space<vmem>>) semaphore(%arg21 : memref<!tpu.dma_semaphore, #tpu.memory_space<semaphore_mem>>) {add = true}
    %dma_wait3A_133 = arith.constant 5 : i32
    %dma_wait3A_134 = arith.constant 1 : i32
    %dma_wait3A_135 = arith.constant 0 : i32
    %dma_wait3A_136 = tpu.memref_slice %arg7[%dma_wait3A_133, %dma_wait3A_134, %dma_wait3A_135] : memref<6x2x128xi32, #tpu.memory_space<vmem>> -> memref<1x1x128xi32, #tpu.memory_space<vmem>>
    %dma_wait3A_137 = tpu.memref_squeeze %dma_wait3A_136 : memref<1x1x128xi32, #tpu.memory_space<vmem>> -> memref<128xi32, #tpu.memory_space<vmem>>
    %dma_wait3A_138 = arith.constant 0 : i32
    %dma_wait3A_139 = arith.constant 0 : i32
    %dma_wait3A_140 = tpu.memref_slice %arg23[%dma_wait3A_138, %dma_wait3A_139] : memref<10032x128xf32, #tpu.memory_space<vmem_shared>> -> memref<10032x128xf32, #tpu.memory_space<vmem_shared>>
    tpu.wait_indirect_dma semaphore(%arg22 : memref<!tpu.dma_semaphore, #tpu.memory_space<semaphore_mem>>) src(%arg10 : memref<128x128xf32, #tpu.memory_space<vmem>>) dst(%dma_wait3A_140 : memref<10032x128xf32, #tpu.memory_space<vmem_shared>>)
    %dma_wait3A_141 = arith.constant 0 : i32
    %dma_wait3A_142 = arith.constant 1 : i32
    %dma_wait3A_143 = arith.constant 0 : i32
    %dma_wait3A_144 = tpu.memref_slice %arg7[%dma_wait3A_141, %dma_wait3A_142, %dma_wait3A_143] : memref<6x2x128xi32, #tpu.memory_space<vmem>> -> memref<1x1x128xi32, #tpu.memory_space<vmem>>
    %dma_wait3A_145 = tpu.memref_squeeze %dma_wait3A_144 : memref<1x1x128xi32, #tpu.memory_space<vmem>> -> memref<128xi32, #tpu.memory_space<vmem>>
    %dma_wait3A_146 = arith.constant 0 : i32
    %dma_wait3A_147 = arith.constant 0 : i32
    %dma_wait3A_148 = tpu.memref_slice %arg23[%dma_wait3A_146, %dma_wait3A_147] : memref<10032x128xf32, #tpu.memory_space<vmem_shared>> -> memref<10032x128xf32, #tpu.memory_space<vmem_shared>>
    tpu.wait_indirect_dma semaphore(%arg20 : memref<!tpu.dma_semaphore, #tpu.memory_space<semaphore_mem>>) src(%arg8 : memref<128x128xf32, #tpu.memory_space<vmem>>) dst(%dma_wait3A_148 : memref<10032x128xf32, #tpu.memory_space<vmem_shared>>)
    %dma_wait3A_149 = arith.constant 1 : i32
    %dma_wait3A_150 = arith.constant 1 : i32
    %dma_wait3A_151 = arith.constant 0 : i32
    %dma_wait3A_152 = tpu.memref_slice %arg7[%dma_wait3A_149, %dma_wait3A_150, %dma_wait3A_151] : memref<6x2x128xi32, #tpu.memory_space<vmem>> -> memref<1x1x128xi32, #tpu.memory_space<vmem>>
    %dma_wait3A_153 = tpu.memref_squeeze %dma_wait3A_152 : memref<1x1x128xi32, #tpu.memory_space<vmem>> -> memref<128xi32, #tpu.memory_space<vmem>>
    %dma_wait3A_154 = arith.constant 0 : i32
    %dma_wait3A_155 = arith.constant 0 : i32
    %dma_wait3A_156 = tpu.memref_slice %arg23[%dma_wait3A_154, %dma_wait3A_155] : memref<10032x128xf32, #tpu.memory_space<vmem_shared>> -> memref<10032x128xf32, #tpu.memory_space<vmem_shared>>
    tpu.wait_indirect_dma semaphore(%arg21 : memref<!tpu.dma_semaphore, #tpu.memory_space<semaphore_mem>>) src(%arg9 : memref<128x128xf32, #tpu.memory_space<vmem>>) dst(%dma_wait3A_156 : memref<10032x128xf32, #tpu.memory_space<vmem_shared>>)
    %barrier3A_157 = arith.constant 0 : index
    tpu.barrier barrier_id(%barrier3A_157)
    %eq3A_158 = arith.constant 0 : i32
    %eq3A_159 = arith.cmpi eq, %arg0, %eq3A_158 : i32
    %convert_element_type3A_160 = arith.extui %eq3A_159 : i1 to i32
    %cond3A_161 = arith.constant 0 : i32
    %cond3A_162 = arith.cmpi ne, %convert_element_type3A_160, %cond3A_161 : i32
    scf.if %cond3A_162 {
      %mul3A_168 = arith.constant 640 : i32
      %mul3A_169 = arith.muli %arg1, %mul3A_168 : i32
      %multiple_of3A_170 = tpu.assume_multiple %mul3A_169, 8 : i32
      %lt3A_171 = arith.constant 15 : i32
      %lt3A_172 = arith.cmpi slt, %arg1, %lt3A_171 : i32
      %convert_element_type3A_173 = arith.extui %lt3A_172 : i1 to i32
      %cond3A_174 = arith.constant 0 : i32
      %cond3A_175 = arith.cmpi ne, %convert_element_type3A_173, %cond3A_174 : i32
      scf.if %cond3A_175 {
        "tpu.region"() ({
          %run_scoped3A_181 = tpu.sem_alloc : memref<!tpu.dma_semaphore, #tpu.memory_space<semaphore_mem>>
          %dma_start3A_182 = arith.constant 0 : i32
          %dma_start3A_183 = tpu.memref_slice %arg5[%multiple_of3A_170, %dma_start3A_182] : memref<10032x128xf32, #tpu.memory_space<hbm>> -> memref<640x128xf32, #tpu.memory_space<hbm>>
          %dma_start3A_184 = arith.constant 0 : i32
          %dma_start3A_185 = tpu.memref_slice %arg23[%multiple_of3A_170, %dma_start3A_184] : memref<10032x128xf32, #tpu.memory_space<vmem_shared>> -> memref<640x128xf32, #tpu.memory_space<vmem_shared>>
          tpu.enqueue_dma source(%dma_start3A_185 : memref<640x128xf32, #tpu.memory_space<vmem_shared>>) target(%dma_start3A_183 : memref<640x128xf32, #tpu.memory_space<hbm>>) target_semaphore(%run_scoped3A_181 : memref<!tpu.dma_semaphore, #tpu.memory_space<semaphore_mem>>)
          %dma_wait3A_186 = arith.constant 0 : i32
          %dma_wait3A_187 = tpu.memref_slice %arg5[%multiple_of3A_170, %dma_wait3A_186] : memref<10032x128xf32, #tpu.memory_space<hbm>> -> memref<640x128xf32, #tpu.memory_space<hbm>>
          %dma_wait3A_188 = arith.constant 0 : i32
          %dma_wait3A_189 = tpu.memref_slice %arg23[%multiple_of3A_170, %dma_wait3A_188] : memref<10032x128xf32, #tpu.memory_space<vmem_shared>> -> memref<640x128xf32, #tpu.memory_space<vmem_shared>>
          tpu.wait_dma2 semaphore(%run_scoped3A_181 : memref<!tpu.dma_semaphore, #tpu.memory_space<semaphore_mem>>) src(%dma_wait3A_189 : memref<640x128xf32, #tpu.memory_space<vmem_shared>>) dst(%dma_wait3A_187 : memref<640x128xf32, #tpu.memory_space<hbm>>)
          tpu.yield
        }) : () -> ()
      } else {
      }
      %eq3A_176 = arith.constant 15 : i32
      %eq3A_177 = arith.cmpi eq, %arg1, %eq3A_176 : i32
      %convert_element_type3A_178 = arith.extui %eq3A_177 : i1 to i32
      %cond3A_179 = arith.constant 0 : i32
      %cond3A_180 = arith.cmpi ne, %convert_element_type3A_178, %cond3A_179 : i32
      scf.if %cond3A_180 {
        "tpu.region"() ({
          %run_scoped3A_181 = tpu.sem_alloc : memref<!tpu.dma_semaphore, #tpu.memory_space<semaphore_mem>>
          %dma_start3A_182 = arith.constant 9600 : i32
          %dma_start3A_183 = arith.constant 0 : i32
          %dma_start3A_184 = tpu.memref_slice %arg5[%dma_start3A_182, %dma_start3A_183] : memref<10032x128xf32, #tpu.memory_space<hbm>> -> memref<432x128xf32, #tpu.memory_space<hbm>>
          %dma_start3A_185 = arith.constant 9600 : i32
          %dma_start3A_186 = arith.constant 0 : i32
          %dma_start3A_187 = tpu.memref_slice %arg23[%dma_start3A_185, %dma_start3A_186] : memref<10032x128xf32, #tpu.memory_space<vmem_shared>> -> memref<432x128xf32, #tpu.memory_space<vmem_shared>>
          tpu.enqueue_dma source(%dma_start3A_187 : memref<432x128xf32, #tpu.memory_space<vmem_shared>>) target(%dma_start3A_184 : memref<432x128xf32, #tpu.memory_space<hbm>>) target_semaphore(%run_scoped3A_181 : memref<!tpu.dma_semaphore, #tpu.memory_space<semaphore_mem>>)
          %dma_wait3A_188 = arith.constant 9600 : i32
          %dma_wait3A_189 = arith.constant 0 : i32
          %dma_wait3A_190 = tpu.memref_slice %arg5[%dma_wait3A_188, %dma_wait3A_189] : memref<10032x128xf32, #tpu.memory_space<hbm>> -> memref<432x128xf32, #tpu.memory_space<hbm>>
          %dma_wait3A_191 = arith.constant 9600 : i32
          %dma_wait3A_192 = arith.constant 0 : i32
          %dma_wait3A_193 = tpu.memref_slice %arg23[%dma_wait3A_191, %dma_wait3A_192] : memref<10032x128xf32, #tpu.memory_space<vmem_shared>> -> memref<432x128xf32, #tpu.memory_space<vmem_shared>>
          tpu.wait_dma2 semaphore(%run_scoped3A_181 : memref<!tpu.dma_semaphore, #tpu.memory_space<semaphore_mem>>) src(%dma_wait3A_193 : memref<432x128xf32, #tpu.memory_space<vmem_shared>>) dst(%dma_wait3A_190 : memref<432x128xf32, #tpu.memory_space<hbm>>)
          tpu.yield
        }) : () -> ()
      } else {
      }
    } else {
    }
    %eq3A_163 = arith.constant 1 : i32
    %eq3A_164 = arith.cmpi eq, %arg0, %eq3A_163 : i32
    %convert_element_type3A_165 = arith.extui %eq3A_164 : i1 to i32
    %cond3A_166 = arith.constant 0 : i32
    %cond3A_167 = arith.cmpi ne, %convert_element_type3A_165, %cond3A_166 : i32
    scf.if %cond3A_167 {
      %mul3A_168 = arith.constant 640 : i32
      %mul3A_169 = arith.muli %arg1, %mul3A_168 : i32
      %multiple_of3A_170 = tpu.assume_multiple %mul3A_169, 8 : i32
      %lt3A_171 = arith.constant 15 : i32
      %lt3A_172 = arith.cmpi slt, %arg1, %lt3A_171 : i32
      %convert_element_type3A_173 = arith.extui %lt3A_172 : i1 to i32
      %cond3A_174 = arith.constant 0 : i32
      %cond3A_175 = arith.cmpi ne, %convert_element_type3A_173, %cond3A_174 : i32
      scf.if %cond3A_175 {
        "tpu.region"() ({
          %run_scoped3A_181 = tpu.sem_alloc : memref<!tpu.dma_semaphore, #tpu.memory_space<semaphore_mem>>
          %dma_start3A_182 = arith.constant 0 : i32
          %dma_start3A_183 = tpu.memref_slice %arg6[%multiple_of3A_170, %dma_start3A_182] : memref<10032x128xf32, #tpu.memory_space<hbm>> -> memref<640x128xf32, #tpu.memory_space<hbm>>
          %dma_start3A_184 = arith.constant 0 : i32
          %dma_start3A_185 = tpu.memref_slice %arg23[%multiple_of3A_170, %dma_start3A_184] : memref<10032x128xf32, #tpu.memory_space<vmem_shared>> -> memref<640x128xf32, #tpu.memory_space<vmem_shared>>
          tpu.enqueue_dma source(%dma_start3A_185 : memref<640x128xf32, #tpu.memory_space<vmem_shared>>) target(%dma_start3A_183 : memref<640x128xf32, #tpu.memory_space<hbm>>) target_semaphore(%run_scoped3A_181 : memref<!tpu.dma_semaphore, #tpu.memory_space<semaphore_mem>>)
          %dma_wait3A_186 = arith.constant 0 : i32
          %dma_wait3A_187 = tpu.memref_slice %arg6[%multiple_of3A_170, %dma_wait3A_186] : memref<10032x128xf32, #tpu.memory_space<hbm>> -> memref<640x128xf32, #tpu.memory_space<hbm>>
          %dma_wait3A_188 = arith.constant 0 : i32
          %dma_wait3A_189 = tpu.memref_slice %arg23[%multiple_of3A_170, %dma_wait3A_188] : memref<10032x128xf32, #tpu.memory_space<vmem_shared>> -> memref<640x128xf32, #tpu.memory_space<vmem_shared>>
          tpu.wait_dma2 semaphore(%run_scoped3A_181 : memref<!tpu.dma_semaphore, #tpu.memory_space<semaphore_mem>>) src(%dma_wait3A_189 : memref<640x128xf32, #tpu.memory_space<vmem_shared>>) dst(%dma_wait3A_187 : memref<640x128xf32, #tpu.memory_space<hbm>>)
          tpu.yield
        }) : () -> ()
      } else {
      }
      %eq3A_176 = arith.constant 15 : i32
      %eq3A_177 = arith.cmpi eq, %arg1, %eq3A_176 : i32
      %convert_element_type3A_178 = arith.extui %eq3A_177 : i1 to i32
      %cond3A_179 = arith.constant 0 : i32
      %cond3A_180 = arith.cmpi ne, %convert_element_type3A_178, %cond3A_179 : i32
      scf.if %cond3A_180 {
        "tpu.region"() ({
          %run_scoped3A_181 = tpu.sem_alloc : memref<!tpu.dma_semaphore, #tpu.memory_space<semaphore_mem>>
          %dma_start3A_182 = arith.constant 9600 : i32
          %dma_start3A_183 = arith.constant 0 : i32
          %dma_start3A_184 = tpu.memref_slice %arg6[%dma_start3A_182, %dma_start3A_183] : memref<10032x128xf32, #tpu.memory_space<hbm>> -> memref<432x128xf32, #tpu.memory_space<hbm>>
          %dma_start3A_185 = arith.constant 9600 : i32
          %dma_start3A_186 = arith.constant 0 : i32
          %dma_start3A_187 = tpu.memref_slice %arg23[%dma_start3A_185, %dma_start3A_186] : memref<10032x128xf32, #tpu.memory_space<vmem_shared>> -> memref<432x128xf32, #tpu.memory_space<vmem_shared>>
          tpu.enqueue_dma source(%dma_start3A_187 : memref<432x128xf32, #tpu.memory_space<vmem_shared>>) target(%dma_start3A_184 : memref<432x128xf32, #tpu.memory_space<hbm>>) target_semaphore(%run_scoped3A_181 : memref<!tpu.dma_semaphore, #tpu.memory_space<semaphore_mem>>)
          %dma_wait3A_188 = arith.constant 9600 : i32
          %dma_wait3A_189 = arith.constant 0 : i32
          %dma_wait3A_190 = tpu.memref_slice %arg6[%dma_wait3A_188, %dma_wait3A_189] : memref<10032x128xf32, #tpu.memory_space<hbm>> -> memref<432x128xf32, #tpu.memory_space<hbm>>
          %dma_wait3A_191 = arith.constant 9600 : i32
          %dma_wait3A_192 = arith.constant 0 : i32
          %dma_wait3A_193 = tpu.memref_slice %arg23[%dma_wait3A_191, %dma_wait3A_192] : memref<10032x128xf32, #tpu.memory_space<vmem_shared>> -> memref<432x128xf32, #tpu.memory_space<vmem_shared>>
          tpu.wait_dma2 semaphore(%run_scoped3A_181 : memref<!tpu.dma_semaphore, #tpu.memory_space<semaphore_mem>>) src(%dma_wait3A_193 : memref<432x128xf32, #tpu.memory_space<vmem_shared>>) dst(%dma_wait3A_190 : memref<432x128xf32, #tpu.memory_space<hbm>>)
          tpu.yield
        }) : () -> ()
      } else {
      }
    } else {
    }
    return
  }
}

#map = affine_map<(d0, d1) -> (0, 0, 0, 0)>
#map1 = affine_map<(d0, d1) -> (0)>
module attributes {stable_mosaic.version = 14 : i64} {
  func.func @k(%arg0: i32, %arg1: i32, %arg2: memref<32x80x2x128xi32, #tpu.memory_space<hbm>>, %arg3: memref<10240xf32, #tpu.memory_space<hbm>>, %arg4: memref<10240xf32, #tpu.memory_space<hbm>>, %arg5: memref<10240xf32, #tpu.memory_space<hbm>>, %arg6: memref<80x2x128xi32, #tpu.memory_space<vmem>>, %arg7: memref<128xf32, #tpu.memory_space<vmem>>, %arg8: memref<10240xf32, #tpu.memory_space<vmem_shared>>, %arg9: memref<!tpu.dma_semaphore, #tpu.memory_space<semaphore_mem>>) attributes {dimension_semantics = [#tpu.dimension_semantics<core_parallel>, #tpu.dimension_semantics<subcore_parallel>], iteration_bounds = array<i64: 2, 16>, scalar_prefetch = 0 : i64, scratch_operands = 4 : i64, tpu.core_type = #tpu.core_type<sc_vector_subcore>, window_params = [{transform_indices = #map}, {transform_indices = #map1}, {transform_indices = #map1}, {transform_indices = #map1}]} {
    %mul3A = arith.constant 2 : i32
    %mul3A_0 = arith.muli %arg1, %mul3A : i32
    %add3A = arith.addi %mul3A_0, %arg0 : i32
    %broadcast_in_dim3A = arith.constant 1.000000e+00 : f32
    %broadcast_in_dim3A_1 = vector.broadcast %broadcast_in_dim3A : f32 to vector<16xf32>
    %swap3A = arith.constant 0 : index
    %swap3A_2 = tpu.vector_load %arg7[%swap3A] {strides = array<i32>} : memref<128xf32, #tpu.memory_space<vmem>>, vector<16xf32>,
    %swap3A_3 = vector.shape_cast %swap3A_2 : vector<16xf32> to vector<16xf32>
    %swap3A_4 = vector.shape_cast %broadcast_in_dim3A_1 : vector<16xf32> to vector<16xf32>
    tpu.vector_store %arg7[%swap3A], %swap3A_4 {strides = array<i32>} : memref<128xf32, #tpu.memory_space<vmem>>, vector<16xf32>,
    %broadcast_in_dim3A_5 = arith.constant 1.000000e+00 : f32
    %broadcast_in_dim3A_6 = vector.broadcast %broadcast_in_dim3A_5 : f32 to vector<16xf32>
    %swap3A_7 = arith.constant 16 : index
    %swap3A_8 = tpu.vector_load %arg7[%swap3A_7] {strides = array<i32>} : memref<128xf32, #tpu.memory_space<vmem>>, vector<16xf32>,
    %swap3A_9 = vector.shape_cast %swap3A_8 : vector<16xf32> to vector<16xf32>
    %swap3A_10 = vector.shape_cast %broadcast_in_dim3A_6 : vector<16xf32> to vector<16xf32>
    tpu.vector_store %arg7[%swap3A_7], %swap3A_10 {strides = array<i32>} : memref<128xf32, #tpu.memory_space<vmem>>, vector<16xf32>,
    %broadcast_in_dim3A_11 = arith.constant 1.000000e+00 : f32
    %broadcast_in_dim3A_12 = vector.broadcast %broadcast_in_dim3A_11 : f32 to vector<16xf32>
    %swap3A_13 = arith.constant 32 : index
    %swap3A_14 = tpu.vector_load %arg7[%swap3A_13] {strides = array<i32>} : memref<128xf32, #tpu.memory_space<vmem>>, vector<16xf32>,
    %swap3A_15 = vector.shape_cast %swap3A_14 : vector<16xf32> to vector<16xf32>
    %swap3A_16 = vector.shape_cast %broadcast_in_dim3A_12 : vector<16xf32> to vector<16xf32>
    tpu.vector_store %arg7[%swap3A_13], %swap3A_16 {strides = array<i32>} : memref<128xf32, #tpu.memory_space<vmem>>, vector<16xf32>,
    %broadcast_in_dim3A_17 = arith.constant 1.000000e+00 : f32
    %broadcast_in_dim3A_18 = vector.broadcast %broadcast_in_dim3A_17 : f32 to vector<16xf32>
    %swap3A_19 = arith.constant 48 : index
    %swap3A_20 = tpu.vector_load %arg7[%swap3A_19] {strides = array<i32>} : memref<128xf32, #tpu.memory_space<vmem>>, vector<16xf32>,
    %swap3A_21 = vector.shape_cast %swap3A_20 : vector<16xf32> to vector<16xf32>
    %swap3A_22 = vector.shape_cast %broadcast_in_dim3A_18 : vector<16xf32> to vector<16xf32>
    tpu.vector_store %arg7[%swap3A_19], %swap3A_22 {strides = array<i32>} : memref<128xf32, #tpu.memory_space<vmem>>, vector<16xf32>,
    %broadcast_in_dim3A_23 = arith.constant 1.000000e+00 : f32
    %broadcast_in_dim3A_24 = vector.broadcast %broadcast_in_dim3A_23 : f32 to vector<16xf32>
    %swap3A_25 = arith.constant 64 : index
    %swap3A_26 = tpu.vector_load %arg7[%swap3A_25] {strides = array<i32>} : memref<128xf32, #tpu.memory_space<vmem>>, vector<16xf32>,
    %swap3A_27 = vector.shape_cast %swap3A_26 : vector<16xf32> to vector<16xf32>
    %swap3A_28 = vector.shape_cast %broadcast_in_dim3A_24 : vector<16xf32> to vector<16xf32>
    tpu.vector_store %arg7[%swap3A_25], %swap3A_28 {strides = array<i32>} : memref<128xf32, #tpu.memory_space<vmem>>, vector<16xf32>,
    %broadcast_in_dim3A_29 = arith.constant 1.000000e+00 : f32
    %broadcast_in_dim3A_30 = vector.broadcast %broadcast_in_dim3A_29 : f32 to vector<16xf32>
    %swap3A_31 = arith.constant 80 : index
    %swap3A_32 = tpu.vector_load %arg7[%swap3A_31] {strides = array<i32>} : memref<128xf32, #tpu.memory_space<vmem>>, vector<16xf32>,
    %swap3A_33 = vector.shape_cast %swap3A_32 : vector<16xf32> to vector<16xf32>
    %swap3A_34 = vector.shape_cast %broadcast_in_dim3A_30 : vector<16xf32> to vector<16xf32>
    tpu.vector_store %arg7[%swap3A_31], %swap3A_34 {strides = array<i32>} : memref<128xf32, #tpu.memory_space<vmem>>, vector<16xf32>,
    %broadcast_in_dim3A_35 = arith.constant 1.000000e+00 : f32
    %broadcast_in_dim3A_36 = vector.broadcast %broadcast_in_dim3A_35 : f32 to vector<16xf32>
    %swap3A_37 = arith.constant 96 : index
    %swap3A_38 = tpu.vector_load %arg7[%swap3A_37] {strides = array<i32>} : memref<128xf32, #tpu.memory_space<vmem>>, vector<16xf32>,
    %swap3A_39 = vector.shape_cast %swap3A_38 : vector<16xf32> to vector<16xf32>
    %swap3A_40 = vector.shape_cast %broadcast_in_dim3A_36 : vector<16xf32> to vector<16xf32>
    tpu.vector_store %arg7[%swap3A_37], %swap3A_40 {strides = array<i32>} : memref<128xf32, #tpu.memory_space<vmem>>, vector<16xf32>,
    %broadcast_in_dim3A_41 = arith.constant 1.000000e+00 : f32
    %broadcast_in_dim3A_42 = vector.broadcast %broadcast_in_dim3A_41 : f32 to vector<16xf32>
    %swap3A_43 = arith.constant 112 : index
    %swap3A_44 = tpu.vector_load %arg7[%swap3A_43] {strides = array<i32>} : memref<128xf32, #tpu.memory_space<vmem>>, vector<16xf32>,
    %swap3A_45 = vector.shape_cast %swap3A_44 : vector<16xf32> to vector<16xf32>
    %swap3A_46 = vector.shape_cast %broadcast_in_dim3A_42 : vector<16xf32> to vector<16xf32>
    tpu.vector_store %arg7[%swap3A_43], %swap3A_46 {strides = array<i32>} : memref<128xf32, #tpu.memory_space<vmem>>, vector<16xf32>,
    "tpu.region"() ({
      %run_scoped3A = tpu.sem_alloc : memref<!tpu.dma_semaphore, #tpu.memory_space<semaphore_mem>>
      %dma_start3A = arith.constant 0 : i32
      %dma_start3A_77 = arith.constant 0 : i32
      %dma_start3A_78 = arith.constant 0 : i32
      %dma_start3A_79 = tpu.memref_slice %arg2[%add3A, %dma_start3A, %dma_start3A_77, %dma_start3A_78] : memref<32x80x2x128xi32, #tpu.memory_space<hbm>> -> memref<1x80x2x128xi32, #tpu.memory_space<hbm>>
      %dma_start3A_80 = tpu.memref_squeeze %dma_start3A_79 : memref<1x80x2x128xi32, #tpu.memory_space<hbm>> -> memref<80x2x128xi32, #tpu.memory_space<hbm>>
      %dma_start3A_81 = arith.constant 0 : i32
      %dma_start3A_82 = arith.constant 0 : i32
      %dma_start3A_83 = arith.constant 0 : i32
      %dma_start3A_84 = tpu.memref_slice %arg2[%add3A, %dma_start3A_81, %dma_start3A_82, %dma_start3A_83] : memref<32x80x2x128xi32, #tpu.memory_space<hbm>> -> memref<1x80x2x128xi32, #tpu.memory_space<hbm>>
      %dma_start3A_85 = tpu.memref_squeeze %dma_start3A_84 : memref<1x80x2x128xi32, #tpu.memory_space<hbm>> -> memref<80x2x128xi32, #tpu.memory_space<hbm>>
      tpu.enqueue_dma source(%dma_start3A_85 : memref<80x2x128xi32, #tpu.memory_space<hbm>>) target(%arg6 : memref<80x2x128xi32, #tpu.memory_space<vmem>>) target_semaphore(%run_scoped3A : memref<!tpu.dma_semaphore, #tpu.memory_space<semaphore_mem>>)
      %dma_wait3A = arith.constant 0 : i32
      %dma_wait3A_86 = arith.constant 0 : i32
      %dma_wait3A_87 = arith.constant 0 : i32
      %dma_wait3A_88 = tpu.memref_slice %arg2[%add3A, %dma_wait3A, %dma_wait3A_86, %dma_wait3A_87] : memref<32x80x2x128xi32, #tpu.memory_space<hbm>> -> memref<1x80x2x128xi32, #tpu.memory_space<hbm>>
      %dma_wait3A_89 = tpu.memref_squeeze %dma_wait3A_88 : memref<1x80x2x128xi32, #tpu.memory_space<hbm>> -> memref<80x2x128xi32, #tpu.memory_space<hbm>>
      %dma_wait3A_90 = arith.constant 0 : i32
      %dma_wait3A_91 = arith.constant 0 : i32
      %dma_wait3A_92 = arith.constant 0 : i32
      %dma_wait3A_93 = tpu.memref_slice %arg2[%add3A, %dma_wait3A_90, %dma_wait3A_91, %dma_wait3A_92] : memref<32x80x2x128xi32, #tpu.memory_space<hbm>> -> memref<1x80x2x128xi32, #tpu.memory_space<hbm>>
      %dma_wait3A_94 = tpu.memref_squeeze %dma_wait3A_93 : memref<1x80x2x128xi32, #tpu.memory_space<hbm>> -> memref<80x2x128xi32, #tpu.memory_space<hbm>>
      tpu.wait_dma2 semaphore(%run_scoped3A : memref<!tpu.dma_semaphore, #tpu.memory_space<semaphore_mem>>) src(%dma_wait3A_94 : memref<80x2x128xi32, #tpu.memory_space<hbm>>) dst(%arg6 : memref<80x2x128xi32, #tpu.memory_space<vmem>>)
      tpu.yield
    }) : () -> ()
    %mul3A_47 = arith.constant 640 : i32
    %mul3A_48 = arith.muli %arg1, %mul3A_47 : i32
    %multiple_of3A = tpu.assume_multiple %mul3A_48, 8 : i32
    %lt3A = arith.constant 15 : i32
    %lt3A_49 = arith.cmpi slt, %arg1, %lt3A : i32
    %convert_element_type3A = arith.extui %lt3A_49 : i1 to i32
    %cond3A = arith.constant 0 : i32
    %cond3A_50 = arith.cmpi ne, %convert_element_type3A, %cond3A : i32
    scf.if %cond3A_50 {
      "tpu.region"() ({
        %run_scoped3A = tpu.sem_alloc : memref<!tpu.dma_semaphore, #tpu.memory_space<semaphore_mem>>
        %dma_start3A = tpu.memref_slice %arg8[%multiple_of3A] : memref<10240xf32, #tpu.memory_space<vmem_shared>> -> memref<640xf32, #tpu.memory_space<vmem_shared>>
        %dma_start3A_77 = tpu.memref_slice %arg3[%multiple_of3A] : memref<10240xf32, #tpu.memory_space<hbm>> -> memref<640xf32, #tpu.memory_space<hbm>>
        tpu.enqueue_dma source(%dma_start3A_77 : memref<640xf32, #tpu.memory_space<hbm>>) target(%dma_start3A : memref<640xf32, #tpu.memory_space<vmem_shared>>) target_semaphore(%run_scoped3A : memref<!tpu.dma_semaphore, #tpu.memory_space<semaphore_mem>>)
        %dma_wait3A = tpu.memref_slice %arg8[%multiple_of3A] : memref<10240xf32, #tpu.memory_space<vmem_shared>> -> memref<640xf32, #tpu.memory_space<vmem_shared>>
        %dma_wait3A_78 = tpu.memref_slice %arg3[%multiple_of3A] : memref<10240xf32, #tpu.memory_space<hbm>> -> memref<640xf32, #tpu.memory_space<hbm>>
        tpu.wait_dma2 semaphore(%run_scoped3A : memref<!tpu.dma_semaphore, #tpu.memory_space<semaphore_mem>>) src(%dma_wait3A_78 : memref<640xf32, #tpu.memory_space<hbm>>) dst(%dma_wait3A : memref<640xf32, #tpu.memory_space<vmem_shared>>)
        tpu.yield
      }) : () -> ()
    } else {
    }
    %eq3A = arith.constant 15 : i32
    %eq3A_51 = arith.cmpi eq, %arg1, %eq3A : i32
    %convert_element_type3A_52 = arith.extui %eq3A_51 : i1 to i32
    %cond3A_53 = arith.constant 0 : i32
    %cond3A_54 = arith.cmpi ne, %convert_element_type3A_52, %cond3A_53 : i32
    scf.if %cond3A_54 {
      "tpu.region"() ({
        %run_scoped3A = tpu.sem_alloc : memref<!tpu.dma_semaphore, #tpu.memory_space<semaphore_mem>>
        %dma_start3A = arith.constant 9600 : i32
        %dma_start3A_77 = tpu.memref_slice %arg8[%dma_start3A] : memref<10240xf32, #tpu.memory_space<vmem_shared>> -> memref<640xf32, #tpu.memory_space<vmem_shared>>
        %dma_start3A_78 = arith.constant 9600 : i32
        %dma_start3A_79 = tpu.memref_slice %arg3[%dma_start3A_78] : memref<10240xf32, #tpu.memory_space<hbm>> -> memref<640xf32, #tpu.memory_space<hbm>>
        tpu.enqueue_dma source(%dma_start3A_79 : memref<640xf32, #tpu.memory_space<hbm>>) target(%dma_start3A_77 : memref<640xf32, #tpu.memory_space<vmem_shared>>) target_semaphore(%run_scoped3A : memref<!tpu.dma_semaphore, #tpu.memory_space<semaphore_mem>>)
        %dma_wait3A = arith.constant 9600 : i32
        %dma_wait3A_80 = tpu.memref_slice %arg8[%dma_wait3A] : memref<10240xf32, #tpu.memory_space<vmem_shared>> -> memref<640xf32, #tpu.memory_space<vmem_shared>>
        %dma_wait3A_81 = arith.constant 9600 : i32
        %dma_wait3A_82 = tpu.memref_slice %arg3[%dma_wait3A_81] : memref<10240xf32, #tpu.memory_space<hbm>> -> memref<640xf32, #tpu.memory_space<hbm>>
        tpu.wait_dma2 semaphore(%run_scoped3A : memref<!tpu.dma_semaphore, #tpu.memory_space<semaphore_mem>>) src(%dma_wait3A_82 : memref<640xf32, #tpu.memory_space<hbm>>) dst(%dma_wait3A_80 : memref<640xf32, #tpu.memory_space<vmem_shared>>)
        tpu.yield
      }) : () -> ()
    } else {
    }
    %barrier3A = arith.constant 0 : index
    tpu.barrier barrier_id(%barrier3A)
    %scan3A = arith.constant 0 : i32
    %scan3A_55 = arith.constant 0 : i32
    %scan3A_56 = arith.constant 80 : i32
    %scan3A_57 = arith.addi %scan3A_55, %scan3A_56 : i32
    %scan3A_58 = arith.constant 1 : i32
    scf.for %scan3A_77 = %scan3A_55 to %scan3A_57 step %scan3A_58  : i32 {
      %dma_start3A = arith.constant 1 : i32
      %dma_start3A_78 = arith.constant 0 : i32
      %dma_start3A_79 = tpu.memref_slice %arg6[%scan3A_77, %dma_start3A, %dma_start3A_78] : memref<80x2x128xi32, #tpu.memory_space<vmem>> -> memref<1x1x128xi32, #tpu.memory_space<vmem>>
      %dma_start3A_80 = tpu.memref_squeeze %dma_start3A_79 : memref<1x1x128xi32, #tpu.memory_space<vmem>> -> memref<128xi32, #tpu.memory_space<vmem>>
      %dma_start3A_81 = arith.constant 0 : i32
      %dma_start3A_82 = tpu.memref_slice %arg8[%dma_start3A_81] : memref<10240xf32, #tpu.memory_space<vmem_shared>> -> memref<10240xf32, #tpu.memory_space<vmem_shared>>
      tpu.enqueue_indirect_dma source(%arg7 : memref<128xf32, #tpu.memory_space<vmem>>) target(%dma_start3A_82 : memref<10240xf32, #tpu.memory_space<vmem_shared>>) offsets(%dma_start3A_80 : memref<128xi32, #tpu.memory_space<vmem>>) semaphore(%arg9 : memref<!tpu.dma_semaphore, #tpu.memory_space<semaphore_mem>>) {add = true}
    }
    %scan3A_59 = arith.constant 80 : i32
    %scan3A_60 = arith.constant 0 : i32
    %scan3A_61 = arith.constant 0 : i32
    %scan3A_62 = arith.constant 80 : i32
    %scan3A_63 = arith.addi %scan3A_61, %scan3A_62 : i32
    %scan3A_64 = arith.constant 1 : i32
    scf.for %scan3A_77 = %scan3A_61 to %scan3A_63 step %scan3A_64  : i32 {
      %dma_wait3A = arith.constant 1 : i32
      %dma_wait3A_78 = arith.constant 0 : i32
      %dma_wait3A_79 = tpu.memref_slice %arg6[%scan3A_77, %dma_wait3A, %dma_wait3A_78] : memref<80x2x128xi32, #tpu.memory_space<vmem>> -> memref<1x1x128xi32, #tpu.memory_space<vmem>>
      %dma_wait3A_80 = tpu.memref_squeeze %dma_wait3A_79 : memref<1x1x128xi32, #tpu.memory_space<vmem>> -> memref<128xi32, #tpu.memory_space<vmem>>
      %dma_wait3A_81 = arith.constant 0 : i32
      %dma_wait3A_82 = tpu.memref_slice %arg8[%dma_wait3A_81] : memref<10240xf32, #tpu.memory_space<vmem_shared>> -> memref<10240xf32, #tpu.memory_space<vmem_shared>>
      tpu.wait_indirect_dma semaphore(%arg9 : memref<!tpu.dma_semaphore, #tpu.memory_space<semaphore_mem>>) src(%arg7 : memref<128xf32, #tpu.memory_space<vmem>>) dst(%dma_wait3A_82 : memref<10240xf32, #tpu.memory_space<vmem_shared>>)
    }
    %scan3A_65 = arith.constant 80 : i32
    %barrier3A_66 = arith.constant 0 : index
    tpu.barrier barrier_id(%barrier3A_66)
    %eq3A_67 = arith.constant 0 : i32
    %eq3A_68 = arith.cmpi eq, %arg0, %eq3A_67 : i32
    %convert_element_type3A_69 = arith.extui %eq3A_68 : i1 to i32
    %cond3A_70 = arith.constant 0 : i32
    %cond3A_71 = arith.cmpi ne, %convert_element_type3A_69, %cond3A_70 : i32
    scf.if %cond3A_71 {
      %mul3A_77 = arith.constant 640 : i32
      %mul3A_78 = arith.muli %arg1, %mul3A_77 : i32
      %multiple_of3A_79 = tpu.assume_multiple %mul3A_78, 8 : i32
      %lt3A_80 = arith.constant 15 : i32
      %lt3A_81 = arith.cmpi slt, %arg1, %lt3A_80 : i32
      %convert_element_type3A_82 = arith.extui %lt3A_81 : i1 to i32
      %cond3A_83 = arith.constant 0 : i32
      %cond3A_84 = arith.cmpi ne, %convert_element_type3A_82, %cond3A_83 : i32
      scf.if %cond3A_84 {
        "tpu.region"() ({
          %run_scoped3A = tpu.sem_alloc : memref<!tpu.dma_semaphore, #tpu.memory_space<semaphore_mem>>
          %dma_start3A = tpu.memref_slice %arg4[%multiple_of3A_79] : memref<10240xf32, #tpu.memory_space<hbm>> -> memref<640xf32, #tpu.memory_space<hbm>>
          %dma_start3A_90 = tpu.memref_slice %arg8[%multiple_of3A_79] : memref<10240xf32, #tpu.memory_space<vmem_shared>> -> memref<640xf32, #tpu.memory_space<vmem_shared>>
          tpu.enqueue_dma source(%dma_start3A_90 : memref<640xf32, #tpu.memory_space<vmem_shared>>) target(%dma_start3A : memref<640xf32, #tpu.memory_space<hbm>>) target_semaphore(%run_scoped3A : memref<!tpu.dma_semaphore, #tpu.memory_space<semaphore_mem>>)
          %dma_wait3A = tpu.memref_slice %arg4[%multiple_of3A_79] : memref<10240xf32, #tpu.memory_space<hbm>> -> memref<640xf32, #tpu.memory_space<hbm>>
          %dma_wait3A_91 = tpu.memref_slice %arg8[%multiple_of3A_79] : memref<10240xf32, #tpu.memory_space<vmem_shared>> -> memref<640xf32, #tpu.memory_space<vmem_shared>>
          tpu.wait_dma2 semaphore(%run_scoped3A : memref<!tpu.dma_semaphore, #tpu.memory_space<semaphore_mem>>) src(%dma_wait3A_91 : memref<640xf32, #tpu.memory_space<vmem_shared>>) dst(%dma_wait3A : memref<640xf32, #tpu.memory_space<hbm>>)
          tpu.yield
        }) : () -> ()
      } else {
      }
      %eq3A_85 = arith.constant 15 : i32
      %eq3A_86 = arith.cmpi eq, %arg1, %eq3A_85 : i32
      %convert_element_type3A_87 = arith.extui %eq3A_86 : i1 to i32
      %cond3A_88 = arith.constant 0 : i32
      %cond3A_89 = arith.cmpi ne, %convert_element_type3A_87, %cond3A_88 : i32
      scf.if %cond3A_89 {
        "tpu.region"() ({
          %run_scoped3A = tpu.sem_alloc : memref<!tpu.dma_semaphore, #tpu.memory_space<semaphore_mem>>
          %dma_start3A = arith.constant 9600 : i32
          %dma_start3A_90 = tpu.memref_slice %arg4[%dma_start3A] : memref<10240xf32, #tpu.memory_space<hbm>> -> memref<640xf32, #tpu.memory_space<hbm>>
          %dma_start3A_91 = arith.constant 9600 : i32
          %dma_start3A_92 = tpu.memref_slice %arg8[%dma_start3A_91] : memref<10240xf32, #tpu.memory_space<vmem_shared>> -> memref<640xf32, #tpu.memory_space<vmem_shared>>
          tpu.enqueue_dma source(%dma_start3A_92 : memref<640xf32, #tpu.memory_space<vmem_shared>>) target(%dma_start3A_90 : memref<640xf32, #tpu.memory_space<hbm>>) target_semaphore(%run_scoped3A : memref<!tpu.dma_semaphore, #tpu.memory_space<semaphore_mem>>)
          %dma_wait3A = arith.constant 9600 : i32
          %dma_wait3A_93 = tpu.memref_slice %arg4[%dma_wait3A] : memref<10240xf32, #tpu.memory_space<hbm>> -> memref<640xf32, #tpu.memory_space<hbm>>
          %dma_wait3A_94 = arith.constant 9600 : i32
          %dma_wait3A_95 = tpu.memref_slice %arg8[%dma_wait3A_94] : memref<10240xf32, #tpu.memory_space<vmem_shared>> -> memref<640xf32, #tpu.memory_space<vmem_shared>>
          tpu.wait_dma2 semaphore(%run_scoped3A : memref<!tpu.dma_semaphore, #tpu.memory_space<semaphore_mem>>) src(%dma_wait3A_95 : memref<640xf32, #tpu.memory_space<vmem_shared>>) dst(%dma_wait3A_93 : memref<640xf32, #tpu.memory_space<hbm>>)
          tpu.yield
        }) : () -> ()
      } else {
      }
    } else {
    }
    %eq3A_72 = arith.constant 1 : i32
    %eq3A_73 = arith.cmpi eq, %arg0, %eq3A_72 : i32
    %convert_element_type3A_74 = arith.extui %eq3A_73 : i1 to i32
    %cond3A_75 = arith.constant 0 : i32
    %cond3A_76 = arith.cmpi ne, %convert_element_type3A_74, %cond3A_75 : i32
    scf.if %cond3A_76 {
      %mul3A_77 = arith.constant 640 : i32
      %mul3A_78 = arith.muli %arg1, %mul3A_77 : i32
      %multiple_of3A_79 = tpu.assume_multiple %mul3A_78, 8 : i32
      %lt3A_80 = arith.constant 15 : i32
      %lt3A_81 = arith.cmpi slt, %arg1, %lt3A_80 : i32
      %convert_element_type3A_82 = arith.extui %lt3A_81 : i1 to i32
      %cond3A_83 = arith.constant 0 : i32
      %cond3A_84 = arith.cmpi ne, %convert_element_type3A_82, %cond3A_83 : i32
      scf.if %cond3A_84 {
        "tpu.region"() ({
          %run_scoped3A = tpu.sem_alloc : memref<!tpu.dma_semaphore, #tpu.memory_space<semaphore_mem>>
          %dma_start3A = tpu.memref_slice %arg5[%multiple_of3A_79] : memref<10240xf32, #tpu.memory_space<hbm>> -> memref<640xf32, #tpu.memory_space<hbm>>
          %dma_start3A_90 = tpu.memref_slice %arg8[%multiple_of3A_79] : memref<10240xf32, #tpu.memory_space<vmem_shared>> -> memref<640xf32, #tpu.memory_space<vmem_shared>>
          tpu.enqueue_dma source(%dma_start3A_90 : memref<640xf32, #tpu.memory_space<vmem_shared>>) target(%dma_start3A : memref<640xf32, #tpu.memory_space<hbm>>) target_semaphore(%run_scoped3A : memref<!tpu.dma_semaphore, #tpu.memory_space<semaphore_mem>>)
          %dma_wait3A = tpu.memref_slice %arg5[%multiple_of3A_79] : memref<10240xf32, #tpu.memory_space<hbm>> -> memref<640xf32, #tpu.memory_space<hbm>>
          %dma_wait3A_91 = tpu.memref_slice %arg8[%multiple_of3A_79] : memref<10240xf32, #tpu.memory_space<vmem_shared>> -> memref<640xf32, #tpu.memory_space<vmem_shared>>
          tpu.wait_dma2 semaphore(%run_scoped3A : memref<!tpu.dma_semaphore, #tpu.memory_space<semaphore_mem>>) src(%dma_wait3A_91 : memref<640xf32, #tpu.memory_space<vmem_shared>>) dst(%dma_wait3A : memref<640xf32, #tpu.memory_space<hbm>>)
          tpu.yield
        }) : () -> ()
      } else {
      }
      %eq3A_85 = arith.constant 15 : i32
      %eq3A_86 = arith.cmpi eq, %arg1, %eq3A_85 : i32
      %convert_element_type3A_87 = arith.extui %eq3A_86 : i1 to i32
      %cond3A_88 = arith.constant 0 : i32
      %cond3A_89 = arith.cmpi ne, %convert_element_type3A_87, %cond3A_88 : i32
      scf.if %cond3A_89 {
        "tpu.region"() ({
          %run_scoped3A = tpu.sem_alloc : memref<!tpu.dma_semaphore, #tpu.memory_space<semaphore_mem>>
          %dma_start3A = arith.constant 9600 : i32
          %dma_start3A_90 = tpu.memref_slice %arg5[%dma_start3A] : memref<10240xf32, #tpu.memory_space<hbm>> -> memref<640xf32, #tpu.memory_space<hbm>>
          %dma_start3A_91 = arith.constant 9600 : i32
          %dma_start3A_92 = tpu.memref_slice %arg8[%dma_start3A_91] : memref<10240xf32, #tpu.memory_space<vmem_shared>> -> memref<640xf32, #tpu.memory_space<vmem_shared>>
          tpu.enqueue_dma source(%dma_start3A_92 : memref<640xf32, #tpu.memory_space<vmem_shared>>) target(%dma_start3A_90 : memref<640xf32, #tpu.memory_space<hbm>>) target_semaphore(%run_scoped3A : memref<!tpu.dma_semaphore, #tpu.memory_space<semaphore_mem>>)
          %dma_wait3A = arith.constant 9600 : i32
          %dma_wait3A_93 = tpu.memref_slice %arg5[%dma_wait3A] : memref<10240xf32, #tpu.memory_space<hbm>> -> memref<640xf32, #tpu.memory_space<hbm>>
          %dma_wait3A_94 = arith.constant 9600 : i32
          %dma_wait3A_95 = tpu.memref_slice %arg8[%dma_wait3A_94] : memref<10240xf32, #tpu.memory_space<vmem_shared>> -> memref<640xf32, #tpu.memory_space<vmem_shared>>
          tpu.wait_dma2 semaphore(%run_scoped3A : memref<!tpu.dma_semaphore, #tpu.memory_space<semaphore_mem>>) src(%dma_wait3A_95 : memref<640xf32, #tpu.memory_space<vmem_shared>>) dst(%dma_wait3A_93 : memref<640xf32, #tpu.memory_space<hbm>>)
          tpu.yield
        }) : () -> ()
      } else {
      }
    } else {
    }
    return
  }
}

#map = affine_map<(d0, d1) -> (0, 0)>
#map1 = affine_map<(d0, d1) -> (0, 0, 0, 0)>
module attributes {stable_mosaic.version = 14 : i64} {
  func.func @k(%arg0: i32, %arg1: i32, %arg2: memref<10000x128xf32, #tpu.memory_space<hbm>>, %arg3: memref<32x80x2x128xi32, #tpu.memory_space<hbm>>, %arg4: memref<10032x128xf32, #tpu.memory_space<hbm>>, %arg5: memref<10032x128xf32, #tpu.memory_space<hbm>>, %arg6: memref<10032x128xf32, #tpu.memory_space<hbm>>, %arg7: memref<6x2x128xi32, #tpu.memory_space<vmem>>, %arg8: memref<128x128xf32, #tpu.memory_space<vmem>>, %arg9: memref<128x128xf32, #tpu.memory_space<vmem>>, %arg10: memref<128x128xf32, #tpu.memory_space<vmem>>, %arg11: memref<!tpu.dma_semaphore, #tpu.memory_space<semaphore_mem>>, %arg12: memref<!tpu.dma_semaphore, #tpu.memory_space<semaphore_mem>>, %arg13: memref<!tpu.dma_semaphore, #tpu.memory_space<semaphore_mem>>, %arg14: memref<!tpu.dma_semaphore, #tpu.memory_space<semaphore_mem>>, %arg15: memref<!tpu.dma_semaphore, #tpu.memory_space<semaphore_mem>>, %arg16: memref<!tpu.dma_semaphore, #tpu.memory_space<semaphore_mem>>, %arg17: memref<!tpu.dma_semaphore, #tpu.memory_space<semaphore_mem>>, %arg18: memref<!tpu.dma_semaphore, #tpu.memory_space<semaphore_mem>>, %arg19: memref<!tpu.dma_semaphore, #tpu.memory_space<semaphore_mem>>, %arg20: memref<!tpu.dma_semaphore, #tpu.memory_space<semaphore_mem>>, %arg21: memref<!tpu.dma_semaphore, #tpu.memory_space<semaphore_mem>>, %arg22: memref<!tpu.dma_semaphore, #tpu.memory_space<semaphore_mem>>, %arg23: memref<10032x128xf32, #tpu.memory_space<vmem_shared>>) attributes {dimension_semantics = [#tpu.dimension_semantics<core_parallel>, #tpu.dimension_semantics<subcore_parallel>], iteration_bounds = array<i64: 2, 16>, scalar_prefetch = 0 : i64, scratch_operands = 17 : i64, tpu.core_type = #tpu.core_type<sc_vector_subcore>, window_params = [{transform_indices = #map}, {transform_indices = #map1}, {transform_indices = #map}, {transform_indices = #map}, {transform_indices = #map}]} {
    %mul3A = arith.constant 2 : i32
    %mul3A_0 = arith.muli %arg1, %mul3A : i32
    %add3A = arith.addi %mul3A_0, %arg0 : i32
    %run_scoped3A = arith.constant 0 : i32
    %run_scoped3A_1 = arith.constant 0 : i32
    "tpu.region"() ({
      %run_scoped3A_168 = tpu.sem_alloc : memref<!tpu.dma_semaphore, #tpu.memory_space<semaphore_mem>>
      %dma_start3A_169 = arith.constant 0 : i32
      %dma_start3A_170 = arith.constant 0 : i32
      %dma_start3A_171 = tpu.memref_slice %arg7[%run_scoped3A_1, %dma_start3A_169, %dma_start3A_170] : memref<6x2x128xi32, #tpu.memory_space<vmem>> -> memref<1x2x128xi32, #tpu.memory_space<vmem>>
      %dma_start3A_172 = tpu.memref_squeeze %dma_start3A_171 : memref<1x2x128xi32, #tpu.memory_space<vmem>> -> memref<2x128xi32, #tpu.memory_space<vmem>>
      %dma_start3A_173 = arith.constant 0 : i32
      %dma_start3A_174 = arith.constant 0 : i32
      %dma_start3A_175 = tpu.memref_slice %arg3[%add3A, %run_scoped3A, %dma_start3A_173, %dma_start3A_174] : memref<32x80x2x128xi32, #tpu.memory_space<hbm>> -> memref<1x1x2x128xi32, #tpu.memory_space<hbm>>
      %dma_start3A_176 = tpu.memref_squeeze %dma_start3A_175 : memref<1x1x2x128xi32, #tpu.memory_space<hbm>> -> memref<2x128xi32, #tpu.memory_space<hbm>>
      %dma_start3A_177 = arith.constant 0 : i32
      %dma_start3A_178 = arith.constant 0 : i32
      %dma_start3A_179 = tpu.memref_slice %arg7[%run_scoped3A_1, %dma_start3A_177, %dma_start3A_178] : memref<6x2x128xi32, #tpu.memory_space<vmem>> -> memref<1x2x128xi32, #tpu.memory_space<vmem>>
      %dma_start3A_180 = tpu.memref_squeeze %dma_start3A_179 : memref<1x2x128xi32, #tpu.memory_space<vmem>> -> memref<2x128xi32, #tpu.memory_space<vmem>>
      %dma_start3A_181 = arith.constant 0 : i32
      %dma_start3A_182 = arith.constant 0 : i32
      %dma_start3A_183 = tpu.memref_slice %arg3[%add3A, %run_scoped3A, %dma_start3A_181, %dma_start3A_182] : memref<32x80x2x128xi32, #tpu.memory_space<hbm>> -> memref<1x1x2x128xi32, #tpu.memory_space<hbm>>
      %dma_start3A_184 = tpu.memref_squeeze %dma_start3A_183 : memref<1x1x2x128xi32, #tpu.memory_space<hbm>> -> memref<2x128xi32, #tpu.memory_space<hbm>>
      tpu.enqueue_dma source(%dma_start3A_184 : memref<2x128xi32, #tpu.memory_space<hbm>>) target(%dma_start3A_180 : memref<2x128xi32, #tpu.memory_space<vmem>>) target_semaphore(%run_scoped3A_168 : memref<!tpu.dma_semaphore, #tpu.memory_space<semaphore_mem>>)
      %dma_wait3A_185 = arith.constant 0 : i32
      %dma_wait3A_186 = arith.constant 0 : i32
      %dma_wait3A_187 = tpu.memref_slice %arg7[%run_scoped3A_1, %dma_wait3A_185, %dma_wait3A_186] : memref<6x2x128xi32, #tpu.memory_space<vmem>> -> memref<1x2x128xi32, #tpu.memory_space<vmem>>
      %dma_wait3A_188 = tpu.memref_squeeze %dma_wait3A_187 : memref<1x2x128xi32, #tpu.memory_space<vmem>> -> memref<2x128xi32, #tpu.memory_space<vmem>>
      %dma_wait3A_189 = arith.constant 0 : i32
      %dma_wait3A_190 = arith.constant 0 : i32
      %dma_wait3A_191 = tpu.memref_slice %arg3[%add3A, %run_scoped3A, %dma_wait3A_189, %dma_wait3A_190] : memref<32x80x2x128xi32, #tpu.memory_space<hbm>> -> memref<1x1x2x128xi32, #tpu.memory_space<hbm>>
      %dma_wait3A_192 = tpu.memref_squeeze %dma_wait3A_191 : memref<1x1x2x128xi32, #tpu.memory_space<hbm>> -> memref<2x128xi32, #tpu.memory_space<hbm>>
      %dma_wait3A_193 = arith.constant 0 : i32
      %dma_wait3A_194 = arith.constant 0 : i32
      %dma_wait3A_195 = tpu.memref_slice %arg7[%run_scoped3A_1, %dma_wait3A_193, %dma_wait3A_194] : memref<6x2x128xi32, #tpu.memory_space<vmem>> -> memref<1x2x128xi32, #tpu.memory_space<vmem>>
      %dma_wait3A_196 = tpu.memref_squeeze %dma_wait3A_195 : memref<1x2x128xi32, #tpu.memory_space<vmem>> -> memref<2x128xi32, #tpu.memory_space<vmem>>
      %dma_wait3A_197 = arith.constant 0 : i32
      %dma_wait3A_198 = arith.constant 0 : i32
      %dma_wait3A_199 = tpu.memref_slice %arg3[%add3A, %run_scoped3A, %dma_wait3A_197, %dma_wait3A_198] : memref<32x80x2x128xi32, #tpu.memory_space<hbm>> -> memref<1x1x2x128xi32, #tpu.memory_space<hbm>>
      %dma_wait3A_200 = tpu.memref_squeeze %dma_wait3A_199 : memref<1x1x2x128xi32, #tpu.memory_space<hbm>> -> memref<2x128xi32, #tpu.memory_space<hbm>>
      tpu.wait_dma2 semaphore(%run_scoped3A_168 : memref<!tpu.dma_semaphore, #tpu.memory_space<semaphore_mem>>) src(%dma_wait3A_200 : memref<2x128xi32, #tpu.memory_space<hbm>>) dst(%dma_wait3A_196 : memref<2x128xi32, #tpu.memory_space<vmem>>)
      tpu.yield
    }) : () -> ()
    %dma_start3A = arith.constant 0 : i32
    %dma_start3A_2 = arith.constant 0 : i32
    %dma_start3A_3 = arith.constant 0 : i32
    %dma_start3A_4 = tpu.memref_slice %arg7[%dma_start3A, %dma_start3A_2, %dma_start3A_3] : memref<6x2x128xi32, #tpu.memory_space<vmem>> -> memref<1x1x128xi32, #tpu.memory_space<vmem>>
    %dma_start3A_5 = tpu.memref_squeeze %dma_start3A_4 : memref<1x1x128xi32, #tpu.memory_space<vmem>> -> memref<128xi32, #tpu.memory_space<vmem>>
    %dma_start3A_6 = arith.constant 0 : i32
    %dma_start3A_7 = arith.constant 0 : i32
    %dma_start3A_8 = tpu.memref_slice %arg2[%dma_start3A_6, %dma_start3A_7] : memref<10000x128xf32, #tpu.memory_space<hbm>> -> memref<10000x128xf32, #tpu.memory_space<hbm>>
    tpu.enqueue_indirect_dma source(%dma_start3A_8 : memref<10000x128xf32, #tpu.memory_space<hbm>>) target(%arg8 : memref<128x128xf32, #tpu.memory_space<vmem>>) offsets(%dma_start3A_5 : memref<128xi32, #tpu.memory_space<vmem>>) semaphore(%arg11 : memref<!tpu.dma_semaphore, #tpu.memory_space<semaphore_mem>>)
    %dma_start3A_9 = arith.constant 1 : i32
    %dma_start3A_10 = arith.constant 1 : i32
    %dma_start3A_11 = arith.constant 0 : i32
    %dma_start3A_12 = arith.constant 0 : i32
    %dma_start3A_13 = tpu.memref_slice %arg7[%dma_start3A_10, %dma_start3A_11, %dma_start3A_12] : memref<6x2x128xi32, #tpu.memory_space<vmem>> -> memref<1x2x128xi32, #tpu.memory_space<vmem>>
    %dma_start3A_14 = tpu.memref_squeeze %dma_start3A_13 : memref<1x2x128xi32, #tpu.memory_space<vmem>> -> memref<2x128xi32, #tpu.memory_space<vmem>>
    %dma_start3A_15 = arith.constant 0 : i32
    %dma_start3A_16 = arith.constant 0 : i32
    %dma_start3A_17 = tpu.memref_slice %arg3[%add3A, %dma_start3A_9, %dma_start3A_15, %dma_start3A_16] : memref<32x80x2x128xi32, #tpu.memory_space<hbm>> -> memref<1x1x2x128xi32, #tpu.memory_space<hbm>>
    %dma_start3A_18 = tpu.memref_squeeze %dma_start3A_17 : memref<1x1x2x128xi32, #tpu.memory_space<hbm>> -> memref<2x128xi32, #tpu.memory_space<hbm>>
    %dma_start3A_19 = arith.constant 0 : i32
    %dma_start3A_20 = arith.constant 0 : i32
    %dma_start3A_21 = tpu.memref_slice %arg7[%dma_start3A_10, %dma_start3A_19, %dma_start3A_20] : memref<6x2x128xi32, #tpu.memory_space<vmem>> -> memref<1x2x128xi32, #tpu.memory_space<vmem>>
    %dma_start3A_22 = tpu.memref_squeeze %dma_start3A_21 : memref<1x2x128xi32, #tpu.memory_space<vmem>> -> memref<2x128xi32, #tpu.memory_space<vmem>>
    %dma_start3A_23 = arith.constant 0 : i32
    %dma_start3A_24 = arith.constant 0 : i32
    %dma_start3A_25 = tpu.memref_slice %arg3[%add3A, %dma_start3A_9, %dma_start3A_23, %dma_start3A_24] : memref<32x80x2x128xi32, #tpu.memory_space<hbm>> -> memref<1x1x2x128xi32, #tpu.memory_space<hbm>>
    %dma_start3A_26 = tpu.memref_squeeze %dma_start3A_25 : memref<1x1x2x128xi32, #tpu.memory_space<hbm>> -> memref<2x128xi32, #tpu.memory_space<hbm>>
    tpu.enqueue_dma source(%dma_start3A_26 : memref<2x128xi32, #tpu.memory_space<hbm>>) target(%dma_start3A_22 : memref<2x128xi32, #tpu.memory_space<vmem>>) target_semaphore(%arg15 : memref<!tpu.dma_semaphore, #tpu.memory_space<semaphore_mem>>)
    %dma_start3A_27 = arith.constant 2 : i32
    %dma_start3A_28 = arith.constant 2 : i32
    %dma_start3A_29 = arith.constant 0 : i32
    %dma_start3A_30 = arith.constant 0 : i32
    %dma_start3A_31 = tpu.memref_slice %arg7[%dma_start3A_28, %dma_start3A_29, %dma_start3A_30] : memref<6x2x128xi32, #tpu.memory_space<vmem>> -> memref<1x2x128xi32, #tpu.memory_space<vmem>>
    %dma_start3A_32 = tpu.memref_squeeze %dma_start3A_31 : memref<1x2x128xi32, #tpu.memory_space<vmem>> -> memref<2x128xi32, #tpu.memory_space<vmem>>
    %dma_start3A_33 = arith.constant 0 : i32
    %dma_start3A_34 = arith.constant 0 : i32
    %dma_start3A_35 = tpu.memref_slice %arg3[%add3A, %dma_start3A_27, %dma_start3A_33, %dma_start3A_34] : memref<32x80x2x128xi32, #tpu.memory_space<hbm>> -> memref<1x1x2x128xi32, #tpu.memory_space<hbm>>
    %dma_start3A_36 = tpu.memref_squeeze %dma_start3A_35 : memref<1x1x2x128xi32, #tpu.memory_space<hbm>> -> memref<2x128xi32, #tpu.memory_space<hbm>>
    %dma_start3A_37 = arith.constant 0 : i32
    %dma_start3A_38 = arith.constant 0 : i32
    %dma_start3A_39 = tpu.memref_slice %arg7[%dma_start3A_28, %dma_start3A_37, %dma_start3A_38] : memref<6x2x128xi32, #tpu.memory_space<vmem>> -> memref<1x2x128xi32, #tpu.memory_space<vmem>>
    %dma_start3A_40 = tpu.memref_squeeze %dma_start3A_39 : memref<1x2x128xi32, #tpu.memory_space<vmem>> -> memref<2x128xi32, #tpu.memory_space<vmem>>
    %dma_start3A_41 = arith.constant 0 : i32
    %dma_start3A_42 = arith.constant 0 : i32
    %dma_start3A_43 = tpu.memref_slice %arg3[%add3A, %dma_start3A_27, %dma_start3A_41, %dma_start3A_42] : memref<32x80x2x128xi32, #tpu.memory_space<hbm>> -> memref<1x1x2x128xi32, #tpu.memory_space<hbm>>
    %dma_start3A_44 = tpu.memref_squeeze %dma_start3A_43 : memref<1x1x2x128xi32, #tpu.memory_space<hbm>> -> memref<2x128xi32, #tpu.memory_space<hbm>>
    tpu.enqueue_dma source(%dma_start3A_44 : memref<2x128xi32, #tpu.memory_space<hbm>>) target(%dma_start3A_40 : memref<2x128xi32, #tpu.memory_space<vmem>>) target_semaphore(%arg16 : memref<!tpu.dma_semaphore, #tpu.memory_space<semaphore_mem>>)
    %dma_start3A_45 = arith.constant 3 : i32
    %dma_start3A_46 = arith.constant 3 : i32
    %dma_start3A_47 = arith.constant 0 : i32
    %dma_start3A_48 = arith.constant 0 : i32
    %dma_start3A_49 = tpu.memref_slice %arg7[%dma_start3A_46, %dma_start3A_47, %dma_start3A_48] : memref<6x2x128xi32, #tpu.memory_space<vmem>> -> memref<1x2x128xi32, #tpu.memory_space<vmem>>
    %dma_start3A_50 = tpu.memref_squeeze %dma_start3A_49 : memref<1x2x128xi32, #tpu.memory_space<vmem>> -> memref<2x128xi32, #tpu.memory_space<vmem>>
    %dma_start3A_51 = arith.constant 0 : i32
    %dma_start3A_52 = arith.constant 0 : i32
    %dma_start3A_53 = tpu.memref_slice %arg3[%add3A, %dma_start3A_45, %dma_start3A_51, %dma_start3A_52] : memref<32x80x2x128xi32, #tpu.memory_space<hbm>> -> memref<1x1x2x128xi32, #tpu.memory_space<hbm>>
    %dma_start3A_54 = tpu.memref_squeeze %dma_start3A_53 : memref<1x1x2x128xi32, #tpu.memory_space<hbm>> -> memref<2x128xi32, #tpu.memory_space<hbm>>
    %dma_start3A_55 = arith.constant 0 : i32
    %dma_start3A_56 = arith.constant 0 : i32
    %dma_start3A_57 = tpu.memref_slice %arg7[%dma_start3A_46, %dma_start3A_55, %dma_start3A_56] : memref<6x2x128xi32, #tpu.memory_space<vmem>> -> memref<1x2x128xi32, #tpu.memory_space<vmem>>
    %dma_start3A_58 = tpu.memref_squeeze %dma_start3A_57 : memref<1x2x128xi32, #tpu.memory_space<vmem>> -> memref<2x128xi32, #tpu.memory_space<vmem>>
    %dma_start3A_59 = arith.constant 0 : i32
    %dma_start3A_60 = arith.constant 0 : i32
    %dma_start3A_61 = tpu.memref_slice %arg3[%add3A, %dma_start3A_45, %dma_start3A_59, %dma_start3A_60] : memref<32x80x2x128xi32, #tpu.memory_space<hbm>> -> memref<1x1x2x128xi32, #tpu.memory_space<hbm>>
    %dma_start3A_62 = tpu.memref_squeeze %dma_start3A_61 : memref<1x1x2x128xi32, #tpu.memory_space<hbm>> -> memref<2x128xi32, #tpu.memory_space<hbm>>
    tpu.enqueue_dma source(%dma_start3A_62 : memref<2x128xi32, #tpu.memory_space<hbm>>) target(%dma_start3A_58 : memref<2x128xi32, #tpu.memory_space<vmem>>) target_semaphore(%arg17 : memref<!tpu.dma_semaphore, #tpu.memory_space<semaphore_mem>>)
    %dma_wait3A = arith.constant 1 : i32
    %dma_wait3A_63 = arith.constant 1 : i32
    %dma_wait3A_64 = arith.constant 0 : i32
    %dma_wait3A_65 = arith.constant 0 : i32
    %dma_wait3A_66 = tpu.memref_slice %arg7[%dma_wait3A_63, %dma_wait3A_64, %dma_wait3A_65] : memref<6x2x128xi32, #tpu.memory_space<vmem>> -> memref<1x2x128xi32, #tpu.memory_space<vmem>>
    %dma_wait3A_67 = tpu.memref_squeeze %dma_wait3A_66 : memref<1x2x128xi32, #tpu.memory_space<vmem>> -> memref<2x128xi32, #tpu.memory_space<vmem>>
    %dma_wait3A_68 = arith.constant 0 : i32
    %dma_wait3A_69 = arith.constant 0 : i32
    %dma_wait3A_70 = tpu.memref_slice %arg3[%add3A, %dma_wait3A, %dma_wait3A_68, %dma_wait3A_69] : memref<32x80x2x128xi32, #tpu.memory_space<hbm>> -> memref<1x1x2x128xi32, #tpu.memory_space<hbm>>
    %dma_wait3A_71 = tpu.memref_squeeze %dma_wait3A_70 : memref<1x1x2x128xi32, #tpu.memory_space<hbm>> -> memref<2x128xi32, #tpu.memory_space<hbm>>
    %dma_wait3A_72 = arith.constant 0 : i32
    %dma_wait3A_73 = arith.constant 0 : i32
    %dma_wait3A_74 = tpu.memref_slice %arg7[%dma_wait3A_63, %dma_wait3A_72, %dma_wait3A_73] : memref<6x2x128xi32, #tpu.memory_space<vmem>> -> memref<1x2x128xi32, #tpu.memory_space<vmem>>
    %dma_wait3A_75 = tpu.memref_squeeze %dma_wait3A_74 : memref<1x2x128xi32, #tpu.memory_space<vmem>> -> memref<2x128xi32, #tpu.memory_space<vmem>>
    %dma_wait3A_76 = arith.constant 0 : i32
    %dma_wait3A_77 = arith.constant 0 : i32
    %dma_wait3A_78 = tpu.memref_slice %arg3[%add3A, %dma_wait3A, %dma_wait3A_76, %dma_wait3A_77] : memref<32x80x2x128xi32, #tpu.memory_space<hbm>> -> memref<1x1x2x128xi32, #tpu.memory_space<hbm>>
    %dma_wait3A_79 = tpu.memref_squeeze %dma_wait3A_78 : memref<1x1x2x128xi32, #tpu.memory_space<hbm>> -> memref<2x128xi32, #tpu.memory_space<hbm>>
    tpu.wait_dma2 semaphore(%arg15 : memref<!tpu.dma_semaphore, #tpu.memory_space<semaphore_mem>>) src(%dma_wait3A_79 : memref<2x128xi32, #tpu.memory_space<hbm>>) dst(%dma_wait3A_75 : memref<2x128xi32, #tpu.memory_space<vmem>>)
    %dma_start3A_80 = arith.constant 1 : i32
    %dma_start3A_81 = arith.constant 0 : i32
    %dma_start3A_82 = arith.constant 0 : i32
    %dma_start3A_83 = tpu.memref_slice %arg7[%dma_start3A_80, %dma_start3A_81, %dma_start3A_82] : memref<6x2x128xi32, #tpu.memory_space<vmem>> -> memref<1x1x128xi32, #tpu.memory_space<vmem>>
    %dma_start3A_84 = tpu.memref_squeeze %dma_start3A_83 : memref<1x1x128xi32, #tpu.memory_space<vmem>> -> memref<128xi32, #tpu.memory_space<vmem>>
    %dma_start3A_85 = arith.constant 0 : i32
    %dma_start3A_86 = arith.constant 0 : i32
    %dma_start3A_87 = tpu.memref_slice %arg2[%dma_start3A_85, %dma_start3A_86] : memref<10000x128xf32, #tpu.memory_space<hbm>> -> memref<10000x128xf32, #tpu.memory_space<hbm>>
    tpu.enqueue_indirect_dma source(%dma_start3A_87 : memref<10000x128xf32, #tpu.memory_space<hbm>>) target(%arg9 : memref<128x128xf32, #tpu.memory_space<vmem>>) offsets(%dma_start3A_84 : memref<128xi32, #tpu.memory_space<vmem>>) semaphore(%arg12 : memref<!tpu.dma_semaphore, #tpu.memory_space<semaphore_mem>>)
    %mul3A_88 = arith.constant 640 : i32
    %mul3A_89 = arith.muli %arg1, %mul3A_88 : i32
    %multiple_of3A = tpu.assume_multiple %mul3A_89, 8 : i32
    %lt3A = arith.constant 15 : i32
    %lt3A_90 = arith.cmpi slt, %arg1, %lt3A : i32
    %convert_element_type3A = arith.extui %lt3A_90 : i1 to i32
    %cond3A = arith.constant 0 : i32
    %cond3A_91 = arith.cmpi ne, %convert_element_type3A, %cond3A : i32
    scf.if %cond3A_91 {
      "tpu.region"() ({
        %run_scoped3A_168 = tpu.sem_alloc : memref<!tpu.dma_semaphore, #tpu.memory_space<semaphore_mem>>
        %dma_start3A_169 = arith.constant 0 : i32
        %dma_start3A_170 = tpu.memref_slice %arg23[%multiple_of3A, %dma_start3A_169] : memref<10032x128xf32, #tpu.memory_space<vmem_shared>> -> memref<640x128xf32, #tpu.memory_space<vmem_shared>>
        %dma_start3A_171 = arith.constant 0 : i32
        %dma_start3A_172 = tpu.memref_slice %arg4[%multiple_of3A, %dma_start3A_171] : memref<10032x128xf32, #tpu.memory_space<hbm>> -> memref<640x128xf32, #tpu.memory_space<hbm>>
        tpu.enqueue_dma source(%dma_start3A_172 : memref<640x128xf32, #tpu.memory_space<hbm>>) target(%dma_start3A_170 : memref<640x128xf32, #tpu.memory_space<vmem_shared>>) target_semaphore(%run_scoped3A_168 : memref<!tpu.dma_semaphore, #tpu.memory_space<semaphore_mem>>)
        %dma_wait3A_173 = arith.constant 0 : i32
        %dma_wait3A_174 = tpu.memref_slice %arg23[%multiple_of3A, %dma_wait3A_173] : memref<10032x128xf32, #tpu.memory_space<vmem_shared>> -> memref<640x128xf32, #tpu.memory_space<vmem_shared>>
        %dma_wait3A_175 = arith.constant 0 : i32
        %dma_wait3A_176 = tpu.memref_slice %arg4[%multiple_of3A, %dma_wait3A_175] : memref<10032x128xf32, #tpu.memory_space<hbm>> -> memref<640x128xf32, #tpu.memory_space<hbm>>
        tpu.wait_dma2 semaphore(%run_scoped3A_168 : memref<!tpu.dma_semaphore, #tpu.memory_space<semaphore_mem>>) src(%dma_wait3A_176 : memref<640x128xf32, #tpu.memory_space<hbm>>) dst(%dma_wait3A_174 : memref<640x128xf32, #tpu.memory_space<vmem_shared>>)
        tpu.yield
      }) : () -> ()
    } else {
    }
    %eq3A = arith.constant 15 : i32
    %eq3A_92 = arith.cmpi eq, %arg1, %eq3A : i32
    %convert_element_type3A_93 = arith.extui %eq3A_92 : i1 to i32
    %cond3A_94 = arith.constant 0 : i32
    %cond3A_95 = arith.cmpi ne, %convert_element_type3A_93, %cond3A_94 : i32
    scf.if %cond3A_95 {
      "tpu.region"() ({
        %run_scoped3A_168 = tpu.sem_alloc : memref<!tpu.dma_semaphore, #tpu.memory_space<semaphore_mem>>
        %dma_start3A_169 = arith.constant 9600 : i32
        %dma_start3A_170 = arith.constant 0 : i32
        %dma_start3A_171 = tpu.memref_slice %arg23[%dma_start3A_169, %dma_start3A_170] : memref<10032x128xf32, #tpu.memory_space<vmem_shared>> -> memref<432x128xf32, #tpu.memory_space<vmem_shared>>
        %dma_start3A_172 = arith.constant 9600 : i32
        %dma_start3A_173 = arith.constant 0 : i32
        %dma_start3A_174 = tpu.memref_slice %arg4[%dma_start3A_172, %dma_start3A_173] : memref<10032x128xf32, #tpu.memory_space<hbm>> -> memref<432x128xf32, #tpu.memory_space<hbm>>
        tpu.enqueue_dma source(%dma_start3A_174 : memref<432x128xf32, #tpu.memory_space<hbm>>) target(%dma_start3A_171 : memref<432x128xf32, #tpu.memory_space<vmem_shared>>) target_semaphore(%run_scoped3A_168 : memref<!tpu.dma_semaphore, #tpu.memory_space<semaphore_mem>>)
        %dma_wait3A_175 = arith.constant 9600 : i32
        %dma_wait3A_176 = arith.constant 0 : i32
        %dma_wait3A_177 = tpu.memref_slice %arg23[%dma_wait3A_175, %dma_wait3A_176] : memref<10032x128xf32, #tpu.memory_space<vmem_shared>> -> memref<432x128xf32, #tpu.memory_space<vmem_shared>>
        %dma_wait3A_178 = arith.constant 9600 : i32
        %dma_wait3A_179 = arith.constant 0 : i32
        %dma_wait3A_180 = tpu.memref_slice %arg4[%dma_wait3A_178, %dma_wait3A_179] : memref<10032x128xf32, #tpu.memory_space<hbm>> -> memref<432x128xf32, #tpu.memory_space<hbm>>
        tpu.wait_dma2 semaphore(%run_scoped3A_168 : memref<!tpu.dma_semaphore, #tpu.memory_space<semaphore_mem>>) src(%dma_wait3A_180 : memref<432x128xf32, #tpu.memory_space<hbm>>) dst(%dma_wait3A_177 : memref<432x128xf32, #tpu.memory_space<vmem_shared>>)
        tpu.yield
      }) : () -> ()
    } else {
    }
    %barrier3A = arith.constant 0 : index
    tpu.barrier barrier_id(%barrier3A)
    %scan3A = arith.constant 0 : i32
    %scan3A_96 = arith.constant 0 : i32
    %scan3A_97 = arith.constant 13 : i32
    %scan3A_98 = arith.addi %scan3A_96, %scan3A_97 : i32
    %scan3A_99 = arith.constant 1 : i32
    scf.for %scan3A_168 = %scan3A_96 to %scan3A_98 step %scan3A_99  : i32 {
      %mul3A_169 = arith.constant 6 : i32
      %mul3A_170 = arith.muli %mul3A_169, %scan3A_168 : i32
      %add3A_171 = arith.constant 0 : i32
      %add3A_172 = arith.addi %mul3A_170, %add3A_171 : i32
      %add3A_173 = arith.constant 2 : i32
      %add3A_174 = arith.addi %add3A_172, %add3A_173 : i32
      %lt3A_175 = arith.constant 80 : i32
      %lt3A_176 = arith.cmpi slt, %add3A_174, %lt3A_175 : i32
      %convert_element_type3A_177 = arith.extui %lt3A_176 : i1 to i32
      %cond3A_178 = arith.constant 0 : i32
      %cond3A_179 = arith.cmpi ne, %convert_element_type3A_177, %cond3A_178 : i32
      scf.if %cond3A_179 {
        %add3A_373 = arith.constant 2 : i32
        %add3A_374 = arith.addi %add3A_172, %add3A_373 : i32
        %dma_wait3A_375 = arith.constant 2 : i32
        %dma_wait3A_376 = arith.constant 0 : i32
        %dma_wait3A_377 = arith.constant 0 : i32
        %dma_wait3A_378 = tpu.memref_slice %arg7[%dma_wait3A_375, %dma_wait3A_376, %dma_wait3A_377] : memref<6x2x128xi32, #tpu.memory_space<vmem>> -> memref<1x2x128xi32, #tpu.memory_space<vmem>>
        %dma_wait3A_379 = tpu.memref_squeeze %dma_wait3A_378 : memref<1x2x128xi32, #tpu.memory_space<vmem>> -> memref<2x128xi32, #tpu.memory_space<vmem>>
        %dma_wait3A_380 = arith.constant 0 : i32
        %dma_wait3A_381 = arith.constant 0 : i32
        %dma_wait3A_382 = tpu.memref_slice %arg3[%add3A, %add3A_374, %dma_wait3A_380, %dma_wait3A_381] : memref<32x80x2x128xi32, #tpu.memory_space<hbm>> -> memref<1x1x2x128xi32, #tpu.memory_space<hbm>>
        %dma_wait3A_383 = tpu.memref_squeeze %dma_wait3A_382 : memref<1x1x2x128xi32, #tpu.memory_space<hbm>> -> memref<2x128xi32, #tpu.memory_space<hbm>>
        %dma_wait3A_384 = arith.constant 0 : i32
        %dma_wait3A_385 = arith.constant 0 : i32
        %dma_wait3A_386 = tpu.memref_slice %arg7[%dma_wait3A_375, %dma_wait3A_384, %dma_wait3A_385] : memref<6x2x128xi32, #tpu.memory_space<vmem>> -> memref<1x2x128xi32, #tpu.memory_space<vmem>>
        %dma_wait3A_387 = tpu.memref_squeeze %dma_wait3A_386 : memref<1x2x128xi32, #tpu.memory_space<vmem>> -> memref<2x128xi32, #tpu.memory_space<vmem>>
        %dma_wait3A_388 = arith.constant 0 : i32
        %dma_wait3A_389 = arith.constant 0 : i32
        %dma_wait3A_390 = tpu.memref_slice %arg3[%add3A, %add3A_374, %dma_wait3A_388, %dma_wait3A_389] : memref<32x80x2x128xi32, #tpu.memory_space<hbm>> -> memref<1x1x2x128xi32, #tpu.memory_space<hbm>>
        %dma_wait3A_391 = tpu.memref_squeeze %dma_wait3A_390 : memref<1x1x2x128xi32, #tpu.memory_space<hbm>> -> memref<2x128xi32, #tpu.memory_space<hbm>>
        tpu.wait_dma2 semaphore(%arg16 : memref<!tpu.dma_semaphore, #tpu.memory_space<semaphore_mem>>) src(%dma_wait3A_391 : memref<2x128xi32, #tpu.memory_space<hbm>>) dst(%dma_wait3A_387 : memref<2x128xi32, #tpu.memory_space<vmem>>)
        %ge3A = arith.constant 1 : i32
        %ge3A_392 = arith.cmpi sge, %add3A_172, %ge3A : i32
        %convert_element_type3A_393 = arith.extui %ge3A_392 : i1 to i32
        %cond3A_394 = arith.constant 0 : i32
        %cond3A_395 = arith.cmpi ne, %convert_element_type3A_393, %cond3A_394 : i32
        scf.if %cond3A_395 {
          %dma_wait3A_404 = arith.constant 5 : i32
          %dma_wait3A_405 = arith.constant 1 : i32
          %dma_wait3A_406 = arith.constant 0 : i32
          %dma_wait3A_407 = tpu.memref_slice %arg7[%dma_wait3A_404, %dma_wait3A_405, %dma_wait3A_406] : memref<6x2x128xi32, #tpu.memory_space<vmem>> -> memref<1x1x128xi32, #tpu.memory_space<vmem>>
          %dma_wait3A_408 = tpu.memref_squeeze %dma_wait3A_407 : memref<1x1x128xi32, #tpu.memory_space<vmem>> -> memref<128xi32, #tpu.memory_space<vmem>>
          %dma_wait3A_409 = arith.constant 0 : i32
          %dma_wait3A_410 = arith.constant 0 : i32
          %dma_wait3A_411 = tpu.memref_slice %arg23[%dma_wait3A_409, %dma_wait3A_410] : memref<10032x128xf32, #tpu.memory_space<vmem_shared>> -> memref<10032x128xf32, #tpu.memory_space<vmem_shared>>
          tpu.wait_indirect_dma semaphore(%arg22 : memref<!tpu.dma_semaphore, #tpu.memory_space<semaphore_mem>>) src(%arg10 : memref<128x128xf32, #tpu.memory_space<vmem>>) dst(%dma_wait3A_411 : memref<10032x128xf32, #tpu.memory_space<vmem_shared>>)
        } else {
        }
        %dma_start3A_396 = arith.constant 2 : i32
        %dma_start3A_397 = arith.constant 0 : i32
        %dma_start3A_398 = arith.constant 0 : i32
        %dma_start3A_399 = tpu.memref_slice %arg7[%dma_start3A_396, %dma_start3A_397, %dma_start3A_398] : memref<6x2x128xi32, #tpu.memory_space<vmem>> -> memref<1x1x128xi32, #tpu.memory_space<vmem>>
        %dma_start3A_400 = tpu.memref_squeeze %dma_start3A_399 : memref<1x1x128xi32, #tpu.memory_space<vmem>> -> memref<128xi32, #tpu.memory_space<vmem>>
        %dma_start3A_401 = arith.constant 0 : i32
        %dma_start3A_402 = arith.constant 0 : i32
        %dma_start3A_403 = tpu.memref_slice %arg2[%dma_start3A_401, %dma_start3A_402] : memref<10000x128xf32, #tpu.memory_space<hbm>> -> memref<10000x128xf32, #tpu.memory_space<hbm>>
        tpu.enqueue_indirect_dma source(%dma_start3A_403 : memref<10000x128xf32, #tpu.memory_space<hbm>>) target(%arg10 : memref<128x128xf32, #tpu.memory_space<vmem>>) offsets(%dma_start3A_400 : memref<128xi32, #tpu.memory_space<vmem>>) semaphore(%arg13 : memref<!tpu.dma_semaphore, #tpu.memory_space<semaphore_mem>>)
      } else {
      }
      %dma_wait3A_180 = arith.constant 0 : i32
      %dma_wait3A_181 = arith.constant 0 : i32
      %dma_wait3A_182 = arith.constant 0 : i32
      %dma_wait3A_183 = tpu.memref_slice %arg7[%dma_wait3A_180, %dma_wait3A_181, %dma_wait3A_182] : memref<6x2x128xi32, #tpu.memory_space<vmem>> -> memref<1x1x128xi32, #tpu.memory_space<vmem>>
      %dma_wait3A_184 = tpu.memref_squeeze %dma_wait3A_183 : memref<1x1x128xi32, #tpu.memory_space<vmem>> -> memref<128xi32, #tpu.memory_space<vmem>>
      %dma_wait3A_185 = arith.constant 0 : i32
      %dma_wait3A_186 = arith.constant 0 : i32
      %dma_wait3A_187 = tpu.memref_slice %arg2[%dma_wait3A_185, %dma_wait3A_186] : memref<10000x128xf32, #tpu.memory_space<hbm>> -> memref<10000x128xf32, #tpu.memory_space<hbm>>
      tpu.wait_indirect_dma semaphore(%arg11 : memref<!tpu.dma_semaphore, #tpu.memory_space<semaphore_mem>>) src(%dma_wait3A_187 : memref<10000x128xf32, #tpu.memory_space<hbm>>) dst(%arg8 : memref<128x128xf32, #tpu.memory_space<vmem>>)
      %dma_start3A_188 = arith.constant 0 : i32
      %dma_start3A_189 = arith.constant 1 : i32
      %dma_start3A_190 = arith.constant 0 : i32
      %dma_start3A_191 = tpu.memref_slice %arg7[%dma_start3A_188, %dma_start3A_189, %dma_start3A_190] : memref<6x2x128xi32, #tpu.memory_space<vmem>> -> memref<1x1x128xi32, #tpu.memory_space<vmem>>
      %dma_start3A_192 = tpu.memref_squeeze %dma_start3A_191 : memref<1x1x128xi32, #tpu.memory_space<vmem>> -> memref<128xi32, #tpu.memory_space<vmem>>
      %dma_start3A_193 = arith.constant 0 : i32
      %dma_start3A_194 = arith.constant 0 : i32
      %dma_start3A_195 = tpu.memref_slice %arg23[%dma_start3A_193, %dma_start3A_194] : memref<10032x128xf32, #tpu.memory_space<vmem_shared>> -> memref<10032x128xf32, #tpu.memory_space<vmem_shared>>
      tpu.enqueue_indirect_dma source(%arg8 : memref<128x128xf32, #tpu.memory_space<vmem>>) target(%dma_start3A_195 : memref<10032x128xf32, #tpu.memory_space<vmem_shared>>) offsets(%dma_start3A_192 : memref<128xi32, #tpu.memory_space<vmem>>) semaphore(%arg20 : memref<!tpu.dma_semaphore, #tpu.memory_space<semaphore_mem>>) {add = true}
      %add3A_196 = arith.constant 4 : i32
      %add3A_197 = arith.addi %add3A_172, %add3A_196 : i32
      %lt3A_198 = arith.constant 80 : i32
      %lt3A_199 = arith.cmpi slt, %add3A_197, %lt3A_198 : i32
      %convert_element_type3A_200 = arith.extui %lt3A_199 : i1 to i32
      %cond3A_201 = arith.constant 0 : i32
      %cond3A_202 = arith.cmpi ne, %convert_element_type3A_200, %cond3A_201 : i32
      scf.if %cond3A_202 {
        %add3A_373 = arith.constant 4 : i32
        %add3A_374 = arith.addi %add3A_172, %add3A_373 : i32
        %dma_start3A_375 = arith.constant 4 : i32
        %dma_start3A_376 = arith.constant 0 : i32
        %dma_start3A_377 = arith.constant 0 : i32
        %dma_start3A_378 = tpu.memref_slice %arg7[%dma_start3A_375, %dma_start3A_376, %dma_start3A_377] : memref<6x2x128xi32, #tpu.memory_space<vmem>> -> memref<1x2x128xi32, #tpu.memory_space<vmem>>
        %dma_start3A_379 = tpu.memref_squeeze %dma_start3A_378 : memref<1x2x128xi32, #tpu.memory_space<vmem>> -> memref<2x128xi32, #tpu.memory_space<vmem>>
        %dma_start3A_380 = arith.constant 0 : i32
        %dma_start3A_381 = arith.constant 0 : i32
        %dma_start3A_382 = tpu.memref_slice %arg3[%add3A, %add3A_374, %dma_start3A_380, %dma_start3A_381] : memref<32x80x2x128xi32, #tpu.memory_space<hbm>> -> memref<1x1x2x128xi32, #tpu.memory_space<hbm>>
        %dma_start3A_383 = tpu.memref_squeeze %dma_start3A_382 : memref<1x1x2x128xi32, #tpu.memory_space<hbm>> -> memref<2x128xi32, #tpu.memory_space<hbm>>
        %dma_start3A_384 = arith.constant 0 : i32
        %dma_start3A_385 = arith.constant 0 : i32
        %dma_start3A_386 = tpu.memref_slice %arg7[%dma_start3A_375, %dma_start3A_384, %dma_start3A_385] : memref<6x2x128xi32, #tpu.memory_space<vmem>> -> memref<1x2x128xi32, #tpu.memory_space<vmem>>
        %dma_start3A_387 = tpu.memref_squeeze %dma_start3A_386 : memref<1x2x128xi32, #tpu.memory_space<vmem>> -> memref<2x128xi32, #tpu.memory_space<vmem>>
        %dma_start3A_388 = arith.constant 0 : i32
        %dma_start3A_389 = arith.constant 0 : i32
        %dma_start3A_390 = tpu.memref_slice %arg3[%add3A, %add3A_374, %dma_start3A_388, %dma_start3A_389] : memref<32x80x2x128xi32, #tpu.memory_space<hbm>> -> memref<1x1x2x128xi32, #tpu.memory_space<hbm>>
        %dma_start3A_391 = tpu.memref_squeeze %dma_start3A_390 : memref<1x1x2x128xi32, #tpu.memory_space<hbm>> -> memref<2x128xi32, #tpu.memory_space<hbm>>
        tpu.enqueue_dma source(%dma_start3A_391 : memref<2x128xi32, #tpu.memory_space<hbm>>) target(%dma_start3A_387 : memref<2x128xi32, #tpu.memory_space<vmem>>) target_semaphore(%arg18 : memref<!tpu.dma_semaphore, #tpu.memory_space<semaphore_mem>>)
      } else {
      }
      %mul3A_203 = arith.constant 6 : i32
      %mul3A_204 = arith.muli %mul3A_203, %scan3A_168 : i32
      %add3A_205 = arith.constant 1 : i32
      %add3A_206 = arith.addi %mul3A_204, %add3A_205 : i32
      %add3A_207 = arith.constant 2 : i32
      %add3A_208 = arith.addi %add3A_206, %add3A_207 : i32
      %lt3A_209 = arith.constant 80 : i32
      %lt3A_210 = arith.cmpi slt, %add3A_208, %lt3A_209 : i32
      %convert_element_type3A_211 = arith.extui %lt3A_210 : i1 to i32
      %cond3A_212 = arith.constant 0 : i32
      %cond3A_213 = arith.cmpi ne, %convert_element_type3A_211, %cond3A_212 : i32
      scf.if %cond3A_213 {
        %add3A_373 = arith.constant 2 : i32
        %add3A_374 = arith.addi %add3A_206, %add3A_373 : i32
        %dma_wait3A_375 = arith.constant 3 : i32
        %dma_wait3A_376 = arith.constant 0 : i32
        %dma_wait3A_377 = arith.constant 0 : i32
        %dma_wait3A_378 = tpu.memref_slice %arg7[%dma_wait3A_375, %dma_wait3A_376, %dma_wait3A_377] : memref<6x2x128xi32, #tpu.memory_space<vmem>> -> memref<1x2x128xi32, #tpu.memory_space<vmem>>
        %dma_wait3A_379 = tpu.memref_squeeze %dma_wait3A_378 : memref<1x2x128xi32, #tpu.memory_space<vmem>> -> memref<2x128xi32, #tpu.memory_space<vmem>>
        %dma_wait3A_380 = arith.constant 0 : i32
        %dma_wait3A_381 = arith.constant 0 : i32
        %dma_wait3A_382 = tpu.memref_slice %arg3[%add3A, %add3A_374, %dma_wait3A_380, %dma_wait3A_381] : memref<32x80x2x128xi32, #tpu.memory_space<hbm>> -> memref<1x1x2x128xi32, #tpu.memory_space<hbm>>
        %dma_wait3A_383 = tpu.memref_squeeze %dma_wait3A_382 : memref<1x1x2x128xi32, #tpu.memory_space<hbm>> -> memref<2x128xi32, #tpu.memory_space<hbm>>
        %dma_wait3A_384 = arith.constant 0 : i32
        %dma_wait3A_385 = arith.constant 0 : i32
        %dma_wait3A_386 = tpu.memref_slice %arg7[%dma_wait3A_375, %dma_wait3A_384, %dma_wait3A_385] : memref<6x2x128xi32, #tpu.memory_space<vmem>> -> memref<1x2x128xi32, #tpu.memory_space<vmem>>
        %dma_wait3A_387 = tpu.memref_squeeze %dma_wait3A_386 : memref<1x2x128xi32, #tpu.memory_space<vmem>> -> memref<2x128xi32, #tpu.memory_space<vmem>>
        %dma_wait3A_388 = arith.constant 0 : i32
        %dma_wait3A_389 = arith.constant 0 : i32
        %dma_wait3A_390 = tpu.memref_slice %arg3[%add3A, %add3A_374, %dma_wait3A_388, %dma_wait3A_389] : memref<32x80x2x128xi32, #tpu.memory_space<hbm>> -> memref<1x1x2x128xi32, #tpu.memory_space<hbm>>
        %dma_wait3A_391 = tpu.memref_squeeze %dma_wait3A_390 : memref<1x1x2x128xi32, #tpu.memory_space<hbm>> -> memref<2x128xi32, #tpu.memory_space<hbm>>
        tpu.wait_dma2 semaphore(%arg17 : memref<!tpu.dma_semaphore, #tpu.memory_space<semaphore_mem>>) src(%dma_wait3A_391 : memref<2x128xi32, #tpu.memory_space<hbm>>) dst(%dma_wait3A_387 : memref<2x128xi32, #tpu.memory_space<vmem>>)
        %ge3A = arith.constant 1 : i32
        %ge3A_392 = arith.cmpi sge, %add3A_206, %ge3A : i32
        %convert_element_type3A_393 = arith.extui %ge3A_392 : i1 to i32
        %cond3A_394 = arith.constant 0 : i32
        %cond3A_395 = arith.cmpi ne, %convert_element_type3A_393, %cond3A_394 : i32
        scf.if %cond3A_395 {
          %dma_wait3A_404 = arith.constant 0 : i32
          %dma_wait3A_405 = arith.constant 1 : i32
          %dma_wait3A_406 = arith.constant 0 : i32
          %dma_wait3A_407 = tpu.memref_slice %arg7[%dma_wait3A_404, %dma_wait3A_405, %dma_wait3A_406] : memref<6x2x128xi32, #tpu.memory_space<vmem>> -> memref<1x1x128xi32, #tpu.memory_space<vmem>>
          %dma_wait3A_408 = tpu.memref_squeeze %dma_wait3A_407 : memref<1x1x128xi32, #tpu.memory_space<vmem>> -> memref<128xi32, #tpu.memory_space<vmem>>
          %dma_wait3A_409 = arith.constant 0 : i32
          %dma_wait3A_410 = arith.constant 0 : i32
          %dma_wait3A_411 = tpu.memref_slice %arg23[%dma_wait3A_409, %dma_wait3A_410] : memref<10032x128xf32, #tpu.memory_space<vmem_shared>> -> memref<10032x128xf32, #tpu.memory_space<vmem_shared>>
          tpu.wait_indirect_dma semaphore(%arg20 : memref<!tpu.dma_semaphore, #tpu.memory_space<semaphore_mem>>) src(%arg8 : memref<128x128xf32, #tpu.memory_space<vmem>>) dst(%dma_wait3A_411 : memref<10032x128xf32, #tpu.memory_space<vmem_shared>>)
        } else {
        }
        %dma_start3A_396 = arith.constant 3 : i32
        %dma_start3A_397 = arith.constant 0 : i32
        %dma_start3A_398 = arith.constant 0 : i32
        %dma_start3A_399 = tpu.memref_slice %arg7[%dma_start3A_396, %dma_start3A_397, %dma_start3A_398] : memref<6x2x128xi32, #tpu.memory_space<vmem>> -> memref<1x1x128xi32, #tpu.memory_space<vmem>>
        %dma_start3A_400 = tpu.memref_squeeze %dma_start3A_399 : memref<1x1x128xi32, #tpu.memory_space<vmem>> -> memref<128xi32, #tpu.memory_space<vmem>>
        %dma_start3A_401 = arith.constant 0 : i32
        %dma_start3A_402 = arith.constant 0 : i32
        %dma_start3A_403 = tpu.memref_slice %arg2[%dma_start3A_401, %dma_start3A_402] : memref<10000x128xf32, #tpu.memory_space<hbm>> -> memref<10000x128xf32, #tpu.memory_space<hbm>>
        tpu.enqueue_indirect_dma source(%dma_start3A_403 : memref<10000x128xf32, #tpu.memory_space<hbm>>) target(%arg8 : memref<128x128xf32, #tpu.memory_space<vmem>>) offsets(%dma_start3A_400 : memref<128xi32, #tpu.memory_space<vmem>>) semaphore(%arg11 : memref<!tpu.dma_semaphore, #tpu.memory_space<semaphore_mem>>)
      } else {
      }
      %dma_wait3A_214 = arith.constant 1 : i32
      %dma_wait3A_215 = arith.constant 0 : i32
      %dma_wait3A_216 = arith.constant 0 : i32
      %dma_wait3A_217 = tpu.memref_slice %arg7[%dma_wait3A_214, %dma_wait3A_215, %dma_wait3A_216] : memref<6x2x128xi32, #tpu.memory_space<vmem>> -> memref<1x1x128xi32, #tpu.memory_space<vmem>>
      %dma_wait3A_218 = tpu.memref_squeeze %dma_wait3A_217 : memref<1x1x128xi32, #tpu.memory_space<vmem>> -> memref<128xi32, #tpu.memory_space<vmem>>
      %dma_wait3A_219 = arith.constant 0 : i32
      %dma_wait3A_220 = arith.constant 0 : i32
      %dma_wait3A_221 = tpu.memref_slice %arg2[%dma_wait3A_219, %dma_wait3A_220] : memref<10000x128xf32, #tpu.memory_space<hbm>> -> memref<10000x128xf32, #tpu.memory_space<hbm>>
      tpu.wait_indirect_dma semaphore(%arg12 : memref<!tpu.dma_semaphore, #tpu.memory_space<semaphore_mem>>) src(%dma_wait3A_221 : memref<10000x128xf32, #tpu.memory_space<hbm>>) dst(%arg9 : memref<128x128xf32, #tpu.memory_space<vmem>>)
      %dma_start3A_222 = arith.constant 1 : i32
      %dma_start3A_223 = arith.constant 1 : i32
      %dma_start3A_224 = arith.constant 0 : i32
      %dma_start3A_225 = tpu.memref_slice %arg7[%dma_start3A_222, %dma_start3A_223, %dma_start3A_224] : memref<6x2x128xi32, #tpu.memory_space<vmem>> -> memref<1x1x128xi32, #tpu.memory_space<vmem>>
      %dma_start3A_226 = tpu.memref_squeeze %dma_start3A_225 : memref<1x1x128xi32, #tpu.memory_space<vmem>> -> memref<128xi32, #tpu.memory_space<vmem>>
      %dma_start3A_227 = arith.constant 0 : i32
      %dma_start3A_228 = arith.constant 0 : i32
      %dma_start3A_229 = tpu.memref_slice %arg23[%dma_start3A_227, %dma_start3A_228] : memref<10032x128xf32, #tpu.memory_space<vmem_shared>> -> memref<10032x128xf32, #tpu.memory_space<vmem_shared>>
      tpu.enqueue_indirect_dma source(%arg9 : memref<128x128xf32, #tpu.memory_space<vmem>>) target(%dma_start3A_229 : memref<10032x128xf32, #tpu.memory_space<vmem_shared>>) offsets(%dma_start3A_226 : memref<128xi32, #tpu.memory_space<vmem>>) semaphore(%arg21 : memref<!tpu.dma_semaphore, #tpu.memory_space<semaphore_mem>>) {add = true}
      %add3A_230 = arith.constant 4 : i32
      %add3A_231 = arith.addi %add3A_206, %add3A_230 : i32
      %lt3A_232 = arith.constant 80 : i32
      %lt3A_233 = arith.cmpi slt, %add3A_231, %lt3A_232 : i32
      %convert_element_type3A_234 = arith.extui %lt3A_233 : i1 to i32
      %cond3A_235 = arith.constant 0 : i32
      %cond3A_236 = arith.cmpi ne, %convert_element_type3A_234, %cond3A_235 : i32
      scf.if %cond3A_236 {
        %add3A_373 = arith.constant 4 : i32
        %add3A_374 = arith.addi %add3A_206, %add3A_373 : i32
        %dma_start3A_375 = arith.constant 5 : i32
        %dma_start3A_376 = arith.constant 0 : i32
        %dma_start3A_377 = arith.constant 0 : i32
        %dma_start3A_378 = tpu.memref_slice %arg7[%dma_start3A_375, %dma_start3A_376, %dma_start3A_377] : memref<6x2x128xi32, #tpu.memory_space<vmem>> -> memref<1x2x128xi32, #tpu.memory_space<vmem>>
        %dma_start3A_379 = tpu.memref_squeeze %dma_start3A_378 : memref<1x2x128xi32, #tpu.memory_space<vmem>> -> memref<2x128xi32, #tpu.memory_space<vmem>>
        %dma_start3A_380 = arith.constant 0 : i32
        %dma_start3A_381 = arith.constant 0 : i32
        %dma_start3A_382 = tpu.memref_slice %arg3[%add3A, %add3A_374, %dma_start3A_380, %dma_start3A_381] : memref<32x80x2x128xi32, #tpu.memory_space<hbm>> -> memref<1x1x2x128xi32, #tpu.memory_space<hbm>>
        %dma_start3A_383 = tpu.memref_squeeze %dma_start3A_382 : memref<1x1x2x128xi32, #tpu.memory_space<hbm>> -> memref<2x128xi32, #tpu.memory_space<hbm>>
        %dma_start3A_384 = arith.constant 0 : i32
        %dma_start3A_385 = arith.constant 0 : i32
        %dma_start3A_386 = tpu.memref_slice %arg7[%dma_start3A_375, %dma_start3A_384, %dma_start3A_385] : memref<6x2x128xi32, #tpu.memory_space<vmem>> -> memref<1x2x128xi32, #tpu.memory_space<vmem>>
        %dma_start3A_387 = tpu.memref_squeeze %dma_start3A_386 : memref<1x2x128xi32, #tpu.memory_space<vmem>> -> memref<2x128xi32, #tpu.memory_space<vmem>>
        %dma_start3A_388 = arith.constant 0 : i32
        %dma_start3A_389 = arith.constant 0 : i32
        %dma_start3A_390 = tpu.memref_slice %arg3[%add3A, %add3A_374, %dma_start3A_388, %dma_start3A_389] : memref<32x80x2x128xi32, #tpu.memory_space<hbm>> -> memref<1x1x2x128xi32, #tpu.memory_space<hbm>>
        %dma_start3A_391 = tpu.memref_squeeze %dma_start3A_390 : memref<1x1x2x128xi32, #tpu.memory_space<hbm>> -> memref<2x128xi32, #tpu.memory_space<hbm>>
        tpu.enqueue_dma source(%dma_start3A_391 : memref<2x128xi32, #tpu.memory_space<hbm>>) target(%dma_start3A_387 : memref<2x128xi32, #tpu.memory_space<vmem>>) target_semaphore(%arg19 : memref<!tpu.dma_semaphore, #tpu.memory_space<semaphore_mem>>)
      } else {
      }
      %mul3A_237 = arith.constant 6 : i32
      %mul3A_238 = arith.muli %mul3A_237, %scan3A_168 : i32
      %add3A_239 = arith.constant 2 : i32
      %add3A_240 = arith.addi %mul3A_238, %add3A_239 : i32
      %add3A_241 = arith.constant 2 : i32
      %add3A_242 = arith.addi %add3A_240, %add3A_241 : i32
      %lt3A_243 = arith.constant 80 : i32
      %lt3A_244 = arith.cmpi slt, %add3A_242, %lt3A_243 : i32
      %convert_element_type3A_245 = arith.extui %lt3A_244 : i1 to i32
      %cond3A_246 = arith.constant 0 : i32
      %cond3A_247 = arith.cmpi ne, %convert_element_type3A_245, %cond3A_246 : i32
      scf.if %cond3A_247 {
        %add3A_373 = arith.constant 2 : i32
        %add3A_374 = arith.addi %add3A_240, %add3A_373 : i32
        %dma_wait3A_375 = arith.constant 4 : i32
        %dma_wait3A_376 = arith.constant 0 : i32
        %dma_wait3A_377 = arith.constant 0 : i32
        %dma_wait3A_378 = tpu.memref_slice %arg7[%dma_wait3A_375, %dma_wait3A_376, %dma_wait3A_377] : memref<6x2x128xi32, #tpu.memory_space<vmem>> -> memref<1x2x128xi32, #tpu.memory_space<vmem>>
        %dma_wait3A_379 = tpu.memref_squeeze %dma_wait3A_378 : memref<1x2x128xi32, #tpu.memory_space<vmem>> -> memref<2x128xi32, #tpu.memory_space<vmem>>
        %dma_wait3A_380 = arith.constant 0 : i32
        %dma_wait3A_381 = arith.constant 0 : i32
        %dma_wait3A_382 = tpu.memref_slice %arg3[%add3A, %add3A_374, %dma_wait3A_380, %dma_wait3A_381] : memref<32x80x2x128xi32, #tpu.memory_space<hbm>> -> memref<1x1x2x128xi32, #tpu.memory_space<hbm>>
        %dma_wait3A_383 = tpu.memref_squeeze %dma_wait3A_382 : memref<1x1x2x128xi32, #tpu.memory_space<hbm>> -> memref<2x128xi32, #tpu.memory_space<hbm>>
        %dma_wait3A_384 = arith.constant 0 : i32
        %dma_wait3A_385 = arith.constant 0 : i32
        %dma_wait3A_386 = tpu.memref_slice %arg7[%dma_wait3A_375, %dma_wait3A_384, %dma_wait3A_385] : memref<6x2x128xi32, #tpu.memory_space<vmem>> -> memref<1x2x128xi32, #tpu.memory_space<vmem>>
        %dma_wait3A_387 = tpu.memref_squeeze %dma_wait3A_386 : memref<1x2x128xi32, #tpu.memory_space<vmem>> -> memref<2x128xi32, #tpu.memory_space<vmem>>
        %dma_wait3A_388 = arith.constant 0 : i32
        %dma_wait3A_389 = arith.constant 0 : i32
        %dma_wait3A_390 = tpu.memref_slice %arg3[%add3A, %add3A_374, %dma_wait3A_388, %dma_wait3A_389] : memref<32x80x2x128xi32, #tpu.memory_space<hbm>> -> memref<1x1x2x128xi32, #tpu.memory_space<hbm>>
        %dma_wait3A_391 = tpu.memref_squeeze %dma_wait3A_390 : memref<1x1x2x128xi32, #tpu.memory_space<hbm>> -> memref<2x128xi32, #tpu.memory_space<hbm>>
        tpu.wait_dma2 semaphore(%arg18 : memref<!tpu.dma_semaphore, #tpu.memory_space<semaphore_mem>>) src(%dma_wait3A_391 : memref<2x128xi32, #tpu.memory_space<hbm>>) dst(%dma_wait3A_387 : memref<2x128xi32, #tpu.memory_space<vmem>>)
        %ge3A = arith.constant 1 : i32
        %ge3A_392 = arith.cmpi sge, %add3A_240, %ge3A : i32
        %convert_element_type3A_393 = arith.extui %ge3A_392 : i1 to i32
        %cond3A_394 = arith.constant 0 : i32
        %cond3A_395 = arith.cmpi ne, %convert_element_type3A_393, %cond3A_394 : i32
        scf.if %cond3A_395 {
          %dma_wait3A_404 = arith.constant 1 : i32
          %dma_wait3A_405 = arith.constant 1 : i32
          %dma_wait3A_406 = arith.constant 0 : i32
          %dma_wait3A_407 = tpu.memref_slice %arg7[%dma_wait3A_404, %dma_wait3A_405, %dma_wait3A_406] : memref<6x2x128xi32, #tpu.memory_space<vmem>> -> memref<1x1x128xi32, #tpu.memory_space<vmem>>
          %dma_wait3A_408 = tpu.memref_squeeze %dma_wait3A_407 : memref<1x1x128xi32, #tpu.memory_space<vmem>> -> memref<128xi32, #tpu.memory_space<vmem>>
          %dma_wait3A_409 = arith.constant 0 : i32
          %dma_wait3A_410 = arith.constant 0 : i32
          %dma_wait3A_411 = tpu.memref_slice %arg23[%dma_wait3A_409, %dma_wait3A_410] : memref<10032x128xf32, #tpu.memory_space<vmem_shared>> -> memref<10032x128xf32, #tpu.memory_space<vmem_shared>>
          tpu.wait_indirect_dma semaphore(%arg21 : memref<!tpu.dma_semaphore, #tpu.memory_space<semaphore_mem>>) src(%arg9 : memref<128x128xf32, #tpu.memory_space<vmem>>) dst(%dma_wait3A_411 : memref<10032x128xf32, #tpu.memory_space<vmem_shared>>)
        } else {
        }
        %dma_start3A_396 = arith.constant 4 : i32
        %dma_start3A_397 = arith.constant 0 : i32
        %dma_start3A_398 = arith.constant 0 : i32
        %dma_start3A_399 = tpu.memref_slice %arg7[%dma_start3A_396, %dma_start3A_397, %dma_start3A_398] : memref<6x2x128xi32, #tpu.memory_space<vmem>> -> memref<1x1x128xi32, #tpu.memory_space<vmem>>
        %dma_start3A_400 = tpu.memref_squeeze %dma_start3A_399 : memref<1x1x128xi32, #tpu.memory_space<vmem>> -> memref<128xi32, #tpu.memory_space<vmem>>
        %dma_start3A_401 = arith.constant 0 : i32
        %dma_start3A_402 = arith.constant 0 : i32
        %dma_start3A_403 = tpu.memref_slice %arg2[%dma_start3A_401, %dma_start3A_402] : memref<10000x128xf32, #tpu.memory_space<hbm>> -> memref<10000x128xf32, #tpu.memory_space<hbm>>
        tpu.enqueue_indirect_dma source(%dma_start3A_403 : memref<10000x128xf32, #tpu.memory_space<hbm>>) target(%arg9 : memref<128x128xf32, #tpu.memory_space<vmem>>) offsets(%dma_start3A_400 : memref<128xi32, #tpu.memory_space<vmem>>) semaphore(%arg12 : memref<!tpu.dma_semaphore, #tpu.memory_space<semaphore_mem>>)
      } else {
      }
      %dma_wait3A_248 = arith.constant 2 : i32
      %dma_wait3A_249 = arith.constant 0 : i32
      %dma_wait3A_250 = arith.constant 0 : i32
      %dma_wait3A_251 = tpu.memref_slice %arg7[%dma_wait3A_248, %dma_wait3A_249, %dma_wait3A_250] : memref<6x2x128xi32, #tpu.memory_space<vmem>> -> memref<1x1x128xi32, #tpu.memory_space<vmem>>
      %dma_wait3A_252 = tpu.memref_squeeze %dma_wait3A_251 : memref<1x1x128xi32, #tpu.memory_space<vmem>> -> memref<128xi32, #tpu.memory_space<vmem>>
      %dma_wait3A_253 = arith.constant 0 : i32
      %dma_wait3A_254 = arith.constant 0 : i32
      %dma_wait3A_255 = tpu.memref_slice %arg2[%dma_wait3A_253, %dma_wait3A_254] : memref<10000x128xf32, #tpu.memory_space<hbm>> -> memref<10000x128xf32, #tpu.memory_space<hbm>>
      tpu.wait_indirect_dma semaphore(%arg13 : memref<!tpu.dma_semaphore, #tpu.memory_space<semaphore_mem>>) src(%dma_wait3A_255 : memref<10000x128xf32, #tpu.memory_space<hbm>>) dst(%arg10 : memref<128x128xf32, #tpu.memory_space<vmem>>)
      %dma_start3A_256 = arith.constant 2 : i32
      %dma_start3A_257 = arith.constant 1 : i32
      %dma_start3A_258 = arith.constant 0 : i32
      %dma_start3A_259 = tpu.memref_slice %arg7[%dma_start3A_256, %dma_start3A_257, %dma_start3A_258] : memref<6x2x128xi32, #tpu.memory_space<vmem>> -> memref<1x1x128xi32, #tpu.memory_space<vmem>>
      %dma_start3A_260 = tpu.memref_squeeze %dma_start3A_259 : memref<1x1x128xi32, #tpu.memory_space<vmem>> -> memref<128xi32, #tpu.memory_space<vmem>>
      %dma_start3A_261 = arith.constant 0 : i32
      %dma_start3A_262 = arith.constant 0 : i32
      %dma_start3A_263 = tpu.memref_slice %arg23[%dma_start3A_261, %dma_start3A_262] : memref<10032x128xf32, #tpu.memory_space<vmem_shared>> -> memref<10032x128xf32, #tpu.memory_space<vmem_shared>>
      tpu.enqueue_indirect_dma source(%arg10 : memref<128x128xf32, #tpu.memory_space<vmem>>) target(%dma_start3A_263 : memref<10032x128xf32, #tpu.memory_space<vmem_shared>>) offsets(%dma_start3A_260 : memref<128xi32, #tpu.memory_space<vmem>>) semaphore(%arg22 : memref<!tpu.dma_semaphore, #tpu.memory_space<semaphore_mem>>) {add = true}
      %add3A_264 = arith.constant 4 : i32
      %add3A_265 = arith.addi %add3A_240, %add3A_264 : i32
      %lt3A_266 = arith.constant 80 : i32
      %lt3A_267 = arith.cmpi slt, %add3A_265, %lt3A_266 : i32
      %convert_element_type3A_268 = arith.extui %lt3A_267 : i1 to i32
      %cond3A_269 = arith.constant 0 : i32
      %cond3A_270 = arith.cmpi ne, %convert_element_type3A_268, %cond3A_269 : i32
      scf.if %cond3A_270 {
        %add3A_373 = arith.constant 4 : i32
        %add3A_374 = arith.addi %add3A_240, %add3A_373 : i32
        %dma_start3A_375 = arith.constant 0 : i32
        %dma_start3A_376 = arith.constant 0 : i32
        %dma_start3A_377 = arith.constant 0 : i32
        %dma_start3A_378 = tpu.memref_slice %arg7[%dma_start3A_375, %dma_start3A_376, %dma_start3A_377] : memref<6x2x128xi32, #tpu.memory_space<vmem>> -> memref<1x2x128xi32, #tpu.memory_space<vmem>>
        %dma_start3A_379 = tpu.memref_squeeze %dma_start3A_378 : memref<1x2x128xi32, #tpu.memory_space<vmem>> -> memref<2x128xi32, #tpu.memory_space<vmem>>
        %dma_start3A_380 = arith.constant 0 : i32
        %dma_start3A_381 = arith.constant 0 : i32
        %dma_start3A_382 = tpu.memref_slice %arg3[%add3A, %add3A_374, %dma_start3A_380, %dma_start3A_381] : memref<32x80x2x128xi32, #tpu.memory_space<hbm>> -> memref<1x1x2x128xi32, #tpu.memory_space<hbm>>
        %dma_start3A_383 = tpu.memref_squeeze %dma_start3A_382 : memref<1x1x2x128xi32, #tpu.memory_space<hbm>> -> memref<2x128xi32, #tpu.memory_space<hbm>>
        %dma_start3A_384 = arith.constant 0 : i32
        %dma_start3A_385 = arith.constant 0 : i32
        %dma_start3A_386 = tpu.memref_slice %arg7[%dma_start3A_375, %dma_start3A_384, %dma_start3A_385] : memref<6x2x128xi32, #tpu.memory_space<vmem>> -> memref<1x2x128xi32, #tpu.memory_space<vmem>>
        %dma_start3A_387 = tpu.memref_squeeze %dma_start3A_386 : memref<1x2x128xi32, #tpu.memory_space<vmem>> -> memref<2x128xi32, #tpu.memory_space<vmem>>
        %dma_start3A_388 = arith.constant 0 : i32
        %dma_start3A_389 = arith.constant 0 : i32
        %dma_start3A_390 = tpu.memref_slice %arg3[%add3A, %add3A_374, %dma_start3A_388, %dma_start3A_389] : memref<32x80x2x128xi32, #tpu.memory_space<hbm>> -> memref<1x1x2x128xi32, #tpu.memory_space<hbm>>
        %dma_start3A_391 = tpu.memref_squeeze %dma_start3A_390 : memref<1x1x2x128xi32, #tpu.memory_space<hbm>> -> memref<2x128xi32, #tpu.memory_space<hbm>>
        tpu.enqueue_dma source(%dma_start3A_391 : memref<2x128xi32, #tpu.memory_space<hbm>>) target(%dma_start3A_387 : memref<2x128xi32, #tpu.memory_space<vmem>>) target_semaphore(%arg14 : memref<!tpu.dma_semaphore, #tpu.memory_space<semaphore_mem>>)
      } else {
      }
      %mul3A_271 = arith.constant 6 : i32
      %mul3A_272 = arith.muli %mul3A_271, %scan3A_168 : i32
      %add3A_273 = arith.constant 3 : i32
      %add3A_274 = arith.addi %mul3A_272, %add3A_273 : i32
      %add3A_275 = arith.constant 2 : i32
      %add3A_276 = arith.addi %add3A_274, %add3A_275 : i32
      %lt3A_277 = arith.constant 80 : i32
      %lt3A_278 = arith.cmpi slt, %add3A_276, %lt3A_277 : i32
      %convert_element_type3A_279 = arith.extui %lt3A_278 : i1 to i32
      %cond3A_280 = arith.constant 0 : i32
      %cond3A_281 = arith.cmpi ne, %convert_element_type3A_279, %cond3A_280 : i32
      scf.if %cond3A_281 {
        %add3A_373 = arith.constant 2 : i32
        %add3A_374 = arith.addi %add3A_274, %add3A_373 : i32
        %dma_wait3A_375 = arith.constant 5 : i32
        %dma_wait3A_376 = arith.constant 0 : i32
        %dma_wait3A_377 = arith.constant 0 : i32
        %dma_wait3A_378 = tpu.memref_slice %arg7[%dma_wait3A_375, %dma_wait3A_376, %dma_wait3A_377] : memref<6x2x128xi32, #tpu.memory_space<vmem>> -> memref<1x2x128xi32, #tpu.memory_space<vmem>>
        %dma_wait3A_379 = tpu.memref_squeeze %dma_wait3A_378 : memref<1x2x128xi32, #tpu.memory_space<vmem>> -> memref<2x128xi32, #tpu.memory_space<vmem>>
        %dma_wait3A_380 = arith.constant 0 : i32
        %dma_wait3A_381 = arith.constant 0 : i32
        %dma_wait3A_382 = tpu.memref_slice %arg3[%add3A, %add3A_374, %dma_wait3A_380, %dma_wait3A_381] : memref<32x80x2x128xi32, #tpu.memory_space<hbm>> -> memref<1x1x2x128xi32, #tpu.memory_space<hbm>>
        %dma_wait3A_383 = tpu.memref_squeeze %dma_wait3A_382 : memref<1x1x2x128xi32, #tpu.memory_space<hbm>> -> memref<2x128xi32, #tpu.memory_space<hbm>>
        %dma_wait3A_384 = arith.constant 0 : i32
        %dma_wait3A_385 = arith.constant 0 : i32
        %dma_wait3A_386 = tpu.memref_slice %arg7[%dma_wait3A_375, %dma_wait3A_384, %dma_wait3A_385] : memref<6x2x128xi32, #tpu.memory_space<vmem>> -> memref<1x2x128xi32, #tpu.memory_space<vmem>>
        %dma_wait3A_387 = tpu.memref_squeeze %dma_wait3A_386 : memref<1x2x128xi32, #tpu.memory_space<vmem>> -> memref<2x128xi32, #tpu.memory_space<vmem>>
        %dma_wait3A_388 = arith.constant 0 : i32
        %dma_wait3A_389 = arith.constant 0 : i32
        %dma_wait3A_390 = tpu.memref_slice %arg3[%add3A, %add3A_374, %dma_wait3A_388, %dma_wait3A_389] : memref<32x80x2x128xi32, #tpu.memory_space<hbm>> -> memref<1x1x2x128xi32, #tpu.memory_space<hbm>>
        %dma_wait3A_391 = tpu.memref_squeeze %dma_wait3A_390 : memref<1x1x2x128xi32, #tpu.memory_space<hbm>> -> memref<2x128xi32, #tpu.memory_space<hbm>>
        tpu.wait_dma2 semaphore(%arg19 : memref<!tpu.dma_semaphore, #tpu.memory_space<semaphore_mem>>) src(%dma_wait3A_391 : memref<2x128xi32, #tpu.memory_space<hbm>>) dst(%dma_wait3A_387 : memref<2x128xi32, #tpu.memory_space<vmem>>)
        %ge3A = arith.constant 1 : i32
        %ge3A_392 = arith.cmpi sge, %add3A_274, %ge3A : i32
        %convert_element_type3A_393 = arith.extui %ge3A_392 : i1 to i32
        %cond3A_394 = arith.constant 0 : i32
        %cond3A_395 = arith.cmpi ne, %convert_element_type3A_393, %cond3A_394 : i32
        scf.if %cond3A_395 {
          %dma_wait3A_404 = arith.constant 2 : i32
          %dma_wait3A_405 = arith.constant 1 : i32
          %dma_wait3A_406 = arith.constant 0 : i32
          %dma_wait3A_407 = tpu.memref_slice %arg7[%dma_wait3A_404, %dma_wait3A_405, %dma_wait3A_406] : memref<6x2x128xi32, #tpu.memory_space<vmem>> -> memref<1x1x128xi32, #tpu.memory_space<vmem>>
          %dma_wait3A_408 = tpu.memref_squeeze %dma_wait3A_407 : memref<1x1x128xi32, #tpu.memory_space<vmem>> -> memref<128xi32, #tpu.memory_space<vmem>>
          %dma_wait3A_409 = arith.constant 0 : i32
          %dma_wait3A_410 = arith.constant 0 : i32
          %dma_wait3A_411 = tpu.memref_slice %arg23[%dma_wait3A_409, %dma_wait3A_410] : memref<10032x128xf32, #tpu.memory_space<vmem_shared>> -> memref<10032x128xf32, #tpu.memory_space<vmem_shared>>
          tpu.wait_indirect_dma semaphore(%arg22 : memref<!tpu.dma_semaphore, #tpu.memory_space<semaphore_mem>>) src(%arg10 : memref<128x128xf32, #tpu.memory_space<vmem>>) dst(%dma_wait3A_411 : memref<10032x128xf32, #tpu.memory_space<vmem_shared>>)
        } else {
        }
        %dma_start3A_396 = arith.constant 5 : i32
        %dma_start3A_397 = arith.constant 0 : i32
        %dma_start3A_398 = arith.constant 0 : i32
        %dma_start3A_399 = tpu.memref_slice %arg7[%dma_start3A_396, %dma_start3A_397, %dma_start3A_398] : memref<6x2x128xi32, #tpu.memory_space<vmem>> -> memref<1x1x128xi32, #tpu.memory_space<vmem>>
        %dma_start3A_400 = tpu.memref_squeeze %dma_start3A_399 : memref<1x1x128xi32, #tpu.memory_space<vmem>> -> memref<128xi32, #tpu.memory_space<vmem>>
        %dma_start3A_401 = arith.constant 0 : i32
        %dma_start3A_402 = arith.constant 0 : i32
        %dma_start3A_403 = tpu.memref_slice %arg2[%dma_start3A_401, %dma_start3A_402] : memref<10000x128xf32, #tpu.memory_space<hbm>> -> memref<10000x128xf32, #tpu.memory_space<hbm>>
        tpu.enqueue_indirect_dma source(%dma_start3A_403 : memref<10000x128xf32, #tpu.memory_space<hbm>>) target(%arg10 : memref<128x128xf32, #tpu.memory_space<vmem>>) offsets(%dma_start3A_400 : memref<128xi32, #tpu.memory_space<vmem>>) semaphore(%arg13 : memref<!tpu.dma_semaphore, #tpu.memory_space<semaphore_mem>>)
      } else {
      }
      %dma_wait3A_282 = arith.constant 3 : i32
      %dma_wait3A_283 = arith.constant 0 : i32
      %dma_wait3A_284 = arith.constant 0 : i32
      %dma_wait3A_285 = tpu.memref_slice %arg7[%dma_wait3A_282, %dma_wait3A_283, %dma_wait3A_284] : memref<6x2x128xi32, #tpu.memory_space<vmem>> -> memref<1x1x128xi32, #tpu.memory_space<vmem>>
      %dma_wait3A_286 = tpu.memref_squeeze %dma_wait3A_285 : memref<1x1x128xi32, #tpu.memory_space<vmem>> -> memref<128xi32, #tpu.memory_space<vmem>>
      %dma_wait3A_287 = arith.constant 0 : i32
      %dma_wait3A_288 = arith.constant 0 : i32
      %dma_wait3A_289 = tpu.memref_slice %arg2[%dma_wait3A_287, %dma_wait3A_288] : memref<10000x128xf32, #tpu.memory_space<hbm>> -> memref<10000x128xf32, #tpu.memory_space<hbm>>
      tpu.wait_indirect_dma semaphore(%arg11 : memref<!tpu.dma_semaphore, #tpu.memory_space<semaphore_mem>>) src(%dma_wait3A_289 : memref<10000x128xf32, #tpu.memory_space<hbm>>) dst(%arg8 : memref<128x128xf32, #tpu.memory_space<vmem>>)
      %dma_start3A_290 = arith.constant 3 : i32
      %dma_start3A_291 = arith.constant 1 : i32
      %dma_start3A_292 = arith.constant 0 : i32
      %dma_start3A_293 = tpu.memref_slice %arg7[%dma_start3A_290, %dma_start3A_291, %dma_start3A_292] : memref<6x2x128xi32, #tpu.memory_space<vmem>> -> memref<1x1x128xi32, #tpu.memory_space<vmem>>
      %dma_start3A_294 = tpu.memref_squeeze %dma_start3A_293 : memref<1x1x128xi32, #tpu.memory_space<vmem>> -> memref<128xi32, #tpu.memory_space<vmem>>
      %dma_start3A_295 = arith.constant 0 : i32
      %dma_start3A_296 = arith.constant 0 : i32
      %dma_start3A_297 = tpu.memref_slice %arg23[%dma_start3A_295, %dma_start3A_296] : memref<10032x128xf32, #tpu.memory_space<vmem_shared>> -> memref<10032x128xf32, #tpu.memory_space<vmem_shared>>
      tpu.enqueue_indirect_dma source(%arg8 : memref<128x128xf32, #tpu.memory_space<vmem>>) target(%dma_start3A_297 : memref<10032x128xf32, #tpu.memory_space<vmem_shared>>) offsets(%dma_start3A_294 : memref<128xi32, #tpu.memory_space<vmem>>) semaphore(%arg20 : memref<!tpu.dma_semaphore, #tpu.memory_space<semaphore_mem>>) {add = true}
      %add3A_298 = arith.constant 4 : i32
      %add3A_299 = arith.addi %add3A_274, %add3A_298 : i32
      %lt3A_300 = arith.constant 80 : i32
      %lt3A_301 = arith.cmpi slt, %add3A_299, %lt3A_300 : i32
      %convert_element_type3A_302 = arith.extui %lt3A_301 : i1 to i32
      %cond3A_303 = arith.constant 0 : i32
      %cond3A_304 = arith.cmpi ne, %convert_element_type3A_302, %cond3A_303 : i32
      scf.if %cond3A_304 {
        %add3A_373 = arith.constant 4 : i32
        %add3A_374 = arith.addi %add3A_274, %add3A_373 : i32
        %dma_start3A_375 = arith.constant 1 : i32
        %dma_start3A_376 = arith.constant 0 : i32
        %dma_start3A_377 = arith.constant 0 : i32
        %dma_start3A_378 = tpu.memref_slice %arg7[%dma_start3A_375, %dma_start3A_376, %dma_start3A_377] : memref<6x2x128xi32, #tpu.memory_space<vmem>> -> memref<1x2x128xi32, #tpu.memory_space<vmem>>
        %dma_start3A_379 = tpu.memref_squeeze %dma_start3A_378 : memref<1x2x128xi32, #tpu.memory_space<vmem>> -> memref<2x128xi32, #tpu.memory_space<vmem>>
        %dma_start3A_380 = arith.constant 0 : i32
        %dma_start3A_381 = arith.constant 0 : i32
        %dma_start3A_382 = tpu.memref_slice %arg3[%add3A, %add3A_374, %dma_start3A_380, %dma_start3A_381] : memref<32x80x2x128xi32, #tpu.memory_space<hbm>> -> memref<1x1x2x128xi32, #tpu.memory_space<hbm>>
        %dma_start3A_383 = tpu.memref_squeeze %dma_start3A_382 : memref<1x1x2x128xi32, #tpu.memory_space<hbm>> -> memref<2x128xi32, #tpu.memory_space<hbm>>
        %dma_start3A_384 = arith.constant 0 : i32
        %dma_start3A_385 = arith.constant 0 : i32
        %dma_start3A_386 = tpu.memref_slice %arg7[%dma_start3A_375, %dma_start3A_384, %dma_start3A_385] : memref<6x2x128xi32, #tpu.memory_space<vmem>> -> memref<1x2x128xi32, #tpu.memory_space<vmem>>
        %dma_start3A_387 = tpu.memref_squeeze %dma_start3A_386 : memref<1x2x128xi32, #tpu.memory_space<vmem>> -> memref<2x128xi32, #tpu.memory_space<vmem>>
        %dma_start3A_388 = arith.constant 0 : i32
        %dma_start3A_389 = arith.constant 0 : i32
        %dma_start3A_390 = tpu.memref_slice %arg3[%add3A, %add3A_374, %dma_start3A_388, %dma_start3A_389] : memref<32x80x2x128xi32, #tpu.memory_space<hbm>> -> memref<1x1x2x128xi32, #tpu.memory_space<hbm>>
        %dma_start3A_391 = tpu.memref_squeeze %dma_start3A_390 : memref<1x1x2x128xi32, #tpu.memory_space<hbm>> -> memref<2x128xi32, #tpu.memory_space<hbm>>
        tpu.enqueue_dma source(%dma_start3A_391 : memref<2x128xi32, #tpu.memory_space<hbm>>) target(%dma_start3A_387 : memref<2x128xi32, #tpu.memory_space<vmem>>) target_semaphore(%arg15 : memref<!tpu.dma_semaphore, #tpu.memory_space<semaphore_mem>>)
      } else {
      }
      %mul3A_305 = arith.constant 6 : i32
      %mul3A_306 = arith.muli %mul3A_305, %scan3A_168 : i32
      %add3A_307 = arith.constant 4 : i32
      %add3A_308 = arith.addi %mul3A_306, %add3A_307 : i32
      %add3A_309 = arith.constant 2 : i32
      %add3A_310 = arith.addi %add3A_308, %add3A_309 : i32
      %lt3A_311 = arith.constant 80 : i32
      %lt3A_312 = arith.cmpi slt, %add3A_310, %lt3A_311 : i32
      %convert_element_type3A_313 = arith.extui %lt3A_312 : i1 to i32
      %cond3A_314 = arith.constant 0 : i32
      %cond3A_315 = arith.cmpi ne, %convert_element_type3A_313, %cond3A_314 : i32
      scf.if %cond3A_315 {
        %add3A_373 = arith.constant 2 : i32
        %add3A_374 = arith.addi %add3A_308, %add3A_373 : i32
        %dma_wait3A_375 = arith.constant 0 : i32
        %dma_wait3A_376 = arith.constant 0 : i32
        %dma_wait3A_377 = arith.constant 0 : i32
        %dma_wait3A_378 = tpu.memref_slice %arg7[%dma_wait3A_375, %dma_wait3A_376, %dma_wait3A_377] : memref<6x2x128xi32, #tpu.memory_space<vmem>> -> memref<1x2x128xi32, #tpu.memory_space<vmem>>
        %dma_wait3A_379 = tpu.memref_squeeze %dma_wait3A_378 : memref<1x2x128xi32, #tpu.memory_space<vmem>> -> memref<2x128xi32, #tpu.memory_space<vmem>>
        %dma_wait3A_380 = arith.constant 0 : i32
        %dma_wait3A_381 = arith.constant 0 : i32
        %dma_wait3A_382 = tpu.memref_slice %arg3[%add3A, %add3A_374, %dma_wait3A_380, %dma_wait3A_381] : memref<32x80x2x128xi32, #tpu.memory_space<hbm>> -> memref<1x1x2x128xi32, #tpu.memory_space<hbm>>
        %dma_wait3A_383 = tpu.memref_squeeze %dma_wait3A_382 : memref<1x1x2x128xi32, #tpu.memory_space<hbm>> -> memref<2x128xi32, #tpu.memory_space<hbm>>
        %dma_wait3A_384 = arith.constant 0 : i32
        %dma_wait3A_385 = arith.constant 0 : i32
        %dma_wait3A_386 = tpu.memref_slice %arg7[%dma_wait3A_375, %dma_wait3A_384, %dma_wait3A_385] : memref<6x2x128xi32, #tpu.memory_space<vmem>> -> memref<1x2x128xi32, #tpu.memory_space<vmem>>
        %dma_wait3A_387 = tpu.memref_squeeze %dma_wait3A_386 : memref<1x2x128xi32, #tpu.memory_space<vmem>> -> memref<2x128xi32, #tpu.memory_space<vmem>>
        %dma_wait3A_388 = arith.constant 0 : i32
        %dma_wait3A_389 = arith.constant 0 : i32
        %dma_wait3A_390 = tpu.memref_slice %arg3[%add3A, %add3A_374, %dma_wait3A_388, %dma_wait3A_389] : memref<32x80x2x128xi32, #tpu.memory_space<hbm>> -> memref<1x1x2x128xi32, #tpu.memory_space<hbm>>
        %dma_wait3A_391 = tpu.memref_squeeze %dma_wait3A_390 : memref<1x1x2x128xi32, #tpu.memory_space<hbm>> -> memref<2x128xi32, #tpu.memory_space<hbm>>
        tpu.wait_dma2 semaphore(%arg14 : memref<!tpu.dma_semaphore, #tpu.memory_space<semaphore_mem>>) src(%dma_wait3A_391 : memref<2x128xi32, #tpu.memory_space<hbm>>) dst(%dma_wait3A_387 : memref<2x128xi32, #tpu.memory_space<vmem>>)
        %ge3A = arith.constant 1 : i32
        %ge3A_392 = arith.cmpi sge, %add3A_308, %ge3A : i32
        %convert_element_type3A_393 = arith.extui %ge3A_392 : i1 to i32
        %cond3A_394 = arith.constant 0 : i32
        %cond3A_395 = arith.cmpi ne, %convert_element_type3A_393, %cond3A_394 : i32
        scf.if %cond3A_395 {
          %dma_wait3A_404 = arith.constant 3 : i32
          %dma_wait3A_405 = arith.constant 1 : i32
          %dma_wait3A_406 = arith.constant 0 : i32
          %dma_wait3A_407 = tpu.memref_slice %arg7[%dma_wait3A_404, %dma_wait3A_405, %dma_wait3A_406] : memref<6x2x128xi32, #tpu.memory_space<vmem>> -> memref<1x1x128xi32, #tpu.memory_space<vmem>>
          %dma_wait3A_408 = tpu.memref_squeeze %dma_wait3A_407 : memref<1x1x128xi32, #tpu.memory_space<vmem>> -> memref<128xi32, #tpu.memory_space<vmem>>
          %dma_wait3A_409 = arith.constant 0 : i32
          %dma_wait3A_410 = arith.constant 0 : i32
          %dma_wait3A_411 = tpu.memref_slice %arg23[%dma_wait3A_409, %dma_wait3A_410] : memref<10032x128xf32, #tpu.memory_space<vmem_shared>> -> memref<10032x128xf32, #tpu.memory_space<vmem_shared>>
          tpu.wait_indirect_dma semaphore(%arg20 : memref<!tpu.dma_semaphore, #tpu.memory_space<semaphore_mem>>) src(%arg8 : memref<128x128xf32, #tpu.memory_space<vmem>>) dst(%dma_wait3A_411 : memref<10032x128xf32, #tpu.memory_space<vmem_shared>>)
        } else {
        }
        %dma_start3A_396 = arith.constant 0 : i32
        %dma_start3A_397 = arith.constant 0 : i32
        %dma_start3A_398 = arith.constant 0 : i32
        %dma_start3A_399 = tpu.memref_slice %arg7[%dma_start3A_396, %dma_start3A_397, %dma_start3A_398] : memref<6x2x128xi32, #tpu.memory_space<vmem>> -> memref<1x1x128xi32, #tpu.memory_space<vmem>>
        %dma_start3A_400 = tpu.memref_squeeze %dma_start3A_399 : memref<1x1x128xi32, #tpu.memory_space<vmem>> -> memref<128xi32, #tpu.memory_space<vmem>>
        %dma_start3A_401 = arith.constant 0 : i32
        %dma_start3A_402 = arith.constant 0 : i32
        %dma_start3A_403 = tpu.memref_slice %arg2[%dma_start3A_401, %dma_start3A_402] : memref<10000x128xf32, #tpu.memory_space<hbm>> -> memref<10000x128xf32, #tpu.memory_space<hbm>>
        tpu.enqueue_indirect_dma source(%dma_start3A_403 : memref<10000x128xf32, #tpu.memory_space<hbm>>) target(%arg8 : memref<128x128xf32, #tpu.memory_space<vmem>>) offsets(%dma_start3A_400 : memref<128xi32, #tpu.memory_space<vmem>>) semaphore(%arg11 : memref<!tpu.dma_semaphore, #tpu.memory_space<semaphore_mem>>)
      } else {
      }
      %dma_wait3A_316 = arith.constant 4 : i32
      %dma_wait3A_317 = arith.constant 0 : i32
      %dma_wait3A_318 = arith.constant 0 : i32
      %dma_wait3A_319 = tpu.memref_slice %arg7[%dma_wait3A_316, %dma_wait3A_317, %dma_wait3A_318] : memref<6x2x128xi32, #tpu.memory_space<vmem>> -> memref<1x1x128xi32, #tpu.memory_space<vmem>>
      %dma_wait3A_320 = tpu.memref_squeeze %dma_wait3A_319 : memref<1x1x128xi32, #tpu.memory_space<vmem>> -> memref<128xi32, #tpu.memory_space<vmem>>
      %dma_wait3A_321 = arith.constant 0 : i32
      %dma_wait3A_322 = arith.constant 0 : i32
      %dma_wait3A_323 = tpu.memref_slice %arg2[%dma_wait3A_321, %dma_wait3A_322] : memref<10000x128xf32, #tpu.memory_space<hbm>> -> memref<10000x128xf32, #tpu.memory_space<hbm>>
      tpu.wait_indirect_dma semaphore(%arg12 : memref<!tpu.dma_semaphore, #tpu.memory_space<semaphore_mem>>) src(%dma_wait3A_323 : memref<10000x128xf32, #tpu.memory_space<hbm>>) dst(%arg9 : memref<128x128xf32, #tpu.memory_space<vmem>>)
      %dma_start3A_324 = arith.constant 4 : i32
      %dma_start3A_325 = arith.constant 1 : i32
      %dma_start3A_326 = arith.constant 0 : i32
      %dma_start3A_327 = tpu.memref_slice %arg7[%dma_start3A_324, %dma_start3A_325, %dma_start3A_326] : memref<6x2x128xi32, #tpu.memory_space<vmem>> -> memref<1x1x128xi32, #tpu.memory_space<vmem>>
      %dma_start3A_328 = tpu.memref_squeeze %dma_start3A_327 : memref<1x1x128xi32, #tpu.memory_space<vmem>> -> memref<128xi32, #tpu.memory_space<vmem>>
      %dma_start3A_329 = arith.constant 0 : i32
      %dma_start3A_330 = arith.constant 0 : i32
      %dma_start3A_331 = tpu.memref_slice %arg23[%dma_start3A_329, %dma_start3A_330] : memref<10032x128xf32, #tpu.memory_space<vmem_shared>> -> memref<10032x128xf32, #tpu.memory_space<vmem_shared>>
      tpu.enqueue_indirect_dma source(%arg9 : memref<128x128xf32, #tpu.memory_space<vmem>>) target(%dma_start3A_331 : memref<10032x128xf32, #tpu.memory_space<vmem_shared>>) offsets(%dma_start3A_328 : memref<128xi32, #tpu.memory_space<vmem>>) semaphore(%arg21 : memref<!tpu.dma_semaphore, #tpu.memory_space<semaphore_mem>>) {add = true}
      %add3A_332 = arith.constant 4 : i32
      %add3A_333 = arith.addi %add3A_308, %add3A_332 : i32
      %lt3A_334 = arith.constant 80 : i32
      %lt3A_335 = arith.cmpi slt, %add3A_333, %lt3A_334 : i32
      %convert_element_type3A_336 = arith.extui %lt3A_335 : i1 to i32
      %cond3A_337 = arith.constant 0 : i32
      %cond3A_338 = arith.cmpi ne, %convert_element_type3A_336, %cond3A_337 : i32
      scf.if %cond3A_338 {
        %add3A_373 = arith.constant 4 : i32
        %add3A_374 = arith.addi %add3A_308, %add3A_373 : i32
        %dma_start3A_375 = arith.constant 2 : i32
        %dma_start3A_376 = arith.constant 0 : i32
        %dma_start3A_377 = arith.constant 0 : i32
        %dma_start3A_378 = tpu.memref_slice %arg7[%dma_start3A_375, %dma_start3A_376, %dma_start3A_377] : memref<6x2x128xi32, #tpu.memory_space<vmem>> -> memref<1x2x128xi32, #tpu.memory_space<vmem>>
        %dma_start3A_379 = tpu.memref_squeeze %dma_start3A_378 : memref<1x2x128xi32, #tpu.memory_space<vmem>> -> memref<2x128xi32, #tpu.memory_space<vmem>>
        %dma_start3A_380 = arith.constant 0 : i32
        %dma_start3A_381 = arith.constant 0 : i32
        %dma_start3A_382 = tpu.memref_slice %arg3[%add3A, %add3A_374, %dma_start3A_380, %dma_start3A_381] : memref<32x80x2x128xi32, #tpu.memory_space<hbm>> -> memref<1x1x2x128xi32, #tpu.memory_space<hbm>>
        %dma_start3A_383 = tpu.memref_squeeze %dma_start3A_382 : memref<1x1x2x128xi32, #tpu.memory_space<hbm>> -> memref<2x128xi32, #tpu.memory_space<hbm>>
        %dma_start3A_384 = arith.constant 0 : i32
        %dma_start3A_385 = arith.constant 0 : i32
        %dma_start3A_386 = tpu.memref_slice %arg7[%dma_start3A_375, %dma_start3A_384, %dma_start3A_385] : memref<6x2x128xi32, #tpu.memory_space<vmem>> -> memref<1x2x128xi32, #tpu.memory_space<vmem>>
        %dma_start3A_387 = tpu.memref_squeeze %dma_start3A_386 : memref<1x2x128xi32, #tpu.memory_space<vmem>> -> memref<2x128xi32, #tpu.memory_space<vmem>>
        %dma_start3A_388 = arith.constant 0 : i32
        %dma_start3A_389 = arith.constant 0 : i32
        %dma_start3A_390 = tpu.memref_slice %arg3[%add3A, %add3A_374, %dma_start3A_388, %dma_start3A_389] : memref<32x80x2x128xi32, #tpu.memory_space<hbm>> -> memref<1x1x2x128xi32, #tpu.memory_space<hbm>>
        %dma_start3A_391 = tpu.memref_squeeze %dma_start3A_390 : memref<1x1x2x128xi32, #tpu.memory_space<hbm>> -> memref<2x128xi32, #tpu.memory_space<hbm>>
        tpu.enqueue_dma source(%dma_start3A_391 : memref<2x128xi32, #tpu.memory_space<hbm>>) target(%dma_start3A_387 : memref<2x128xi32, #tpu.memory_space<vmem>>) target_semaphore(%arg16 : memref<!tpu.dma_semaphore, #tpu.memory_space<semaphore_mem>>)
      } else {
      }
      %mul3A_339 = arith.constant 6 : i32
      %mul3A_340 = arith.muli %mul3A_339, %scan3A_168 : i32
      %add3A_341 = arith.constant 5 : i32
      %add3A_342 = arith.addi %mul3A_340, %add3A_341 : i32
      %add3A_343 = arith.constant 2 : i32
      %add3A_344 = arith.addi %add3A_342, %add3A_343 : i32
      %lt3A_345 = arith.constant 80 : i32
      %lt3A_346 = arith.cmpi slt, %add3A_344, %lt3A_345 : i32
      %convert_element_type3A_347 = arith.extui %lt3A_346 : i1 to i32
      %cond3A_348 = arith.constant 0 : i32
      %cond3A_349 = arith.cmpi ne, %convert_element_type3A_347, %cond3A_348 : i32
      scf.if %cond3A_349 {
        %add3A_373 = arith.constant 2 : i32
        %add3A_374 = arith.addi %add3A_342, %add3A_373 : i32
        %dma_wait3A_375 = arith.constant 1 : i32
        %dma_wait3A_376 = arith.constant 0 : i32
        %dma_wait3A_377 = arith.constant 0 : i32
        %dma_wait3A_378 = tpu.memref_slice %arg7[%dma_wait3A_375, %dma_wait3A_376, %dma_wait3A_377] : memref<6x2x128xi32, #tpu.memory_space<vmem>> -> memref<1x2x128xi32, #tpu.memory_space<vmem>>
        %dma_wait3A_379 = tpu.memref_squeeze %dma_wait3A_378 : memref<1x2x128xi32, #tpu.memory_space<vmem>> -> memref<2x128xi32, #tpu.memory_space<vmem>>
        %dma_wait3A_380 = arith.constant 0 : i32
        %dma_wait3A_381 = arith.constant 0 : i32
        %dma_wait3A_382 = tpu.memref_slice %arg3[%add3A, %add3A_374, %dma_wait3A_380, %dma_wait3A_381] : memref<32x80x2x128xi32, #tpu.memory_space<hbm>> -> memref<1x1x2x128xi32, #tpu.memory_space<hbm>>
        %dma_wait3A_383 = tpu.memref_squeeze %dma_wait3A_382 : memref<1x1x2x128xi32, #tpu.memory_space<hbm>> -> memref<2x128xi32, #tpu.memory_space<hbm>>
        %dma_wait3A_384 = arith.constant 0 : i32
        %dma_wait3A_385 = arith.constant 0 : i32
        %dma_wait3A_386 = tpu.memref_slice %arg7[%dma_wait3A_375, %dma_wait3A_384, %dma_wait3A_385] : memref<6x2x128xi32, #tpu.memory_space<vmem>> -> memref<1x2x128xi32, #tpu.memory_space<vmem>>
        %dma_wait3A_387 = tpu.memref_squeeze %dma_wait3A_386 : memref<1x2x128xi32, #tpu.memory_space<vmem>> -> memref<2x128xi32, #tpu.memory_space<vmem>>
        %dma_wait3A_388 = arith.constant 0 : i32
        %dma_wait3A_389 = arith.constant 0 : i32
        %dma_wait3A_390 = tpu.memref_slice %arg3[%add3A, %add3A_374, %dma_wait3A_388, %dma_wait3A_389] : memref<32x80x2x128xi32, #tpu.memory_space<hbm>> -> memref<1x1x2x128xi32, #tpu.memory_space<hbm>>
        %dma_wait3A_391 = tpu.memref_squeeze %dma_wait3A_390 : memref<1x1x2x128xi32, #tpu.memory_space<hbm>> -> memref<2x128xi32, #tpu.memory_space<hbm>>
        tpu.wait_dma2 semaphore(%arg15 : memref<!tpu.dma_semaphore, #tpu.memory_space<semaphore_mem>>) src(%dma_wait3A_391 : memref<2x128xi32, #tpu.memory_space<hbm>>) dst(%dma_wait3A_387 : memref<2x128xi32, #tpu.memory_space<vmem>>)
        %ge3A = arith.constant 1 : i32
        %ge3A_392 = arith.cmpi sge, %add3A_342, %ge3A : i32
        %convert_element_type3A_393 = arith.extui %ge3A_392 : i1 to i32
        %cond3A_394 = arith.constant 0 : i32
        %cond3A_395 = arith.cmpi ne, %convert_element_type3A_393, %cond3A_394 : i32
        scf.if %cond3A_395 {
          %dma_wait3A_404 = arith.constant 4 : i32
          %dma_wait3A_405 = arith.constant 1 : i32
          %dma_wait3A_406 = arith.constant 0 : i32
          %dma_wait3A_407 = tpu.memref_slice %arg7[%dma_wait3A_404, %dma_wait3A_405, %dma_wait3A_406] : memref<6x2x128xi32, #tpu.memory_space<vmem>> -> memref<1x1x128xi32, #tpu.memory_space<vmem>>
          %dma_wait3A_408 = tpu.memref_squeeze %dma_wait3A_407 : memref<1x1x128xi32, #tpu.memory_space<vmem>> -> memref<128xi32, #tpu.memory_space<vmem>>
          %dma_wait3A_409 = arith.constant 0 : i32
          %dma_wait3A_410 = arith.constant 0 : i32
          %dma_wait3A_411 = tpu.memref_slice %arg23[%dma_wait3A_409, %dma_wait3A_410] : memref<10032x128xf32, #tpu.memory_space<vmem_shared>> -> memref<10032x128xf32, #tpu.memory_space<vmem_shared>>
          tpu.wait_indirect_dma semaphore(%arg21 : memref<!tpu.dma_semaphore, #tpu.memory_space<semaphore_mem>>) src(%arg9 : memref<128x128xf32, #tpu.memory_space<vmem>>) dst(%dma_wait3A_411 : memref<10032x128xf32, #tpu.memory_space<vmem_shared>>)
        } else {
        }
        %dma_start3A_396 = arith.constant 1 : i32
        %dma_start3A_397 = arith.constant 0 : i32
        %dma_start3A_398 = arith.constant 0 : i32
        %dma_start3A_399 = tpu.memref_slice %arg7[%dma_start3A_396, %dma_start3A_397, %dma_start3A_398] : memref<6x2x128xi32, #tpu.memory_space<vmem>> -> memref<1x1x128xi32, #tpu.memory_space<vmem>>
        %dma_start3A_400 = tpu.memref_squeeze %dma_start3A_399 : memref<1x1x128xi32, #tpu.memory_space<vmem>> -> memref<128xi32, #tpu.memory_space<vmem>>
        %dma_start3A_401 = arith.constant 0 : i32
        %dma_start3A_402 = arith.constant 0 : i32
        %dma_start3A_403 = tpu.memref_slice %arg2[%dma_start3A_401, %dma_start3A_402] : memref<10000x128xf32, #tpu.memory_space<hbm>> -> memref<10000x128xf32, #tpu.memory_space<hbm>>
        tpu.enqueue_indirect_dma source(%dma_start3A_403 : memref<10000x128xf32, #tpu.memory_space<hbm>>) target(%arg9 : memref<128x128xf32, #tpu.memory_space<vmem>>) offsets(%dma_start3A_400 : memref<128xi32, #tpu.memory_space<vmem>>) semaphore(%arg12 : memref<!tpu.dma_semaphore, #tpu.memory_space<semaphore_mem>>)
      } else {
      }
      %dma_wait3A_350 = arith.constant 5 : i32
      %dma_wait3A_351 = arith.constant 0 : i32
      %dma_wait3A_352 = arith.constant 0 : i32
      %dma_wait3A_353 = tpu.memref_slice %arg7[%dma_wait3A_350, %dma_wait3A_351, %dma_wait3A_352] : memref<6x2x128xi32, #tpu.memory_space<vmem>> -> memref<1x1x128xi32, #tpu.memory_space<vmem>>
      %dma_wait3A_354 = tpu.memref_squeeze %dma_wait3A_353 : memref<1x1x128xi32, #tpu.memory_space<vmem>> -> memref<128xi32, #tpu.memory_space<vmem>>
      %dma_wait3A_355 = arith.constant 0 : i32
      %dma_wait3A_356 = arith.constant 0 : i32
      %dma_wait3A_357 = tpu.memref_slice %arg2[%dma_wait3A_355, %dma_wait3A_356] : memref<10000x128xf32, #tpu.memory_space<hbm>> -> memref<10000x128xf32, #tpu.memory_space<hbm>>
      tpu.wait_indirect_dma semaphore(%arg13 : memref<!tpu.dma_semaphore, #tpu.memory_space<semaphore_mem>>) src(%dma_wait3A_357 : memref<10000x128xf32, #tpu.memory_space<hbm>>) dst(%arg10 : memref<128x128xf32, #tpu.memory_space<vmem>>)
      %dma_start3A_358 = arith.constant 5 : i32
      %dma_start3A_359 = arith.constant 1 : i32
      %dma_start3A_360 = arith.constant 0 : i32
      %dma_start3A_361 = tpu.memref_slice %arg7[%dma_start3A_358, %dma_start3A_359, %dma_start3A_360] : memref<6x2x128xi32, #tpu.memory_space<vmem>> -> memref<1x1x128xi32, #tpu.memory_space<vmem>>
      %dma_start3A_362 = tpu.memref_squeeze %dma_start3A_361 : memref<1x1x128xi32, #tpu.memory_space<vmem>> -> memref<128xi32, #tpu.memory_space<vmem>>
      %dma_start3A_363 = arith.constant 0 : i32
      %dma_start3A_364 = arith.constant 0 : i32
      %dma_start3A_365 = tpu.memref_slice %arg23[%dma_start3A_363, %dma_start3A_364] : memref<10032x128xf32, #tpu.memory_space<vmem_shared>> -> memref<10032x128xf32, #tpu.memory_space<vmem_shared>>
      tpu.enqueue_indirect_dma source(%arg10 : memref<128x128xf32, #tpu.memory_space<vmem>>) target(%dma_start3A_365 : memref<10032x128xf32, #tpu.memory_space<vmem_shared>>) offsets(%dma_start3A_362 : memref<128xi32, #tpu.memory_space<vmem>>) semaphore(%arg22 : memref<!tpu.dma_semaphore, #tpu.memory_space<semaphore_mem>>) {add = true}
      %add3A_366 = arith.constant 4 : i32
      %add3A_367 = arith.addi %add3A_342, %add3A_366 : i32
      %lt3A_368 = arith.constant 80 : i32
      %lt3A_369 = arith.cmpi slt, %add3A_367, %lt3A_368 : i32
      %convert_element_type3A_370 = arith.extui %lt3A_369 : i1 to i32
      %cond3A_371 = arith.constant 0 : i32
      %cond3A_372 = arith.cmpi ne, %convert_element_type3A_370, %cond3A_371 : i32
      scf.if %cond3A_372 {
        %add3A_373 = arith.constant 4 : i32
        %add3A_374 = arith.addi %add3A_342, %add3A_373 : i32
        %dma_start3A_375 = arith.constant 3 : i32
        %dma_start3A_376 = arith.constant 0 : i32
        %dma_start3A_377 = arith.constant 0 : i32
        %dma_start3A_378 = tpu.memref_slice %arg7[%dma_start3A_375, %dma_start3A_376, %dma_start3A_377] : memref<6x2x128xi32, #tpu.memory_space<vmem>> -> memref<1x2x128xi32, #tpu.memory_space<vmem>>
        %dma_start3A_379 = tpu.memref_squeeze %dma_start3A_378 : memref<1x2x128xi32, #tpu.memory_space<vmem>> -> memref<2x128xi32, #tpu.memory_space<vmem>>
        %dma_start3A_380 = arith.constant 0 : i32
        %dma_start3A_381 = arith.constant 0 : i32
        %dma_start3A_382 = tpu.memref_slice %arg3[%add3A, %add3A_374, %dma_start3A_380, %dma_start3A_381] : memref<32x80x2x128xi32, #tpu.memory_space<hbm>> -> memref<1x1x2x128xi32, #tpu.memory_space<hbm>>
        %dma_start3A_383 = tpu.memref_squeeze %dma_start3A_382 : memref<1x1x2x128xi32, #tpu.memory_space<hbm>> -> memref<2x128xi32, #tpu.memory_space<hbm>>
        %dma_start3A_384 = arith.constant 0 : i32
        %dma_start3A_385 = arith.constant 0 : i32
        %dma_start3A_386 = tpu.memref_slice %arg7[%dma_start3A_375, %dma_start3A_384, %dma_start3A_385] : memref<6x2x128xi32, #tpu.memory_space<vmem>> -> memref<1x2x128xi32, #tpu.memory_space<vmem>>
        %dma_start3A_387 = tpu.memref_squeeze %dma_start3A_386 : memref<1x2x128xi32, #tpu.memory_space<vmem>> -> memref<2x128xi32, #tpu.memory_space<vmem>>
        %dma_start3A_388 = arith.constant 0 : i32
        %dma_start3A_389 = arith.constant 0 : i32
        %dma_start3A_390 = tpu.memref_slice %arg3[%add3A, %add3A_374, %dma_start3A_388, %dma_start3A_389] : memref<32x80x2x128xi32, #tpu.memory_space<hbm>> -> memref<1x1x2x128xi32, #tpu.memory_space<hbm>>
        %dma_start3A_391 = tpu.memref_squeeze %dma_start3A_390 : memref<1x1x2x128xi32, #tpu.memory_space<hbm>> -> memref<2x128xi32, #tpu.memory_space<hbm>>
        tpu.enqueue_dma source(%dma_start3A_391 : memref<2x128xi32, #tpu.memory_space<hbm>>) target(%dma_start3A_387 : memref<2x128xi32, #tpu.memory_space<vmem>>) target_semaphore(%arg17 : memref<!tpu.dma_semaphore, #tpu.memory_space<semaphore_mem>>)
      } else {
      }
    }
    %scan3A_100 = arith.constant 13 : i32
    %dma_wait3A_101 = arith.constant 0 : i32
    %dma_wait3A_102 = arith.constant 0 : i32
    %dma_wait3A_103 = arith.constant 0 : i32
    %dma_wait3A_104 = tpu.memref_slice %arg7[%dma_wait3A_101, %dma_wait3A_102, %dma_wait3A_103] : memref<6x2x128xi32, #tpu.memory_space<vmem>> -> memref<1x1x128xi32, #tpu.memory_space<vmem>>
    %dma_wait3A_105 = tpu.memref_squeeze %dma_wait3A_104 : memref<1x1x128xi32, #tpu.memory_space<vmem>> -> memref<128xi32, #tpu.memory_space<vmem>>
    %dma_wait3A_106 = arith.constant 0 : i32
    %dma_wait3A_107 = arith.constant 0 : i32
    %dma_wait3A_108 = tpu.memref_slice %arg2[%dma_wait3A_106, %dma_wait3A_107] : memref<10000x128xf32, #tpu.memory_space<hbm>> -> memref<10000x128xf32, #tpu.memory_space<hbm>>
    tpu.wait_indirect_dma semaphore(%arg11 : memref<!tpu.dma_semaphore, #tpu.memory_space<semaphore_mem>>) src(%dma_wait3A_108 : memref<10000x128xf32, #tpu.memory_space<hbm>>) dst(%arg8 : memref<128x128xf32, #tpu.memory_space<vmem>>)
    %dma_start3A_109 = arith.constant 0 : i32
    %dma_start3A_110 = arith.constant 1 : i32
    %dma_start3A_111 = arith.constant 0 : i32
    %dma_start3A_112 = tpu.memref_slice %arg7[%dma_start3A_109, %dma_start3A_110, %dma_start3A_111] : memref<6x2x128xi32, #tpu.memory_space<vmem>> -> memref<1x1x128xi32, #tpu.memory_space<vmem>>
    %dma_start3A_113 = tpu.memref_squeeze %dma_start3A_112 : memref<1x1x128xi32, #tpu.memory_space<vmem>> -> memref<128xi32, #tpu.memory_space<vmem>>
    %dma_start3A_114 = arith.constant 0 : i32
    %dma_start3A_115 = arith.constant 0 : i32
    %dma_start3A_116 = tpu.memref_slice %arg23[%dma_start3A_114, %dma_start3A_115] : memref<10032x128xf32, #tpu.memory_space<vmem_shared>> -> memref<10032x128xf32, #tpu.memory_space<vmem_shared>>
    tpu.enqueue_indirect_dma source(%arg8 : memref<128x128xf32, #tpu.memory_space<vmem>>) target(%dma_start3A_116 : memref<10032x128xf32, #tpu.memory_space<vmem_shared>>) offsets(%dma_start3A_113 : memref<128xi32, #tpu.memory_space<vmem>>) semaphore(%arg20 : memref<!tpu.dma_semaphore, #tpu.memory_space<semaphore_mem>>) {add = true}
    %dma_wait3A_117 = arith.constant 1 : i32
    %dma_wait3A_118 = arith.constant 0 : i32
    %dma_wait3A_119 = arith.constant 0 : i32
    %dma_wait3A_120 = tpu.memref_slice %arg7[%dma_wait3A_117, %dma_wait3A_118, %dma_wait3A_119] : memref<6x2x128xi32, #tpu.memory_space<vmem>> -> memref<1x1x128xi32, #tpu.memory_space<vmem>>
    %dma_wait3A_121 = tpu.memref_squeeze %dma_wait3A_120 : memref<1x1x128xi32, #tpu.memory_space<vmem>> -> memref<128xi32, #tpu.memory_space<vmem>>
    %dma_wait3A_122 = arith.constant 0 : i32
    %dma_wait3A_123 = arith.constant 0 : i32
    %dma_wait3A_124 = tpu.memref_slice %arg2[%dma_wait3A_122, %dma_wait3A_123] : memref<10000x128xf32, #tpu.memory_space<hbm>> -> memref<10000x128xf32, #tpu.memory_space<hbm>>
    tpu.wait_indirect_dma semaphore(%arg12 : memref<!tpu.dma_semaphore, #tpu.memory_space<semaphore_mem>>) src(%dma_wait3A_124 : memref<10000x128xf32, #tpu.memory_space<hbm>>) dst(%arg9 : memref<128x128xf32, #tpu.memory_space<vmem>>)
    %dma_start3A_125 = arith.constant 1 : i32
    %dma_start3A_126 = arith.constant 1 : i32
    %dma_start3A_127 = arith.constant 0 : i32
    %dma_start3A_128 = tpu.memref_slice %arg7[%dma_start3A_125, %dma_start3A_126, %dma_start3A_127] : memref<6x2x128xi32, #tpu.memory_space<vmem>> -> memref<1x1x128xi32, #tpu.memory_space<vmem>>
    %dma_start3A_129 = tpu.memref_squeeze %dma_start3A_128 : memref<1x1x128xi32, #tpu.memory_space<vmem>> -> memref<128xi32, #tpu.memory_space<vmem>>
    %dma_start3A_130 = arith.constant 0 : i32
    %dma_start3A_131 = arith.constant 0 : i32
    %dma_start3A_132 = tpu.memref_slice %arg23[%dma_start3A_130, %dma_start3A_131] : memref<10032x128xf32, #tpu.memory_space<vmem_shared>> -> memref<10032x128xf32, #tpu.memory_space<vmem_shared>>
    tpu.enqueue_indirect_dma source(%arg9 : memref<128x128xf32, #tpu.memory_space<vmem>>) target(%dma_start3A_132 : memref<10032x128xf32, #tpu.memory_space<vmem_shared>>) offsets(%dma_start3A_129 : memref<128xi32, #tpu.memory_space<vmem>>) semaphore(%arg21 : memref<!tpu.dma_semaphore, #tpu.memory_space<semaphore_mem>>) {add = true}
    %dma_wait3A_133 = arith.constant 5 : i32
    %dma_wait3A_134 = arith.constant 1 : i32
    %dma_wait3A_135 = arith.constant 0 : i32
    %dma_wait3A_136 = tpu.memref_slice %arg7[%dma_wait3A_133, %dma_wait3A_134, %dma_wait3A_135] : memref<6x2x128xi32, #tpu.memory_space<vmem>> -> memref<1x1x128xi32, #tpu.memory_space<vmem>>
    %dma_wait3A_137 = tpu.memref_squeeze %dma_wait3A_136 : memref<1x1x128xi32, #tpu.memory_space<vmem>> -> memref<128xi32, #tpu.memory_space<vmem>>
    %dma_wait3A_138 = arith.constant 0 : i32
    %dma_wait3A_139 = arith.constant 0 : i32
    %dma_wait3A_140 = tpu.memref_slice %arg23[%dma_wait3A_138, %dma_wait3A_139] : memref<10032x128xf32, #tpu.memory_space<vmem_shared>> -> memref<10032x128xf32, #tpu.memory_space<vmem_shared>>
    tpu.wait_indirect_dma semaphore(%arg22 : memref<!tpu.dma_semaphore, #tpu.memory_space<semaphore_mem>>) src(%arg10 : memref<128x128xf32, #tpu.memory_space<vmem>>) dst(%dma_wait3A_140 : memref<10032x128xf32, #tpu.memory_space<vmem_shared>>)
    %dma_wait3A_141 = arith.constant 0 : i32
    %dma_wait3A_142 = arith.constant 1 : i32
    %dma_wait3A_143 = arith.constant 0 : i32
    %dma_wait3A_144 = tpu.memref_slice %arg7[%dma_wait3A_141, %dma_wait3A_142, %dma_wait3A_143] : memref<6x2x128xi32, #tpu.memory_space<vmem>> -> memref<1x1x128xi32, #tpu.memory_space<vmem>>
    %dma_wait3A_145 = tpu.memref_squeeze %dma_wait3A_144 : memref<1x1x128xi32, #tpu.memory_space<vmem>> -> memref<128xi32, #tpu.memory_space<vmem>>
    %dma_wait3A_146 = arith.constant 0 : i32
    %dma_wait3A_147 = arith.constant 0 : i32
    %dma_wait3A_148 = tpu.memref_slice %arg23[%dma_wait3A_146, %dma_wait3A_147] : memref<10032x128xf32, #tpu.memory_space<vmem_shared>> -> memref<10032x128xf32, #tpu.memory_space<vmem_shared>>
    tpu.wait_indirect_dma semaphore(%arg20 : memref<!tpu.dma_semaphore, #tpu.memory_space<semaphore_mem>>) src(%arg8 : memref<128x128xf32, #tpu.memory_space<vmem>>) dst(%dma_wait3A_148 : memref<10032x128xf32, #tpu.memory_space<vmem_shared>>)
    %dma_wait3A_149 = arith.constant 1 : i32
    %dma_wait3A_150 = arith.constant 1 : i32
    %dma_wait3A_151 = arith.constant 0 : i32
    %dma_wait3A_152 = tpu.memref_slice %arg7[%dma_wait3A_149, %dma_wait3A_150, %dma_wait3A_151] : memref<6x2x128xi32, #tpu.memory_space<vmem>> -> memref<1x1x128xi32, #tpu.memory_space<vmem>>
    %dma_wait3A_153 = tpu.memref_squeeze %dma_wait3A_152 : memref<1x1x128xi32, #tpu.memory_space<vmem>> -> memref<128xi32, #tpu.memory_space<vmem>>
    %dma_wait3A_154 = arith.constant 0 : i32
    %dma_wait3A_155 = arith.constant 0 : i32
    %dma_wait3A_156 = tpu.memref_slice %arg23[%dma_wait3A_154, %dma_wait3A_155] : memref<10032x128xf32, #tpu.memory_space<vmem_shared>> -> memref<10032x128xf32, #tpu.memory_space<vmem_shared>>
    tpu.wait_indirect_dma semaphore(%arg21 : memref<!tpu.dma_semaphore, #tpu.memory_space<semaphore_mem>>) src(%arg9 : memref<128x128xf32, #tpu.memory_space<vmem>>) dst(%dma_wait3A_156 : memref<10032x128xf32, #tpu.memory_space<vmem_shared>>)
    %barrier3A_157 = arith.constant 0 : index
    tpu.barrier barrier_id(%barrier3A_157)
    %eq3A_158 = arith.constant 0 : i32
    %eq3A_159 = arith.cmpi eq, %arg0, %eq3A_158 : i32
    %convert_element_type3A_160 = arith.extui %eq3A_159 : i1 to i32
    %cond3A_161 = arith.constant 0 : i32
    %cond3A_162 = arith.cmpi ne, %convert_element_type3A_160, %cond3A_161 : i32
    scf.if %cond3A_162 {
      %mul3A_168 = arith.constant 640 : i32
      %mul3A_169 = arith.muli %arg1, %mul3A_168 : i32
      %multiple_of3A_170 = tpu.assume_multiple %mul3A_169, 8 : i32
      %lt3A_171 = arith.constant 15 : i32
      %lt3A_172 = arith.cmpi slt, %arg1, %lt3A_171 : i32
      %convert_element_type3A_173 = arith.extui %lt3A_172 : i1 to i32
      %cond3A_174 = arith.constant 0 : i32
      %cond3A_175 = arith.cmpi ne, %convert_element_type3A_173, %cond3A_174 : i32
      scf.if %cond3A_175 {
        "tpu.region"() ({
          %run_scoped3A_181 = tpu.sem_alloc : memref<!tpu.dma_semaphore, #tpu.memory_space<semaphore_mem>>
          %dma_start3A_182 = arith.constant 0 : i32
          %dma_start3A_183 = tpu.memref_slice %arg5[%multiple_of3A_170, %dma_start3A_182] : memref<10032x128xf32, #tpu.memory_space<hbm>> -> memref<640x128xf32, #tpu.memory_space<hbm>>
          %dma_start3A_184 = arith.constant 0 : i32
          %dma_start3A_185 = tpu.memref_slice %arg23[%multiple_of3A_170, %dma_start3A_184] : memref<10032x128xf32, #tpu.memory_space<vmem_shared>> -> memref<640x128xf32, #tpu.memory_space<vmem_shared>>
          tpu.enqueue_dma source(%dma_start3A_185 : memref<640x128xf32, #tpu.memory_space<vmem_shared>>) target(%dma_start3A_183 : memref<640x128xf32, #tpu.memory_space<hbm>>) target_semaphore(%run_scoped3A_181 : memref<!tpu.dma_semaphore, #tpu.memory_space<semaphore_mem>>)
          %dma_wait3A_186 = arith.constant 0 : i32
          %dma_wait3A_187 = tpu.memref_slice %arg5[%multiple_of3A_170, %dma_wait3A_186] : memref<10032x128xf32, #tpu.memory_space<hbm>> -> memref<640x128xf32, #tpu.memory_space<hbm>>
          %dma_wait3A_188 = arith.constant 0 : i32
          %dma_wait3A_189 = tpu.memref_slice %arg23[%multiple_of3A_170, %dma_wait3A_188] : memref<10032x128xf32, #tpu.memory_space<vmem_shared>> -> memref<640x128xf32, #tpu.memory_space<vmem_shared>>
          tpu.wait_dma2 semaphore(%run_scoped3A_181 : memref<!tpu.dma_semaphore, #tpu.memory_space<semaphore_mem>>) src(%dma_wait3A_189 : memref<640x128xf32, #tpu.memory_space<vmem_shared>>) dst(%dma_wait3A_187 : memref<640x128xf32, #tpu.memory_space<hbm>>)
          tpu.yield
        }) : () -> ()
      } else {
      }
      %eq3A_176 = arith.constant 15 : i32
      %eq3A_177 = arith.cmpi eq, %arg1, %eq3A_176 : i32
      %convert_element_type3A_178 = arith.extui %eq3A_177 : i1 to i32
      %cond3A_179 = arith.constant 0 : i32
      %cond3A_180 = arith.cmpi ne, %convert_element_type3A_178, %cond3A_179 : i32
      scf.if %cond3A_180 {
        "tpu.region"() ({
          %run_scoped3A_181 = tpu.sem_alloc : memref<!tpu.dma_semaphore, #tpu.memory_space<semaphore_mem>>
          %dma_start3A_182 = arith.constant 9600 : i32
          %dma_start3A_183 = arith.constant 0 : i32
          %dma_start3A_184 = tpu.memref_slice %arg5[%dma_start3A_182, %dma_start3A_183] : memref<10032x128xf32, #tpu.memory_space<hbm>> -> memref<432x128xf32, #tpu.memory_space<hbm>>
          %dma_start3A_185 = arith.constant 9600 : i32
          %dma_start3A_186 = arith.constant 0 : i32
          %dma_start3A_187 = tpu.memref_slice %arg23[%dma_start3A_185, %dma_start3A_186] : memref<10032x128xf32, #tpu.memory_space<vmem_shared>> -> memref<432x128xf32, #tpu.memory_space<vmem_shared>>
          tpu.enqueue_dma source(%dma_start3A_187 : memref<432x128xf32, #tpu.memory_space<vmem_shared>>) target(%dma_start3A_184 : memref<432x128xf32, #tpu.memory_space<hbm>>) target_semaphore(%run_scoped3A_181 : memref<!tpu.dma_semaphore, #tpu.memory_space<semaphore_mem>>)
          %dma_wait3A_188 = arith.constant 9600 : i32
          %dma_wait3A_189 = arith.constant 0 : i32
          %dma_wait3A_190 = tpu.memref_slice %arg5[%dma_wait3A_188, %dma_wait3A_189] : memref<10032x128xf32, #tpu.memory_space<hbm>> -> memref<432x128xf32, #tpu.memory_space<hbm>>
          %dma_wait3A_191 = arith.constant 9600 : i32
          %dma_wait3A_192 = arith.constant 0 : i32
          %dma_wait3A_193 = tpu.memref_slice %arg23[%dma_wait3A_191, %dma_wait3A_192] : memref<10032x128xf32, #tpu.memory_space<vmem_shared>> -> memref<432x128xf32, #tpu.memory_space<vmem_shared>>
          tpu.wait_dma2 semaphore(%run_scoped3A_181 : memref<!tpu.dma_semaphore, #tpu.memory_space<semaphore_mem>>) src(%dma_wait3A_193 : memref<432x128xf32, #tpu.memory_space<vmem_shared>>) dst(%dma_wait3A_190 : memref<432x128xf32, #tpu.memory_space<hbm>>)
          tpu.yield
        }) : () -> ()
      } else {
      }
    } else {
    }
    %eq3A_163 = arith.constant 1 : i32
    %eq3A_164 = arith.cmpi eq, %arg0, %eq3A_163 : i32
    %convert_element_type3A_165 = arith.extui %eq3A_164 : i1 to i32
    %cond3A_166 = arith.constant 0 : i32
    %cond3A_167 = arith.cmpi ne, %convert_element_type3A_165, %cond3A_166 : i32
    scf.if %cond3A_167 {
      %mul3A_168 = arith.constant 640 : i32
      %mul3A_169 = arith.muli %arg1, %mul3A_168 : i32
      %multiple_of3A_170 = tpu.assume_multiple %mul3A_169, 8 : i32
      %lt3A_171 = arith.constant 15 : i32
      %lt3A_172 = arith.cmpi slt, %arg1, %lt3A_171 : i32
      %convert_element_type3A_173 = arith.extui %lt3A_172 : i1 to i32
      %cond3A_174 = arith.constant 0 : i32
      %cond3A_175 = arith.cmpi ne, %convert_element_type3A_173, %cond3A_174 : i32
      scf.if %cond3A_175 {
        "tpu.region"() ({
          %run_scoped3A_181 = tpu.sem_alloc : memref<!tpu.dma_semaphore, #tpu.memory_space<semaphore_mem>>
          %dma_start3A_182 = arith.constant 0 : i32
          %dma_start3A_183 = tpu.memref_slice %arg6[%multiple_of3A_170, %dma_start3A_182] : memref<10032x128xf32, #tpu.memory_space<hbm>> -> memref<640x128xf32, #tpu.memory_space<hbm>>
          %dma_start3A_184 = arith.constant 0 : i32
          %dma_start3A_185 = tpu.memref_slice %arg23[%multiple_of3A_170, %dma_start3A_184] : memref<10032x128xf32, #tpu.memory_space<vmem_shared>> -> memref<640x128xf32, #tpu.memory_space<vmem_shared>>
          tpu.enqueue_dma source(%dma_start3A_185 : memref<640x128xf32, #tpu.memory_space<vmem_shared>>) target(%dma_start3A_183 : memref<640x128xf32, #tpu.memory_space<hbm>>) target_semaphore(%run_scoped3A_181 : memref<!tpu.dma_semaphore, #tpu.memory_space<semaphore_mem>>)
          %dma_wait3A_186 = arith.constant 0 : i32
          %dma_wait3A_187 = tpu.memref_slice %arg6[%multiple_of3A_170, %dma_wait3A_186] : memref<10032x128xf32, #tpu.memory_space<hbm>> -> memref<640x128xf32, #tpu.memory_space<hbm>>
          %dma_wait3A_188 = arith.constant 0 : i32
          %dma_wait3A_189 = tpu.memref_slice %arg23[%multiple_of3A_170, %dma_wait3A_188] : memref<10032x128xf32, #tpu.memory_space<vmem_shared>> -> memref<640x128xf32, #tpu.memory_space<vmem_shared>>
          tpu.wait_dma2 semaphore(%run_scoped3A_181 : memref<!tpu.dma_semaphore, #tpu.memory_space<semaphore_mem>>) src(%dma_wait3A_189 : memref<640x128xf32, #tpu.memory_space<vmem_shared>>) dst(%dma_wait3A_187 : memref<640x128xf32, #tpu.memory_space<hbm>>)
          tpu.yield
        }) : () -> ()
      } else {
      }
      %eq3A_176 = arith.constant 15 : i32
      %eq3A_177 = arith.cmpi eq, %arg1, %eq3A_176 : i32
      %convert_element_type3A_178 = arith.extui %eq3A_177 : i1 to i32
      %cond3A_179 = arith.constant 0 : i32
      %cond3A_180 = arith.cmpi ne, %convert_element_type3A_178, %cond3A_179 : i32
      scf.if %cond3A_180 {
        "tpu.region"() ({
          %run_scoped3A_181 = tpu.sem_alloc : memref<!tpu.dma_semaphore, #tpu.memory_space<semaphore_mem>>
          %dma_start3A_182 = arith.constant 9600 : i32
          %dma_start3A_183 = arith.constant 0 : i32
          %dma_start3A_184 = tpu.memref_slice %arg6[%dma_start3A_182, %dma_start3A_183] : memref<10032x128xf32, #tpu.memory_space<hbm>> -> memref<432x128xf32, #tpu.memory_space<hbm>>
          %dma_start3A_185 = arith.constant 9600 : i32
          %dma_start3A_186 = arith.constant 0 : i32
          %dma_start3A_187 = tpu.memref_slice %arg23[%dma_start3A_185, %dma_start3A_186] : memref<10032x128xf32, #tpu.memory_space<vmem_shared>> -> memref<432x128xf32, #tpu.memory_space<vmem_shared>>
          tpu.enqueue_dma source(%dma_start3A_187 : memref<432x128xf32, #tpu.memory_space<vmem_shared>>) target(%dma_start3A_184 : memref<432x128xf32, #tpu.memory_space<hbm>>) target_semaphore(%run_scoped3A_181 : memref<!tpu.dma_semaphore, #tpu.memory_space<semaphore_mem>>)
          %dma_wait3A_188 = arith.constant 9600 : i32
          %dma_wait3A_189 = arith.constant 0 : i32
          %dma_wait3A_190 = tpu.memref_slice %arg6[%dma_wait3A_188, %dma_wait3A_189] : memref<10032x128xf32, #tpu.memory_space<hbm>> -> memref<432x128xf32, #tpu.memory_space<hbm>>
          %dma_wait3A_191 = arith.constant 9600 : i32
          %dma_wait3A_192 = arith.constant 0 : i32
          %dma_wait3A_193 = tpu.memref_slice %arg23[%dma_wait3A_191, %dma_wait3A_192] : memref<10032x128xf32, #tpu.memory_space<vmem_shared>> -> memref<432x128xf32, #tpu.memory_space<vmem_shared>>
          tpu.wait_dma2 semaphore(%run_scoped3A_181 : memref<!tpu.dma_semaphore, #tpu.memory_space<semaphore_mem>>) src(%dma_wait3A_193 : memref<432x128xf32, #tpu.memory_space<vmem_shared>>) dst(%dma_wait3A_190 : memref<432x128xf32, #tpu.memory_space<hbm>>)
          tpu.yield
        }) : () -> ()
      } else {
      }
    } else {
    }
    return
  }
}

module attributes {stable_mosaic.version = 14 : i64} {
  func.func @body(%arg0: i32, %arg1: memref<2000x128xf32, #tpu.memory_space<vmem>>, %arg2: memref<128x128xf32, #tpu.memory_space<vmem>>, %arg3: memref<1x128xf32, #tpu.memory_space<vmem>>, %arg4: memref<128x128xf32, #tpu.memory_space<vmem>>, %arg5: memref<1x128xf32, #tpu.memory_space<vmem>>, %arg6: memref<2000x1xf32, #tpu.memory_space<vmem>>, %arg7: memref<2000x1xf32, #tpu.memory_space<vmem>>, %arg8: memref<6x2xf32, #tpu.memory_space<vmem>>, %arg9: memref<2000x128xf32, #tpu.memory_space<vmem>>, %arg10: memref<2000x128xf32, #tpu.memory_space<vmem>>, %arg11: memref<2000x1xf32, #tpu.memory_space<vmem>>) attributes {dimension_semantics = [#tpu.dimension_semantics<arbitrary>], iteration_bounds = array<i64: 5>, scalar_prefetch = 0 : i64, scratch_operands = 0 : i64, tpu.core_type = #tpu.core_type<tc>, window_params = [{transform_indices = @transform_0, window_bounds = array<i64: 2000, 128>}, {pipeline_mode = #tpu.pipeline_mode<synchronous>, transform_indices = @transform_1, window_bounds = array<i64: 128, 128>}, {pipeline_mode = #tpu.pipeline_mode<synchronous>, transform_indices = @transform_2, window_bounds = array<i64: 1, 128>}, {pipeline_mode = #tpu.pipeline_mode<synchronous>, transform_indices = @transform_3, window_bounds = array<i64: 128, 128>}, {pipeline_mode = #tpu.pipeline_mode<synchronous>, transform_indices = @transform_4, window_bounds = array<i64: 1, 128>}, {transform_indices = @transform_5, window_bounds = array<i64: 2000, 1>}, {transform_indices = @transform_6, window_bounds = array<i64: 2000, 1>}, {pipeline_mode = #tpu.pipeline_mode<synchronous>, transform_indices = @transform_7, window_bounds = array<i64: 6, 2>}, {transform_indices = @transform_8, window_bounds = array<i64: 2000, 128>}, {transform_indices = @transform_9, window_bounds = array<i64: 2000, 128>}, {transform_indices = @transform_10, window_bounds = array<i64: 2000, 1>}]} {
    %get3A = arith.constant 0 : index
    %get3A_0 = arith.constant 0 : index
    %get3A_1 = vector.load %arg8[%get3A, %get3A_0] : memref<6x2xf32, #tpu.memory_space<vmem>>, vector<6x2xf32>
    %div3A = arith.constant 5.000000e-01 : f32
    %div3A_2 = vector.broadcast %div3A : f32 to vector<6x2xf32>
    %div3A_3 = arith.divf %get3A_1, %div3A_2 : vector<6x2xf32>
    %div3A_4 = arith.constant 5.000000e-01 : f32
    %div3A_5 = vector.broadcast %div3A_4 : f32 to vector<6x2xf32>
    %div3A_6 = arith.divf %get3A_1, %div3A_5 : vector<6x2xf32>
    %reduce_max3A = arith.constant dense<0xFF800000> : vector<6xf32>
    %reduce_max3A_7 = vector.multi_reduction <maximumf>, %div3A_6, %reduce_max3A [1] : vector<6x2xf32> to vector<6xf32>
    %broadcast_in_dim3A = vector.shape_cast %reduce_max3A_7 : vector<6xf32> to vector<6x1xf32>
    %sub3A = vector.broadcast %broadcast_in_dim3A : vector<6x1xf32> to vector<6x2xf32>
    %sub3A_8 = arith.subf %div3A_3, %sub3A : vector<6x2xf32>
    %exp3A = math.exp %sub3A_8 : vector<6x2xf32>
    %reduce_sum3A = arith.constant dense<0.000000e+00> : vector<6xf32>
    %reduce_sum3A_9 = vector.multi_reduction <add>, %exp3A, %reduce_sum3A [1] : vector<6x2xf32> to vector<6xf32>
    %broadcast_in_dim3A_10 = vector.shape_cast %reduce_sum3A_9 : vector<6xf32> to vector<6x1xf32>
    %div3A_11 = vector.broadcast %broadcast_in_dim3A_10 : vector<6x1xf32> to vector<6x2xf32>
    %div3A_12 = arith.divf %exp3A, %div3A_11 : vector<6x2xf32>
    %slice3A = vector.extract_strided_slice %div3A_12 {offsets = [0, 1], sizes = [1, 1], strides = [1, 1]} : vector<6x2xf32> to vector<1x1xf32>
    %get3A_13 = arith.constant 0 : index
    %get3A_14 = arith.constant 0 : index
    %get3A_15 = vector.load %arg1[%get3A_13, %get3A_14] : memref<2000x128xf32, #tpu.memory_space<vmem>>, vector<2000x128xf32>
    %get3A_16 = arith.constant 0 : index
    %get3A_17 = arith.constant 0 : index
    %get3A_18 = vector.load %arg2[%get3A_16, %get3A_17] : memref<128x128xf32, #tpu.memory_space<vmem>>, vector<128x128xf32>
    %dot_general3A = arith.constant dense<0.000000e+00> : vector<2000x128xf32>
    %dot_general3A_19 = tpu.matmul %get3A_15, %get3A_18, %dot_general3A {dimension_numbers = #tpu.dot_dimension_numbers<[1], [0], [0], [1], [0, 0, 1, 1], [], []>, transpose_lhs_hint = false} : vector<2000x128xf32>, vector<128x128xf32>, vector<2000x128xf32> -> vector<2000x128xf32>
    %get3A_20 = arith.constant 0 : index
    %get3A_21 = arith.constant 0 : index
    %get3A_22 = vector.load %arg3[%get3A_20, %get3A_21] : memref<1x128xf32, #tpu.memory_space<vmem>>, vector<1x128xf32>
    %add3A = vector.broadcast %get3A_22 : vector<1x128xf32> to vector<2000x128xf32>
    %add3A_23 = arith.addf %dot_general3A_19, %add3A : vector<2000x128xf32>
    %mul3A = vector.broadcast %slice3A : vector<1x1xf32> to vector<2000x128xf32>
    %mul3A_24 = arith.mulf %mul3A, %add3A_23 : vector<2000x128xf32>
    %max3A = arith.constant 0.000000e+00 : f32
    %max3A_25 = vector.broadcast %max3A : f32 to vector<2000x128xf32>
    %max3A_26 = arith.maximumf %mul3A_24, %max3A_25 : vector<2000x128xf32>
    %get3A_27 = arith.constant 0 : index
    %get3A_28 = arith.constant 0 : index
    %get3A_29 = vector.load %arg4[%get3A_27, %get3A_28] : memref<128x128xf32, #tpu.memory_space<vmem>>, vector<128x128xf32>
    %dot_general3A_30 = arith.constant dense<0.000000e+00> : vector<2000x128xf32>
    %dot_general3A_31 = tpu.matmul %max3A_26, %get3A_29, %dot_general3A_30 {dimension_numbers = #tpu.dot_dimension_numbers<[1], [0], [0], [1], [0, 0, 1, 1], [], []>, transpose_lhs_hint = false} : vector<2000x128xf32>, vector<128x128xf32>, vector<2000x128xf32> -> vector<2000x128xf32>
    %get3A_32 = arith.constant 0 : index
    %get3A_33 = arith.constant 0 : index
    %get3A_34 = vector.load %arg5[%get3A_32, %get3A_33] : memref<1x128xf32, #tpu.memory_space<vmem>>, vector<1x128xf32>
    %add3A_35 = vector.broadcast %get3A_34 : vector<1x128xf32> to vector<2000x128xf32>
    %add3A_36 = arith.addf %dot_general3A_31, %add3A_35 : vector<2000x128xf32>
    %get3A_37 = arith.constant 0 : index
    %get3A_38 = arith.constant 0 : index
    %get3A_39 = vector.load %arg6[%get3A_37, %get3A_38] : memref<2000x1xf32, #tpu.memory_space<vmem>>, vector<2000x1xf32>
    %get3A_40 = arith.constant 0 : index
    %get3A_41 = arith.constant 0 : index
    %get3A_42 = vector.load %arg7[%get3A_40, %get3A_41] : memref<2000x1xf32, #tpu.memory_space<vmem>>, vector<2000x1xf32>
    %add3A_43 = arith.addf %get3A_39, %get3A_42 : vector<2000x1xf32>
    %add3A_44 = arith.constant 1.000000e+00 : f32
    %add3A_45 = vector.broadcast %add3A_44 : f32 to vector<2000x1xf32>
    %add3A_46 = arith.addf %add3A_43, %add3A_45 : vector<2000x1xf32>
    %rsqrt3A = math.rsqrt %add3A_46 : vector<2000x1xf32>
    %swap3A = arith.constant 0 : index
    %swap3A_47 = arith.constant 0 : index
    %swap3A_48 = vector.load %arg9[%swap3A, %swap3A_47] : memref<2000x128xf32, #tpu.memory_space<vmem>>, vector<2000x128xf32>
    tpu.vector_store %arg9[%swap3A, %swap3A_47], %add3A_23 {strides = array<i32>} : memref<2000x128xf32, #tpu.memory_space<vmem>>, vector<2000x128xf32>,
    %mul3A_49 = vector.broadcast %rsqrt3A : vector<2000x1xf32> to vector<2000x128xf32>
    %mul3A_50 = arith.mulf %mul3A_49, %add3A_36 : vector<2000x128xf32>
    %swap3A_51 = arith.constant 0 : index
    %swap3A_52 = arith.constant 0 : index
    %swap3A_53 = vector.load %arg10[%swap3A_51, %swap3A_52] : memref<2000x128xf32, #tpu.memory_space<vmem>>, vector<2000x128xf32>
    tpu.vector_store %arg10[%swap3A_51, %swap3A_52], %mul3A_50 {strides = array<i32>} : memref<2000x128xf32, #tpu.memory_space<vmem>>, vector<2000x128xf32>,
    %swap3A_54 = arith.constant 0 : index
    %swap3A_55 = arith.constant 0 : index
    %swap3A_56 = vector.load %arg11[%swap3A_54, %swap3A_55] : memref<2000x1xf32, #tpu.memory_space<vmem>>, vector<2000x1xf32>
    tpu.vector_store %arg11[%swap3A_54, %swap3A_55], %rsqrt3A {strides = array<i32>} : memref<2000x1xf32, #tpu.memory_space<vmem>>, vector<2000x1xf32>,
    return
  }
  func.func @transform_0(%arg0: i32) -> (i32, i32) {
    %c0_i32 = arith.constant 0 : i32
    %c0_i32_0 = arith.constant 0 : i32
    return %arg0, %c0_i32 : i32, i32
  }
  func.func @transform_1(%arg0: i32) -> (i32, i32) {
    %c0_i32 = arith.constant 0 : i32
    %c0_i32_0 = arith.constant 0 : i32
    %c0_i32_1 = arith.constant 0 : i32
    return %c0_i32, %c0_i32_0 : i32, i32
  }
  func.func @transform_2(%arg0: i32) -> (i32, i32) {
    %c0_i32 = arith.constant 0 : i32
    %c0_i32_0 = arith.constant 0 : i32
    %c0_i32_1 = arith.constant 0 : i32
    return %c0_i32, %c0_i32_0 : i32, i32
  }
  func.func @transform_3(%arg0: i32) -> (i32, i32) {
    %c0_i32 = arith.constant 0 : i32
    %c0_i32_0 = arith.constant 0 : i32
    %c0_i32_1 = arith.constant 0 : i32
    return %c0_i32, %c0_i32_0 : i32, i32
  }
  func.func @transform_4(%arg0: i32) -> (i32, i32) {
    %c0_i32 = arith.constant 0 : i32
    %c0_i32_0 = arith.constant 0 : i32
    %c0_i32_1 = arith.constant 0 : i32
    return %c0_i32, %c0_i32_0 : i32, i32
  }
  func.func @transform_5(%arg0: i32) -> (i32, i32) {
    %c0_i32 = arith.constant 0 : i32
    %c0_i32_0 = arith.constant 0 : i32
    return %arg0, %c0_i32 : i32, i32
  }
  func.func @transform_6(%arg0: i32) -> (i32, i32) {
    %c0_i32 = arith.constant 0 : i32
    %c0_i32_0 = arith.constant 0 : i32
    return %arg0, %c0_i32 : i32, i32
  }
  func.func @transform_7(%arg0: i32) -> (i32, i32) {
    %c0_i32 = arith.constant 0 : i32
    %c0_i32_0 = arith.constant 0 : i32
    %c0_i32_1 = arith.constant 0 : i32
    return %c0_i32, %c0_i32_0 : i32, i32
  }
  func.func @transform_8(%arg0: i32) -> (i32, i32) {
    %c0_i32 = arith.constant 0 : i32
    %c0_i32_0 = arith.constant 0 : i32
    return %arg0, %c0_i32 : i32, i32
  }
  func.func @transform_9(%arg0: i32) -> (i32, i32) {
    %c0_i32 = arith.constant 0 : i32
    %c0_i32_0 = arith.constant 0 : i32
    return %arg0, %c0_i32 : i32, i32
  }
  func.func @transform_10(%arg0: i32) -> (i32, i32) {
    %c0_i32 = arith.constant 0 : i32
    %c0_i32_0 = arith.constant 0 : i32
    return %arg0, %c0_i32 : i32, i32
  }
}

module attributes {stable_mosaic.version = 14 : i64} {
  func.func @body(%arg0: i32, %arg1: memref<2000x128xf32, #tpu.memory_space<vmem>>, %arg2: memref<2000x128xf32, #tpu.memory_space<vmem>>, %arg3: memref<2000x128xf32, #tpu.memory_space<vmem>>, %arg4: memref<2000x128xf32, #tpu.memory_space<vmem>>, %arg5: memref<2000x1xf32, #tpu.memory_space<vmem>>, %arg6: memref<128x128xf32, #tpu.memory_space<vmem>>, %arg7: memref<1x128xf32, #tpu.memory_space<vmem>>, %arg8: memref<6x2xf32, #tpu.memory_space<vmem>>, %arg9: memref<3x3xf32, #tpu.memory_space<vmem>>, %arg10: memref<2000x128xf32, #tpu.memory_space<vmem>>, %arg11: memref<2000x128xf32, #tpu.memory_space<vmem>>) attributes {dimension_semantics = [#tpu.dimension_semantics<arbitrary>], iteration_bounds = array<i64: 5>, scalar_prefetch = 0 : i64, scratch_operands = 0 : i64, tpu.core_type = #tpu.core_type<tc>, window_params = [{transform_indices = @transform_0, window_bounds = array<i64: 2000, 128>}, {transform_indices = @transform_1, window_bounds = array<i64: 2000, 128>}, {transform_indices = @transform_2, window_bounds = array<i64: 2000, 128>}, {transform_indices = @transform_3, window_bounds = array<i64: 2000, 128>}, {transform_indices = @transform_4, window_bounds = array<i64: 2000, 1>}, {pipeline_mode = #tpu.pipeline_mode<synchronous>, transform_indices = @transform_5, window_bounds = array<i64: 128, 128>}, {pipeline_mode = #tpu.pipeline_mode<synchronous>, transform_indices = @transform_6, window_bounds = array<i64: 1, 128>}, {pipeline_mode = #tpu.pipeline_mode<synchronous>, transform_indices = @transform_7, window_bounds = array<i64: 6, 2>}, {pipeline_mode = #tpu.pipeline_mode<synchronous>, transform_indices = @transform_8, window_bounds = array<i64: 3, 3>}, {transform_indices = @transform_9, window_bounds = array<i64: 2000, 128>}, {transform_indices = @transform_10, window_bounds = array<i64: 2000, 128>}]} {
    %get3A = arith.constant 0 : index
    %get3A_0 = arith.constant 0 : index
    %get3A_1 = vector.load %arg8[%get3A, %get3A_0] : memref<6x2xf32, #tpu.memory_space<vmem>>, vector<6x2xf32>
    %get3A_2 = arith.constant 0 : index
    %get3A_3 = arith.constant 0 : index
    %get3A_4 = vector.load %arg9[%get3A_2, %get3A_3] : memref<3x3xf32, #tpu.memory_space<vmem>>, vector<3x3xf32>
    %div3A = arith.constant 5.000000e-01 : f32
    %div3A_5 = vector.broadcast %div3A : f32 to vector<6x2xf32>
    %div3A_6 = arith.divf %get3A_1, %div3A_5 : vector<6x2xf32>
    %div3A_7 = arith.constant 5.000000e-01 : f32
    %div3A_8 = vector.broadcast %div3A_7 : f32 to vector<6x2xf32>
    %div3A_9 = arith.divf %get3A_1, %div3A_8 : vector<6x2xf32>
    %reduce_max3A = arith.constant dense<0xFF800000> : vector<6xf32>
    %reduce_max3A_10 = vector.multi_reduction <maximumf>, %div3A_9, %reduce_max3A [1] : vector<6x2xf32> to vector<6xf32>
    %broadcast_in_dim3A = vector.shape_cast %reduce_max3A_10 : vector<6xf32> to vector<6x1xf32>
    %sub3A = vector.broadcast %broadcast_in_dim3A : vector<6x1xf32> to vector<6x2xf32>
    %sub3A_11 = arith.subf %div3A_6, %sub3A : vector<6x2xf32>
    %exp3A = math.exp %sub3A_11 : vector<6x2xf32>
    %reduce_sum3A = arith.constant dense<0.000000e+00> : vector<6xf32>
    %reduce_sum3A_12 = vector.multi_reduction <add>, %exp3A, %reduce_sum3A [1] : vector<6x2xf32> to vector<6xf32>
    %broadcast_in_dim3A_13 = vector.shape_cast %reduce_sum3A_12 : vector<6xf32> to vector<6x1xf32>
    %div3A_14 = vector.broadcast %broadcast_in_dim3A_13 : vector<6x1xf32> to vector<6x2xf32>
    %div3A_15 = arith.divf %exp3A, %div3A_14 : vector<6x2xf32>
    %div3A_16 = arith.constant 5.000000e-01 : f32
    %div3A_17 = vector.broadcast %div3A_16 : f32 to vector<3x3xf32>
    %div3A_18 = arith.divf %get3A_4, %div3A_17 : vector<3x3xf32>
    %div3A_19 = arith.constant 5.000000e-01 : f32
    %div3A_20 = vector.broadcast %div3A_19 : f32 to vector<3x3xf32>
    %div3A_21 = arith.divf %get3A_4, %div3A_20 : vector<3x3xf32>
    %reduce_max3A_22 = arith.constant dense<0xFF800000> : vector<3xf32>
    %reduce_max3A_23 = vector.multi_reduction <maximumf>, %div3A_21, %reduce_max3A_22 [1] : vector<3x3xf32> to vector<3xf32>
    %broadcast_in_dim3A_24 = vector.shape_cast %reduce_max3A_23 : vector<3xf32> to vector<3x1xf32>
    %sub3A_25 = vector.broadcast %broadcast_in_dim3A_24 : vector<3x1xf32> to vector<3x3xf32>
    %sub3A_26 = arith.subf %div3A_18, %sub3A_25 : vector<3x3xf32>
    %exp3A_27 = math.exp %sub3A_26 : vector<3x3xf32>
    %reduce_sum3A_28 = arith.constant dense<0.000000e+00> : vector<3xf32>
    %reduce_sum3A_29 = vector.multi_reduction <add>, %exp3A_27, %reduce_sum3A_28 [1] : vector<3x3xf32> to vector<3xf32>
    %broadcast_in_dim3A_30 = vector.shape_cast %reduce_sum3A_29 : vector<3xf32> to vector<3x1xf32>
    %div3A_31 = vector.broadcast %broadcast_in_dim3A_30 : vector<3x1xf32> to vector<3x3xf32>
    %div3A_32 = arith.divf %exp3A_27, %div3A_31 : vector<3x3xf32>
    %get3A_33 = arith.constant 0 : index
    %get3A_34 = arith.constant 0 : index
    %get3A_35 = vector.load %arg5[%get3A_33, %get3A_34] : memref<2000x1xf32, #tpu.memory_space<vmem>>, vector<2000x1xf32>
    %get3A_36 = arith.constant 0 : index
    %get3A_37 = arith.constant 0 : index
    %get3A_38 = vector.load %arg1[%get3A_36, %get3A_37] : memref<2000x128xf32, #tpu.memory_space<vmem>>, vector<2000x128xf32>
    %get3A_39 = arith.constant 0 : index
    %get3A_40 = arith.constant 0 : index
    %get3A_41 = vector.load %arg2[%get3A_39, %get3A_40] : memref<2000x128xf32, #tpu.memory_space<vmem>>, vector<2000x128xf32>
    %add3A = arith.addf %get3A_38, %get3A_41 : vector<2000x128xf32>
    %get3A_42 = arith.constant 0 : index
    %get3A_43 = arith.constant 0 : index
    %get3A_44 = vector.load %arg3[%get3A_42, %get3A_43] : memref<2000x128xf32, #tpu.memory_space<vmem>>, vector<2000x128xf32>
    %add3A_45 = arith.addf %add3A, %get3A_44 : vector<2000x128xf32>
    %mul3A = vector.broadcast %get3A_35 : vector<2000x1xf32> to vector<2000x128xf32>
    %mul3A_46 = arith.mulf %mul3A, %add3A_45 : vector<2000x128xf32>
    %gt3A = arith.constant 0.000000e+00 : f32
    %gt3A_47 = vector.broadcast %gt3A : f32 to vector<2000x128xf32>
    %gt3A_48 = arith.cmpf ogt, %mul3A_46, %gt3A_47 : vector<2000x128xf32>
    %exp3A_49 = math.exp %mul3A_46 : vector<2000x128xf32>
    %sub3A_50 = arith.constant 1.000000e+00 : f32
    %sub3A_51 = vector.broadcast %sub3A_50 : f32 to vector<2000x128xf32>
    %sub3A_52 = arith.subf %exp3A_49, %sub3A_51 : vector<2000x128xf32>
    %select_n3A = arith.select %gt3A_48, %mul3A_46, %sub3A_52 : vector<2000x128xi1>, vector<2000x128xf32>
    %slice3A = vector.extract_strided_slice %div3A_15 {offsets = [1, 1], sizes = [1, 1], strides = [1, 1]} : vector<6x2xf32> to vector<1x1xf32>
    %get3A_53 = arith.constant 0 : index
    %get3A_54 = arith.constant 0 : index
    %get3A_55 = vector.load %arg4[%get3A_53, %get3A_54] : memref<2000x128xf32, #tpu.memory_space<vmem>>, vector<2000x128xf32>
    %mul3A_56 = vector.broadcast %slice3A : vector<1x1xf32> to vector<2000x128xf32>
    %mul3A_57 = arith.mulf %mul3A_56, %get3A_55 : vector<2000x128xf32>
    %slice3A_58 = vector.extract_strided_slice %div3A_15 {offsets = [2, 1], sizes = [1, 1], strides = [1, 1]} : vector<6x2xf32> to vector<1x1xf32>
    %mul3A_59 = vector.broadcast %slice3A_58 : vector<1x1xf32> to vector<2000x128xf32>
    %mul3A_60 = arith.mulf %mul3A_59, %select_n3A : vector<2000x128xf32>
    %add3A_61 = arith.addf %mul3A_57, %mul3A_60 : vector<2000x128xf32>
    %slice3A_62 = vector.extract_strided_slice %div3A_32 {offsets = [1, 0], sizes = [1, 1], strides = [1, 1]} : vector<3x3xf32> to vector<1x1xf32>
    %max3A = arith.constant 0.000000e+00 : f32
    %max3A_63 = vector.broadcast %max3A : f32 to vector<2000x128xf32>
    %max3A_64 = arith.maximumf %add3A_61, %max3A_63 : vector<2000x128xf32>
    %mul3A_65 = vector.broadcast %slice3A_62 : vector<1x1xf32> to vector<2000x128xf32>
    %mul3A_66 = arith.mulf %mul3A_65, %max3A_64 : vector<2000x128xf32>
    %slice3A_67 = vector.extract_strided_slice %div3A_32 {offsets = [1, 1], sizes = [1, 1], strides = [1, 1]} : vector<3x3xf32> to vector<1x1xf32>
    %mul3A_68 = arith.constant 5.000000e-01 : f32
    %mul3A_69 = vector.broadcast %mul3A_68 : f32 to vector<2000x128xf32>
    %mul3A_70 = arith.mulf %mul3A_69, %add3A_61 : vector<2000x128xf32>
    %max3A_71 = arith.constant 0.000000e+00 : f32
    %max3A_72 = vector.broadcast %max3A_71 : f32 to vector<2000x128xf32>
    %max3A_73 = arith.maximumf %mul3A_70, %max3A_72 : vector<2000x128xf32>
    %mul3A_74 = vector.broadcast %slice3A_67 : vector<1x1xf32> to vector<2000x128xf32>
    %mul3A_75 = arith.mulf %mul3A_74, %max3A_73 : vector<2000x128xf32>
    %add3A_76 = arith.addf %mul3A_66, %mul3A_75 : vector<2000x128xf32>
    %slice3A_77 = vector.extract_strided_slice %div3A_32 {offsets = [1, 2], sizes = [1, 1], strides = [1, 1]} : vector<3x3xf32> to vector<1x1xf32>
    %max3A_78 = arith.maximumf %mul3A_57, %mul3A_60 : vector<2000x128xf32>
    %max3A_79 = arith.constant 0.000000e+00 : f32
    %max3A_80 = vector.broadcast %max3A_79 : f32 to vector<2000x128xf32>
    %max3A_81 = arith.maximumf %max3A_78, %max3A_80 : vector<2000x128xf32>
    %mul3A_82 = vector.broadcast %slice3A_77 : vector<1x1xf32> to vector<2000x128xf32>
    %mul3A_83 = arith.mulf %mul3A_82, %max3A_81 : vector<2000x128xf32>
    %add3A_84 = arith.addf %add3A_76, %mul3A_83 : vector<2000x128xf32>
    %get3A_85 = arith.constant 0 : index
    %get3A_86 = arith.constant 0 : index
    %get3A_87 = vector.load %arg6[%get3A_85, %get3A_86] : memref<128x128xf32, #tpu.memory_space<vmem>>, vector<128x128xf32>
    %dot_general3A = arith.constant dense<0.000000e+00> : vector<2000x128xf32>
    %dot_general3A_88 = tpu.matmul %add3A_84, %get3A_87, %dot_general3A {dimension_numbers = #tpu.dot_dimension_numbers<[1], [0], [0], [1], [0, 0, 1, 1], [], []>, transpose_lhs_hint = false} : vector<2000x128xf32>, vector<128x128xf32>, vector<2000x128xf32> -> vector<2000x128xf32>
    %get3A_89 = arith.constant 0 : index
    %get3A_90 = arith.constant 0 : index
    %get3A_91 = vector.load %arg7[%get3A_89, %get3A_90] : memref<1x128xf32, #tpu.memory_space<vmem>>, vector<1x128xf32>
    %add3A_92 = vector.broadcast %get3A_91 : vector<1x128xf32> to vector<2000x128xf32>
    %add3A_93 = arith.addf %dot_general3A_88, %add3A_92 : vector<2000x128xf32>
    %swap3A = arith.constant 0 : index
    %swap3A_94 = arith.constant 0 : index
    %swap3A_95 = vector.load %arg10[%swap3A, %swap3A_94] : memref<2000x128xf32, #tpu.memory_space<vmem>>, vector<2000x128xf32>
    tpu.vector_store %arg10[%swap3A, %swap3A_94], %select_n3A {strides = array<i32>} : memref<2000x128xf32, #tpu.memory_space<vmem>>, vector<2000x128xf32>,
    %mul3A_96 = vector.broadcast %get3A_35 : vector<2000x1xf32> to vector<2000x128xf32>
    %mul3A_97 = arith.mulf %mul3A_96, %add3A_93 : vector<2000x128xf32>
    %swap3A_98 = arith.constant 0 : index
    %swap3A_99 = arith.constant 0 : index
    %swap3A_100 = vector.load %arg11[%swap3A_98, %swap3A_99] : memref<2000x128xf32, #tpu.memory_space<vmem>>, vector<2000x128xf32>
    tpu.vector_store %arg11[%swap3A_98, %swap3A_99], %mul3A_97 {strides = array<i32>} : memref<2000x128xf32, #tpu.memory_space<vmem>>, vector<2000x128xf32>,
    return
  }
  func.func @transform_0(%arg0: i32) -> (i32, i32) {
    %c0_i32 = arith.constant 0 : i32
    %c0_i32_0 = arith.constant 0 : i32
    return %arg0, %c0_i32 : i32, i32
  }
  func.func @transform_1(%arg0: i32) -> (i32, i32) {
    %c0_i32 = arith.constant 0 : i32
    %c0_i32_0 = arith.constant 0 : i32
    return %arg0, %c0_i32 : i32, i32
  }
  func.func @transform_2(%arg0: i32) -> (i32, i32) {
    %c0_i32 = arith.constant 0 : i32
    %c0_i32_0 = arith.constant 0 : i32
    return %arg0, %c0_i32 : i32, i32
  }
  func.func @transform_3(%arg0: i32) -> (i32, i32) {
    %c0_i32 = arith.constant 0 : i32
    %c0_i32_0 = arith.constant 0 : i32
    return %arg0, %c0_i32 : i32, i32
  }
  func.func @transform_4(%arg0: i32) -> (i32, i32) {
    %c0_i32 = arith.constant 0 : i32
    %c0_i32_0 = arith.constant 0 : i32
    return %arg0, %c0_i32 : i32, i32
  }
  func.func @transform_5(%arg0: i32) -> (i32, i32) {
    %c0_i32 = arith.constant 0 : i32
    %c0_i32_0 = arith.constant 0 : i32
    %c0_i32_1 = arith.constant 0 : i32
    return %c0_i32, %c0_i32_0 : i32, i32
  }
  func.func @transform_6(%arg0: i32) -> (i32, i32) {
    %c0_i32 = arith.constant 0 : i32
    %c0_i32_0 = arith.constant 0 : i32
    %c0_i32_1 = arith.constant 0 : i32
    return %c0_i32, %c0_i32_0 : i32, i32
  }
  func.func @transform_7(%arg0: i32) -> (i32, i32) {
    %c0_i32 = arith.constant 0 : i32
    %c0_i32_0 = arith.constant 0 : i32
    %c0_i32_1 = arith.constant 0 : i32
    return %c0_i32, %c0_i32_0 : i32, i32
  }
  func.func @transform_8(%arg0: i32) -> (i32, i32) {
    %c0_i32 = arith.constant 0 : i32
    %c0_i32_0 = arith.constant 0 : i32
    %c0_i32_1 = arith.constant 0 : i32
    return %c0_i32, %c0_i32_0 : i32, i32
  }
  func.func @transform_9(%arg0: i32) -> (i32, i32) {
    %c0_i32 = arith.constant 0 : i32
    %c0_i32_0 = arith.constant 0 : i32
    return %arg0, %c0_i32 : i32, i32
  }
  func.func @transform_10(%arg0: i32) -> (i32, i32) {
    %c0_i32 = arith.constant 0 : i32
    %c0_i32_0 = arith.constant 0 : i32
    return %arg0, %c0_i32 : i32, i32
  }
}

module attributes {stable_mosaic.version = 14 : i64} {
  func.func @body(%arg0: i32, %arg1: memref<2000x128xf32, #tpu.memory_space<vmem>>, %arg2: memref<2000x128xf32, #tpu.memory_space<vmem>>, %arg3: memref<2000x128xf32, #tpu.memory_space<vmem>>, %arg4: memref<2000x128xf32, #tpu.memory_space<vmem>>, %arg5: memref<2000x128xf32, #tpu.memory_space<vmem>>, %arg6: memref<2000x1xf32, #tpu.memory_space<vmem>>, %arg7: memref<128x128xf32, #tpu.memory_space<vmem>>, %arg8: memref<1x128xf32, #tpu.memory_space<vmem>>, %arg9: memref<128x64xf32, #tpu.memory_space<vmem>>, %arg10: memref<1x64xf32, #tpu.memory_space<vmem>>, %arg11: memref<6x2xf32, #tpu.memory_space<vmem>>, %arg12: memref<3x3xf32, #tpu.memory_space<vmem>>, %arg13: memref<2000x64xf32, #tpu.memory_space<vmem>>) attributes {dimension_semantics = [#tpu.dimension_semantics<arbitrary>], iteration_bounds = array<i64: 5>, scalar_prefetch = 0 : i64, scratch_operands = 0 : i64, tpu.core_type = #tpu.core_type<tc>, window_params = [{transform_indices = @transform_0, window_bounds = array<i64: 2000, 128>}, {transform_indices = @transform_1, window_bounds = array<i64: 2000, 128>}, {transform_indices = @transform_2, window_bounds = array<i64: 2000, 128>}, {transform_indices = @transform_3, window_bounds = array<i64: 2000, 128>}, {transform_indices = @transform_4, window_bounds = array<i64: 2000, 128>}, {transform_indices = @transform_5, window_bounds = array<i64: 2000, 1>}, {pipeline_mode = #tpu.pipeline_mode<synchronous>, transform_indices = @transform_6, window_bounds = array<i64: 128, 128>}, {pipeline_mode = #tpu.pipeline_mode<synchronous>, transform_indices = @transform_7, window_bounds = array<i64: 1, 128>}, {pipeline_mode = #tpu.pipeline_mode<synchronous>, transform_indices = @transform_8, window_bounds = array<i64: 128, 64>}, {pipeline_mode = #tpu.pipeline_mode<synchronous>, transform_indices = @transform_9, window_bounds = array<i64: 1, 64>}, {pipeline_mode = #tpu.pipeline_mode<synchronous>, transform_indices = @transform_10, window_bounds = array<i64: 6, 2>}, {pipeline_mode = #tpu.pipeline_mode<synchronous>, transform_indices = @transform_11, window_bounds = array<i64: 3, 3>}, {transform_indices = @transform_12, window_bounds = array<i64: 2000, 64>}]} {
    %get3A = arith.constant 0 : index
    %get3A_0 = arith.constant 0 : index
    %get3A_1 = vector.load %arg11[%get3A, %get3A_0] : memref<6x2xf32, #tpu.memory_space<vmem>>, vector<6x2xf32>
    %get3A_2 = arith.constant 0 : index
    %get3A_3 = arith.constant 0 : index
    %get3A_4 = vector.load %arg12[%get3A_2, %get3A_3] : memref<3x3xf32, #tpu.memory_space<vmem>>, vector<3x3xf32>
    %div3A = arith.constant 5.000000e-01 : f32
    %div3A_5 = vector.broadcast %div3A : f32 to vector<6x2xf32>
    %div3A_6 = arith.divf %get3A_1, %div3A_5 : vector<6x2xf32>
    %div3A_7 = arith.constant 5.000000e-01 : f32
    %div3A_8 = vector.broadcast %div3A_7 : f32 to vector<6x2xf32>
    %div3A_9 = arith.divf %get3A_1, %div3A_8 : vector<6x2xf32>
    %reduce_max3A = arith.constant dense<0xFF800000> : vector<6xf32>
    %reduce_max3A_10 = vector.multi_reduction <maximumf>, %div3A_9, %reduce_max3A [1] : vector<6x2xf32> to vector<6xf32>
    %broadcast_in_dim3A = vector.shape_cast %reduce_max3A_10 : vector<6xf32> to vector<6x1xf32>
    %sub3A = vector.broadcast %broadcast_in_dim3A : vector<6x1xf32> to vector<6x2xf32>
    %sub3A_11 = arith.subf %div3A_6, %sub3A : vector<6x2xf32>
    %exp3A = math.exp %sub3A_11 : vector<6x2xf32>
    %reduce_sum3A = arith.constant dense<0.000000e+00> : vector<6xf32>
    %reduce_sum3A_12 = vector.multi_reduction <add>, %exp3A, %reduce_sum3A [1] : vector<6x2xf32> to vector<6xf32>
    %broadcast_in_dim3A_13 = vector.shape_cast %reduce_sum3A_12 : vector<6xf32> to vector<6x1xf32>
    %div3A_14 = vector.broadcast %broadcast_in_dim3A_13 : vector<6x1xf32> to vector<6x2xf32>
    %div3A_15 = arith.divf %exp3A, %div3A_14 : vector<6x2xf32>
    %div3A_16 = arith.constant 5.000000e-01 : f32
    %div3A_17 = vector.broadcast %div3A_16 : f32 to vector<3x3xf32>
    %div3A_18 = arith.divf %get3A_4, %div3A_17 : vector<3x3xf32>
    %div3A_19 = arith.constant 5.000000e-01 : f32
    %div3A_20 = vector.broadcast %div3A_19 : f32 to vector<3x3xf32>
    %div3A_21 = arith.divf %get3A_4, %div3A_20 : vector<3x3xf32>
    %reduce_max3A_22 = arith.constant dense<0xFF800000> : vector<3xf32>
    %reduce_max3A_23 = vector.multi_reduction <maximumf>, %div3A_21, %reduce_max3A_22 [1] : vector<3x3xf32> to vector<3xf32>
    %broadcast_in_dim3A_24 = vector.shape_cast %reduce_max3A_23 : vector<3xf32> to vector<3x1xf32>
    %sub3A_25 = vector.broadcast %broadcast_in_dim3A_24 : vector<3x1xf32> to vector<3x3xf32>
    %sub3A_26 = arith.subf %div3A_18, %sub3A_25 : vector<3x3xf32>
    %exp3A_27 = math.exp %sub3A_26 : vector<3x3xf32>
    %reduce_sum3A_28 = arith.constant dense<0.000000e+00> : vector<3xf32>
    %reduce_sum3A_29 = vector.multi_reduction <add>, %exp3A_27, %reduce_sum3A_28 [1] : vector<3x3xf32> to vector<3xf32>
    %broadcast_in_dim3A_30 = vector.shape_cast %reduce_sum3A_29 : vector<3xf32> to vector<3x1xf32>
    %div3A_31 = vector.broadcast %broadcast_in_dim3A_30 : vector<3x1xf32> to vector<3x3xf32>
    %div3A_32 = arith.divf %exp3A_27, %div3A_31 : vector<3x3xf32>
    %get3A_33 = arith.constant 0 : index
    %get3A_34 = arith.constant 0 : index
    %get3A_35 = vector.load %arg6[%get3A_33, %get3A_34] : memref<2000x1xf32, #tpu.memory_space<vmem>>, vector<2000x1xf32>
    %get3A_36 = arith.constant 0 : index
    %get3A_37 = arith.constant 0 : index
    %get3A_38 = vector.load %arg1[%get3A_36, %get3A_37] : memref<2000x128xf32, #tpu.memory_space<vmem>>, vector<2000x128xf32>
    %get3A_39 = arith.constant 0 : index
    %get3A_40 = arith.constant 0 : index
    %get3A_41 = vector.load %arg2[%get3A_39, %get3A_40] : memref<2000x128xf32, #tpu.memory_space<vmem>>, vector<2000x128xf32>
    %add3A = arith.addf %get3A_38, %get3A_41 : vector<2000x128xf32>
    %get3A_42 = arith.constant 0 : index
    %get3A_43 = arith.constant 0 : index
    %get3A_44 = vector.load %arg3[%get3A_42, %get3A_43] : memref<2000x128xf32, #tpu.memory_space<vmem>>, vector<2000x128xf32>
    %add3A_45 = arith.addf %add3A, %get3A_44 : vector<2000x128xf32>
    %mul3A = vector.broadcast %get3A_35 : vector<2000x1xf32> to vector<2000x128xf32>
    %mul3A_46 = arith.mulf %mul3A, %add3A_45 : vector<2000x128xf32>
    %gt3A = arith.constant 0.000000e+00 : f32
    %gt3A_47 = vector.broadcast %gt3A : f32 to vector<2000x128xf32>
    %gt3A_48 = arith.cmpf ogt, %mul3A_46, %gt3A_47 : vector<2000x128xf32>
    %exp3A_49 = math.exp %mul3A_46 : vector<2000x128xf32>
    %sub3A_50 = arith.constant 1.000000e+00 : f32
    %sub3A_51 = vector.broadcast %sub3A_50 : f32 to vector<2000x128xf32>
    %sub3A_52 = arith.subf %exp3A_49, %sub3A_51 : vector<2000x128xf32>
    %select_n3A = arith.select %gt3A_48, %mul3A_46, %sub3A_52 : vector<2000x128xi1>, vector<2000x128xf32>
    %slice3A = vector.extract_strided_slice %div3A_15 {offsets = [3, 1], sizes = [1, 1], strides = [1, 1]} : vector<6x2xf32> to vector<1x1xf32>
    %get3A_53 = arith.constant 0 : index
    %get3A_54 = arith.constant 0 : index
    %get3A_55 = vector.load %arg4[%get3A_53, %get3A_54] : memref<2000x128xf32, #tpu.memory_space<vmem>>, vector<2000x128xf32>
    %mul3A_56 = vector.broadcast %slice3A : vector<1x1xf32> to vector<2000x128xf32>
    %mul3A_57 = arith.mulf %mul3A_56, %get3A_55 : vector<2000x128xf32>
    %slice3A_58 = vector.extract_strided_slice %div3A_15 {offsets = [4, 1], sizes = [1, 1], strides = [1, 1]} : vector<6x2xf32> to vector<1x1xf32>
    %get3A_59 = arith.constant 0 : index
    %get3A_60 = arith.constant 0 : index
    %get3A_61 = vector.load %arg5[%get3A_59, %get3A_60] : memref<2000x128xf32, #tpu.memory_space<vmem>>, vector<2000x128xf32>
    %mul3A_62 = vector.broadcast %slice3A_58 : vector<1x1xf32> to vector<2000x128xf32>
    %mul3A_63 = arith.mulf %mul3A_62, %get3A_61 : vector<2000x128xf32>
    %slice3A_64 = vector.extract_strided_slice %div3A_15 {offsets = [5, 1], sizes = [1, 1], strides = [1, 1]} : vector<6x2xf32> to vector<1x1xf32>
    %mul3A_65 = vector.broadcast %slice3A_64 : vector<1x1xf32> to vector<2000x128xf32>
    %mul3A_66 = arith.mulf %mul3A_65, %select_n3A : vector<2000x128xf32>
    %add3A_67 = arith.addf %mul3A_57, %mul3A_63 : vector<2000x128xf32>
    %add3A_68 = arith.addf %add3A_67, %mul3A_66 : vector<2000x128xf32>
    %max3A = arith.maximumf %mul3A_57, %mul3A_63 : vector<2000x128xf32>
    %max3A_69 = arith.maximumf %max3A, %mul3A_66 : vector<2000x128xf32>
    %slice3A_70 = vector.extract_strided_slice %div3A_32 {offsets = [2, 0], sizes = [1, 1], strides = [1, 1]} : vector<3x3xf32> to vector<1x1xf32>
    %max3A_71 = arith.constant 0.000000e+00 : f32
    %max3A_72 = vector.broadcast %max3A_71 : f32 to vector<2000x128xf32>
    %max3A_73 = arith.maximumf %add3A_68, %max3A_72 : vector<2000x128xf32>
    %mul3A_74 = vector.broadcast %slice3A_70 : vector<1x1xf32> to vector<2000x128xf32>
    %mul3A_75 = arith.mulf %mul3A_74, %max3A_73 : vector<2000x128xf32>
    %slice3A_76 = vector.extract_strided_slice %div3A_32 {offsets = [2, 1], sizes = [1, 1], strides = [1, 1]} : vector<3x3xf32> to vector<1x1xf32>
    %mul3A_77 = arith.constant 0.333333343 : f32
    %mul3A_78 = vector.broadcast %mul3A_77 : f32 to vector<2000x128xf32>
    %mul3A_79 = arith.mulf %add3A_68, %mul3A_78 : vector<2000x128xf32>
    %max3A_80 = arith.constant 0.000000e+00 : f32
    %max3A_81 = vector.broadcast %max3A_80 : f32 to vector<2000x128xf32>
    %max3A_82 = arith.maximumf %mul3A_79, %max3A_81 : vector<2000x128xf32>
    %mul3A_83 = vector.broadcast %slice3A_76 : vector<1x1xf32> to vector<2000x128xf32>
    %mul3A_84 = arith.mulf %mul3A_83, %max3A_82 : vector<2000x128xf32>
    %add3A_85 = arith.addf %mul3A_75, %mul3A_84 : vector<2000x128xf32>
    %slice3A_86 = vector.extract_strided_slice %div3A_32 {offsets = [2, 2], sizes = [1, 1], strides = [1, 1]} : vector<3x3xf32> to vector<1x1xf32>
    %max3A_87 = arith.constant 0.000000e+00 : f32
    %max3A_88 = vector.broadcast %max3A_87 : f32 to vector<2000x128xf32>
    %max3A_89 = arith.maximumf %max3A_69, %max3A_88 : vector<2000x128xf32>
    %mul3A_90 = vector.broadcast %slice3A_86 : vector<1x1xf32> to vector<2000x128xf32>
    %mul3A_91 = arith.mulf %mul3A_90, %max3A_89 : vector<2000x128xf32>
    %add3A_92 = arith.addf %add3A_85, %mul3A_91 : vector<2000x128xf32>
    %get3A_93 = arith.constant 0 : index
    %get3A_94 = arith.constant 0 : index
    %get3A_95 = vector.load %arg7[%get3A_93, %get3A_94] : memref<128x128xf32, #tpu.memory_space<vmem>>, vector<128x128xf32>
    %dot_general3A = arith.constant dense<0.000000e+00> : vector<2000x128xf32>
    %dot_general3A_96 = tpu.matmul %add3A_92, %get3A_95, %dot_general3A {dimension_numbers = #tpu.dot_dimension_numbers<[1], [0], [0], [1], [0, 0, 1, 1], [], []>, transpose_lhs_hint = false} : vector<2000x128xf32>, vector<128x128xf32>, vector<2000x128xf32> -> vector<2000x128xf32>
    %get3A_97 = arith.constant 0 : index
    %get3A_98 = arith.constant 0 : index
    %get3A_99 = vector.load %arg8[%get3A_97, %get3A_98] : memref<1x128xf32, #tpu.memory_space<vmem>>, vector<1x128xf32>
    %add3A_100 = vector.broadcast %get3A_99 : vector<1x128xf32> to vector<2000x128xf32>
    %add3A_101 = arith.addf %dot_general3A_96, %add3A_100 : vector<2000x128xf32>
    %max3A_102 = arith.constant 0.000000e+00 : f32
    %max3A_103 = vector.broadcast %max3A_102 : f32 to vector<2000x128xf32>
    %max3A_104 = arith.maximumf %add3A_101, %max3A_103 : vector<2000x128xf32>
    %get3A_105 = arith.constant 0 : index
    %get3A_106 = arith.constant 0 : index
    %get3A_107 = vector.load %arg9[%get3A_105, %get3A_106] : memref<128x64xf32, #tpu.memory_space<vmem>>, vector<128x64xf32>
    %dot_general3A_108 = arith.constant dense<0.000000e+00> : vector<2000x64xf32>
    %dot_general3A_109 = tpu.matmul %max3A_104, %get3A_107, %dot_general3A_108 {dimension_numbers = #tpu.dot_dimension_numbers<[1], [0], [0], [1], [0, 0, 1, 1], [], []>, transpose_lhs_hint = false} : vector<2000x128xf32>, vector<128x64xf32>, vector<2000x64xf32> -> vector<2000x64xf32>
    %get3A_110 = arith.constant 0 : index
    %get3A_111 = arith.constant 0 : index
    %get3A_112 = vector.load %arg10[%get3A_110, %get3A_111] : memref<1x64xf32, #tpu.memory_space<vmem>>, vector<1x64xf32>
    %add3A_113 = vector.broadcast %get3A_112 : vector<1x64xf32> to vector<2000x64xf32>
    %add3A_114 = arith.addf %dot_general3A_109, %add3A_113 : vector<2000x64xf32>
    %swap3A = arith.constant 0 : index
    %swap3A_115 = arith.constant 0 : index
    %swap3A_116 = vector.load %arg13[%swap3A, %swap3A_115] : memref<2000x64xf32, #tpu.memory_space<vmem>>, vector<2000x64xf32>
    tpu.vector_store %arg13[%swap3A, %swap3A_115], %add3A_114 {strides = array<i32>} : memref<2000x64xf32, #tpu.memory_space<vmem>>, vector<2000x64xf32>,
    return
  }
  func.func @transform_0(%arg0: i32) -> (i32, i32) {
    %c0_i32 = arith.constant 0 : i32
    %c0_i32_0 = arith.constant 0 : i32
    return %arg0, %c0_i32 : i32, i32
  }
  func.func @transform_1(%arg0: i32) -> (i32, i32) {
    %c0_i32 = arith.constant 0 : i32
    %c0_i32_0 = arith.constant 0 : i32
    return %arg0, %c0_i32 : i32, i32
  }
  func.func @transform_2(%arg0: i32) -> (i32, i32) {
    %c0_i32 = arith.constant 0 : i32
    %c0_i32_0 = arith.constant 0 : i32
    return %arg0, %c0_i32 : i32, i32
  }
  func.func @transform_3(%arg0: i32) -> (i32, i32) {
    %c0_i32 = arith.constant 0 : i32
    %c0_i32_0 = arith.constant 0 : i32
    return %arg0, %c0_i32 : i32, i32
  }
  func.func @transform_4(%arg0: i32) -> (i32, i32) {
    %c0_i32 = arith.constant 0 : i32
    %c0_i32_0 = arith.constant 0 : i32
    return %arg0, %c0_i32 : i32, i32
  }
  func.func @transform_5(%arg0: i32) -> (i32, i32) {
    %c0_i32 = arith.constant 0 : i32
    %c0_i32_0 = arith.constant 0 : i32
    return %arg0, %c0_i32 : i32, i32
  }
  func.func @transform_6(%arg0: i32) -> (i32, i32) {
    %c0_i32 = arith.constant 0 : i32
    %c0_i32_0 = arith.constant 0 : i32
    %c0_i32_1 = arith.constant 0 : i32
    return %c0_i32, %c0_i32_0 : i32, i32
  }
  func.func @transform_7(%arg0: i32) -> (i32, i32) {
    %c0_i32 = arith.constant 0 : i32
    %c0_i32_0 = arith.constant 0 : i32
    %c0_i32_1 = arith.constant 0 : i32
    return %c0_i32, %c0_i32_0 : i32, i32
  }
  func.func @transform_8(%arg0: i32) -> (i32, i32) {
    %c0_i32 = arith.constant 0 : i32
    %c0_i32_0 = arith.constant 0 : i32
    %c0_i32_1 = arith.constant 0 : i32
    return %c0_i32, %c0_i32_0 : i32, i32
  }
  func.func @transform_9(%arg0: i32) -> (i32, i32) {
    %c0_i32 = arith.constant 0 : i32
    %c0_i32_0 = arith.constant 0 : i32
    %c0_i32_1 = arith.constant 0 : i32
    return %c0_i32, %c0_i32_0 : i32, i32
  }
  func.func @transform_10(%arg0: i32) -> (i32, i32) {
    %c0_i32 = arith.constant 0 : i32
    %c0_i32_0 = arith.constant 0 : i32
    %c0_i32_1 = arith.constant 0 : i32
    return %c0_i32, %c0_i32_0 : i32, i32
  }
  func.func @transform_11(%arg0: i32) -> (i32, i32) {
    %c0_i32 = arith.constant 0 : i32
    %c0_i32_0 = arith.constant 0 : i32
    %c0_i32_1 = arith.constant 0 : i32
    return %c0_i32, %c0_i32_0 : i32, i32
  }
  func.func @transform_12(%arg0: i32) -> (i32, i32) {
    %c0_i32 = arith.constant 0 : i32
    %c0_i32_0 = arith.constant 0 : i32
    return %arg0, %c0_i32 : i32, i32
  }
}

</mosaic_0001>

<sc_bundles>
// kernel: kernel.11.cloned.1.call-start
scs
__scs_entry_jumppad:
0x0: {  	(pc) =	sbr.rel $0x88, $3  }
0x1: {  	(tag) =	ssettag $0x0;
	lr =	simm.s32 $0x1  }
0x2: {  	[smem:$0x3F93] =	sst lr;
	_ =	strace $0xD0000000  }
0x3: {  	_ = 	snop  }
0x4: {  	_ = 	snop  }
0x5: {  	_ = 	snop  }
0x6: {  	_ = 	snop  }
0x7: {  	_ = 	snop  }
__scs_overlays_trampoline_lowered:
0x8: {  	[smem:$0x3FA2] =	sst s0  }
0x9: {  	[smem:$0x3FA3] =	sst s1  }
0xa: {  	[smem:$0x3FA4] =	sst s2  }
0xb: {  	[smem:$0x3FA5] =	sst s3  }
0xc: {  	[smem:$0x3FA6] =	sst s4  }
0xd: {  	[smem:$0x3FA7] =	sst s5  }
0xe: {  	[smem:$0x3FA8] =	sst s6  }
0xf: {  	[smem:$0x3FA9] =	sst s7  }
0x10: {  	[smem:$0x3FAA] =	sst s8  }
0x11: {  	[smem:$0x3FAB] =	sst s9;
	s0 =	simm.s32 @!p0 $0x0  }
0x12: {  	s1 =	sld [smem:$0x3F91];
	s0 =	simm.s32 @p0 $0x1  }
0x13: {  	[smem:$0x3FAC] =	sst s0;
	s0 =	simm.s32 @!p1 $0x0  }
0x14: {  	s2 =	sld [smem:$0x3F90];
	s0 =	simm.s32 @p1 $0x1  }
0x15: {  	[smem:$0x3FAD] =	sst s0;
	s0 =	simm.s32 @!p2 $0x0  }
0x16: {  	s3 =	sld [smem:$0x3FDB];
	s0 =	simm.s32 @p2 $0x1  }
0x17: {  	s4 =	simm.s32 $0x1BF5;
	[smem:$0x3FAF] =	sst s0  }
0x18: {  	s0 =	sld [smem:$0x3F92];
	_ =	swait.ge [sflag:s4], $0x0  }
0x19: {  	s7 =	sld [smem:$0x3F93]  }
0x1a: {  	s8 =	sadd.s32 $0xFFFFE003, lr  }
0x1b: {  	s9 =	sadd.s32 $0xFFFFFEF7, lr;
	s5 =	simm.s32 $0xFFFFFFFF;
	p2 =	slt.u32 s8, $0xFFFFF086  }
0x1c: {  	p1 =	slt.u32 s9, $0xF7A;
	s5 =	simm.s32 @!p2 $0x0  }
0x1d: {  	s5 =	simm.s32 @p1 $0x1;
	p0 =	seq.s32 s7, s2  }
0x1e: {  	s7 =	smul.u32 @!p0 $0xF7A, s2;
	p2 =	seq.s32 @!p0 s5, $0x0  }
0x1f: {  	s9 =	smul.u32 $0xF7A, s1;
	s8 =	simm.s32 @!p0 $0x1BF5;
	p2 =	por !p2, p0  }
0x20: {  	[sflag:s8] =	ssyncset.s32 @!p0 $0xFFFFF086;
	s6 =	sadd.s32 @!p0 s3, s7;
	s7 =	simm.s32 @!p0 $0x108  }
0x21: {  	s3 =	sadd.s32 s3, s9;
	s6 =	sadd.s32 @!p0 $0x88, s6;
	s7 =	simm.s32 @p2 $0x1082  }
0x22: {  	[simem:s7], [sflag:s8] =	dma.local @!p0 [hbm:s6], $0xF7A  }
0x23: {  	s9 =	sor.u32 $0xD0000000, s2;
	s6 =	simm.s32 $0x108;
	_ =	swait.ge @!p0 [sflag:s8], $0x0  }
0x24: {  	s3 =	sadd.s32 $0x88, s3;
	s6 =	simm.s32 @!p1 $0x1082;
	[sflag:s4] =	ssyncset.s32 $0xFFFFF086  }
0x25: {  	[simem:s6], [sflag:s4] =	dma.local [hbm:s3], $0xF7A  }
0x26: {  	[smem:$0x3F93] =	sst s1;
	(tag) =	ssettag s2;
	_ =	strace s9  }
0x27: {  	s1 =	sld [smem:$0x3FA3]  }
0x28: {  	s2 =	sld [smem:$0x3FA4]  }
0x29: {  	s4 =	sld [smem:$0x3FA6]  }
0x2a: {  	p0 =	seq.s32 s5, $0x0;
	s5 =	sld [smem:$0x3FA7]  }
0x2b: {  	s6 =	sld [smem:$0x3FA8]  }
0x2c: {  	s7 =	sld [smem:$0x3FA9]  }
0x2d: {  	s3 =	simm.s32 $0x108;
	s8 =	sld [smem:$0x3FAA]  }
0x2e: {  	s3 =	simm.s32 @!p0 $0x1082;
	s9 =	sld [smem:$0x3FAB]  }
0x2f: {  	lr =	sadd.s32 s0, s3;
	s0 =	sld [smem:$0x3FA2]  }
0x30: {  	s3 =	sld [smem:$0x3FA5]  }
0x31: {  	[smem:$0x3FAE] =	sst s10  }
0x32: {  	s10 =	sld [smem:$0x3FAC];
	_ =	sdelay $0x3  }
0x33: {  	p0 =	seq.s32 s10, $0x1;
	s10 =	sld [smem:$0x3FAE];
	_ =	sdelay $0x3  }
0x34: {  	[smem:$0x3FAE] =	sst s10  }
0x35: {  	s10 =	sld [smem:$0x3FAD];
	_ =	sdelay $0x3  }
0x36: {  	p1 =	seq.s32 s10, $0x1;
	s10 =	sld [smem:$0x3FAE];
	_ =	sdelay $0x3  }
0x37: {  	[smem:$0x3FAE] =	sst s10  }
0x38: {  	s10 =	sld [smem:$0x3FAF]  }
0x39: {  	_ = 	snop;
	(pc) =	sbr.ind lr, $3  }
0x3a: {  	_ = 	snop  }
0x3b: {  	_ = 	snop  }
0x3c: {  	p2 =	seq.s32 s10, $0x1;
	s10 =	sld [smem:$0x3FAE]  }
0x3d: {  	_ =	shalt  }
0x3e: {  	_ =	shalt  }
0x3f: {  	_ =	shalt  }
0x40: {  	_ =	shalt  }
0x41: {  	_ =	shalt  }
0x42: {  	_ =	shalt  }
0x43: {  	_ =	shalt  }
0x44: {  	_ =	shalt  }
0x45: {  	_ =	shalt  }
0x46: {  	_ =	shalt  }
0x47: {  	_ =	shalt  }
0x48: {  	_ =	shalt  }
0x49: {  	_ =	shalt  }
0x4a: {  	_ =	shalt  }
0x4b: {  	_ =	shalt  }
0x4c: {  	_ =	shalt  }
0x4d: {  	_ =	shalt  }
0x4e: {  	_ =	shalt  }
0x4f: {  	_ =	shalt  }
0x50: {  	_ =	shalt  }
0x51: {  	_ =	shalt  }
0x52: {  	_ =	shalt  }
0x53: {  	_ =	shalt  }
0x54: {  	_ =	shalt  }
0x55: {  	_ =	shalt  }
0x56: {  	_ =	shalt  }
0x57: {  	_ =	shalt  }
0x58: {  	_ =	shalt  }
0x59: {  	_ =	shalt  }
0x5a: {  	_ =	shalt  }
0x5b: {  	_ =	shalt  }
0x5c: {  	_ =	shalt  }
0x5d: {  	_ =	shalt  }
0x5e: {  	_ =	shalt  }
0x5f: {  	_ =	shalt  }
0x60: {  	_ =	shalt  }
0x61: {  	_ =	shalt  }
0x62: {  	_ =	shalt  }
0x63: {  	_ =	shalt  }
0x64: {  	_ =	shalt  }
0x65: {  	_ =	shalt  }
0x66: {  	_ =	shalt  }
0x67: {  	_ =	shalt  }
0x68: {  	_ =	shalt  }
0x69: {  	_ =	shalt  }
0x6a: {  	_ =	shalt  }
0x6b: {  	_ =	shalt  }
0x6c: {  	_ =	shalt  }
0x6d: {  	_ =	shalt  }
0x6e: {  	_ =	shalt  }
0x6f: {  	_ =	shalt  }
0x70: {  	_ =	shalt  }
0x71: {  	_ =	shalt  }
0x72: {  	_ =	shalt  }
0x73: {  	_ =	shalt  }
0x74: {  	_ =	shalt  }
0x75: {  	_ =	shalt  }
0x76: {  	_ =	shalt  }
0x77: {  	_ =	shalt  }
0x78: {  	_ =	shalt  }
0x79: {  	_ =	shalt  }
0x7a: {  	_ =	shalt  }
0x7b: {  	_ =	shalt  }
0x7c: {  	_ =	shalt  }
0x7d: {  	_ =	shalt  }
0x7e: {  	_ =	shalt  }
0x7f: {  	_ =	shalt  }
0x80: {  	_ =	shalt  }
0x81: {  	_ =	shalt  }
0x82: {  	_ =	shalt  }
0x83: {  	_ =	shalt  }
0x84: {  	_ =	shalt  }
0x85: {  	_ =	shalt  }
0x86: {  	_ =	shalt  }
0x87: {  	_ =	shalt  }
.Lfunc_end0:
.L_simem_size_0:
called_computation.1_lowered:
.L_overlay_start_0:
0x88: {  	s2 =	sld [smem:$0x3FD9]  }
0x89: {  	s3 =	sld [smem:$0x3FFE];
	_ =	sdelay $0x1  }
0x8a: {  	s1 =	srdreg.scid  }
0x8b: {  	s0 =	sand.u32 $0x1, s1  }
0x8c: {  	s16 =	sshll.u32 s0, $0xA;
	s2 =	sadd.s32 s3, s2  }
0x8d: {  	s2 =	sadd.s32 s2, s16  }
0x8e: {  	[smem:$0x3FBA] =	sst s2  }
0x8f: {  	_ = 	snop  }
0x90: {  	(tm) =	ssettm $0x1  }
0x91: {  	s17 =	sld [smem:$0x3FFB];
	_ =	sdelay $0x3  }
0x92: {  	_ =	strace s17  }
0x93: {  	s2 =	sld [smem:$0x3FFC];
	_ =	sdelay $0x3  }
0x94: {  	_ =	strace s2  }
0x95: {  	s2 =	sld [smem:$0x3FFD];
	_ =	sdelay $0x3  }
0x96: {  	_ =	strace s2  }
0x97: {  	_ =	strace $0x8FFFFFFF  }
0x98: {  	s18 =	sld [smem:$0x3FDB];
	_ =	sdelay $0x1  }
0x99: {  	s19 =	simm.s32 $_scs_section_size  }
0x9a: {  	s4 =	simm.s32 $_size__tile_overlayer_lowered;
	s5 =	simm.s32 $_tile_overlayer_lowered  }
0x9b: {  	s22 =	simm.s32 $0x1BFF;
	s21 =	sshll.u32 s5, $0x1;
	s2 =	sadd.s32 s19, s18  }
0x9c: {  	s6 =	simm.s32 $0x0;
	s20 =	sshll.u32 s4, $0x1;
	s4 =	sadd.s32 s21, s2  }
0x9d: {  	[timem:s6], [sflag:s22] =	dma.local [hbm:s4], s20  }
0x9e: {  	_ =	swait.ge [sflag:s22], s20  }
0x9f: {  	s3 =	ssub.s32 $0x0, s20;
	[sflag:s22] =	ssyncset.done $0x0  }
0xa0: {  	[sflag:s22] =	ssyncadd.s32 s3;
	_ =	sdelay $0x1  }
0xa1: {  	s23 =	simm.s32 $0x1B8B  }
0xa2: {  	_ =	swait.ge [sflag:s23], $0x1  }
0xa3: {  	[sflag:s23] =	ssyncset.done $0x0  }
0xa4: {  	s25 =	simm.s32 $0x1B8E;
	s24 =	sld [smem:$0x3FFE];
	[sflag:s23] =	ssyncadd.s32 $0xFFFFFFFF  }
0xa5: {  	s26 =	simm.s32 $execute0_lowered;
	[smem:$0x3FD2] =	sst s25  }
0xa6: {  	s4 =	sshll.u32 s26, $0x1;
	_ =	strace $0x80000049;
	[dreg:$0x1] =	wrdreg $0xFFFFFFFF  }
0xa7: {  	s28 =	simm.s32 $_size_execute0_lowered;
	s2 =	sadd.s32 s2, s4;
	[dreg:$0x0] =	wrdreg $0x0  }
0xa8: {  	s4 =	sshll.u32 s28, $0x1;
	[dreg:$0x2] =	wrdreg s2  }
0xa9: {  	[dreg:$0x3] =	wrdreg s4  }
0xaa: {  	[dreg:$0x4] =	wrdreg $0xC0  }
0xab: {  	_ =	task [dreg:s6], $0x5FFFF  }
0xac: {  	[dreg:$0x1] =	wrdreg $0xFFFFFFFF  }
0xad: {  	[dreg:$0x0] =	wrdreg $0x60  }
0xae: {  	[dreg:$0x2] =	wrdreg s24  }
0xaf: {  	[dreg:$0x3] =	wrdreg $0xC6000  }
0xb0: {  	[dreg:$0x4] =	wrdreg $0x9  }
0xb1: {  	_ =	task.clear_ibuf [dreg:s6], $0x5FFFF;
	_ =	strace $0x90000049  }
0xb2: {  	s29 =	simm.s32 $0x9;
	_ =	strace $0x8000004B  }
0xb3: {  	_ =	swait.ge [sflag:s29], $0x1  }
0xb4: {  	[sflag:s29] =	ssyncadd.s32 $0xFFFFFFFF  }
0xb5: {  	_ =	strace $0x9000004B  }
0xb6: {  	_ =	sfence  }
0xb7: {  	s30 =	sld [smem:$0x0];
	_ =	sdelay $0x2  }
0xb8: {  	s31 =	sshll.u32 s1, $0xD;
	s1 =	sshrl.u32 s1, $0x2  }
0xb9: {  	s3 =	sand.u32 $0x4000, s31;
	s1 =	sadd.s32 s1, s30  }
0xba: {  	s0 =	sor.u32 s3, s0;
	s1 =	sshll.u32 s1, $0x11  }
0xbb: {  	s0 =	sor.u32 s1, s0  }
0xbc: {  	s0 =	sadd.s32 $0x8F2B, s0  }
0xbd: {  	[sflag:s0] =	ssyncadd.remote.s32 $0x1  }
0xbe: {  	_ =	sfence.sel $0xFFFF  }
0xbf: {  	[dreg:$0x0] =	wrdreg $0xFFFFFFFF;
	(pc) =	sbr.abs _section_cstart, $3  }
0xc0: {  	[dreg:$0x1] =	wrdreg $0xFFFFFFFF  }
0xc1: {  	_ =	task.clear_ibuf [dreg:s6], $0x2FFFF;
	_ =	strace $0x9FFFFFFF  }
0xc2: {  	(tm) =	ssettm $0x7FFFFFFF  }
0xc3: {  	_ =	shalt  }
tec
execute0_lowered:
.L_overlay_start_1:
0x0: {  	(tag) =	ssettag $0x1  }
0x1: {  	s0 =	rddreg [dreg:$0x0];
	s11 =	stileid.u32  }
0x2: {  	s1 =	srdreg.scid;
	s2 =	rddreg [dreg:$0x1]  }
0x3: {  	s3 =	simm.s32 $0x0;
	s28 =	simm.s32 $0x100;
	s30 =	simm.s32 $0x300  }
0x4: {  	s31 =	simm.s32 $0x5;
	s29 =	simm.s32 $0x0;
	s7 =	smul.u32 $0x2800, s11  }
0x5: {  	s1 =	sand.u32 $0x1, s1;
	s4 =	sshll.u32 s11, $0x1;
	s23 =	smul.u32 $0x50000, s11  }
0x6: {  	[smem:$0x7FF] =	sst s3;
	s6 =	sadd.s32 $0x4A00, s0;
	s12 =	smul.u32 $0xA000, s11  }
0x7: {  	s18 =	sadd.s32 $0x12C000, s2;
	s13 =	sadd.s32 $0x8C600, s0;
	s16 =	sadd.s32 $0xB3A00, s0  }
0x8: {  	p0 =	seq.s32 s11, $0xF;
	s4 =	sor.u32 s1, s4;
	_ =	strace $0x8000004A  }
0x9: {  	s8 =	ssub.s32 $0x2, s1;
	[dreg:$0xa] =	wrdreg s13;
	s14 =	smul.u32 $0x5000, s1  }
0xa: {  	p4 =	seq.s32 s1, $0x1;
	[dreg:$0xc] =	wrdreg s16;
	s13 =	simm.s32 $0xA  }
0xb: {  	s16 =	simm.s32 $0x500;
	[dreg:$0x9] =	wrdreg s18;
	s5 =	smul.u32 $0x5000, s4  }
0xc: {  	s4 =	sadd.s32 $0x3FC00, s0;
	s9 =	sshrl.u32 s8, $0x1;
	s7 =	sadd.s32 s7, s0  }
0xd: {  	s0 =	sadd.s32 $0xDAE00, s0;
	p2 =	seq.s32 @p4 s11, $0xF;
	p5 =	seq.s32 @!p4 s11, $0xF  }
0xe: {  	s11 =	simm.s32 $0xC;
	s8 =	ssub.s32 s8, s9;
	s15 =	sadd.s32 $0x8E200, s7  }
0xf: {  	s17 =	sadd.s32 $0xB5600, s7;
	[dreg:$0xe] =	wrdreg s0;
	s19 =	sadd.s32 s14, s12  }
0x10: {  	p1 =	por !p2, !p4;
	p2 =	por p2, !p4;
	p3 =	por !p5, p4  }
0x11: {  	p4 =	por p5, p4;
	s12 =	simm.s32 $0x7;
	s14 =	simm.s32 $0x2  }
0x12: {  	s9 =	simm.s32 $0x9;
	s5 =	sshrl.u32 s5, $0x3;
	[dreg:$0xb] =	wrdreg s15  }
0x13: {  	[dreg:$0xd] =	wrdreg s17;
	s20 =	smax.u32 s8, $0x1;
	s21 =	sor.u32 $0x900, s19  }
0x14: {  	s22 =	sor.u32 $0x700, s19;
	s10 =	sadd.s32 s6, s5;
	[dreg:$0xf] =	wrdreg s20  }
0x15: {  	s0 =	sor.u32 $0x400, s19;
	s24 =	sadd.s32 $0x20, s10;
	[dreg:$0x3] =	wrdreg s10  }
0x16: {  	s8 =	simm.s32 $0x1;
	s25 =	sadd.s32 $0x40, s10;
	[dreg:$0x4] =	wrdreg s24  }
0x17: {  	s5 =	sshrl.u32 s23, $0x2;
	s26 =	sadd.s32 $0x60, s10;
	[dreg:$0x5] =	wrdreg s25  }
0x18: {  	s17 =	simm.s32 $0x8;
	s5 =	sadd.s32 s5, s2;
	[dreg:$0x6] =	wrdreg s26  }
0x19: {  	s1 =	sshrl.u32 s21, $0x3;
	s10 =	sadd.s32 $0x66E00, s7;
	[dreg:$0x7] =	wrdreg s5  }
0x1a: {  	s0 =	sshrl.u32 s0, $0x3;
	s1 =	sadd.s32 s1, s6;
	[dreg:$0x8] =	wrdreg s10  }
0x1b: {  	s7 =	simm.s32 $0x8600;
	s5 =	sor.u32 $0x800, s19;
	[dreg:$0x10] =	wrdreg s1  }
0x1c: {  	s24 =	sshrl.u32 s22, $0x3;
	s25 =	sor.u32 $0x600, s19;
	s26 =	sor.u32 $0x500, s19  }
0x1d: {  	s10 =	simm.s32 $0x400;
	s5 =	sshrl.u32 s5, $0x3;
	s20 =	sadd.s32 s24, s6  }
.Ltmp0:
0x1e: {  	s1 =	sshrl.u32 s25, $0x3;
	s25 =	simm.s32 $0x80;
	(pc) =	sbr.rel .LBB2_1-.Ltmp0, $4  }
0x1f: {  	s24 =	simm.s32 $0x4;
	s23 =	sadd.s32 s5, s6;
	s5 =	sshrl.u32 s26, $0x3  }
0x20: {  	s21 =	sadd.s32 s1, s6;
	s26 =	simm.s32 $0x600;
	s1 =	simm.s32 $0x4600  }
0x21: {  	[dreg:$0x11] =	wrdreg s23;
	s22 =	sadd.s32 s5, s6;
	s23 =	sadd.s32 s0, s6  }
0x22: {  	s6 =	simm.s32 $0x6;
	s5 =	simm.s32 $0xB;
	s0 =	simm.s32 $0x3  }
.LBB2_4:
0x23: {  	_ =	swait.ge [sflag:s8], $0x4000  }
0x24: {  	[sflag:s8] =	ssyncset.done $0x0  }
0x25: {  	[sflag:s8] =	ssyncadd.s32 $0xFFFFC000  }
0x26: {  	[spmem:s2] =	stream.indirect.scatter.add.f32 [tilespmem:s26], [sflag:$0xA], $0x80, s25, s25, $0xb8;
	[tilespmem:$0x1FF80] =	vst v63  }
0x27: {  	_ =	swait.ge [sflag:s14], $0x4000  }
0x28: {  	[sflag:s14] =	ssyncset.done $0x0  }
0x29: {  	s15 =	simm.s32 $0x180;
	[sflag:s14] =	ssyncadd.s32 $0xFFFFC000  }
0x2a: {  	[spmem:s2] =	stream.indirect.scatter.add.f32 [tilespmem:s1], [sflag:$0xB], $0x80, s15, s25, $0xb8;
	[tilespmem:$0x1FF80] =	vst v63  }
0x2b: {  	_ =	swait.ge [sflag:s11], $0x4000  }
0x2c: {  	[sflag:s11] =	ssyncset.done $0x0  }
0x2d: {  	[sflag:s11] =	ssyncadd.s32 $0xFFFFC000  }
0x2e: {  	_ =	swait.ge [sflag:s13], $0x4000  }
0x2f: {  	[sflag:s13] =	ssyncset.done $0x0  }
0x30: {  	[sflag:s13] =	ssyncadd.s32 $0xFFFFC000  }
0x31: {  	_ =	swait.ge [sflag:s5], $0x4000  }
0x32: {  	[sflag:s5] =	ssyncset.done $0x0  }
0x33: {  	[sflag:s5] =	ssyncadd.s32 $0xFFFFC000  }
0x34: {  	[bflag:$0x0] =	sbarrier.arrive $0xFFFF  }
0x35: {  	s15 =	rddreg [dreg:$0x9]  }
0x36: {  	s18 =	simm.s32 @!p1 $0x1FCD;
	s29 =	rddreg [dreg:$0xe];
	s15 =	sshrl.u32 @!p1 s15, $0x3  }
0x37: {  	[hbm:s29], [sflag:s18] =	dma.local @!p1 [spmem:s15], $0x1B00  }
0x38: {  	s15 =	simm.s32 @!p1 $0xD  }
0x39: {  	s18 =	stileid.u32;
	_ =	swait.ge @!p1 [sflag:s15], $0x1B00  }
0x3a: {  	s18 =	sshll.u32 @!p2 s18, $0x6;
	[sflag:s15] =	ssyncset.done @!p1 $0x0  }
0x3b: {  	s29 =	rddreg [dreg:$0xd];
	[sflag:s15] =	ssyncadd.s32 @!p1 $0xFFFFE500;
	s15 =	sor.u32 @!p2 $0x1C0D, s18  }
0x3c: {  	[dreg:$0x15] =	wrdreg s15  }
0x3d: {  	s15 =	rddreg [dreg:$0x7]  }
0x3e: {  	s18 =	sshrl.u32 @!p2 s15, $0x3;
	s19 =	rddreg [dreg:$0x15]  }
0x3f: {  	[hbm:s29], [sflag:s19] =	dma.local @!p2 [spmem:s18], $0x2800  }
0x40: {  	s18 =	simm.s32 @!p2 $0xD  }
0x41: {  	_ =	swait.ge @!p2 [sflag:s18], $0x2800  }
0x42: {  	[sflag:s18] =	ssyncset.done @!p2 $0x0  }
0x43: {  	[sflag:s18] =	ssyncadd.s32 @!p2 $0xFFFFD800;
	s18 =	rddreg [dreg:$0x9]  }
0x44: {  	s29 =	rddreg [dreg:$0xc];
	s18 =	sshrl.u32 @!p3 s18, $0x3  }
0x45: {  	[dreg:$0x14] =	wrdreg s18  }
0x46: {  	s18 =	simm.s32 @!p3 $0x1FCD;
	s19 =	rddreg [dreg:$0x14]  }
0x47: {  	[hbm:s29], [sflag:s18] =	dma.local @!p3 [spmem:s19], $0x1B00  }
0x48: {  	s18 =	stileid.u32  }
0x49: {  	s29 =	simm.s32 @!p3 $0xD;
	s18 =	sshll.u32 @!p4 s18, $0x6  }
0x4a: {  	_ =	swait.ge @!p3 [sflag:s29], $0x1B00;
	s18 =	sor.u32 @!p4 $0x1C0D, s18  }
0x4b: {  	[sflag:s29] =	ssyncset.done @!p3 $0x0;
	[dreg:$0x13] =	wrdreg s18  }
0x4c: {  	[sflag:s29] =	ssyncadd.s32 @!p3 $0xFFFFE500;
	s29 =	rddreg [dreg:$0xb]  }
0x4d: {  	s18 =	sshrl.u32 @!p4 s15, $0x3;
	s15 =	rddreg [dreg:$0x13]  }
0x4e: {  	[hbm:s29], [sflag:s15] =	dma.local @!p4 [spmem:s18], $0x2800  }
0x4f: {  	s15 =	simm.s32 @!p4 $0xD  }
0x50: {  	s18 =	rddreg [dreg:$0x9];
	_ =	swait.ge @!p4 [sflag:s15], $0x2800  }
0x51: {  	s29 =	rddreg [dreg:$0x12]  }
0x52: {  	s19 =	rddreg [dreg:$0xf];
	s29 =	sadd.s32 $0x1, s29  }
0x53: {  	p5 =	sne.s32 s29, s19  }
.Ltmp1:
0x54: {  	_ = 	snop;
	(pc) =	sbr.rel @!p5 .LBB2_5-.Ltmp1, $3  }
0x55: {  	_ =	sdelay $0x1  }
0x56: {  	[sflag:s15] =	ssyncset.done @!p4 $0x0  }
0x57: {  	[sflag:s15] =	ssyncadd.s32 @!p4 $0xFFFFD800  }
.LBB2_1:
0x58: {  	[dreg:$0x12] =	wrdreg s29  }
0x59: {  	s15 =	rddreg [dreg:$0x3];
	s29 =	simm.s32 $0xD  }
0x5a: {  	[tilespmem:s3], [sflag:$0xD] =	stream.linear.gather [hbm4b:s15+s3], $0x100, $0x38;
	[tilespmem:$0x1FF80] =	vst v63  }
0x5b: {  	_ =	swait.ge [sflag:s29], $0x100  }
0x5c: {  	[sflag:s29] =	ssyncset.done $0x0  }
0x5d: {  	[sflag:s29] =	ssyncadd.s32 $0xFFFFFF00  }
0x5e: {  	[tilespmem:s26], [sflag:$0x1] =	stream.indirect.gather [hbm4b:s4+s25], $0x80, s3, s25, $0xb8;
	[tilespmem:$0x1FF80] =	vst v63  }
0x5f: {  	s19 =	rddreg [dreg:$0x4]  }
0x60: {  	[tilespmem:s28], [sflag:$0x5] =	stream.linear.gather [hbm4b:s19+s3], $0x100, $0x38;
	[tilespmem:$0x1FF80] =	vst v63  }
0x61: {  	s29 =	rddreg [dreg:$0x5];
	s19 =	simm.s32 $0x200  }
0x62: {  	[tilespmem:s19], [sflag:$0x6] =	stream.linear.gather [hbm4b:s29+s3], $0x100, $0x38;
	[tilespmem:$0x1FF80] =	vst v63  }
0x63: {  	s29 =	rddreg [dreg:$0x6]  }
0x64: {  	[tilespmem:s30], [sflag:$0x7] =	stream.linear.gather [hbm4b:s29+s3], $0x100, $0x38;
	[tilespmem:$0x1FF80] =	vst v63  }
0x65: {  	_ =	swait.ge [sflag:s31], $0x100  }
0x66: {  	s15 =	simm.s32 @p0 $0x1FCD;
	[sflag:s31] =	ssyncset.done $0x0  }
0x67: {  	s19 =	sshrl.u32 @p0 s18, $0x3;
	s18 =	rddreg [dreg:$0xa];
	[sflag:s31] =	ssyncadd.s32 $0xFFFFFF00  }
0x68: {  	[tilespmem:s1], [sflag:$0x2] =	stream.indirect.gather [hbm4b:s4+s25], $0x80, s28, s25, $0xb8;
	[tilespmem:$0x1FF80] =	vst v63  }
0x69: {  	[spmem:s19], [sflag:s15] =	dma.local @p0 [hbm:s18], $0x1B00  }
0x6a: {  	s18 =	simm.s32 @p0 $0xD;
	s15 =	stileid.u32  }
0x6b: {  	_ =	swait.ge @p0 [sflag:s18], $0x1B00;
	s15 =	sshll.u32 @!p0 s15, $0x6  }
0x6c: {  	[sflag:s18] =	ssyncset.done @p0 $0x0;
	s19 =	sor.u32 @!p0 $0x1C0D, s15;
	s15 =	rddreg [dreg:$0x7]  }
0x6d: {  	[sflag:s18] =	ssyncadd.s32 @p0 $0xFFFFE500;
	s15 =	sshrl.u32 @!p0 s15, $0x3;
	s18 =	rddreg [dreg:$0x8]  }
0x6e: {  	[spmem:s15], [sflag:s19] =	dma.local @!p0 [hbm:s18], $0x2800  }
0x6f: {  	s15 =	simm.s32 @!p0 $0xD  }
0x70: {  	_ =	swait.ge @!p0 [sflag:s15], $0x2800  }
0x71: {  	[sflag:s15] =	ssyncset.done @!p0 $0x0  }
0x72: {  	[sflag:s15] =	ssyncadd.s32 @!p0 $0xFFFFD800  }
0x73: {  	s15 =	simm.s32 $0x0;
	[bflag:$0x0] =	sbarrier.arrive $0xFFFF  }
.LBB2_2:
0x74: {  	_ =	swait.ge [sflag:s6], $0x100  }
0x75: {  	p5 =	seq.s32 s15, $0x0;
	[sflag:s6] =	ssyncset.done $0x0  }
0x76: {  	s29 =	simm.s32 @!p5 $0xC;
	[sflag:s6] =	ssyncadd.s32 $0xFFFFFF00  }
0x77: {  	_ =	swait.ge @!p5 [sflag:s29], $0x4000  }
0x78: {  	[sflag:s29] =	ssyncset.done @!p5 $0x0  }
0x79: {  	s18 =	simm.s32 $0x200;
	[sflag:s29] =	ssyncadd.s32 @!p5 $0xFFFFC000  }
0x7a: {  	[tilespmem:s7], [sflag:$0x3] =	stream.indirect.gather [hbm4b:s4+s25], $0x80, s18, s25, $0xb8;
	[tilespmem:$0x1FF80] =	vst v63  }
0x7b: {  	_ =	swait.ge [sflag:s8], $0x4000  }
0x7c: {  	[sflag:s8] =	ssyncset.done $0x0  }
0x7d: {  	[sflag:s8] =	ssyncadd.s32 $0xFFFFC000  }
0x7e: {  	[spmem:s2] =	stream.indirect.scatter.add.f32 [tilespmem:s26], [sflag:$0xA], $0x80, s25, s25, $0xb8;
	[tilespmem:$0x1FF80] =	vst v63  }
0x7f: {  	s19 =	sadd.s32 s15, s23  }
0x80: {  	[tilespmem:s10], [sflag:$0x8] =	stream.linear.gather [hbm4b:s19+s3], $0x100, $0x38;
	[tilespmem:$0x1FF80] =	vst v63  }
0x81: {  	_ =	swait.ge [sflag:s12], $0x100  }
0x82: {  	[sflag:s12] =	ssyncset.done $0x0  }
0x83: {  	[sflag:s12] =	ssyncadd.s32 $0xFFFFFF00  }
0x84: {  	_ =	swait.ge [sflag:s13], $0x4000  }
0x85: {  	[sflag:s13] =	ssyncset.done $0x0  }
0x86: {  	[sflag:s13] =	ssyncadd.s32 $0xFFFFC000  }
0x87: {  	[tilespmem:s26], [sflag:$0x1] =	stream.indirect.gather [hbm4b:s4+s25], $0x80, s30, s25, $0xb8;
	[tilespmem:$0x1FF80] =	vst v63  }
0x88: {  	_ =	swait.ge [sflag:s14], $0x4000  }
0x89: {  	[sflag:s14] =	ssyncset.done $0x0  }
0x8a: {  	s29 =	simm.s32 $0x180;
	[sflag:s14] =	ssyncadd.s32 $0xFFFFC000  }
0x8b: {  	[spmem:s2] =	stream.indirect.scatter.add.f32 [tilespmem:s1], [sflag:$0xB], $0x80, s29, s25, $0xb8;
	[tilespmem:$0x1FF80] =	vst v63  }
0x8c: {  	s19 =	sadd.s32 s15, s22  }
0x8d: {  	[tilespmem:s16], [sflag:$0x9] =	stream.linear.gather [hbm4b:s19+s3], $0x100, $0x38;
	[tilespmem:$0x1FF80] =	vst v63  }
0x8e: {  	_ =	swait.ge [sflag:s17], $0x100  }
0x8f: {  	[sflag:s17] =	ssyncset.done $0x0  }
0x90: {  	[sflag:s17] =	ssyncadd.s32 $0xFFFFFF00  }
0x91: {  	_ =	swait.ge [sflag:s5], $0x4000  }
0x92: {  	[sflag:s5] =	ssyncset.done $0x0  }
0x93: {  	[sflag:s5] =	ssyncadd.s32 $0xFFFFC000  }
0x94: {  	[tilespmem:s1], [sflag:$0x2] =	stream.indirect.gather [hbm4b:s4+s25], $0x80, s10, s25, $0xb8;
	[tilespmem:$0x1FF80] =	vst v63  }
0x95: {  	_ =	swait.ge [sflag:s0], $0x4000  }
0x96: {  	[sflag:s0] =	ssyncset.done $0x0  }
0x97: {  	s29 =	simm.s32 $0x280;
	[sflag:s0] =	ssyncadd.s32 $0xFFFFC000  }
0x98: {  	[spmem:s2] =	stream.indirect.scatter.add.f32 [tilespmem:s7], [sflag:$0xC], $0x80, s29, s25, $0xb8;
	[tilespmem:$0x1FF80] =	vst v63  }
0x99: {  	s19 =	sadd.s32 s15, s21  }
0x9a: {  	[tilespmem:s3], [sflag:$0x4] =	stream.linear.gather [hbm4b:s19+s3], $0x100, $0x38;
	[tilespmem:$0x1FF80] =	vst v63  }
0x9b: {  	_ =	swait.ge [sflag:s9], $0x100  }
0x9c: {  	[sflag:s9] =	ssyncset.done $0x0  }
0x9d: {  	[sflag:s9] =	ssyncadd.s32 $0xFFFFFF00  }
0x9e: {  	_ =	swait.ge [sflag:s11], $0x4000  }
0x9f: {  	[sflag:s11] =	ssyncset.done $0x0  }
0xa0: {  	[sflag:s11] =	ssyncadd.s32 $0xFFFFC000  }
0xa1: {  	[tilespmem:s7], [sflag:$0x3] =	stream.indirect.gather [hbm4b:s4+s25], $0x80, s16, s25, $0xb8;
	[tilespmem:$0x1FF80] =	vst v63  }
0xa2: {  	_ =	swait.ge [sflag:s8], $0x4000  }
0xa3: {  	[sflag:s8] =	ssyncset.done $0x0  }
0xa4: {  	s29 =	simm.s32 $0x380;
	[sflag:s8] =	ssyncadd.s32 $0xFFFFC000  }
0xa5: {  	[spmem:s2] =	stream.indirect.scatter.add.f32 [tilespmem:s26], [sflag:$0xA], $0x80, s29, s25, $0xb8;
	[tilespmem:$0x1FF80] =	vst v63  }
0xa6: {  	s18 =	sadd.s32 s15, s20  }
0xa7: {  	[tilespmem:s28], [sflag:$0x5] =	stream.linear.gather [hbm4b:s18+s3], $0x100, $0x38;
	[tilespmem:$0x1FF80] =	vst v63  }
0xa8: {  	_ =	swait.ge [sflag:s24], $0x100  }
0xa9: {  	[sflag:s24] =	ssyncset.done $0x0  }
0xaa: {  	[sflag:s24] =	ssyncadd.s32 $0xFFFFFF00  }
0xab: {  	_ =	swait.ge [sflag:s13], $0x4000  }
0xac: {  	[sflag:s13] =	ssyncset.done $0x0  }
0xad: {  	[sflag:s13] =	ssyncadd.s32 $0xFFFFC000  }
0xae: {  	[tilespmem:s26], [sflag:$0x1] =	stream.indirect.gather [hbm4b:s4+s25], $0x80, s3, s25, $0xb8;
	[tilespmem:$0x1FF80] =	vst v63  }
0xaf: {  	_ =	swait.ge [sflag:s14], $0x4000  }
0xb0: {  	p5 =	seq.s32 s15, $0x900;
	[sflag:s14] =	ssyncset.done $0x0  }
0xb1: {  	s19 =	simm.s32 $0x480;
	s18 =	rddreg [dreg:$0x11];
	[sflag:s14] =	ssyncadd.s32 $0xFFFFC000  }
0xb2: {  	[spmem:s2] =	stream.indirect.scatter.add.f32 [tilespmem:s1], [sflag:$0xB], $0x80, s19, s25, $0xb8;
	[tilespmem:$0x1FF80] =	vst v63  }
0xb3: {  	s29 =	sadd.s32 @!p5 s15, s18;
	s18 =	simm.s32 @!p5 $0x0;
	s19 =	simm.s32 @!p5 $0x200  }
0xb4: {  	[tilespmem:s19], [sflag:$0x6] =	stream.linear.gather @!p5 [hbm4b:s29+s18], $0x100, $0x38;
	[tilespmem:$0x1FF80] =	vst v63  }
0xb5: {  	_ =	swait.ge [sflag:s31], $0x100  }
0xb6: {  	[sflag:s31] =	ssyncset.done $0x0  }
0xb7: {  	[sflag:s31] =	ssyncadd.s32 $0xFFFFFF00  }
0xb8: {  	_ =	swait.ge [sflag:s5], $0x4000  }
0xb9: {  	[sflag:s5] =	ssyncset.done $0x0  }
0xba: {  	[sflag:s5] =	ssyncadd.s32 $0xFFFFC000  }
0xbb: {  	[tilespmem:s1], [sflag:$0x2] =	stream.indirect.gather [hbm4b:s4+s25], $0x80, s28, s25, $0xb8;
	[tilespmem:$0x1FF80] =	vst v63  }
.Ltmp2:
0xbc: {  	_ = 	snop;
	(pc) =	sbr.rel @p5 .LBB2_4-.Ltmp2, $4  }
0xbd: {  	_ =	swait.ge [sflag:s0], $0x4000  }
0xbe: {  	[sflag:s0] =	ssyncset.done $0x0  }
0xbf: {  	s29 =	simm.s32 $0x580;
	[sflag:s0] =	ssyncadd.s32 $0xFFFFC000  }
0xc0: {  	[spmem:s2] =	stream.indirect.scatter.add.f32 [tilespmem:s7], [sflag:$0xC], $0x80, s29, s25, $0xb8;
	[tilespmem:$0x1FF80] =	vst v63  }
.Ltmp3:
0xc1: {  	(pc) =	sbr.rel .LBB2_2-.Ltmp3, $4  }
0xc2: {  	_ = 	snop  }
0xc3: {  	s18 =	rddreg [dreg:$0x10]  }
0xc4: {  	s18 =	sadd.s32 s15, s18;
	s15 =	sadd.s32 $0xC0, s15  }
0xc5: {  	[tilespmem:s30], [sflag:$0x7] =	stream.linear.gather [hbm4b:s18+s3], $0x100, $0x38;
	[tilespmem:$0x1FF80] =	vst v63  }
.LBB2_5:
0xc6: {  	_ =	sfence.sel $0x180000  }
0xc7: {  	[bflag:$0x0] =	sbarrier.arrive $0xFFFF  }
0xc8: {  	_ =	strace $0x9000004A  }
0xc9: {  	s0 =	stileid.u32;
	[bflag:$0x2] =	sbarrier.arrive $0xFFFF  }
0xca: {  	p0 =	sne.s32 s0, $0x0;
	s0 =	rddreg [dreg:$0x2]  }
0xcb: {  	s0 =	sadd.s32 @!p0 $0x100000, s0  }
0xcc: {  	[sflag:s0] =	ssyncadd.tile.s32 @!p0 $0x1;
	_ =	shalt  }
.Lfunc_end2:
_tile_overlayer_lowered:
.L_overlay_start_2:
0xcd: {  	(tag) =	ssettag $0x2  }
0xce: {  	s0 =	rddreg [dreg:$0x0];
	s2 =	stileid.u32  }
0xcf: {  	s1 =	rddreg [dreg:$0x1];
	p0 =	sne.s32 s2, $0x0  }
0xd0: {  	s3 =	rddreg [dreg:$0x2];
	[bflag:$0x3] =	sbarrier.arrive $0xFFFF;
	s2 =	simm.s32 @!p0 $0x1C0D  }
0xd1: {  	[timem:s3], [sflag:s2] =	dma.local @!p0 [hbm:s0], s1  }
0xd2: {  	s0 =	simm.s32 @!p0 $0xD  }
0xd3: {  	_ =	swait.ge @!p0 [sflag:s0], s1  }
0xd4: {  	s1 =	ssub.s32 @!p0 $0x0, s1;
	[sflag:s0] =	ssyncset.done @!p0 $0x0  }
0xd5: {  	[sflag:s0] =	ssyncadd.s32 @!p0 s1  }
0xd6: {  	[bflag:$0x3] =	sbarrier.arrive $0xFFFF  }
0xd7: {  	_ =	shalt  }

// kernel: kernel.14.cloned.1.call-start
scs
__scs_entry_jumppad:
0x0: {  	(pc) =	sbr.rel $0x88, $3  }
0x1: {  	(tag) =	ssettag $0x0;
	lr =	simm.s32 $0x1  }
0x2: {  	[smem:$0x3F93] =	sst lr;
	_ =	strace $0xD0000000  }
0x3: {  	_ = 	snop  }
0x4: {  	_ = 	snop  }
0x5: {  	_ = 	snop  }
0x6: {  	_ = 	snop  }
0x7: {  	_ = 	snop  }
__scs_overlays_trampoline_lowered:
0x8: {  	[smem:$0x3FA2] =	sst s0  }
0x9: {  	[smem:$0x3FA3] =	sst s1  }
0xa: {  	[smem:$0x3FA4] =	sst s2  }
0xb: {  	[smem:$0x3FA5] =	sst s3  }
0xc: {  	[smem:$0x3FA6] =	sst s4  }
0xd: {  	[smem:$0x3FA7] =	sst s5  }
0xe: {  	[smem:$0x3FA8] =	sst s6  }
0xf: {  	[smem:$0x3FA9] =	sst s7  }
0x10: {  	[smem:$0x3FAA] =	sst s8  }
0x11: {  	[smem:$0x3FAB] =	sst s9;
	s0 =	simm.s32 @!p0 $0x0  }
0x12: {  	s1 =	sld [smem:$0x3F91];
	s0 =	simm.s32 @p0 $0x1  }
0x13: {  	[smem:$0x3FAC] =	sst s0;
	s0 =	simm.s32 @!p1 $0x0  }
0x14: {  	s2 =	sld [smem:$0x3F90];
	s0 =	simm.s32 @p1 $0x1  }
0x15: {  	[smem:$0x3FAD] =	sst s0;
	s0 =	simm.s32 @!p2 $0x0  }
0x16: {  	s3 =	sld [smem:$0x3FDB];
	s0 =	simm.s32 @p2 $0x1  }
0x17: {  	s4 =	simm.s32 $0x1BF5;
	[smem:$0x3FAF] =	sst s0  }
0x18: {  	s0 =	sld [smem:$0x3F92];
	_ =	swait.ge [sflag:s4], $0x0  }
0x19: {  	s7 =	sld [smem:$0x3F93]  }
0x1a: {  	s8 =	sadd.s32 $0xFFFFE003, lr  }
0x1b: {  	s9 =	sadd.s32 $0xFFFFFEF7, lr;
	s5 =	simm.s32 $0xFFFFFFFF;
	p2 =	slt.u32 s8, $0xFFFFF086  }
0x1c: {  	p1 =	slt.u32 s9, $0xF7A;
	s5 =	simm.s32 @!p2 $0x0  }
0x1d: {  	s5 =	simm.s32 @p1 $0x1;
	p0 =	seq.s32 s7, s2  }
0x1e: {  	s7 =	smul.u32 @!p0 $0xF7A, s2;
	p2 =	seq.s32 @!p0 s5, $0x0  }
0x1f: {  	s9 =	smul.u32 $0xF7A, s1;
	s8 =	simm.s32 @!p0 $0x1BF5;
	p2 =	por !p2, p0  }
0x20: {  	[sflag:s8] =	ssyncset.s32 @!p0 $0xFFFFF086;
	s6 =	sadd.s32 @!p0 s3, s7;
	s7 =	simm.s32 @!p0 $0x108  }
0x21: {  	s3 =	sadd.s32 s3, s9;
	s6 =	sadd.s32 @!p0 $0x88, s6;
	s7 =	simm.s32 @p2 $0x1082  }
0x22: {  	[simem:s7], [sflag:s8] =	dma.local @!p0 [hbm:s6], $0xF7A  }
0x23: {  	s9 =	sor.u32 $0xD0000000, s2;
	s6 =	simm.s32 $0x108;
	_ =	swait.ge @!p0 [sflag:s8], $0x0  }
0x24: {  	s3 =	sadd.s32 $0x88, s3;
	s6 =	simm.s32 @!p1 $0x1082;
	[sflag:s4] =	ssyncset.s32 $0xFFFFF086  }
0x25: {  	[simem:s6], [sflag:s4] =	dma.local [hbm:s3], $0xF7A  }
0x26: {  	[smem:$0x3F93] =	sst s1;
	(tag) =	ssettag s2;
	_ =	strace s9  }
0x27: {  	s1 =	sld [smem:$0x3FA3]  }
0x28: {  	s2 =	sld [smem:$0x3FA4]  }
0x29: {  	s4 =	sld [smem:$0x3FA6]  }
0x2a: {  	p0 =	seq.s32 s5, $0x0;
	s5 =	sld [smem:$0x3FA7]  }
0x2b: {  	s6 =	sld [smem:$0x3FA8]  }
0x2c: {  	s7 =	sld [smem:$0x3FA9]  }
0x2d: {  	s3 =	simm.s32 $0x108;
	s8 =	sld [smem:$0x3FAA]  }
0x2e: {  	s3 =	simm.s32 @!p0 $0x1082;
	s9 =	sld [smem:$0x3FAB]  }
0x2f: {  	lr =	sadd.s32 s0, s3;
	s0 =	sld [smem:$0x3FA2]  }
0x30: {  	s3 =	sld [smem:$0x3FA5]  }
0x31: {  	[smem:$0x3FAE] =	sst s10  }
0x32: {  	s10 =	sld [smem:$0x3FAC];
	_ =	sdelay $0x3  }
0x33: {  	p0 =	seq.s32 s10, $0x1;
	s10 =	sld [smem:$0x3FAE];
	_ =	sdelay $0x3  }
0x34: {  	[smem:$0x3FAE] =	sst s10  }
0x35: {  	s10 =	sld [smem:$0x3FAD];
	_ =	sdelay $0x3  }
0x36: {  	p1 =	seq.s32 s10, $0x1;
	s10 =	sld [smem:$0x3FAE];
	_ =	sdelay $0x3  }
0x37: {  	[smem:$0x3FAE] =	sst s10  }
0x38: {  	s10 =	sld [smem:$0x3FAF]  }
0x39: {  	_ = 	snop;
	(pc) =	sbr.ind lr, $3  }
0x3a: {  	_ = 	snop  }
0x3b: {  	_ = 	snop  }
0x3c: {  	p2 =	seq.s32 s10, $0x1;
	s10 =	sld [smem:$0x3FAE]  }
0x3d: {  	_ =	shalt  }
0x3e: {  	_ =	shalt  }
0x3f: {  	_ =	shalt  }
0x40: {  	_ =	shalt  }
0x41: {  	_ =	shalt  }
0x42: {  	_ =	shalt  }
0x43: {  	_ =	shalt  }
0x44: {  	_ =	shalt  }
0x45: {  	_ =	shalt  }
0x46: {  	_ =	shalt  }
0x47: {  	_ =	shalt  }
0x48: {  	_ =	shalt  }
0x49: {  	_ =	shalt  }
0x4a: {  	_ =	shalt  }
0x4b: {  	_ =	shalt  }
0x4c: {  	_ =	shalt  }
0x4d: {  	_ =	shalt  }
0x4e: {  	_ =	shalt  }
0x4f: {  	_ =	shalt  }
0x50: {  	_ =	shalt  }
0x51: {  	_ =	shalt  }
0x52: {  	_ =	shalt  }
0x53: {  	_ =	shalt  }
0x54: {  	_ =	shalt  }
0x55: {  	_ =	shalt  }
0x56: {  	_ =	shalt  }
0x57: {  	_ =	shalt  }
0x58: {  	_ =	shalt  }
0x59: {  	_ =	shalt  }
0x5a: {  	_ =	shalt  }
0x5b: {  	_ =	shalt  }
0x5c: {  	_ =	shalt  }
0x5d: {  	_ =	shalt  }
0x5e: {  	_ =	shalt  }
0x5f: {  	_ =	shalt  }
0x60: {  	_ =	shalt  }
0x61: {  	_ =	shalt  }
0x62: {  	_ =	shalt  }
0x63: {  	_ =	shalt  }
0x64: {  	_ =	shalt  }
0x65: {  	_ =	shalt  }
0x66: {  	_ =	shalt  }
0x67: {  	_ =	shalt  }
0x68: {  	_ =	shalt  }
0x69: {  	_ =	shalt  }
0x6a: {  	_ =	shalt  }
0x6b: {  	_ =	shalt  }
0x6c: {  	_ =	shalt  }
0x6d: {  	_ =	shalt  }
0x6e: {  	_ =	shalt  }
0x6f: {  	_ =	shalt  }
0x70: {  	_ =	shalt  }
0x71: {  	_ =	shalt  }
0x72: {  	_ =	shalt  }
0x73: {  	_ =	shalt  }
0x74: {  	_ =	shalt  }
0x75: {  	_ =	shalt  }
0x76: {  	_ =	shalt  }
0x77: {  	_ =	shalt  }
0x78: {  	_ =	shalt  }
0x79: {  	_ =	shalt  }
0x7a: {  	_ =	shalt  }
0x7b: {  	_ =	shalt  }
0x7c: {  	_ =	shalt  }
0x7d: {  	_ =	shalt  }
0x7e: {  	_ =	shalt  }
0x7f: {  	_ =	shalt  }
0x80: {  	_ =	shalt  }
0x81: {  	_ =	shalt  }
0x82: {  	_ =	shalt  }
0x83: {  	_ =	shalt  }
0x84: {  	_ =	shalt  }
0x85: {  	_ =	shalt  }
0x86: {  	_ =	shalt  }
0x87: {  	_ =	shalt  }
.Lfunc_end0:
.L_simem_size_0:
called_computation.2_lowered:
.L_overlay_start_0:
0x88: {  	s2 =	sld [smem:$0x3FD9]  }
0x89: {  	s3 =	sld [smem:$0x3FFE];
	_ =	sdelay $0x1  }
0x8a: {  	s1 =	srdreg.scid  }
0x8b: {  	s0 =	sand.u32 $0x1, s1  }
0x8c: {  	s16 =	sshll.u32 s0, $0xA;
	s2 =	sadd.s32 s3, s2  }
0x8d: {  	s2 =	sadd.s32 s2, s16  }
0x8e: {  	[smem:$0x3FBA] =	sst s2  }
0x8f: {  	_ = 	snop  }
0x90: {  	(tm) =	ssettm $0x1  }
0x91: {  	s17 =	sld [smem:$0x3FFB];
	_ =	sdelay $0x3  }
0x92: {  	_ =	strace s17  }
0x93: {  	s2 =	sld [smem:$0x3FFC];
	_ =	sdelay $0x3  }
0x94: {  	_ =	strace s2  }
0x95: {  	s2 =	sld [smem:$0x3FFD];
	_ =	sdelay $0x3  }
0x96: {  	_ =	strace s2  }
0x97: {  	_ =	strace $0x8FFFFFFF  }
0x98: {  	s18 =	sld [smem:$0x3FDB];
	_ =	sdelay $0x1  }
0x99: {  	s19 =	simm.s32 $_scs_section_size  }
0x9a: {  	s4 =	simm.s32 $_size__tile_overlayer_lowered;
	s5 =	simm.s32 $_tile_overlayer_lowered  }
0x9b: {  	s22 =	simm.s32 $0x1BFF;
	s21 =	sshll.u32 s5, $0x1;
	s2 =	sadd.s32 s19, s18  }
0x9c: {  	s6 =	simm.s32 $0x0;
	s20 =	sshll.u32 s4, $0x1;
	s4 =	sadd.s32 s21, s2  }
0x9d: {  	[timem:s6], [sflag:s22] =	dma.local [hbm:s4], s20  }
0x9e: {  	_ =	swait.ge [sflag:s22], s20  }
0x9f: {  	s3 =	ssub.s32 $0x0, s20;
	[sflag:s22] =	ssyncset.done $0x0  }
0xa0: {  	[sflag:s22] =	ssyncadd.s32 s3;
	_ =	sdelay $0x1  }
0xa1: {  	s23 =	simm.s32 $0x1B8B  }
0xa2: {  	_ =	swait.ge [sflag:s23], $0x1  }
0xa3: {  	[sflag:s23] =	ssyncset.done $0x0  }
0xa4: {  	s25 =	simm.s32 $0x1B8E;
	s24 =	sld [smem:$0x3FFE];
	[sflag:s23] =	ssyncadd.s32 $0xFFFFFFFF  }
0xa5: {  	s26 =	simm.s32 $execute0_lowered;
	[smem:$0x3FD2] =	sst s25  }
0xa6: {  	s4 =	sshll.u32 s26, $0x1;
	_ =	strace $0x8000004C;
	[dreg:$0x1] =	wrdreg $0xFFFFFFFF  }
0xa7: {  	s28 =	simm.s32 $_size_execute0_lowered;
	s2 =	sadd.s32 s2, s4;
	[dreg:$0x0] =	wrdreg $0x0  }
0xa8: {  	s4 =	sshll.u32 s28, $0x1;
	[dreg:$0x2] =	wrdreg s2  }
0xa9: {  	[dreg:$0x3] =	wrdreg s4  }
0xaa: {  	[dreg:$0x4] =	wrdreg $0xC0  }
0xab: {  	_ =	task [dreg:s6], $0x5FFFF  }
0xac: {  	[dreg:$0x1] =	wrdreg $0xFFFFFFFF  }
0xad: {  	[dreg:$0x0] =	wrdreg $0x60  }
0xae: {  	[dreg:$0x2] =	wrdreg s24  }
0xaf: {  	[dreg:$0x3] =	wrdreg $0xC6000  }
0xb0: {  	[dreg:$0x4] =	wrdreg $0x9  }
0xb1: {  	_ =	task.clear_ibuf [dreg:s6], $0x5FFFF;
	_ =	strace $0x9000004C  }
0xb2: {  	s29 =	simm.s32 $0x9;
	_ =	strace $0x8000004E  }
0xb3: {  	_ =	swait.ge [sflag:s29], $0x1  }
0xb4: {  	[sflag:s29] =	ssyncadd.s32 $0xFFFFFFFF  }
0xb5: {  	_ =	strace $0x9000004E  }
0xb6: {  	_ =	sfence  }
0xb7: {  	s30 =	sld [smem:$0x0];
	_ =	sdelay $0x2  }
0xb8: {  	s31 =	sshll.u32 s1, $0xD;
	s1 =	sshrl.u32 s1, $0x2  }
0xb9: {  	s3 =	sand.u32 $0x4000, s31;
	s1 =	sadd.s32 s1, s30  }
0xba: {  	s0 =	sor.u32 s3, s0;
	s1 =	sshll.u32 s1, $0x11  }
0xbb: {  	s0 =	sor.u32 s1, s0  }
0xbc: {  	s0 =	sadd.s32 $0x8F2B, s0  }
0xbd: {  	[sflag:s0] =	ssyncadd.remote.s32 $0x1  }
0xbe: {  	_ =	sfence.sel $0xFFFF  }
0xbf: {  	[dreg:$0x0] =	wrdreg $0xFFFFFFFF;
	(pc) =	sbr.abs _section_cstart, $3  }
0xc0: {  	[dreg:$0x1] =	wrdreg $0xFFFFFFFF  }
0xc1: {  	_ =	task.clear_ibuf [dreg:s6], $0x2FFFF;
	_ =	strace $0x9FFFFFFF  }
0xc2: {  	(tm) =	ssettm $0x7FFFFFFF  }
0xc3: {  	_ =	shalt  }
tec
execute0_lowered:
.L_overlay_start_1:
0x0: {  	(tag) =	ssettag $0x1  }
0x1: {  	s0 =	rddreg [dreg:$0x0];
	s11 =	stileid.u32  }
0x2: {  	s1 =	srdreg.scid;
	s2 =	rddreg [dreg:$0x1]  }
0x3: {  	s3 =	simm.s32 $0x0;
	s28 =	simm.s32 $0x100;
	s30 =	simm.s32 $0x300  }
0x4: {  	s31 =	simm.s32 $0x5;
	s29 =	simm.s32 $0x0;
	s7 =	smul.u32 $0x2800, s11  }
0x5: {  	s1 =	sand.u32 $0x1, s1;
	s4 =	sshll.u32 s11, $0x1;
	s23 =	smul.u32 $0x50000, s11  }
0x6: {  	[smem:$0x7FF] =	sst s3;
	s6 =	sadd.s32 $0x4A00, s0;
	s12 =	smul.u32 $0xA000, s11  }
0x7: {  	s18 =	sadd.s32 $0x12C000, s2;
	s13 =	sadd.s32 $0x8C600, s0;
	s16 =	sadd.s32 $0xB3A00, s0  }
0x8: {  	p0 =	seq.s32 s11, $0xF;
	s4 =	sor.u32 s1, s4;
	_ =	strace $0x8000004D  }
0x9: {  	s8 =	ssub.s32 $0x2, s1;
	[dreg:$0xa] =	wrdreg s13;
	s14 =	smul.u32 $0x5000, s1  }
0xa: {  	p4 =	seq.s32 s1, $0x1;
	[dreg:$0xc] =	wrdreg s16;
	s13 =	simm.s32 $0xA  }
0xb: {  	s16 =	simm.s32 $0x500;
	[dreg:$0x9] =	wrdreg s18;
	s5 =	smul.u32 $0x5000, s4  }
0xc: {  	s4 =	sadd.s32 $0x3FC00, s0;
	s9 =	sshrl.u32 s8, $0x1;
	s7 =	sadd.s32 s7, s0  }
0xd: {  	s0 =	sadd.s32 $0xDAE00, s0;
	p2 =	seq.s32 @p4 s11, $0xF;
	p5 =	seq.s32 @!p4 s11, $0xF  }
0xe: {  	s11 =	simm.s32 $0xC;
	s8 =	ssub.s32 s8, s9;
	s15 =	sadd.s32 $0x8E200, s7  }
0xf: {  	s17 =	sadd.s32 $0xB5600, s7;
	[dreg:$0xe] =	wrdreg s0;
	s19 =	sadd.s32 s14, s12  }
0x10: {  	p1 =	por !p2, !p4;
	p2 =	por p2, !p4;
	p3 =	por !p5, p4  }
0x11: {  	p4 =	por p5, p4;
	s12 =	simm.s32 $0x7;
	s14 =	simm.s32 $0x2  }
0x12: {  	s9 =	simm.s32 $0x9;
	s5 =	sshrl.u32 s5, $0x3;
	[dreg:$0xb] =	wrdreg s15  }
0x13: {  	[dreg:$0xd] =	wrdreg s17;
	s20 =	smax.u32 s8, $0x1;
	s21 =	sor.u32 $0x900, s19  }
0x14: {  	s22 =	sor.u32 $0x700, s19;
	s10 =	sadd.s32 s6, s5;
	[dreg:$0xf] =	wrdreg s20  }
0x15: {  	s0 =	sor.u32 $0x400, s19;
	s24 =	sadd.s32 $0x20, s10;
	[dreg:$0x3] =	wrdreg s10  }
0x16: {  	s8 =	simm.s32 $0x1;
	s25 =	sadd.s32 $0x40, s10;
	[dreg:$0x4] =	wrdreg s24  }
0x17: {  	s5 =	sshrl.u32 s23, $0x2;
	s26 =	sadd.s32 $0x60, s10;
	[dreg:$0x5] =	wrdreg s25  }
0x18: {  	s17 =	simm.s32 $0x8;
	s5 =	sadd.s32 s5, s2;
	[dreg:$0x6] =	wrdreg s26  }
0x19: {  	s1 =	sshrl.u32 s21, $0x3;
	s10 =	sadd.s32 $0x66E00, s7;
	[dreg:$0x7] =	wrdreg s5  }
0x1a: {  	s0 =	sshrl.u32 s0, $0x3;
	s1 =	sadd.s32 s1, s6;
	[dreg:$0x8] =	wrdreg s10  }
0x1b: {  	s7 =	simm.s32 $0x8600;
	s5 =	sor.u32 $0x800, s19;
	[dreg:$0x10] =	wrdreg s1  }
0x1c: {  	s24 =	sshrl.u32 s22, $0x3;
	s25 =	sor.u32 $0x600, s19;
	s26 =	sor.u32 $0x500, s19  }
0x1d: {  	s10 =	simm.s32 $0x400;
	s5 =	sshrl.u32 s5, $0x3;
	s20 =	sadd.s32 s24, s6  }
.Ltmp0:
0x1e: {  	s1 =	sshrl.u32 s25, $0x3;
	s25 =	simm.s32 $0x80;
	(pc) =	sbr.rel .LBB2_1-.Ltmp0, $4  }
0x1f: {  	s24 =	simm.s32 $0x4;
	s23 =	sadd.s32 s5, s6;
	s5 =	sshrl.u32 s26, $0x3  }
0x20: {  	s21 =	sadd.s32 s1, s6;
	s26 =	simm.s32 $0x600;
	s1 =	simm.s32 $0x4600  }
0x21: {  	[dreg:$0x11] =	wrdreg s23;
	s22 =	sadd.s32 s5, s6;
	s23 =	sadd.s32 s0, s6  }
0x22: {  	s6 =	simm.s32 $0x6;
	s5 =	simm.s32 $0xB;
	s0 =	simm.s32 $0x3  }
.LBB2_4:
0x23: {  	_ =	swait.ge [sflag:s8], $0x4000  }
0x24: {  	[sflag:s8] =	ssyncset.done $0x0  }
0x25: {  	[sflag:s8] =	ssyncadd.s32 $0xFFFFC000  }
0x26: {  	[spmem:s2] =	stream.indirect.scatter.add.f32 [tilespmem:s26], [sflag:$0xA], $0x80, s25, s25, $0xb8;
	[tilespmem:$0x1FF80] =	vst v63  }
0x27: {  	_ =	swait.ge [sflag:s14], $0x4000  }
0x28: {  	[sflag:s14] =	ssyncset.done $0x0  }
0x29: {  	s15 =	simm.s32 $0x180;
	[sflag:s14] =	ssyncadd.s32 $0xFFFFC000  }
0x2a: {  	[spmem:s2] =	stream.indirect.scatter.add.f32 [tilespmem:s1], [sflag:$0xB], $0x80, s15, s25, $0xb8;
	[tilespmem:$0x1FF80] =	vst v63  }
0x2b: {  	_ =	swait.ge [sflag:s11], $0x4000  }
0x2c: {  	[sflag:s11] =	ssyncset.done $0x0  }
0x2d: {  	[sflag:s11] =	ssyncadd.s32 $0xFFFFC000  }
0x2e: {  	_ =	swait.ge [sflag:s13], $0x4000  }
0x2f: {  	[sflag:s13] =	ssyncset.done $0x0  }
0x30: {  	[sflag:s13] =	ssyncadd.s32 $0xFFFFC000  }
0x31: {  	_ =	swait.ge [sflag:s5], $0x4000  }
0x32: {  	[sflag:s5] =	ssyncset.done $0x0  }
0x33: {  	[sflag:s5] =	ssyncadd.s32 $0xFFFFC000  }
0x34: {  	[bflag:$0x0] =	sbarrier.arrive $0xFFFF  }
0x35: {  	s15 =	rddreg [dreg:$0x9]  }
0x36: {  	s18 =	simm.s32 @!p1 $0x1FCD;
	s29 =	rddreg [dreg:$0xe];
	s15 =	sshrl.u32 @!p1 s15, $0x3  }
0x37: {  	[hbm:s29], [sflag:s18] =	dma.local @!p1 [spmem:s15], $0x1B00  }
0x38: {  	s15 =	simm.s32 @!p1 $0xD  }
0x39: {  	s18 =	stileid.u32;
	_ =	swait.ge @!p1 [sflag:s15], $0x1B00  }
0x3a: {  	s18 =	sshll.u32 @!p2 s18, $0x6;
	[sflag:s15] =	ssyncset.done @!p1 $0x0  }
0x3b: {  	s29 =	rddreg [dreg:$0xd];
	[sflag:s15] =	ssyncadd.s32 @!p1 $0xFFFFE500;
	s15 =	sor.u32 @!p2 $0x1C0D, s18  }
0x3c: {  	[dreg:$0x15] =	wrdreg s15  }
0x3d: {  	s15 =	rddreg [dreg:$0x7]  }
0x3e: {  	s18 =	sshrl.u32 @!p2 s15, $0x3;
	s19 =	rddreg [dreg:$0x15]  }
0x3f: {  	[hbm:s29], [sflag:s19] =	dma.local @!p2 [spmem:s18], $0x2800  }
0x40: {  	s18 =	simm.s32 @!p2 $0xD  }
0x41: {  	_ =	swait.ge @!p2 [sflag:s18], $0x2800  }
0x42: {  	[sflag:s18] =	ssyncset.done @!p2 $0x0  }
0x43: {  	[sflag:s18] =	ssyncadd.s32 @!p2 $0xFFFFD800;
	s18 =	rddreg [dreg:$0x9]  }
0x44: {  	s29 =	rddreg [dreg:$0xc];
	s18 =	sshrl.u32 @!p3 s18, $0x3  }
0x45: {  	[dreg:$0x14] =	wrdreg s18  }
0x46: {  	s18 =	simm.s32 @!p3 $0x1FCD;
	s19 =	rddreg [dreg:$0x14]  }
0x47: {  	[hbm:s29], [sflag:s18] =	dma.local @!p3 [spmem:s19], $0x1B00  }
0x48: {  	s18 =	stileid.u32  }
0x49: {  	s29 =	simm.s32 @!p3 $0xD;
	s18 =	sshll.u32 @!p4 s18, $0x6  }
0x4a: {  	_ =	swait.ge @!p3 [sflag:s29], $0x1B00;
	s18 =	sor.u32 @!p4 $0x1C0D, s18  }
0x4b: {  	[sflag:s29] =	ssyncset.done @!p3 $0x0;
	[dreg:$0x13] =	wrdreg s18  }
0x4c: {  	[sflag:s29] =	ssyncadd.s32 @!p3 $0xFFFFE500;
	s29 =	rddreg [dreg:$0xb]  }
0x4d: {  	s18 =	sshrl.u32 @!p4 s15, $0x3;
	s15 =	rddreg [dreg:$0x13]  }
0x4e: {  	[hbm:s29], [sflag:s15] =	dma.local @!p4 [spmem:s18], $0x2800  }
0x4f: {  	s15 =	simm.s32 @!p4 $0xD  }
0x50: {  	s18 =	rddreg [dreg:$0x9];
	_ =	swait.ge @!p4 [sflag:s15], $0x2800  }
0x51: {  	s29 =	rddreg [dreg:$0x12]  }
0x52: {  	s19 =	rddreg [dreg:$0xf];
	s29 =	sadd.s32 $0x1, s29  }
0x53: {  	p5 =	sne.s32 s29, s19  }
.Ltmp1:
0x54: {  	_ = 	snop;
	(pc) =	sbr.rel @!p5 .LBB2_5-.Ltmp1, $3  }
0x55: {  	_ =	sdelay $0x1  }
0x56: {  	[sflag:s15] =	ssyncset.done @!p4 $0x0  }
0x57: {  	[sflag:s15] =	ssyncadd.s32 @!p4 $0xFFFFD800  }
.LBB2_1:
0x58: {  	[dreg:$0x12] =	wrdreg s29  }
0x59: {  	s15 =	rddreg [dreg:$0x3];
	s29 =	simm.s32 $0xD  }
0x5a: {  	[tilespmem:s3], [sflag:$0xD] =	stream.linear.gather [hbm4b:s15+s3], $0x100, $0x38;
	[tilespmem:$0x1FF80] =	vst v63  }
0x5b: {  	_ =	swait.ge [sflag:s29], $0x100  }
0x5c: {  	[sflag:s29] =	ssyncset.done $0x0  }
0x5d: {  	[sflag:s29] =	ssyncadd.s32 $0xFFFFFF00  }
0x5e: {  	[tilespmem:s26], [sflag:$0x1] =	stream.indirect.gather [hbm4b:s4+s25], $0x80, s3, s25, $0xb8;
	[tilespmem:$0x1FF80] =	vst v63  }
0x5f: {  	s19 =	rddreg [dreg:$0x4]  }
0x60: {  	[tilespmem:s28], [sflag:$0x5] =	stream.linear.gather [hbm4b:s19+s3], $0x100, $0x38;
	[tilespmem:$0x1FF80] =	vst v63  }
0x61: {  	s29 =	rddreg [dreg:$0x5];
	s19 =	simm.s32 $0x200  }
0x62: {  	[tilespmem:s19], [sflag:$0x6] =	stream.linear.gather [hbm4b:s29+s3], $0x100, $0x38;
	[tilespmem:$0x1FF80] =	vst v63  }
0x63: {  	s29 =	rddreg [dreg:$0x6]  }
0x64: {  	[tilespmem:s30], [sflag:$0x7] =	stream.linear.gather [hbm4b:s29+s3], $0x100, $0x38;
	[tilespmem:$0x1FF80] =	vst v63  }
0x65: {  	_ =	swait.ge [sflag:s31], $0x100  }
0x66: {  	s15 =	simm.s32 @p0 $0x1FCD;
	[sflag:s31] =	ssyncset.done $0x0  }
0x67: {  	s19 =	sshrl.u32 @p0 s18, $0x3;
	s18 =	rddreg [dreg:$0xa];
	[sflag:s31] =	ssyncadd.s32 $0xFFFFFF00  }
0x68: {  	[tilespmem:s1], [sflag:$0x2] =	stream.indirect.gather [hbm4b:s4+s25], $0x80, s28, s25, $0xb8;
	[tilespmem:$0x1FF80] =	vst v63  }
0x69: {  	[spmem:s19], [sflag:s15] =	dma.local @p0 [hbm:s18], $0x1B00  }
0x6a: {  	s18 =	simm.s32 @p0 $0xD;
	s15 =	stileid.u32  }
0x6b: {  	_ =	swait.ge @p0 [sflag:s18], $0x1B00;
	s15 =	sshll.u32 @!p0 s15, $0x6  }
0x6c: {  	[sflag:s18] =	ssyncset.done @p0 $0x0;
	s19 =	sor.u32 @!p0 $0x1C0D, s15;
	s15 =	rddreg [dreg:$0x7]  }
0x6d: {  	[sflag:s18] =	ssyncadd.s32 @p0 $0xFFFFE500;
	s15 =	sshrl.u32 @!p0 s15, $0x3;
	s18 =	rddreg [dreg:$0x8]  }
0x6e: {  	[spmem:s15], [sflag:s19] =	dma.local @!p0 [hbm:s18], $0x2800  }
0x6f: {  	s15 =	simm.s32 @!p0 $0xD  }
0x70: {  	_ =	swait.ge @!p0 [sflag:s15], $0x2800  }
0x71: {  	[sflag:s15] =	ssyncset.done @!p0 $0x0  }
0x72: {  	[sflag:s15] =	ssyncadd.s32 @!p0 $0xFFFFD800  }
0x73: {  	s15 =	simm.s32 $0x0;
	[bflag:$0x0] =	sbarrier.arrive $0xFFFF  }
.LBB2_2:
0x74: {  	_ =	swait.ge [sflag:s6], $0x100  }
0x75: {  	p5 =	seq.s32 s15, $0x0;
	[sflag:s6] =	ssyncset.done $0x0  }
0x76: {  	s29 =	simm.s32 @!p5 $0xC;
	[sflag:s6] =	ssyncadd.s32 $0xFFFFFF00  }
0x77: {  	_ =	swait.ge @!p5 [sflag:s29], $0x4000  }
0x78: {  	[sflag:s29] =	ssyncset.done @!p5 $0x0  }
0x79: {  	s18 =	simm.s32 $0x200;
	[sflag:s29] =	ssyncadd.s32 @!p5 $0xFFFFC000  }
0x7a: {  	[tilespmem:s7], [sflag:$0x3] =	stream.indirect.gather [hbm4b:s4+s25], $0x80, s18, s25, $0xb8;
	[tilespmem:$0x1FF80] =	vst v63  }
0x7b: {  	_ =	swait.ge [sflag:s8], $0x4000  }
0x7c: {  	[sflag:s8] =	ssyncset.done $0x0  }
0x7d: {  	[sflag:s8] =	ssyncadd.s32 $0xFFFFC000  }
0x7e: {  	[spmem:s2] =	stream.indirect.scatter.add.f32 [tilespmem:s26], [sflag:$0xA], $0x80, s25, s25, $0xb8;
	[tilespmem:$0x1FF80] =	vst v63  }
0x7f: {  	s19 =	sadd.s32 s15, s23  }
0x80: {  	[tilespmem:s10], [sflag:$0x8] =	stream.linear.gather [hbm4b:s19+s3], $0x100, $0x38;
	[tilespmem:$0x1FF80] =	vst v63  }
0x81: {  	_ =	swait.ge [sflag:s12], $0x100  }
0x82: {  	[sflag:s12] =	ssyncset.done $0x0  }
0x83: {  	[sflag:s12] =	ssyncadd.s32 $0xFFFFFF00  }
0x84: {  	_ =	swait.ge [sflag:s13], $0x4000  }
0x85: {  	[sflag:s13] =	ssyncset.done $0x0  }
0x86: {  	[sflag:s13] =	ssyncadd.s32 $0xFFFFC000  }
0x87: {  	[tilespmem:s26], [sflag:$0x1] =	stream.indirect.gather [hbm4b:s4+s25], $0x80, s30, s25, $0xb8;
	[tilespmem:$0x1FF80] =	vst v63  }
0x88: {  	_ =	swait.ge [sflag:s14], $0x4000  }
0x89: {  	[sflag:s14] =	ssyncset.done $0x0  }
0x8a: {  	s29 =	simm.s32 $0x180;
	[sflag:s14] =	ssyncadd.s32 $0xFFFFC000  }
0x8b: {  	[spmem:s2] =	stream.indirect.scatter.add.f32 [tilespmem:s1], [sflag:$0xB], $0x80, s29, s25, $0xb8;
	[tilespmem:$0x1FF80] =	vst v63  }
0x8c: {  	s19 =	sadd.s32 s15, s22  }
0x8d: {  	[tilespmem:s16], [sflag:$0x9] =	stream.linear.gather [hbm4b:s19+s3], $0x100, $0x38;
	[tilespmem:$0x1FF80] =	vst v63  }
0x8e: {  	_ =	swait.ge [sflag:s17], $0x100  }
0x8f: {  	[sflag:s17] =	ssyncset.done $0x0  }
0x90: {  	[sflag:s17] =	ssyncadd.s32 $0xFFFFFF00  }
0x91: {  	_ =	swait.ge [sflag:s5], $0x4000  }
0x92: {  	[sflag:s5] =	ssyncset.done $0x0  }
0x93: {  	[sflag:s5] =	ssyncadd.s32 $0xFFFFC000  }
0x94: {  	[tilespmem:s1], [sflag:$0x2] =	stream.indirect.gather [hbm4b:s4+s25], $0x80, s10, s25, $0xb8;
	[tilespmem:$0x1FF80] =	vst v63  }
0x95: {  	_ =	swait.ge [sflag:s0], $0x4000  }
0x96: {  	[sflag:s0] =	ssyncset.done $0x0  }
0x97: {  	s29 =	simm.s32 $0x280;
	[sflag:s0] =	ssyncadd.s32 $0xFFFFC000  }
0x98: {  	[spmem:s2] =	stream.indirect.scatter.add.f32 [tilespmem:s7], [sflag:$0xC], $0x80, s29, s25, $0xb8;
	[tilespmem:$0x1FF80] =	vst v63  }
0x99: {  	s19 =	sadd.s32 s15, s21  }
0x9a: {  	[tilespmem:s3], [sflag:$0x4] =	stream.linear.gather [hbm4b:s19+s3], $0x100, $0x38;
	[tilespmem:$0x1FF80] =	vst v63  }
0x9b: {  	_ =	swait.ge [sflag:s9], $0x100  }
0x9c: {  	[sflag:s9] =	ssyncset.done $0x0  }
0x9d: {  	[sflag:s9] =	ssyncadd.s32 $0xFFFFFF00  }
0x9e: {  	_ =	swait.ge [sflag:s11], $0x4000  }
0x9f: {  	[sflag:s11] =	ssyncset.done $0x0  }
0xa0: {  	[sflag:s11] =	ssyncadd.s32 $0xFFFFC000  }
0xa1: {  	[tilespmem:s7], [sflag:$0x3] =	stream.indirect.gather [hbm4b:s4+s25], $0x80, s16, s25, $0xb8;
	[tilespmem:$0x1FF80] =	vst v63  }
0xa2: {  	_ =	swait.ge [sflag:s8], $0x4000  }
0xa3: {  	[sflag:s8] =	ssyncset.done $0x0  }
0xa4: {  	s29 =	simm.s32 $0x380;
	[sflag:s8] =	ssyncadd.s32 $0xFFFFC000  }
0xa5: {  	[spmem:s2] =	stream.indirect.scatter.add.f32 [tilespmem:s26], [sflag:$0xA], $0x80, s29, s25, $0xb8;
	[tilespmem:$0x1FF80] =	vst v63  }
0xa6: {  	s18 =	sadd.s32 s15, s20  }
0xa7: {  	[tilespmem:s28], [sflag:$0x5] =	stream.linear.gather [hbm4b:s18+s3], $0x100, $0x38;
	[tilespmem:$0x1FF80] =	vst v63  }
0xa8: {  	_ =	swait.ge [sflag:s24], $0x100  }
0xa9: {  	[sflag:s24] =	ssyncset.done $0x0  }
0xaa: {  	[sflag:s24] =	ssyncadd.s32 $0xFFFFFF00  }
0xab: {  	_ =	swait.ge [sflag:s13], $0x4000  }
0xac: {  	[sflag:s13] =	ssyncset.done $0x0  }
0xad: {  	[sflag:s13] =	ssyncadd.s32 $0xFFFFC000  }
0xae: {  	[tilespmem:s26], [sflag:$0x1] =	stream.indirect.gather [hbm4b:s4+s25], $0x80, s3, s25, $0xb8;
	[tilespmem:$0x1FF80] =	vst v63  }
0xaf: {  	_ =	swait.ge [sflag:s14], $0x4000  }
0xb0: {  	p5 =	seq.s32 s15, $0x900;
	[sflag:s14] =	ssyncset.done $0x0  }
0xb1: {  	s19 =	simm.s32 $0x480;
	s18 =	rddreg [dreg:$0x11];
	[sflag:s14] =	ssyncadd.s32 $0xFFFFC000  }
0xb2: {  	[spmem:s2] =	stream.indirect.scatter.add.f32 [tilespmem:s1], [sflag:$0xB], $0x80, s19, s25, $0xb8;
	[tilespmem:$0x1FF80] =	vst v63  }
0xb3: {  	s29 =	sadd.s32 @!p5 s15, s18;
	s18 =	simm.s32 @!p5 $0x0;
	s19 =	simm.s32 @!p5 $0x200  }
0xb4: {  	[tilespmem:s19], [sflag:$0x6] =	stream.linear.gather @!p5 [hbm4b:s29+s18], $0x100, $0x38;
	[tilespmem:$0x1FF80] =	vst v63  }
0xb5: {  	_ =	swait.ge [sflag:s31], $0x100  }
0xb6: {  	[sflag:s31] =	ssyncset.done $0x0  }
0xb7: {  	[sflag:s31] =	ssyncadd.s32 $0xFFFFFF00  }
0xb8: {  	_ =	swait.ge [sflag:s5], $0x4000  }
0xb9: {  	[sflag:s5] =	ssyncset.done $0x0  }
0xba: {  	[sflag:s5] =	ssyncadd.s32 $0xFFFFC000  }
0xbb: {  	[tilespmem:s1], [sflag:$0x2] =	stream.indirect.gather [hbm4b:s4+s25], $0x80, s28, s25, $0xb8;
	[tilespmem:$0x1FF80] =	vst v63  }
.Ltmp2:
0xbc: {  	_ = 	snop;
	(pc) =	sbr.rel @p5 .LBB2_4-.Ltmp2, $4  }
0xbd: {  	_ =	swait.ge [sflag:s0], $0x4000  }
0xbe: {  	[sflag:s0] =	ssyncset.done $0x0  }
0xbf: {  	s29 =	simm.s32 $0x580;
	[sflag:s0] =	ssyncadd.s32 $0xFFFFC000  }
0xc0: {  	[spmem:s2] =	stream.indirect.scatter.add.f32 [tilespmem:s7], [sflag:$0xC], $0x80, s29, s25, $0xb8;
	[tilespmem:$0x1FF80] =	vst v63  }
.Ltmp3:
0xc1: {  	(pc) =	sbr.rel .LBB2_2-.Ltmp3, $4  }
0xc2: {  	_ = 	snop  }
0xc3: {  	s18 =	rddreg [dreg:$0x10]  }
0xc4: {  	s18 =	sadd.s32 s15, s18;
	s15 =	sadd.s32 $0xC0, s15  }
0xc5: {  	[tilespmem:s30], [sflag:$0x7] =	stream.linear.gather [hbm4b:s18+s3], $0x100, $0x38;
	[tilespmem:$0x1FF80] =	vst v63  }
.LBB2_5:
0xc6: {  	_ =	sfence.sel $0x180000  }
0xc7: {  	[bflag:$0x0] =	sbarrier.arrive $0xFFFF  }
0xc8: {  	_ =	strace $0x9000004D  }
0xc9: {  	s0 =	stileid.u32;
	[bflag:$0x2] =	sbarrier.arrive $0xFFFF  }
0xca: {  	p0 =	sne.s32 s0, $0x0;
	s0 =	rddreg [dreg:$0x2]  }
0xcb: {  	s0 =	sadd.s32 @!p0 $0x100000, s0  }
0xcc: {  	[sflag:s0] =	ssyncadd.tile.s32 @!p0 $0x1;
	_ =	shalt  }
.Lfunc_end2:
_tile_overlayer_lowered:
.L_overlay_start_2:
0xcd: {  	(tag) =	ssettag $0x2  }
0xce: {  	s0 =	rddreg [dreg:$0x0];
	s2 =	stileid.u32  }
0xcf: {  	s1 =	rddreg [dreg:$0x1];
	p0 =	sne.s32 s2, $0x0  }
0xd0: {  	s3 =	rddreg [dreg:$0x2];
	[bflag:$0x3] =	sbarrier.arrive $0xFFFF;
	s2 =	simm.s32 @!p0 $0x1C0D  }
0xd1: {  	[timem:s3], [sflag:s2] =	dma.local @!p0 [hbm:s0], s1  }
0xd2: {  	s0 =	simm.s32 @!p0 $0xD  }
0xd3: {  	_ =	swait.ge @!p0 [sflag:s0], s1  }
0xd4: {  	s1 =	ssub.s32 @!p0 $0x0, s1;
	[sflag:s0] =	ssyncset.done @!p0 $0x0  }
0xd5: {  	[sflag:s0] =	ssyncadd.s32 @!p0 s1  }
0xd6: {  	[bflag:$0x3] =	sbarrier.arrive $0xFFFF  }
0xd7: {  	_ =	shalt  }

// kernel: kernel.8.cloned.1.call-start
scs
__scs_entry_jumppad:
0x0: {  	(pc) =	sbr.rel $0x88, $3  }
0x1: {  	(tag) =	ssettag $0x0;
	lr =	simm.s32 $0x1  }
0x2: {  	[smem:$0x3F93] =	sst lr;
	_ =	strace $0xD0000000  }
0x3: {  	_ = 	snop  }
0x4: {  	_ = 	snop  }
0x5: {  	_ = 	snop  }
0x6: {  	_ = 	snop  }
0x7: {  	_ = 	snop  }
__scs_overlays_trampoline_lowered:
0x8: {  	[smem:$0x3FA2] =	sst s0  }
0x9: {  	[smem:$0x3FA3] =	sst s1  }
0xa: {  	[smem:$0x3FA4] =	sst s2  }
0xb: {  	[smem:$0x3FA5] =	sst s3  }
0xc: {  	[smem:$0x3FA6] =	sst s4  }
0xd: {  	[smem:$0x3FA7] =	sst s5  }
0xe: {  	[smem:$0x3FA8] =	sst s6  }
0xf: {  	[smem:$0x3FA9] =	sst s7  }
0x10: {  	[smem:$0x3FAA] =	sst s8  }
0x11: {  	[smem:$0x3FAB] =	sst s9;
	s0 =	simm.s32 @!p0 $0x0  }
0x12: {  	s1 =	sld [smem:$0x3F91];
	s0 =	simm.s32 @p0 $0x1  }
0x13: {  	[smem:$0x3FAC] =	sst s0;
	s0 =	simm.s32 @!p1 $0x0  }
0x14: {  	s2 =	sld [smem:$0x3F90];
	s0 =	simm.s32 @p1 $0x1  }
0x15: {  	[smem:$0x3FAD] =	sst s0;
	s0 =	simm.s32 @!p2 $0x0  }
0x16: {  	s3 =	sld [smem:$0x3FDB];
	s0 =	simm.s32 @p2 $0x1  }
0x17: {  	s4 =	simm.s32 $0x1BF5;
	[smem:$0x3FAF] =	sst s0  }
0x18: {  	s0 =	sld [smem:$0x3F92];
	_ =	swait.ge [sflag:s4], $0x0  }
0x19: {  	s7 =	sld [smem:$0x3F93]  }
0x1a: {  	s8 =	sadd.s32 $0xFFFFE003, lr  }
0x1b: {  	s9 =	sadd.s32 $0xFFFFFEF7, lr;
	s5 =	simm.s32 $0xFFFFFFFF;
	p2 =	slt.u32 s8, $0xFFFFF086  }
0x1c: {  	p1 =	slt.u32 s9, $0xF7A;
	s5 =	simm.s32 @!p2 $0x0  }
0x1d: {  	s5 =	simm.s32 @p1 $0x1;
	p0 =	seq.s32 s7, s2  }
0x1e: {  	s7 =	smul.u32 @!p0 $0xF7A, s2;
	p2 =	seq.s32 @!p0 s5, $0x0  }
0x1f: {  	s9 =	smul.u32 $0xF7A, s1;
	s8 =	simm.s32 @!p0 $0x1BF5;
	p2 =	por !p2, p0  }
0x20: {  	[sflag:s8] =	ssyncset.s32 @!p0 $0xFFFFF086;
	s6 =	sadd.s32 @!p0 s3, s7;
	s7 =	simm.s32 @!p0 $0x108  }
0x21: {  	s3 =	sadd.s32 s3, s9;
	s6 =	sadd.s32 @!p0 $0x88, s6;
	s7 =	simm.s32 @p2 $0x1082  }
0x22: {  	[simem:s7], [sflag:s8] =	dma.local @!p0 [hbm:s6], $0xF7A  }
0x23: {  	s9 =	sor.u32 $0xD0000000, s2;
	s6 =	simm.s32 $0x108;
	_ =	swait.ge @!p0 [sflag:s8], $0x0  }
0x24: {  	s3 =	sadd.s32 $0x88, s3;
	s6 =	simm.s32 @!p1 $0x1082;
	[sflag:s4] =	ssyncset.s32 $0xFFFFF086  }
0x25: {  	[simem:s6], [sflag:s4] =	dma.local [hbm:s3], $0xF7A  }
0x26: {  	[smem:$0x3F93] =	sst s1;
	(tag) =	ssettag s2;
	_ =	strace s9  }
0x27: {  	s1 =	sld [smem:$0x3FA3]  }
0x28: {  	s2 =	sld [smem:$0x3FA4]  }
0x29: {  	s4 =	sld [smem:$0x3FA6]  }
0x2a: {  	p0 =	seq.s32 s5, $0x0;
	s5 =	sld [smem:$0x3FA7]  }
0x2b: {  	s6 =	sld [smem:$0x3FA8]  }
0x2c: {  	s7 =	sld [smem:$0x3FA9]  }
0x2d: {  	s3 =	simm.s32 $0x108;
	s8 =	sld [smem:$0x3FAA]  }
0x2e: {  	s3 =	simm.s32 @!p0 $0x1082;
	s9 =	sld [smem:$0x3FAB]  }
0x2f: {  	lr =	sadd.s32 s0, s3;
	s0 =	sld [smem:$0x3FA2]  }
0x30: {  	s3 =	sld [smem:$0x3FA5]  }
0x31: {  	[smem:$0x3FAE] =	sst s10  }
0x32: {  	s10 =	sld [smem:$0x3FAC];
	_ =	sdelay $0x3  }
0x33: {  	p0 =	seq.s32 s10, $0x1;
	s10 =	sld [smem:$0x3FAE];
	_ =	sdelay $0x3  }
0x34: {  	[smem:$0x3FAE] =	sst s10  }
0x35: {  	s10 =	sld [smem:$0x3FAD];
	_ =	sdelay $0x3  }
0x36: {  	p1 =	seq.s32 s10, $0x1;
	s10 =	sld [smem:$0x3FAE];
	_ =	sdelay $0x3  }
0x37: {  	[smem:$0x3FAE] =	sst s10  }
0x38: {  	s10 =	sld [smem:$0x3FAF]  }
0x39: {  	_ = 	snop;
	(pc) =	sbr.ind lr, $3  }
0x3a: {  	_ = 	snop  }
0x3b: {  	_ = 	snop  }
0x3c: {  	p2 =	seq.s32 s10, $0x1;
	s10 =	sld [smem:$0x3FAE]  }
0x3d: {  	_ =	shalt  }
0x3e: {  	_ =	shalt  }
0x3f: {  	_ =	shalt  }
0x40: {  	_ =	shalt  }
0x41: {  	_ =	shalt  }
0x42: {  	_ =	shalt  }
0x43: {  	_ =	shalt  }
0x44: {  	_ =	shalt  }
0x45: {  	_ =	shalt  }
0x46: {  	_ =	shalt  }
0x47: {  	_ =	shalt  }
0x48: {  	_ =	shalt  }
0x49: {  	_ =	shalt  }
0x4a: {  	_ =	shalt  }
0x4b: {  	_ =	shalt  }
0x4c: {  	_ =	shalt  }
0x4d: {  	_ =	shalt  }
0x4e: {  	_ =	shalt  }
0x4f: {  	_ =	shalt  }
0x50: {  	_ =	shalt  }
0x51: {  	_ =	shalt  }
0x52: {  	_ =	shalt  }
0x53: {  	_ =	shalt  }
0x54: {  	_ =	shalt  }
0x55: {  	_ =	shalt  }
0x56: {  	_ =	shalt  }
0x57: {  	_ =	shalt  }
0x58: {  	_ =	shalt  }
0x59: {  	_ =	shalt  }
0x5a: {  	_ =	shalt  }
0x5b: {  	_ =	shalt  }
0x5c: {  	_ =	shalt  }
0x5d: {  	_ =	shalt  }
0x5e: {  	_ =	shalt  }
0x5f: {  	_ =	shalt  }
0x60: {  	_ =	shalt  }
0x61: {  	_ =	shalt  }
0x62: {  	_ =	shalt  }
0x63: {  	_ =	shalt  }
0x64: {  	_ =	shalt  }
0x65: {  	_ =	shalt  }
0x66: {  	_ =	shalt  }
0x67: {  	_ =	shalt  }
0x68: {  	_ =	shalt  }
0x69: {  	_ =	shalt  }
0x6a: {  	_ =	shalt  }
0x6b: {  	_ =	shalt  }
0x6c: {  	_ =	shalt  }
0x6d: {  	_ =	shalt  }
0x6e: {  	_ =	shalt  }
0x6f: {  	_ =	shalt  }
0x70: {  	_ =	shalt  }
0x71: {  	_ =	shalt  }
0x72: {  	_ =	shalt  }
0x73: {  	_ =	shalt  }
0x74: {  	_ =	shalt  }
0x75: {  	_ =	shalt  }
0x76: {  	_ =	shalt  }
0x77: {  	_ =	shalt  }
0x78: {  	_ =	shalt  }
0x79: {  	_ =	shalt  }
0x7a: {  	_ =	shalt  }
0x7b: {  	_ =	shalt  }
0x7c: {  	_ =	shalt  }
0x7d: {  	_ =	shalt  }
0x7e: {  	_ =	shalt  }
0x7f: {  	_ =	shalt  }
0x80: {  	_ =	shalt  }
0x81: {  	_ =	shalt  }
0x82: {  	_ =	shalt  }
0x83: {  	_ =	shalt  }
0x84: {  	_ =	shalt  }
0x85: {  	_ =	shalt  }
0x86: {  	_ =	shalt  }
0x87: {  	_ =	shalt  }
.Lfunc_end0:
.L_simem_size_0:
called_computation_lowered:
.L_overlay_start_0:
0x88: {  	s2 =	sld [smem:$0x3FD9]  }
0x89: {  	s3 =	sld [smem:$0x3FFE];
	_ =	sdelay $0x1  }
0x8a: {  	s1 =	srdreg.scid  }
0x8b: {  	s0 =	sand.u32 $0x1, s1  }
0x8c: {  	s17 =	sshll.u32 s0, $0xA;
	s2 =	sadd.s32 s3, s2  }
0x8d: {  	s2 =	sadd.s32 s2, s17  }
0x8e: {  	[smem:$0x3FBA] =	sst s2  }
0x8f: {  	_ = 	snop  }
0x90: {  	s2 =	sld [smem:$0x3FD0];
	(tm) =	ssettm $0x1  }
0x91: {  	s18 =	sld [smem:$0x3FFB];
	_ =	sdelay $0x3  }
0x92: {  	_ =	strace s18  }
0x93: {  	s3 =	sld [smem:$0x3FFC];
	_ =	sdelay $0x3  }
0x94: {  	_ =	strace s3  }
0x95: {  	s3 =	sld [smem:$0x3FFD];
	_ =	sdelay $0x3  }
0x96: {  	_ =	strace s3  }
0x97: {  	_ =	strace $0x8FFFFFFF  }
0x98: {  	s19 =	sld [smem:$0x3FDB];
	_ =	sdelay $0x1  }
0x99: {  	s4 =	simm.s32 $_scs_section_size  }
0x9a: {  	s5 =	simm.s32 $_size__tile_overlayer_lowered;
	s6 =	simm.s32 $_tile_overlayer_lowered  }
0x9b: {  	s22 =	simm.s32 $0x1BFF;
	s21 =	sshll.u32 s6, $0x1;
	s3 =	sadd.s32 s4, s19  }
0x9c: {  	s7 =	simm.s32 $0x0;
	s20 =	sshll.u32 s5, $0x1;
	s5 =	sadd.s32 s21, s3  }
0x9d: {  	[timem:s7], [sflag:s22] =	dma.local [hbm:s5], s20  }
0x9e: {  	_ =	swait.ge [sflag:s22], s20  }
0x9f: {  	s4 =	ssub.s32 $0x0, s20;
	[sflag:s22] =	ssyncset.done $0x0  }
0xa0: {  	[sflag:s22] =	ssyncadd.s32 s4;
	_ =	sdelay $0x1  }
0xa1: {  	s23 =	simm.s32 $0x1B8B  }
0xa2: {  	_ =	swait.ge [sflag:s23], $0x1  }
0xa3: {  	[sflag:s23] =	ssyncset.done $0x0  }
0xa4: {  	s25 =	simm.s32 $0x1B8E;
	s24 =	sld [smem:$0x3FFE];
	[sflag:s23] =	ssyncadd.s32 $0xFFFFFFFF  }
0xa5: {  	s26 =	simm.s32 $execute0_lowered;
	[smem:$0x3FD2] =	sst s25  }
0xa6: {  	s5 =	sshll.u32 s26, $0x1;
	_ =	strace $0x80000046;
	[dreg:$0x1] =	wrdreg $0xFFFFFFFF  }
0xa7: {  	s28 =	simm.s32 $_size_execute0_lowered;
	s3 =	sadd.s32 s3, s5;
	[dreg:$0x0] =	wrdreg $0x0  }
0xa8: {  	s5 =	sshll.u32 s28, $0x1;
	[dreg:$0x2] =	wrdreg s3  }
0xa9: {  	[dreg:$0x3] =	wrdreg s5  }
0xaa: {  	[dreg:$0x4] =	wrdreg $0xC0  }
0xab: {  	_ =	task [dreg:s7], $0x5FFFF  }
0xac: {  	[dreg:$0x1] =	wrdreg $0xFFFFFFFF  }
0xad: {  	[dreg:$0x0] =	wrdreg $0x60  }
0xae: {  	[dreg:$0x2] =	wrdreg s24  }
0xaf: {  	[dreg:$0x3] =	wrdreg s2  }
0xb0: {  	[dreg:$0x4] =	wrdreg $0x50800  }
0xb1: {  	[dreg:$0x5] =	wrdreg $0x9  }
0xb2: {  	_ =	task.clear_ibuf [dreg:s7], $0x6FFFF;
	_ =	strace $0x90000046  }
0xb3: {  	s29 =	simm.s32 $0x9;
	_ =	strace $0x80000048  }
0xb4: {  	_ =	swait.ge [sflag:s29], $0x1  }
0xb5: {  	[sflag:s29] =	ssyncadd.s32 $0xFFFFFFFF  }
0xb6: {  	_ =	strace $0x90000048  }
0xb7: {  	_ =	sfence  }
0xb8: {  	s30 =	sld [smem:$0x0];
	_ =	sdelay $0x2  }
0xb9: {  	s31 =	sshll.u32 s1, $0xD;
	s1 =	sshrl.u32 s1, $0x2  }
0xba: {  	s3 =	sand.u32 $0x4000, s31;
	s1 =	sadd.s32 s1, s30  }
0xbb: {  	s0 =	sor.u32 s3, s0;
	s1 =	sshll.u32 s1, $0x11  }
0xbc: {  	s0 =	sor.u32 s1, s0  }
0xbd: {  	s0 =	sadd.s32 $0x8F2B, s0  }
0xbe: {  	[sflag:s0] =	ssyncadd.remote.s32 $0x1  }
0xbf: {  	_ =	sfence.sel $0xFFFF  }
0xc0: {  	[dreg:$0x0] =	wrdreg $0xFFFFFFFF;
	(pc) =	sbr.abs _section_cstart, $3  }
0xc1: {  	[dreg:$0x1] =	wrdreg $0xFFFFFFFF  }
0xc2: {  	_ =	task.clear_ibuf [dreg:s7], $0x2FFFF;
	_ =	strace $0x9FFFFFFF  }
0xc3: {  	(tm) =	ssettm $0x7FFFFFFF  }
tec
execute0_lowered:
.L_overlay_start_1:
0x0: {  	(tag) =	ssettag $0x1  }
0x1: {  	s7 =	rddreg [dreg:$0x0]  }
0x2: {  	s6 =	rddreg [dreg:$0x1];
	s1 =	srdreg.scid  }
0x3: {  	s0 =	stileid.u32;
	s2 =	rddreg [dreg:$0x2]  }
0x4: {  	s3 =	simm.s32 $0x0;
	s11 =	simm.s32 $0x19000;
	s12 =	simm.s32 $0x5000  }
0x5: {  	s13 =	simm.s32 $0x1;
	s5 =	sand.u32 $0x1, s1;
	s1 =	rddreg [dreg:$0x3]  }
0x6: {  	s14 =	simm.s32 $0x0;
	s4 =	sshll.u32 s0, $0x1;
	[smem:$0x7FF] =	sst s3  }
0x7: {  	s10 =	smul.u32 $0x280, s0;
	p0 =	seq.s32 s0, $0xF;
	s31 =	sshll.u32 s0, $0x6  }
0x8: {  	s4 =	sor.u32 s5, s4;
	_ =	strace $0x80000047;
	s8 =	ssub.s32 $0x2, s5  }
0x9: {  	p1 =	seq.s32 s5, $0x1;
	s4 =	smul.u32 $0xA00, s4;
	s9 =	sshrl.u32 s8, $0x1  }
0xa: {  	s30 =	sshrl.u32 s10, $0x3;
	s10 =	simm.s32 @p0 $0x2580;
	s11 =	simm.s32 @!p1 $0x18A00  }
0xb: {  	s8 =	ssub.s32 s8, s9;
	s6 =	sadd.s32 s30, s6;
	s10 =	sadd.s32 s10, s2  }
0xc: {  	s9 =	sor.u32 $0x1C02, s31;
	s4 =	sadd.s32 s4, s7;
	s5 =	smax.u32 s8, $0x1  }
0xd: {  	s7 =	sadd.s32 s11, s7;
	s8 =	simm.s32 $0x2;
	s10 =	sshrl.u32 s10, $0x3  }
0xe: {  	v0 =	vimm.f32 $1.000000000e+00;
	s11 =	simm.s32 $0x80;
	s4 =	sadd.s32 $0x4A00, s4;
	s7 =	sadd.s32 s30, s7  }
.LBB2_1:
0xf: {  	[tilespmem:$0x5000] =	vst v0  }
0x10: {  	[tilespmem:$0x5010] =	vst v0  }
0x11: {  	[tilespmem:$0x5020] =	vst v0  }
0x12: {  	[tilespmem:$0x5030] =	vst v0  }
0x13: {  	[tilespmem:$0x5040] =	vst v0  }
0x14: {  	[tilespmem:$0x5050] =	vst v0  }
0x15: {  	[tilespmem:$0x5060] =	vst v0  }
0x16: {  	[tilespmem:$0x5070] =	vst v0  }
0x17: {  	[tilespmem:s3], [sflag:$0x2] =	stream.linear.gather [hbm4b:s4+s3], $0x5000, $0x38;
	[tilespmem:$0x5300] =	vst v63  }
0x18: {  	_ =	swait.ge [sflag:s8], $0x5000  }
0x19: {  	[sflag:s8] =	ssyncset.done $0x0  }
0x1a: {  	[sflag:s8] =	ssyncadd.s32 $0xFFFFB000  }
0x1b: {  	[spmem:s10], [sflag:s9] =	dma.local [hbm:s6], $0x50  }
0x1c: {  	_ =	swait.ge [sflag:s8], $0x50  }
0x1d: {  	[sflag:s8] =	ssyncset.done $0x0  }
0x1e: {  	[sflag:s8] =	ssyncadd.s32 $0xFFFFFFB0  }
0x1f: {  	s15 =	simm.s32 $0x200;
	[bflag:$0x0] =	sbarrier.arrive $0xFFFF  }
.LBB2_2:
0x20: {  	p0 =	sne.s32 s15, $0x13E00  }
.Ltmp0:
0x21: {  	_ = 	snop;
	(pc) =	sbr.rel @p0 .LBB2_2-.Ltmp0, $3  }
0x22: {  	_ =	sdelay $0x1  }
0x23: {  	s16 =	sshra.s32 s15, $0x2;
	s15 =	sadd.s32 $0x400, s15  }
0x24: {  	[spmem:s2] =	stream.indirect.scatter.add.f32 [tilespmem:s12], [sflag:$0x1], $0x1, s16, s11, $0xb8;
	[tilespmem:$0x5300] =	vst v63  }
0x25: {  	_ =	swait.ge [sflag:s13], $0x80  }
0x26: {  	s15 =	simm.s32 $0x4F;
	[sflag:s13] =	ssyncset.done $0x0  }
.LBB2_4:
0x27: {  	p0 =	sne.s32 s15, $0x1;
	s15 =	sadd.s32 $0xFFFFFFFF, s15;
	[sflag:s13] =	ssyncadd.s32 $0xFFFFFF80  }
.Ltmp1:
0x28: {  	(pc) =	sbr.rel @p0 .LBB2_4-.Ltmp1, $3  }
0x29: {  	_ =	sdelay $0x1  }
0x2a: {  	_ =	swait.ge [sflag:s13], $0x80  }
0x2b: {  	[sflag:s13] =	ssyncset.done $0x0  }
0x2c: {  	s14 =	sadd.s32 $0x1, s14  }
0x2d: {  	[sflag:s13] =	ssyncadd.s32 $0xFFFFFF80;
	p0 =	sne.s32 s14, s5  }
.Ltmp2:
0x2e: {  	[bflag:$0x0] =	sbarrier.arrive $0xFFFF;
	(pc) =	sbr.rel @p0 .LBB2_1-.Ltmp2, $4  }
0x2f: {  	[hbm:s7], [sflag:s9] =	dma.local [spmem:s10], $0x50  }
0x30: {  	_ =	swait.ge [sflag:s8], $0x50  }
0x31: {  	[sflag:s8] =	ssyncset.done $0x0  }
0x32: {  	[sflag:s8] =	ssyncadd.s32 $0xFFFFFFB0  }
0x33: {  	_ =	sfence.sel $0x180000  }
0x34: {  	[bflag:$0x0] =	sbarrier.arrive $0xFFFF  }
0x35: {  	p0 =	sne.s32 s0, $0x0;
	_ =	strace $0x90000047  }
0x36: {  	s0 =	sadd.s32 @!p0 $0x100000, s1;
	[bflag:$0x2] =	sbarrier.arrive $0xFFFF  }
0x37: {  	[sflag:s0] =	ssyncadd.tile.s32 @!p0 $0x1;
	_ =	shalt  }
.Lfunc_end2:
_tile_overlayer_lowered:
.L_overlay_start_2:
0x38: {  	(tag) =	ssettag $0x2  }
0x39: {  	s0 =	rddreg [dreg:$0x0];
	s2 =	stileid.u32  }
0x3a: {  	s1 =	rddreg [dreg:$0x1];
	p0 =	sne.s32 s2, $0x0  }
0x3b: {  	s3 =	rddreg [dreg:$0x2];
	[bflag:$0x3] =	sbarrier.arrive $0xFFFF;
	s2 =	simm.s32 @!p0 $0x1C02  }
0x3c: {  	[timem:s3], [sflag:s2] =	dma.local @!p0 [hbm:s0], s1  }
0x3d: {  	s0 =	simm.s32 @!p0 $0x2  }
0x3e: {  	_ =	swait.ge @!p0 [sflag:s0], s1  }
0x3f: {  	s1 =	ssub.s32 @!p0 $0x0, s1;
	[sflag:s0] =	ssyncset.done @!p0 $0x0  }
0x40: {  	[sflag:s0] =	ssyncadd.s32 @!p0 s1  }
0x41: {  	[bflag:$0x3] =	sbarrier.arrive $0xFFFF  }
0x42: {  	_ =	shalt  }

</sc_bundles>
